<compile_context>
chip_gen: v7x
topology: tpu7x:2x2x1
jax: 0.10.2.dev20260603
libtpu: 0.0.44.dev20260713+nightly
codegen_flags: <defaults>
</compile_context>

<pallas_src>
import jax
import jax.numpy as jnp
from jax import lax
from jax.experimental import pallas as pl
from jax.experimental.pallas import tpu as pltpu
from jax.experimental.pallas import tpu_sc as plsc

N = 10000
D = 128
E = 320000
NC = 2
NS = 16
NW = NC * NS
EPW = E // NW
CH = 80
EPWP = 10000
EB = 5
CPB = 25
NP = 10240
RPT = NP // NS
EPS = 1e-5

_mesh = plsc.VectorSubcoreMesh(
    core_axis_name="c", subcore_axis_name="s", num_cores=NC, num_subcores=NS)


def _edge_sweep(x_hbm, eidx_hbm, wid, src_v, dst_v, buf0, buf1, acc_sh,
                sem0, sem1, per_chunk=None):
    for b in range(EB):
        pltpu.sync_copy(eidx_hbm.at[0, wid, b], src_v)
        pltpu.sync_copy(eidx_hbm.at[1, wid, b], dst_v)

        @pl.loop(0, CPB // 2)
        def _pairs(g):
            j0 = g * 2
            j1 = j0 + 1
            c0 = pltpu.async_copy(x_hbm.at[src_v.at[j0]], buf0, sem0)
            c1 = pltpu.async_copy(x_hbm.at[src_v.at[j1]], buf1, sem1)
            if per_chunk is not None:
                per_chunk(j0)
            c0.wait()
            pltpu.sync_copy(buf0, acc_sh.at[dst_v.at[j0]], add=True)
            if per_chunk is not None:
                per_chunk(j1)
            c1.wait()
            pltpu.sync_copy(buf1, acc_sh.at[dst_v.at[j1]], add=True)

        if CPB % 2:
            jt = CPB - 1
            pltpu.async_copy(x_hbm.at[src_v.at[jt]], buf0, sem0).wait()
            if per_chunk is not None:
                per_chunk(jt)
            pltpu.sync_copy(buf0, acc_sh.at[dst_v.at[jt]], add=True)


def _sc_body_l1(x_hbm, eidx_hbm, zrow_hbm, zcnt_hbm, agg_out, cnt_out,
                src_v, dst_v, buf0, buf1, cnt_v, acc_sh, sem0, sem1):
    c = lax.axis_index("c")
    s = lax.axis_index("s")
    wid = s * NC + c
    pltpu.sync_copy(zrow_hbm, acc_sh.at[pl.ds(s * RPT, RPT)])
    pltpu.sync_copy(zcnt_hbm, cnt_v)
    plsc.subcore_barrier()
    ones = jnp.ones((16,), jnp.float32)

    def _count(j):
        for k in range(CH // 16):
            d = dst_v[j, pl.ds(k * 16, 16)]
            plsc.addupdate_scatter(cnt_v, [d], ones)

    _edge_sweep(x_hbm, eidx_hbm, wid, src_v, dst_v, buf0, buf1, acc_sh,
                sem0, sem1, per_chunk=_count)
    plsc.subcore_barrier()
    pltpu.sync_copy(acc_sh.at[pl.ds(s * RPT, RPT)],
                    agg_out.at[c, pl.ds(s * RPT, RPT)])
    pltpu.sync_copy(cnt_v, cnt_out.at[c, s])


def _sc_body_l2(x_hbm, eidx_hbm, zrow_hbm, agg_out,
                src_v, dst_v, buf0, buf1, buf2, acc_sh, sem0, sem1, sem2):
    c = lax.axis_index("c")
    s = lax.axis_index("s")
    wid = s * NC + c
    pltpu.sync_copy(zrow_hbm, acc_sh.at[pl.ds(s * RPT, RPT)])
    plsc.subcore_barrier()
    for b in range(EB):
        pltpu.sync_copy(eidx_hbm.at[0, wid, b], src_v)
        pltpu.sync_copy(eidx_hbm.at[1, wid, b], dst_v)

        @pl.loop(0, CPB // 3)
        def _trips(g):
            j0 = g * 3
            c0 = pltpu.async_copy(x_hbm.at[src_v.at[j0]], buf0, sem0)
            c1 = pltpu.async_copy(x_hbm.at[src_v.at[j0 + 1]], buf1, sem1)
            c2 = pltpu.async_copy(x_hbm.at[src_v.at[j0 + 2]], buf2, sem2)
            c0.wait()
            pltpu.sync_copy(buf0, acc_sh.at[dst_v.at[j0]], add=True)
            c1.wait()
            pltpu.sync_copy(buf1, acc_sh.at[dst_v.at[j0 + 1]], add=True)
            c2.wait()
            pltpu.sync_copy(buf2, acc_sh.at[dst_v.at[j0 + 2]], add=True)

        jt = CPB - 1
        pltpu.async_copy(x_hbm.at[src_v.at[jt]], buf0, sem0).wait()
        pltpu.sync_copy(buf0, acc_sh.at[dst_v.at[jt]], add=True)
    plsc.subcore_barrier()
    pltpu.sync_copy(acc_sh.at[pl.ds(s * RPT, RPT)],
                    agg_out.at[c, pl.ds(s * RPT, RPT)])


_sc_layer1 = pl.kernel(
    _sc_body_l1,
    out_type=(jax.ShapeDtypeStruct((NC, NP, D), jnp.float32),
              jax.ShapeDtypeStruct((NC, NS, NP), jnp.float32)),
    mesh=_mesh,
    compiler_params=pltpu.CompilerParams(needs_layout_passes=False),
    scratch_types=[
        pltpu.VMEM((CPB, CH), jnp.int32),
        pltpu.VMEM((CPB, CH), jnp.int32),
        pltpu.VMEM((CH, D), jnp.float32),
        pltpu.VMEM((CH, D), jnp.float32),
        pltpu.VMEM((NP,), jnp.float32),
        pltpu.VMEM_SHARED((NP, D), jnp.float32),
        pltpu.SemaphoreType.DMA,
        pltpu.SemaphoreType.DMA,
    ],
)

_sc_layer2 = pl.kernel(
    _sc_body_l2,
    out_type=jax.ShapeDtypeStruct((NC, NP, D), jnp.float32),
    mesh=_mesh,
    compiler_params=pltpu.CompilerParams(needs_layout_passes=False),
    scratch_types=[
        pltpu.VMEM((CPB, CH), jnp.int32),
        pltpu.VMEM((CPB, CH), jnp.int32),
        pltpu.VMEM((CH, D), jnp.float32),
        pltpu.VMEM((CH, D), jnp.float32),
        pltpu.VMEM((CH, D), jnp.float32),
        pltpu.VMEM_SHARED((NP, D), jnp.float32),
        pltpu.SemaphoreType.DMA,
        pltpu.SemaphoreType.DMA,
        pltpu.SemaphoreType.DMA,
    ],
)


def _tc1_body(p_ref, cnt_ref, x_ref, wl_ref, wr_ref, b_ref, g_ref, be_ref,
              wr2_ref, x1_ref, xr2_ref):
    cnt = jnp.maximum(cnt_ref[...], 1.0)
    mean1 = (p_ref[0, :N] + p_ref[1, :N]) / cnt
    h = (jnp.dot(mean1, wl_ref[...], preferred_element_type=jnp.float32)
         + jnp.dot(x_ref[...], wr_ref[...], preferred_element_type=jnp.float32)
         + b_ref[...])
    mu = jnp.mean(h, axis=0, keepdims=True)
    var = jnp.mean((h - mu) ** 2, axis=0, keepdims=True)
    a = g_ref[...] * lax.rsqrt(var + EPS)
    off = be_ref[...] - mu * a
    x1 = jnp.maximum(h * a + off, 0.0)
    x1_ref[...] = x1
    xr2_ref[...] = jnp.dot(x1, wr2_ref[...], preferred_element_type=jnp.float32)


def _tc2_body(p_ref, cnt_ref, xr2_ref, wl2_ref, b2_ref, g2_ref, be2_ref,
              x1_ref, wm1_ref, bm1_ref, wm2_ref, bm2_ref, out_ref):
    cnt = jnp.maximum(cnt_ref[...], 1.0)
    mean2 = (p_ref[0, :N] + p_ref[1, :N]) / cnt
    h = (jnp.dot(mean2, wl2_ref[...], preferred_element_type=jnp.float32)
         + xr2_ref[...] + b2_ref[...])
    mu = jnp.mean(h, axis=0, keepdims=True)
    var = jnp.mean((h - mu) ** 2, axis=0, keepdims=True)
    a = g2_ref[...] * lax.rsqrt(var + EPS)
    off = be2_ref[...] - mu * a
    x2 = jnp.maximum(h * a + off, 0.0)
    m1 = jnp.maximum(
        jnp.dot(x2, wm1_ref[...], preferred_element_type=jnp.float32)
        + bm1_ref[...], 0.0)
    out_ref[...] = (x1_ref[...]
                    + jnp.dot(m1, wm2_ref[...],
                              preferred_element_type=jnp.float32)
                    + bm2_ref[...])


_tc1 = pl.pallas_call(
    _tc1_body,
    out_shape=(jax.ShapeDtypeStruct((N, D), jnp.float32),
               jax.ShapeDtypeStruct((N, D), jnp.float32)),
)

_tc2 = pl.pallas_call(
    _tc2_body,
    out_shape=jax.ShapeDtypeStruct((N, D), jnp.float32),
)


def kernel(x, edge_index, W_l1, W_r1, b1, gamma1, beta1,
           W_l2, W_r2, b2, gamma2, beta2, Wm1, bm1, Wm2, bm2):
    x = x.astype(jnp.float32)
    ei = edge_index.astype(jnp.int32).reshape(2, NW, EB, CPB, CH)
    zrow = jnp.zeros((RPT, D), jnp.float32)
    zcnt = jnp.zeros((NP,), jnp.float32)

    agg1, cntp = _sc_layer1(x, ei, zrow, zcnt)
    cnt2d = cntp.sum(axis=(0, 1))[:N][:, None]

    r1 = lambda v: v.reshape(1, D)
    x1, xr2 = _tc1(agg1, cnt2d, x, W_l1, W_r1,
                   r1(b1), r1(gamma1), r1(beta1), W_r2)

    agg2 = _sc_layer2(x1, ei, zrow)
    out = _tc2(agg2, cnt2d, xr2, W_l2, r1(b2), r1(gamma2), r1(beta2),
               x1, Wm1, r1(bm1), Wm2, r1(bm2))
    return out

# --- scband reference (transcript-rebuilt; emitter-appended) ---
"""Pipeline reference for scband-shared-encoder-13675175870684 (READ-ONLY COPY).

The authoritative reference and input builder live on the scoring server;
editing this copy changes nothing except your own understanding.
"""

import jax, jax.numpy as jnp
import numpy as np

N = 10000
E = 320000
D_IN = 128
D_H = 128
EPS = 1e-5


def setup_inputs(seed: int = 0) -> dict:
    key = jax.random.key(seed)
    ks = jax.random.split(key, 16)
    x = jax.random.normal(ks[0], (N, D_IN), dtype=jnp.float32)
    edge_index = jax.random.randint(ks[1], (2, E), 0, N, dtype=jnp.int64)
    s_in = 1.0 / np.sqrt(D_IN)
    s_h = 1.0 / np.sqrt(D_H)
    params = {
        'W_l1': jax.random.uniform(ks[2], (D_IN, D_H), jnp.float32, -s_in, s_in),
        'W_r1': jax.random.uniform(ks[3], (D_IN, D_H), jnp.float32, -s_in, s_in),
        'b1': jnp.zeros((D_H,), jnp.float32),
        'gamma1': jnp.ones((D_H,), jnp.float32),
        'beta1': jnp.zeros((D_H,), jnp.float32),
        'W_l2': jax.random.uniform(ks[4], (D_H, D_H), jnp.float32, -s_h, s_h),
        'W_r2': jax.random.uniform(ks[5], (D_H, D_H), jnp.float32, -s_h, s_h),
        'b2': jnp.zeros((D_H,), jnp.float32),
        'gamma2': jnp.ones((D_H,), jnp.float32),
        'beta2': jnp.zeros((D_H,), jnp.float32),
        'Wm1': jax.random.uniform(ks[6], (D_H, D_H), jnp.float32, -s_h, s_h),
        'bm1': jnp.zeros((D_H,), jnp.float32),
        'Wm2': jax.random.uniform(ks[7], (D_H, D_H), jnp.float32, -s_h, s_h),
        'bm2': jnp.zeros((D_H,), jnp.float32),
    }
    out = {'x': x, 'edge_index': edge_index}
    out.update(params)
    return out


def _sage_conv(x, edge_index, W_l, W_r, b):
    # PyG SAGEConv with mean aggregation: out = mean_{j in N(i)} x_j @ W_l + x_i @ W_r + b
    src = edge_index[0]
    dst = edge_index[1]
    msg = jnp.take(x, src, axis=0)
    agg = jax.ops.segment_sum(msg, dst, num_segments=N)
    cnt = jax.ops.segment_sum(jnp.ones((edge_index.shape[1],), jnp.float32), dst, num_segments=N)
    mean = agg / jnp.maximum(cnt, 1.0)[:, None]
    return mean @ W_l + x @ W_r + b


def _batch_norm(h, gamma, beta):
    mu = jnp.mean(h, axis=0)
    var = jnp.mean((h - mu) ** 2, axis=0)  # biased variance (training-mode normalization)
    return (h - mu) / jnp.sqrt(var + EPS) * gamma + beta


def reference(x, edge_index, W_l1, W_r1, b1, gamma1, beta1, W_l2, W_r2, b2, gamma2, beta2, Wm1, bm1, Wm2, bm2):
    x1 = _sage_conv(x, edge_index, W_l1, W_r1, b1)
    x1 = jax.nn.relu(_batch_norm(x1, gamma1, beta1))
    # dropout is identity in eval mode
    x2 = _sage_conv(x1, edge_index, W_l2, W_r2, b2)
    x2 = jax.nn.relu(_batch_norm(x2, gamma2, beta2))
    mlp = jax.nn.relu(x2 @ Wm1 + bm1) @ Wm2 + bm2
    return x1 + mlp

if __name__ == "__main__":
    import jax
    _d = setup_inputs()
    print(jax.jit(kernel)(*tuple(_d.values())))

</pallas_src>

<mosaic_0001>
#map = affine_map<(d0, d1) -> (0, 0)>
#map1 = affine_map<(d0, d1) -> (0, 0, 0, 0, 0)>
#map2 = affine_map<(d0, d1) -> (0, 0, 0)>
module attributes {stable_mosaic.version = 14 : i64} {
  func.func @_sc_body_l2(%arg0: i32, %arg1: i32, %arg2: memref<10000x128xf32, #tpu.memory_space<hbm>>, %arg3: memref<2x32x5x25x80xi32, #tpu.memory_space<hbm>>, %arg4: memref<640x128xf32, #tpu.memory_space<hbm>>, %arg5: memref<2x10240x128xf32, #tpu.memory_space<hbm>>, %arg6: memref<25x80xi32, #tpu.memory_space<vmem>>, %arg7: memref<25x80xi32, #tpu.memory_space<vmem>>, %arg8: memref<80x128xf32, #tpu.memory_space<vmem>>, %arg9: memref<80x128xf32, #tpu.memory_space<vmem>>, %arg10: memref<80x128xf32, #tpu.memory_space<vmem>>, %arg11: memref<10240x128xf32, #tpu.memory_space<vmem_shared>>, %arg12: memref<!tpu.dma_semaphore, #tpu.memory_space<semaphore_mem>>, %arg13: memref<!tpu.dma_semaphore, #tpu.memory_space<semaphore_mem>>, %arg14: memref<!tpu.dma_semaphore, #tpu.memory_space<semaphore_mem>>) attributes {dimension_semantics = [#tpu.dimension_semantics<core_parallel>, #tpu.dimension_semantics<subcore_parallel>], iteration_bounds = array<i64: 2, 16>, scalar_prefetch = 0 : i64, scratch_operands = 9 : i64, tpu.core_type = #tpu.core_type<sc_vector_subcore>, window_params = [{transform_indices = #map}, {transform_indices = #map1}, {transform_indices = #map}, {transform_indices = #map2}]} {
    %mul3A = arith.constant 2 : i32
    %mul3A_0 = arith.muli %arg1, %mul3A : i32
    %add3A = arith.addi %mul3A_0, %arg0 : i32
    %mul3A_1 = arith.constant 640 : i32
    %mul3A_2 = arith.muli %arg1, %mul3A_1 : i32
    "tpu.region"() ({
      %run_scoped3A_124 = tpu.sem_alloc : memref<!tpu.dma_semaphore, #tpu.memory_space<semaphore_mem>>
      %dma_start3A_125 = arith.constant 0 : i32
      %dma_start3A_126 = tpu.memref_slice %arg11[%mul3A_2, %dma_start3A_125] : memref<10240x128xf32, #tpu.memory_space<vmem_shared>> -> memref<640x128xf32, #tpu.memory_space<vmem_shared>>
      tpu.enqueue_dma source(%arg4 : memref<640x128xf32, #tpu.memory_space<hbm>>) target(%dma_start3A_126 : memref<640x128xf32, #tpu.memory_space<vmem_shared>>) target_semaphore(%run_scoped3A_124 : memref<!tpu.dma_semaphore, #tpu.memory_space<semaphore_mem>>)
      %dma_wait3A_127 = arith.constant 0 : i32
      %dma_wait3A_128 = tpu.memref_slice %arg11[%mul3A_2, %dma_wait3A_127] : memref<10240x128xf32, #tpu.memory_space<vmem_shared>> -> memref<640x128xf32, #tpu.memory_space<vmem_shared>>
      tpu.wait_dma2 semaphore(%run_scoped3A_124 : memref<!tpu.dma_semaphore, #tpu.memory_space<semaphore_mem>>) src(%arg4 : memref<640x128xf32, #tpu.memory_space<hbm>>) dst(%dma_wait3A_128 : memref<640x128xf32, #tpu.memory_space<vmem_shared>>)
      tpu.yield
    }) : () -> ()
    %barrier3A = arith.constant 0 : index
    tpu.barrier barrier_id(%barrier3A)
    %run_scoped3A = arith.constant 0 : i32
    %run_scoped3A_3 = arith.constant 0 : i32
    "tpu.region"() ({
      %run_scoped3A_124 = tpu.sem_alloc : memref<!tpu.dma_semaphore, #tpu.memory_space<semaphore_mem>>
      %dma_start3A_125 = arith.constant 0 : i32
      %dma_start3A_126 = arith.constant 0 : i32
      %dma_start3A_127 = tpu.memref_slice %arg3[%run_scoped3A, %add3A, %run_scoped3A_3, %dma_start3A_125, %dma_start3A_126] : memref<2x32x5x25x80xi32, #tpu.memory_space<hbm>> -> memref<1x1x1x25x80xi32, #tpu.memory_space<hbm>>
      %dma_start3A_128 = tpu.memref_squeeze %dma_start3A_127 : memref<1x1x1x25x80xi32, #tpu.memory_space<hbm>> -> memref<25x80xi32, #tpu.memory_space<hbm>>
      %dma_start3A_129 = arith.constant 0 : i32
      %dma_start3A_130 = arith.constant 0 : i32
      %dma_start3A_131 = tpu.memref_slice %arg3[%run_scoped3A, %add3A, %run_scoped3A_3, %dma_start3A_129, %dma_start3A_130] : memref<2x32x5x25x80xi32, #tpu.memory_space<hbm>> -> memref<1x1x1x25x80xi32, #tpu.memory_space<hbm>>
      %dma_start3A_132 = tpu.memref_squeeze %dma_start3A_131 : memref<1x1x1x25x80xi32, #tpu.memory_space<hbm>> -> memref<25x80xi32, #tpu.memory_space<hbm>>
      tpu.enqueue_dma source(%dma_start3A_132 : memref<25x80xi32, #tpu.memory_space<hbm>>) target(%arg6 : memref<25x80xi32, #tpu.memory_space<vmem>>) target_semaphore(%run_scoped3A_124 : memref<!tpu.dma_semaphore, #tpu.memory_space<semaphore_mem>>)
      %dma_wait3A_133 = arith.constant 0 : i32
      %dma_wait3A_134 = arith.constant 0 : i32
      %dma_wait3A_135 = tpu.memref_slice %arg3[%run_scoped3A, %add3A, %run_scoped3A_3, %dma_wait3A_133, %dma_wait3A_134] : memref<2x32x5x25x80xi32, #tpu.memory_space<hbm>> -> memref<1x1x1x25x80xi32, #tpu.memory_space<hbm>>
      %dma_wait3A_136 = tpu.memref_squeeze %dma_wait3A_135 : memref<1x1x1x25x80xi32, #tpu.memory_space<hbm>> -> memref<25x80xi32, #tpu.memory_space<hbm>>
      %dma_wait3A_137 = arith.constant 0 : i32
      %dma_wait3A_138 = arith.constant 0 : i32
      %dma_wait3A_139 = tpu.memref_slice %arg3[%run_scoped3A, %add3A, %run_scoped3A_3, %dma_wait3A_137, %dma_wait3A_138] : memref<2x32x5x25x80xi32, #tpu.memory_space<hbm>> -> memref<1x1x1x25x80xi32, #tpu.memory_space<hbm>>
      %dma_wait3A_140 = tpu.memref_squeeze %dma_wait3A_139 : memref<1x1x1x25x80xi32, #tpu.memory_space<hbm>> -> memref<25x80xi32, #tpu.memory_space<hbm>>
      tpu.wait_dma2 semaphore(%run_scoped3A_124 : memref<!tpu.dma_semaphore, #tpu.memory_space<semaphore_mem>>) src(%dma_wait3A_140 : memref<25x80xi32, #tpu.memory_space<hbm>>) dst(%arg6 : memref<25x80xi32, #tpu.memory_space<vmem>>)
      tpu.yield
    }) : () -> ()
    %run_scoped3A_4 = arith.constant 1 : i32
    %run_scoped3A_5 = arith.constant 0 : i32
    "tpu.region"() ({
      %run_scoped3A_124 = tpu.sem_alloc : memref<!tpu.dma_semaphore, #tpu.memory_space<semaphore_mem>>
      %dma_start3A_125 = arith.constant 0 : i32
      %dma_start3A_126 = arith.constant 0 : i32
      %dma_start3A_127 = tpu.memref_slice %arg3[%run_scoped3A_4, %add3A, %run_scoped3A_5, %dma_start3A_125, %dma_start3A_126] : memref<2x32x5x25x80xi32, #tpu.memory_space<hbm>> -> memref<1x1x1x25x80xi32, #tpu.memory_space<hbm>>
      %dma_start3A_128 = tpu.memref_squeeze %dma_start3A_127 : memref<1x1x1x25x80xi32, #tpu.memory_space<hbm>> -> memref<25x80xi32, #tpu.memory_space<hbm>>
      %dma_start3A_129 = arith.constant 0 : i32
      %dma_start3A_130 = arith.constant 0 : i32
      %dma_start3A_131 = tpu.memref_slice %arg3[%run_scoped3A_4, %add3A, %run_scoped3A_5, %dma_start3A_129, %dma_start3A_130] : memref<2x32x5x25x80xi32, #tpu.memory_space<hbm>> -> memref<1x1x1x25x80xi32, #tpu.memory_space<hbm>>
      %dma_start3A_132 = tpu.memref_squeeze %dma_start3A_131 : memref<1x1x1x25x80xi32, #tpu.memory_space<hbm>> -> memref<25x80xi32, #tpu.memory_space<hbm>>
      tpu.enqueue_dma source(%dma_start3A_132 : memref<25x80xi32, #tpu.memory_space<hbm>>) target(%arg7 : memref<25x80xi32, #tpu.memory_space<vmem>>) target_semaphore(%run_scoped3A_124 : memref<!tpu.dma_semaphore, #tpu.memory_space<semaphore_mem>>)
      %dma_wait3A_133 = arith.constant 0 : i32
      %dma_wait3A_134 = arith.constant 0 : i32
      %dma_wait3A_135 = tpu.memref_slice %arg3[%run_scoped3A_4, %add3A, %run_scoped3A_5, %dma_wait3A_133, %dma_wait3A_134] : memref<2x32x5x25x80xi32, #tpu.memory_space<hbm>> -> memref<1x1x1x25x80xi32, #tpu.memory_space<hbm>>
      %dma_wait3A_136 = tpu.memref_squeeze %dma_wait3A_135 : memref<1x1x1x25x80xi32, #tpu.memory_space<hbm>> -> memref<25x80xi32, #tpu.memory_space<hbm>>
      %dma_wait3A_137 = arith.constant 0 : i32
      %dma_wait3A_138 = arith.constant 0 : i32
      %dma_wait3A_139 = tpu.memref_slice %arg3[%run_scoped3A_4, %add3A, %run_scoped3A_5, %dma_wait3A_137, %dma_wait3A_138] : memref<2x32x5x25x80xi32, #tpu.memory_space<hbm>> -> memref<1x1x1x25x80xi32, #tpu.memory_space<hbm>>
      %dma_wait3A_140 = tpu.memref_squeeze %dma_wait3A_139 : memref<1x1x1x25x80xi32, #tpu.memory_space<hbm>> -> memref<25x80xi32, #tpu.memory_space<hbm>>
      tpu.wait_dma2 semaphore(%run_scoped3A_124 : memref<!tpu.dma_semaphore, #tpu.memory_space<semaphore_mem>>) src(%dma_wait3A_140 : memref<25x80xi32, #tpu.memory_space<hbm>>) dst(%arg7 : memref<25x80xi32, #tpu.memory_space<vmem>>)
      tpu.yield
    }) : () -> ()
    %scan3A = arith.constant 0 : i32
    %scan3A_6 = arith.constant 8 : i32
    %scan3A_7 = arith.addi %scan3A, %scan3A_6 : i32
    %scan3A_8 = arith.constant 1 : i32
    scf.for %scan3A_124 = %scan3A to %scan3A_7 step %scan3A_8  : i32 {
      %mul3A_125 = arith.constant 1 : i32
      %mul3A_126 = arith.muli %scan3A_124, %mul3A_125 : i32
      %add3A_127 = arith.constant 0 : i32
      %add3A_128 = arith.addi %add3A_127, %mul3A_126 : i32
      %mul3A_129 = arith.constant 3 : i32
      %mul3A_130 = arith.muli %add3A_128, %mul3A_129 : i32
      %dma_start3A_131 = arith.constant 0 : i32
      %dma_start3A_132 = tpu.memref_slice %arg6[%mul3A_130, %dma_start3A_131] : memref<25x80xi32, #tpu.memory_space<vmem>> -> memref<1x80xi32, #tpu.memory_space<vmem>>
      %dma_start3A_133 = tpu.memref_squeeze %dma_start3A_132 : memref<1x80xi32, #tpu.memory_space<vmem>> -> memref<80xi32, #tpu.memory_space<vmem>>
      %dma_start3A_134 = arith.constant 0 : i32
      %dma_start3A_135 = arith.constant 0 : i32
      %dma_start3A_136 = tpu.memref_slice %arg2[%dma_start3A_134, %dma_start3A_135] : memref<10000x128xf32, #tpu.memory_space<hbm>> -> memref<10000x128xf32, #tpu.memory_space<hbm>>
      tpu.enqueue_indirect_dma source(%dma_start3A_136 : memref<10000x128xf32, #tpu.memory_space<hbm>>) target(%arg8 : memref<80x128xf32, #tpu.memory_space<vmem>>) offsets(%dma_start3A_133 : memref<80xi32, #tpu.memory_space<vmem>>) semaphore(%arg12 : memref<!tpu.dma_semaphore, #tpu.memory_space<semaphore_mem>>)
      %add3A_137 = arith.constant 1 : i32
      %add3A_138 = arith.addi %mul3A_130, %add3A_137 : i32
      %dma_start3A_139 = arith.constant 0 : i32
      %dma_start3A_140 = tpu.memref_slice %arg6[%add3A_138, %dma_start3A_139] : memref<25x80xi32, #tpu.memory_space<vmem>> -> memref<1x80xi32, #tpu.memory_space<vmem>>
      %dma_start3A_141 = tpu.memref_squeeze %dma_start3A_140 : memref<1x80xi32, #tpu.memory_space<vmem>> -> memref<80xi32, #tpu.memory_space<vmem>>
      %dma_start3A_142 = arith.constant 0 : i32
      %dma_start3A_143 = arith.constant 0 : i32
      %dma_start3A_144 = tpu.memref_slice %arg2[%dma_start3A_142, %dma_start3A_143] : memref<10000x128xf32, #tpu.memory_space<hbm>> -> memref<10000x128xf32, #tpu.memory_space<hbm>>
      tpu.enqueue_indirect_dma source(%dma_start3A_144 : memref<10000x128xf32, #tpu.memory_space<hbm>>) target(%arg9 : memref<80x128xf32, #tpu.memory_space<vmem>>) offsets(%dma_start3A_141 : memref<80xi32, #tpu.memory_space<vmem>>) semaphore(%arg13 : memref<!tpu.dma_semaphore, #tpu.memory_space<semaphore_mem>>)
      %add3A_145 = arith.constant 2 : i32
      %add3A_146 = arith.addi %mul3A_130, %add3A_145 : i32
      %dma_start3A_147 = arith.constant 0 : i32
      %dma_start3A_148 = tpu.memref_slice %arg6[%add3A_146, %dma_start3A_147] : memref<25x80xi32, #tpu.memory_space<vmem>> -> memref<1x80xi32, #tpu.memory_space<vmem>>
      %dma_start3A_149 = tpu.memref_squeeze %dma_start3A_148 : memref<1x80xi32, #tpu.memory_space<vmem>> -> memref<80xi32, #tpu.memory_space<vmem>>
      %dma_start3A_150 = arith.constant 0 : i32
      %dma_start3A_151 = arith.constant 0 : i32
      %dma_start3A_152 = tpu.memref_slice %arg2[%dma_start3A_150, %dma_start3A_151] : memref<10000x128xf32, #tpu.memory_space<hbm>> -> memref<10000x128xf32, #tpu.memory_space<hbm>>
      tpu.enqueue_indirect_dma source(%dma_start3A_152 : memref<10000x128xf32, #tpu.memory_space<hbm>>) target(%arg10 : memref<80x128xf32, #tpu.memory_space<vmem>>) offsets(%dma_start3A_149 : memref<80xi32, #tpu.memory_space<vmem>>) semaphore(%arg14 : memref<!tpu.dma_semaphore, #tpu.memory_space<semaphore_mem>>)
      %dma_wait3A_153 = arith.constant 0 : i32
      %dma_wait3A_154 = tpu.memref_slice %arg6[%mul3A_130, %dma_wait3A_153] : memref<25x80xi32, #tpu.memory_space<vmem>> -> memref<1x80xi32, #tpu.memory_space<vmem>>
      %dma_wait3A_155 = tpu.memref_squeeze %dma_wait3A_154 : memref<1x80xi32, #tpu.memory_space<vmem>> -> memref<80xi32, #tpu.memory_space<vmem>>
      %dma_wait3A_156 = arith.constant 0 : i32
      %dma_wait3A_157 = arith.constant 0 : i32
      %dma_wait3A_158 = tpu.memref_slice %arg2[%dma_wait3A_156, %dma_wait3A_157] : memref<10000x128xf32, #tpu.memory_space<hbm>> -> memref<10000x128xf32, #tpu.memory_space<hbm>>
      tpu.wait_indirect_dma semaphore(%arg12 : memref<!tpu.dma_semaphore, #tpu.memory_space<semaphore_mem>>) src(%dma_wait3A_158 : memref<10000x128xf32, #tpu.memory_space<hbm>>) dst(%arg8 : memref<80x128xf32, #tpu.memory_space<vmem>>)
      "tpu.region"() ({
        %run_scoped3A_175 = tpu.sem_alloc : memref<!tpu.dma_semaphore, #tpu.memory_space<semaphore_mem>>
        %dma_start3A_176 = arith.constant 0 : i32
        %dma_start3A_177 = tpu.memref_slice %arg7[%mul3A_130, %dma_start3A_176] : memref<25x80xi32, #tpu.memory_space<vmem>> -> memref<1x80xi32, #tpu.memory_space<vmem>>
        %dma_start3A_178 = tpu.memref_squeeze %dma_start3A_177 : memref<1x80xi32, #tpu.memory_space<vmem>> -> memref<80xi32, #tpu.memory_space<vmem>>
        %dma_start3A_179 = arith.constant 0 : i32
        %dma_start3A_180 = arith.constant 0 : i32
        %dma_start3A_181 = tpu.memref_slice %arg11[%dma_start3A_179, %dma_start3A_180] : memref<10240x128xf32, #tpu.memory_space<vmem_shared>> -> memref<10240x128xf32, #tpu.memory_space<vmem_shared>>
        tpu.enqueue_indirect_dma source(%arg8 : memref<80x128xf32, #tpu.memory_space<vmem>>) target(%dma_start3A_181 : memref<10240x128xf32, #tpu.memory_space<vmem_shared>>) offsets(%dma_start3A_178 : memref<80xi32, #tpu.memory_space<vmem>>) semaphore(%run_scoped3A_175 : memref<!tpu.dma_semaphore, #tpu.memory_space<semaphore_mem>>) {add = true}
        %dma_wait3A_182 = arith.constant 0 : i32
        %dma_wait3A_183 = tpu.memref_slice %arg7[%mul3A_130, %dma_wait3A_182] : memref<25x80xi32, #tpu.memory_space<vmem>> -> memref<1x80xi32, #tpu.memory_space<vmem>>
        %dma_wait3A_184 = tpu.memref_squeeze %dma_wait3A_183 : memref<1x80xi32, #tpu.memory_space<vmem>> -> memref<80xi32, #tpu.memory_space<vmem>>
        %dma_wait3A_185 = arith.constant 0 : i32
        %dma_wait3A_186 = arith.constant 0 : i32
        %dma_wait3A_187 = tpu.memref_slice %arg11[%dma_wait3A_185, %dma_wait3A_186] : memref<10240x128xf32, #tpu.memory_space<vmem_shared>> -> memref<10240x128xf32, #tpu.memory_space<vmem_shared>>
        tpu.wait_indirect_dma semaphore(%run_scoped3A_175 : memref<!tpu.dma_semaphore, #tpu.memory_space<semaphore_mem>>) src(%arg8 : memref<80x128xf32, #tpu.memory_space<vmem>>) dst(%dma_wait3A_187 : memref<10240x128xf32, #tpu.memory_space<vmem_shared>>)
        tpu.yield
      }) : () -> ()
      %dma_wait3A_159 = arith.constant 0 : i32
      %dma_wait3A_160 = tpu.memref_slice %arg6[%add3A_138, %dma_wait3A_159] : memref<25x80xi32, #tpu.memory_space<vmem>> -> memref<1x80xi32, #tpu.memory_space<vmem>>
      %dma_wait3A_161 = tpu.memref_squeeze %dma_wait3A_160 : memref<1x80xi32, #tpu.memory_space<vmem>> -> memref<80xi32, #tpu.memory_space<vmem>>
      %dma_wait3A_162 = arith.constant 0 : i32
      %dma_wait3A_163 = arith.constant 0 : i32
      %dma_wait3A_164 = tpu.memref_slice %arg2[%dma_wait3A_162, %dma_wait3A_163] : memref<10000x128xf32, #tpu.memory_space<hbm>> -> memref<10000x128xf32, #tpu.memory_space<hbm>>
      tpu.wait_indirect_dma semaphore(%arg13 : memref<!tpu.dma_semaphore, #tpu.memory_space<semaphore_mem>>) src(%dma_wait3A_164 : memref<10000x128xf32, #tpu.memory_space<hbm>>) dst(%arg9 : memref<80x128xf32, #tpu.memory_space<vmem>>)
      %add3A_165 = arith.constant 1 : i32
      %add3A_166 = arith.addi %mul3A_130, %add3A_165 : i32
      "tpu.region"() ({
        %run_scoped3A_175 = tpu.sem_alloc : memref<!tpu.dma_semaphore, #tpu.memory_space<semaphore_mem>>
        %dma_start3A_176 = arith.constant 0 : i32
        %dma_start3A_177 = tpu.memref_slice %arg7[%add3A_166, %dma_start3A_176] : memref<25x80xi32, #tpu.memory_space<vmem>> -> memref<1x80xi32, #tpu.memory_space<vmem>>
        %dma_start3A_178 = tpu.memref_squeeze %dma_start3A_177 : memref<1x80xi32, #tpu.memory_space<vmem>> -> memref<80xi32, #tpu.memory_space<vmem>>
        %dma_start3A_179 = arith.constant 0 : i32
        %dma_start3A_180 = arith.constant 0 : i32
        %dma_start3A_181 = tpu.memref_slice %arg11[%dma_start3A_179, %dma_start3A_180] : memref<10240x128xf32, #tpu.memory_space<vmem_shared>> -> memref<10240x128xf32, #tpu.memory_space<vmem_shared>>
        tpu.enqueue_indirect_dma source(%arg9 : memref<80x128xf32, #tpu.memory_space<vmem>>) target(%dma_start3A_181 : memref<10240x128xf32, #tpu.memory_space<vmem_shared>>) offsets(%dma_start3A_178 : memref<80xi32, #tpu.memory_space<vmem>>) semaphore(%run_scoped3A_175 : memref<!tpu.dma_semaphore, #tpu.memory_space<semaphore_mem>>) {add = true}
        %dma_wait3A_182 = arith.constant 0 : i32
        %dma_wait3A_183 = tpu.memref_slice %arg7[%add3A_166, %dma_wait3A_182] : memref<25x80xi32, #tpu.memory_space<vmem>> -> memref<1x80xi32, #tpu.memory_space<vmem>>
        %dma_wait3A_184 = tpu.memref_squeeze %dma_wait3A_183 : memref<1x80xi32, #tpu.memory_space<vmem>> -> memref<80xi32, #tpu.memory_space<vmem>>
        %dma_wait3A_185 = arith.constant 0 : i32
        %dma_wait3A_186 = arith.constant 0 : i32
        %dma_wait3A_187 = tpu.memref_slice %arg11[%dma_wait3A_185, %dma_wait3A_186] : memref<10240x128xf32, #tpu.memory_space<vmem_shared>> -> memref<10240x128xf32, #tpu.memory_space<vmem_shared>>
        tpu.wait_indirect_dma semaphore(%run_scoped3A_175 : memref<!tpu.dma_semaphore, #tpu.memory_space<semaphore_mem>>) src(%arg9 : memref<80x128xf32, #tpu.memory_space<vmem>>) dst(%dma_wait3A_187 : memref<10240x128xf32, #tpu.memory_space<vmem_shared>>)
        tpu.yield
      }) : () -> ()
      %dma_wait3A_167 = arith.constant 0 : i32
      %dma_wait3A_168 = tpu.memref_slice %arg6[%add3A_146, %dma_wait3A_167] : memref<25x80xi32, #tpu.memory_space<vmem>> -> memref<1x80xi32, #tpu.memory_space<vmem>>
      %dma_wait3A_169 = tpu.memref_squeeze %dma_wait3A_168 : memref<1x80xi32, #tpu.memory_space<vmem>> -> memref<80xi32, #tpu.memory_space<vmem>>
      %dma_wait3A_170 = arith.constant 0 : i32
      %dma_wait3A_171 = arith.constant 0 : i32
      %dma_wait3A_172 = tpu.memref_slice %arg2[%dma_wait3A_170, %dma_wait3A_171] : memref<10000x128xf32, #tpu.memory_space<hbm>> -> memref<10000x128xf32, #tpu.memory_space<hbm>>
      tpu.wait_indirect_dma semaphore(%arg14 : memref<!tpu.dma_semaphore, #tpu.memory_space<semaphore_mem>>) src(%dma_wait3A_172 : memref<10000x128xf32, #tpu.memory_space<hbm>>) dst(%arg10 : memref<80x128xf32, #tpu.memory_space<vmem>>)
      %add3A_173 = arith.constant 2 : i32
      %add3A_174 = arith.addi %mul3A_130, %add3A_173 : i32
      "tpu.region"() ({
        %run_scoped3A_175 = tpu.sem_alloc : memref<!tpu.dma_semaphore, #tpu.memory_space<semaphore_mem>>
        %dma_start3A_176 = arith.constant 0 : i32
        %dma_start3A_177 = tpu.memref_slice %arg7[%add3A_174, %dma_start3A_176] : memref<25x80xi32, #tpu.memory_space<vmem>> -> memref<1x80xi32, #tpu.memory_space<vmem>>
        %dma_start3A_178 = tpu.memref_squeeze %dma_start3A_177 : memref<1x80xi32, #tpu.memory_space<vmem>> -> memref<80xi32, #tpu.memory_space<vmem>>
        %dma_start3A_179 = arith.constant 0 : i32
        %dma_start3A_180 = arith.constant 0 : i32
        %dma_start3A_181 = tpu.memref_slice %arg11[%dma_start3A_179, %dma_start3A_180] : memref<10240x128xf32, #tpu.memory_space<vmem_shared>> -> memref<10240x128xf32, #tpu.memory_space<vmem_shared>>
        tpu.enqueue_indirect_dma source(%arg10 : memref<80x128xf32, #tpu.memory_space<vmem>>) target(%dma_start3A_181 : memref<10240x128xf32, #tpu.memory_space<vmem_shared>>) offsets(%dma_start3A_178 : memref<80xi32, #tpu.memory_space<vmem>>) semaphore(%run_scoped3A_175 : memref<!tpu.dma_semaphore, #tpu.memory_space<semaphore_mem>>) {add = true}
        %dma_wait3A_182 = arith.constant 0 : i32
        %dma_wait3A_183 = tpu.memref_slice %arg7[%add3A_174, %dma_wait3A_182] : memref<25x80xi32, #tpu.memory_space<vmem>> -> memref<1x80xi32, #tpu.memory_space<vmem>>
        %dma_wait3A_184 = tpu.memref_squeeze %dma_wait3A_183 : memref<1x80xi32, #tpu.memory_space<vmem>> -> memref<80xi32, #tpu.memory_space<vmem>>
        %dma_wait3A_185 = arith.constant 0 : i32
        %dma_wait3A_186 = arith.constant 0 : i32
        %dma_wait3A_187 = tpu.memref_slice %arg11[%dma_wait3A_185, %dma_wait3A_186] : memref<10240x128xf32, #tpu.memory_space<vmem_shared>> -> memref<10240x128xf32, #tpu.memory_space<vmem_shared>>
        tpu.wait_indirect_dma semaphore(%run_scoped3A_175 : memref<!tpu.dma_semaphore, #tpu.memory_space<semaphore_mem>>) src(%arg10 : memref<80x128xf32, #tpu.memory_space<vmem>>) dst(%dma_wait3A_187 : memref<10240x128xf32, #tpu.memory_space<vmem_shared>>)
        tpu.yield
      }) : () -> ()
    }
    %scan3A_9 = arith.constant 8 : i32
    %dma_start3A = arith.constant 24 : i32
    %dma_start3A_10 = arith.constant 0 : i32
    %dma_start3A_11 = tpu.memref_slice %arg6[%dma_start3A, %dma_start3A_10] : memref<25x80xi32, #tpu.memory_space<vmem>> -> memref<1x80xi32, #tpu.memory_space<vmem>>
    %dma_start3A_12 = tpu.memref_squeeze %dma_start3A_11 : memref<1x80xi32, #tpu.memory_space<vmem>> -> memref<80xi32, #tpu.memory_space<vmem>>
    %dma_start3A_13 = arith.constant 0 : i32
    %dma_start3A_14 = arith.constant 0 : i32
    %dma_start3A_15 = tpu.memref_slice %arg2[%dma_start3A_13, %dma_start3A_14] : memref<10000x128xf32, #tpu.memory_space<hbm>> -> memref<10000x128xf32, #tpu.memory_space<hbm>>
    tpu.enqueue_indirect_dma source(%dma_start3A_15 : memref<10000x128xf32, #tpu.memory_space<hbm>>) target(%arg8 : memref<80x128xf32, #tpu.memory_space<vmem>>) offsets(%dma_start3A_12 : memref<80xi32, #tpu.memory_space<vmem>>) semaphore(%arg12 : memref<!tpu.dma_semaphore, #tpu.memory_space<semaphore_mem>>)
    %dma_wait3A = arith.constant 24 : i32
    %dma_wait3A_16 = arith.constant 0 : i32
    %dma_wait3A_17 = tpu.memref_slice %arg6[%dma_wait3A, %dma_wait3A_16] : memref<25x80xi32, #tpu.memory_space<vmem>> -> memref<1x80xi32, #tpu.memory_space<vmem>>
    %dma_wait3A_18 = tpu.memref_squeeze %dma_wait3A_17 : memref<1x80xi32, #tpu.memory_space<vmem>> -> memref<80xi32, #tpu.memory_space<vmem>>
    %dma_wait3A_19 = arith.constant 0 : i32
    %dma_wait3A_20 = arith.constant 0 : i32
    %dma_wait3A_21 = tpu.memref_slice %arg2[%dma_wait3A_19, %dma_wait3A_20] : memref<10000x128xf32, #tpu.memory_space<hbm>> -> memref<10000x128xf32, #tpu.memory_space<hbm>>
    tpu.wait_indirect_dma semaphore(%arg12 : memref<!tpu.dma_semaphore, #tpu.memory_space<semaphore_mem>>) src(%dma_wait3A_21 : memref<10000x128xf32, #tpu.memory_space<hbm>>) dst(%arg8 : memref<80x128xf32, #tpu.memory_space<vmem>>)
    %run_scoped3A_22 = arith.constant 24 : i32
    "tpu.region"() ({
      %run_scoped3A_124 = tpu.sem_alloc : memref<!tpu.dma_semaphore, #tpu.memory_space<semaphore_mem>>
      %dma_start3A_125 = arith.constant 0 : i32
      %dma_start3A_126 = tpu.memref_slice %arg7[%run_scoped3A_22, %dma_start3A_125] : memref<25x80xi32, #tpu.memory_space<vmem>> -> memref<1x80xi32, #tpu.memory_space<vmem>>
      %dma_start3A_127 = tpu.memref_squeeze %dma_start3A_126 : memref<1x80xi32, #tpu.memory_space<vmem>> -> memref<80xi32, #tpu.memory_space<vmem>>
      %dma_start3A_128 = arith.constant 0 : i32
      %dma_start3A_129 = arith.constant 0 : i32
      %dma_start3A_130 = tpu.memref_slice %arg11[%dma_start3A_128, %dma_start3A_129] : memref<10240x128xf32, #tpu.memory_space<vmem_shared>> -> memref<10240x128xf32, #tpu.memory_space<vmem_shared>>
      tpu.enqueue_indirect_dma source(%arg8 : memref<80x128xf32, #tpu.memory_space<vmem>>) target(%dma_start3A_130 : memref<10240x128xf32, #tpu.memory_space<vmem_shared>>) offsets(%dma_start3A_127 : memref<80xi32, #tpu.memory_space<vmem>>) semaphore(%run_scoped3A_124 : memref<!tpu.dma_semaphore, #tpu.memory_space<semaphore_mem>>) {add = true}
      %dma_wait3A_131 = arith.constant 0 : i32
      %dma_wait3A_132 = tpu.memref_slice %arg7[%run_scoped3A_22, %dma_wait3A_131] : memref<25x80xi32, #tpu.memory_space<vmem>> -> memref<1x80xi32, #tpu.memory_space<vmem>>
      %dma_wait3A_133 = tpu.memref_squeeze %dma_wait3A_132 : memref<1x80xi32, #tpu.memory_space<vmem>> -> memref<80xi32, #tpu.memory_space<vmem>>
      %dma_wait3A_134 = arith.constant 0 : i32
      %dma_wait3A_135 = arith.constant 0 : i32
      %dma_wait3A_136 = tpu.memref_slice %arg11[%dma_wait3A_134, %dma_wait3A_135] : memref<10240x128xf32, #tpu.memory_space<vmem_shared>> -> memref<10240x128xf32, #tpu.memory_space<vmem_shared>>
      tpu.wait_indirect_dma semaphore(%run_scoped3A_124 : memref<!tpu.dma_semaphore, #tpu.memory_space<semaphore_mem>>) src(%arg8 : memref<80x128xf32, #tpu.memory_space<vmem>>) dst(%dma_wait3A_136 : memref<10240x128xf32, #tpu.memory_space<vmem_shared>>)
      tpu.yield
    }) : () -> ()
    %run_scoped3A_23 = arith.constant 0 : i32
    %run_scoped3A_24 = arith.constant 1 : i32
    "tpu.region"() ({
      %run_scoped3A_124 = tpu.sem_alloc : memref<!tpu.dma_semaphore, #tpu.memory_space<semaphore_mem>>
      %dma_start3A_125 = arith.constant 0 : i32
      %dma_start3A_126 = arith.constant 0 : i32
      %dma_start3A_127 = tpu.memref_slice %arg3[%run_scoped3A_23, %add3A, %run_scoped3A_24, %dma_start3A_125, %dma_start3A_126] : memref<2x32x5x25x80xi32, #tpu.memory_space<hbm>> -> memref<1x1x1x25x80xi32, #tpu.memory_space<hbm>>
      %dma_start3A_128 = tpu.memref_squeeze %dma_start3A_127 : memref<1x1x1x25x80xi32, #tpu.memory_space<hbm>> -> memref<25x80xi32, #tpu.memory_space<hbm>>
      %dma_start3A_129 = arith.constant 0 : i32
      %dma_start3A_130 = arith.constant 0 : i32
      %dma_start3A_131 = tpu.memref_slice %arg3[%run_scoped3A_23, %add3A, %run_scoped3A_24, %dma_start3A_129, %dma_start3A_130] : memref<2x32x5x25x80xi32, #tpu.memory_space<hbm>> -> memref<1x1x1x25x80xi32, #tpu.memory_space<hbm>>
      %dma_start3A_132 = tpu.memref_squeeze %dma_start3A_131 : memref<1x1x1x25x80xi32, #tpu.memory_space<hbm>> -> memref<25x80xi32, #tpu.memory_space<hbm>>
      tpu.enqueue_dma source(%dma_start3A_132 : memref<25x80xi32, #tpu.memory_space<hbm>>) target(%arg6 : memref<25x80xi32, #tpu.memory_space<vmem>>) target_semaphore(%run_scoped3A_124 : memref<!tpu.dma_semaphore, #tpu.memory_space<semaphore_mem>>)
      %dma_wait3A_133 = arith.constant 0 : i32
      %dma_wait3A_134 = arith.constant 0 : i32
      %dma_wait3A_135 = tpu.memref_slice %arg3[%run_scoped3A_23, %add3A, %run_scoped3A_24, %dma_wait3A_133, %dma_wait3A_134] : memref<2x32x5x25x80xi32, #tpu.memory_space<hbm>> -> memref<1x1x1x25x80xi32, #tpu.memory_space<hbm>>
      %dma_wait3A_136 = tpu.memref_squeeze %dma_wait3A_135 : memref<1x1x1x25x80xi32, #tpu.memory_space<hbm>> -> memref<25x80xi32, #tpu.memory_space<hbm>>
      %dma_wait3A_137 = arith.constant 0 : i32
      %dma_wait3A_138 = arith.constant 0 : i32
      %dma_wait3A_139 = tpu.memref_slice %arg3[%run_scoped3A_23, %add3A, %run_scoped3A_24, %dma_wait3A_137, %dma_wait3A_138] : memref<2x32x5x25x80xi32, #tpu.memory_space<hbm>> -> memref<1x1x1x25x80xi32, #tpu.memory_space<hbm>>
      %dma_wait3A_140 = tpu.memref_squeeze %dma_wait3A_139 : memref<1x1x1x25x80xi32, #tpu.memory_space<hbm>> -> memref<25x80xi32, #tpu.memory_space<hbm>>
      tpu.wait_dma2 semaphore(%run_scoped3A_124 : memref<!tpu.dma_semaphore, #tpu.memory_space<semaphore_mem>>) src(%dma_wait3A_140 : memref<25x80xi32, #tpu.memory_space<hbm>>) dst(%arg6 : memref<25x80xi32, #tpu.memory_space<vmem>>)
      tpu.yield
    }) : () -> ()
    %run_scoped3A_25 = arith.constant 1 : i32
    %run_scoped3A_26 = arith.constant 1 : i32
    "tpu.region"() ({
      %run_scoped3A_124 = tpu.sem_alloc : memref<!tpu.dma_semaphore, #tpu.memory_space<semaphore_mem>>
      %dma_start3A_125 = arith.constant 0 : i32
      %dma_start3A_126 = arith.constant 0 : i32
      %dma_start3A_127 = tpu.memref_slice %arg3[%run_scoped3A_25, %add3A, %run_scoped3A_26, %dma_start3A_125, %dma_start3A_126] : memref<2x32x5x25x80xi32, #tpu.memory_space<hbm>> -> memref<1x1x1x25x80xi32, #tpu.memory_space<hbm>>
      %dma_start3A_128 = tpu.memref_squeeze %dma_start3A_127 : memref<1x1x1x25x80xi32, #tpu.memory_space<hbm>> -> memref<25x80xi32, #tpu.memory_space<hbm>>
      %dma_start3A_129 = arith.constant 0 : i32
      %dma_start3A_130 = arith.constant 0 : i32
      %dma_start3A_131 = tpu.memref_slice %arg3[%run_scoped3A_25, %add3A, %run_scoped3A_26, %dma_start3A_129, %dma_start3A_130] : memref<2x32x5x25x80xi32, #tpu.memory_space<hbm>> -> memref<1x1x1x25x80xi32, #tpu.memory_space<hbm>>
      %dma_start3A_132 = tpu.memref_squeeze %dma_start3A_131 : memref<1x1x1x25x80xi32, #tpu.memory_space<hbm>> -> memref<25x80xi32, #tpu.memory_space<hbm>>
      tpu.enqueue_dma source(%dma_start3A_132 : memref<25x80xi32, #tpu.memory_space<hbm>>) target(%arg7 : memref<25x80xi32, #tpu.memory_space<vmem>>) target_semaphore(%run_scoped3A_124 : memref<!tpu.dma_semaphore, #tpu.memory_space<semaphore_mem>>)
      %dma_wait3A_133 = arith.constant 0 : i32
      %dma_wait3A_134 = arith.constant 0 : i32
      %dma_wait3A_135 = tpu.memref_slice %arg3[%run_scoped3A_25, %add3A, %run_scoped3A_26, %dma_wait3A_133, %dma_wait3A_134] : memref<2x32x5x25x80xi32, #tpu.memory_space<hbm>> -> memref<1x1x1x25x80xi32, #tpu.memory_space<hbm>>
      %dma_wait3A_136 = tpu.memref_squeeze %dma_wait3A_135 : memref<1x1x1x25x80xi32, #tpu.memory_space<hbm>> -> memref<25x80xi32, #tpu.memory_space<hbm>>
      %dma_wait3A_137 = arith.constant 0 : i32
      %dma_wait3A_138 = arith.constant 0 : i32
      %dma_wait3A_139 = tpu.memref_slice %arg3[%run_scoped3A_25, %add3A, %run_scoped3A_26, %dma_wait3A_137, %dma_wait3A_138] : memref<2x32x5x25x80xi32, #tpu.memory_space<hbm>> -> memref<1x1x1x25x80xi32, #tpu.memory_space<hbm>>
      %dma_wait3A_140 = tpu.memref_squeeze %dma_wait3A_139 : memref<1x1x1x25x80xi32, #tpu.memory_space<hbm>> -> memref<25x80xi32, #tpu.memory_space<hbm>>
      tpu.wait_dma2 semaphore(%run_scoped3A_124 : memref<!tpu.dma_semaphore, #tpu.memory_space<semaphore_mem>>) src(%dma_wait3A_140 : memref<25x80xi32, #tpu.memory_space<hbm>>) dst(%arg7 : memref<25x80xi32, #tpu.memory_space<vmem>>)
      tpu.yield
    }) : () -> ()
    %scan3A_27 = arith.constant 0 : i32
    %scan3A_28 = arith.constant 8 : i32
    %scan3A_29 = arith.addi %scan3A_27, %scan3A_28 : i32
    %scan3A_30 = arith.constant 1 : i32
    scf.for %scan3A_124 = %scan3A_27 to %scan3A_29 step %scan3A_30  : i32 {
      %mul3A_125 = arith.constant 1 : i32
      %mul3A_126 = arith.muli %scan3A_124, %mul3A_125 : i32
      %add3A_127 = arith.constant 0 : i32
      %add3A_128 = arith.addi %add3A_127, %mul3A_126 : i32
      %mul3A_129 = arith.constant 3 : i32
      %mul3A_130 = arith.muli %add3A_128, %mul3A_129 : i32
      %dma_start3A_131 = arith.constant 0 : i32
      %dma_start3A_132 = tpu.memref_slice %arg6[%mul3A_130, %dma_start3A_131] : memref<25x80xi32, #tpu.memory_space<vmem>> -> memref<1x80xi32, #tpu.memory_space<vmem>>
      %dma_start3A_133 = tpu.memref_squeeze %dma_start3A_132 : memref<1x80xi32, #tpu.memory_space<vmem>> -> memref<80xi32, #tpu.memory_space<vmem>>
      %dma_start3A_134 = arith.constant 0 : i32
      %dma_start3A_135 = arith.constant 0 : i32
      %dma_start3A_136 = tpu.memref_slice %arg2[%dma_start3A_134, %dma_start3A_135] : memref<10000x128xf32, #tpu.memory_space<hbm>> -> memref<10000x128xf32, #tpu.memory_space<hbm>>
      tpu.enqueue_indirect_dma source(%dma_start3A_136 : memref<10000x128xf32, #tpu.memory_space<hbm>>) target(%arg8 : memref<80x128xf32, #tpu.memory_space<vmem>>) offsets(%dma_start3A_133 : memref<80xi32, #tpu.memory_space<vmem>>) semaphore(%arg12 : memref<!tpu.dma_semaphore, #tpu.memory_space<semaphore_mem>>)
      %add3A_137 = arith.constant 1 : i32
      %add3A_138 = arith.addi %mul3A_130, %add3A_137 : i32
      %dma_start3A_139 = arith.constant 0 : i32
      %dma_start3A_140 = tpu.memref_slice %arg6[%add3A_138, %dma_start3A_139] : memref<25x80xi32, #tpu.memory_space<vmem>> -> memref<1x80xi32, #tpu.memory_space<vmem>>
      %dma_start3A_141 = tpu.memref_squeeze %dma_start3A_140 : memref<1x80xi32, #tpu.memory_space<vmem>> -> memref<80xi32, #tpu.memory_space<vmem>>
      %dma_start3A_142 = arith.constant 0 : i32
      %dma_start3A_143 = arith.constant 0 : i32
      %dma_start3A_144 = tpu.memref_slice %arg2[%dma_start3A_142, %dma_start3A_143] : memref<10000x128xf32, #tpu.memory_space<hbm>> -> memref<10000x128xf32, #tpu.memory_space<hbm>>
      tpu.enqueue_indirect_dma source(%dma_start3A_144 : memref<10000x128xf32, #tpu.memory_space<hbm>>) target(%arg9 : memref<80x128xf32, #tpu.memory_space<vmem>>) offsets(%dma_start3A_141 : memref<80xi32, #tpu.memory_space<vmem>>) semaphore(%arg13 : memref<!tpu.dma_semaphore, #tpu.memory_space<semaphore_mem>>)
      %add3A_145 = arith.constant 2 : i32
      %add3A_146 = arith.addi %mul3A_130, %add3A_145 : i32
      %dma_start3A_147 = arith.constant 0 : i32
      %dma_start3A_148 = tpu.memref_slice %arg6[%add3A_146, %dma_start3A_147] : memref<25x80xi32, #tpu.memory_space<vmem>> -> memref<1x80xi32, #tpu.memory_space<vmem>>
      %dma_start3A_149 = tpu.memref_squeeze %dma_start3A_148 : memref<1x80xi32, #tpu.memory_space<vmem>> -> memref<80xi32, #tpu.memory_space<vmem>>
      %dma_start3A_150 = arith.constant 0 : i32
      %dma_start3A_151 = arith.constant 0 : i32
      %dma_start3A_152 = tpu.memref_slice %arg2[%dma_start3A_150, %dma_start3A_151] : memref<10000x128xf32, #tpu.memory_space<hbm>> -> memref<10000x128xf32, #tpu.memory_space<hbm>>
      tpu.enqueue_indirect_dma source(%dma_start3A_152 : memref<10000x128xf32, #tpu.memory_space<hbm>>) target(%arg10 : memref<80x128xf32, #tpu.memory_space<vmem>>) offsets(%dma_start3A_149 : memref<80xi32, #tpu.memory_space<vmem>>) semaphore(%arg14 : memref<!tpu.dma_semaphore, #tpu.memory_space<semaphore_mem>>)
      %dma_wait3A_153 = arith.constant 0 : i32
      %dma_wait3A_154 = tpu.memref_slice %arg6[%mul3A_130, %dma_wait3A_153] : memref<25x80xi32, #tpu.memory_space<vmem>> -> memref<1x80xi32, #tpu.memory_space<vmem>>
      %dma_wait3A_155 = tpu.memref_squeeze %dma_wait3A_154 : memref<1x80xi32, #tpu.memory_space<vmem>> -> memref<80xi32, #tpu.memory_space<vmem>>
      %dma_wait3A_156 = arith.constant 0 : i32
      %dma_wait3A_157 = arith.constant 0 : i32
      %dma_wait3A_158 = tpu.memref_slice %arg2[%dma_wait3A_156, %dma_wait3A_157] : memref<10000x128xf32, #tpu.memory_space<hbm>> -> memref<10000x128xf32, #tpu.memory_space<hbm>>
      tpu.wait_indirect_dma semaphore(%arg12 : memref<!tpu.dma_semaphore, #tpu.memory_space<semaphore_mem>>) src(%dma_wait3A_158 : memref<10000x128xf32, #tpu.memory_space<hbm>>) dst(%arg8 : memref<80x128xf32, #tpu.memory_space<vmem>>)
      "tpu.region"() ({
        %run_scoped3A_175 = tpu.sem_alloc : memref<!tpu.dma_semaphore, #tpu.memory_space<semaphore_mem>>
        %dma_start3A_176 = arith.constant 0 : i32
        %dma_start3A_177 = tpu.memref_slice %arg7[%mul3A_130, %dma_start3A_176] : memref<25x80xi32, #tpu.memory_space<vmem>> -> memref<1x80xi32, #tpu.memory_space<vmem>>
        %dma_start3A_178 = tpu.memref_squeeze %dma_start3A_177 : memref<1x80xi32, #tpu.memory_space<vmem>> -> memref<80xi32, #tpu.memory_space<vmem>>
        %dma_start3A_179 = arith.constant 0 : i32
        %dma_start3A_180 = arith.constant 0 : i32
        %dma_start3A_181 = tpu.memref_slice %arg11[%dma_start3A_179, %dma_start3A_180] : memref<10240x128xf32, #tpu.memory_space<vmem_shared>> -> memref<10240x128xf32, #tpu.memory_space<vmem_shared>>
        tpu.enqueue_indirect_dma source(%arg8 : memref<80x128xf32, #tpu.memory_space<vmem>>) target(%dma_start3A_181 : memref<10240x128xf32, #tpu.memory_space<vmem_shared>>) offsets(%dma_start3A_178 : memref<80xi32, #tpu.memory_space<vmem>>) semaphore(%run_scoped3A_175 : memref<!tpu.dma_semaphore, #tpu.memory_space<semaphore_mem>>) {add = true}
        %dma_wait3A_182 = arith.constant 0 : i32
        %dma_wait3A_183 = tpu.memref_slice %arg7[%mul3A_130, %dma_wait3A_182] : memref<25x80xi32, #tpu.memory_space<vmem>> -> memref<1x80xi32, #tpu.memory_space<vmem>>
        %dma_wait3A_184 = tpu.memref_squeeze %dma_wait3A_183 : memref<1x80xi32, #tpu.memory_space<vmem>> -> memref<80xi32, #tpu.memory_space<vmem>>
        %dma_wait3A_185 = arith.constant 0 : i32
        %dma_wait3A_186 = arith.constant 0 : i32
        %dma_wait3A_187 = tpu.memref_slice %arg11[%dma_wait3A_185, %dma_wait3A_186] : memref<10240x128xf32, #tpu.memory_space<vmem_shared>> -> memref<10240x128xf32, #tpu.memory_space<vmem_shared>>
        tpu.wait_indirect_dma semaphore(%run_scoped3A_175 : memref<!tpu.dma_semaphore, #tpu.memory_space<semaphore_mem>>) src(%arg8 : memref<80x128xf32, #tpu.memory_space<vmem>>) dst(%dma_wait3A_187 : memref<10240x128xf32, #tpu.memory_space<vmem_shared>>)
        tpu.yield
      }) : () -> ()
      %dma_wait3A_159 = arith.constant 0 : i32
      %dma_wait3A_160 = tpu.memref_slice %arg6[%add3A_138, %dma_wait3A_159] : memref<25x80xi32, #tpu.memory_space<vmem>> -> memref<1x80xi32, #tpu.memory_space<vmem>>
      %dma_wait3A_161 = tpu.memref_squeeze %dma_wait3A_160 : memref<1x80xi32, #tpu.memory_space<vmem>> -> memref<80xi32, #tpu.memory_space<vmem>>
      %dma_wait3A_162 = arith.constant 0 : i32
      %dma_wait3A_163 = arith.constant 0 : i32
      %dma_wait3A_164 = tpu.memref_slice %arg2[%dma_wait3A_162, %dma_wait3A_163] : memref<10000x128xf32, #tpu.memory_space<hbm>> -> memref<10000x128xf32, #tpu.memory_space<hbm>>
      tpu.wait_indirect_dma semaphore(%arg13 : memref<!tpu.dma_semaphore, #tpu.memory_space<semaphore_mem>>) src(%dma_wait3A_164 : memref<10000x128xf32, #tpu.memory_space<hbm>>) dst(%arg9 : memref<80x128xf32, #tpu.memory_space<vmem>>)
      %add3A_165 = arith.constant 1 : i32
      %add3A_166 = arith.addi %mul3A_130, %add3A_165 : i32
      "tpu.region"() ({
        %run_scoped3A_175 = tpu.sem_alloc : memref<!tpu.dma_semaphore, #tpu.memory_space<semaphore_mem>>
        %dma_start3A_176 = arith.constant 0 : i32
        %dma_start3A_177 = tpu.memref_slice %arg7[%add3A_166, %dma_start3A_176] : memref<25x80xi32, #tpu.memory_space<vmem>> -> memref<1x80xi32, #tpu.memory_space<vmem>>
        %dma_start3A_178 = tpu.memref_squeeze %dma_start3A_177 : memref<1x80xi32, #tpu.memory_space<vmem>> -> memref<80xi32, #tpu.memory_space<vmem>>
        %dma_start3A_179 = arith.constant 0 : i32
        %dma_start3A_180 = arith.constant 0 : i32
        %dma_start3A_181 = tpu.memref_slice %arg11[%dma_start3A_179, %dma_start3A_180] : memref<10240x128xf32, #tpu.memory_space<vmem_shared>> -> memref<10240x128xf32, #tpu.memory_space<vmem_shared>>
        tpu.enqueue_indirect_dma source(%arg9 : memref<80x128xf32, #tpu.memory_space<vmem>>) target(%dma_start3A_181 : memref<10240x128xf32, #tpu.memory_space<vmem_shared>>) offsets(%dma_start3A_178 : memref<80xi32, #tpu.memory_space<vmem>>) semaphore(%run_scoped3A_175 : memref<!tpu.dma_semaphore, #tpu.memory_space<semaphore_mem>>) {add = true}
        %dma_wait3A_182 = arith.constant 0 : i32
        %dma_wait3A_183 = tpu.memref_slice %arg7[%add3A_166, %dma_wait3A_182] : memref<25x80xi32, #tpu.memory_space<vmem>> -> memref<1x80xi32, #tpu.memory_space<vmem>>
        %dma_wait3A_184 = tpu.memref_squeeze %dma_wait3A_183 : memref<1x80xi32, #tpu.memory_space<vmem>> -> memref<80xi32, #tpu.memory_space<vmem>>
        %dma_wait3A_185 = arith.constant 0 : i32
        %dma_wait3A_186 = arith.constant 0 : i32
        %dma_wait3A_187 = tpu.memref_slice %arg11[%dma_wait3A_185, %dma_wait3A_186] : memref<10240x128xf32, #tpu.memory_space<vmem_shared>> -> memref<10240x128xf32, #tpu.memory_space<vmem_shared>>
        tpu.wait_indirect_dma semaphore(%run_scoped3A_175 : memref<!tpu.dma_semaphore, #tpu.memory_space<semaphore_mem>>) src(%arg9 : memref<80x128xf32, #tpu.memory_space<vmem>>) dst(%dma_wait3A_187 : memref<10240x128xf32, #tpu.memory_space<vmem_shared>>)
        tpu.yield
      }) : () -> ()
      %dma_wait3A_167 = arith.constant 0 : i32
      %dma_wait3A_168 = tpu.memref_slice %arg6[%add3A_146, %dma_wait3A_167] : memref<25x80xi32, #tpu.memory_space<vmem>> -> memref<1x80xi32, #tpu.memory_space<vmem>>
      %dma_wait3A_169 = tpu.memref_squeeze %dma_wait3A_168 : memref<1x80xi32, #tpu.memory_space<vmem>> -> memref<80xi32, #tpu.memory_space<vmem>>
      %dma_wait3A_170 = arith.constant 0 : i32
      %dma_wait3A_171 = arith.constant 0 : i32
      %dma_wait3A_172 = tpu.memref_slice %arg2[%dma_wait3A_170, %dma_wait3A_171] : memref<10000x128xf32, #tpu.memory_space<hbm>> -> memref<10000x128xf32, #tpu.memory_space<hbm>>
      tpu.wait_indirect_dma semaphore(%arg14 : memref<!tpu.dma_semaphore, #tpu.memory_space<semaphore_mem>>) src(%dma_wait3A_172 : memref<10000x128xf32, #tpu.memory_space<hbm>>) dst(%arg10 : memref<80x128xf32, #tpu.memory_space<vmem>>)
      %add3A_173 = arith.constant 2 : i32
      %add3A_174 = arith.addi %mul3A_130, %add3A_173 : i32
      "tpu.region"() ({
        %run_scoped3A_175 = tpu.sem_alloc : memref<!tpu.dma_semaphore, #tpu.memory_space<semaphore_mem>>
        %dma_start3A_176 = arith.constant 0 : i32
        %dma_start3A_177 = tpu.memref_slice %arg7[%add3A_174, %dma_start3A_176] : memref<25x80xi32, #tpu.memory_space<vmem>> -> memref<1x80xi32, #tpu.memory_space<vmem>>
        %dma_start3A_178 = tpu.memref_squeeze %dma_start3A_177 : memref<1x80xi32, #tpu.memory_space<vmem>> -> memref<80xi32, #tpu.memory_space<vmem>>
        %dma_start3A_179 = arith.constant 0 : i32
        %dma_start3A_180 = arith.constant 0 : i32
        %dma_start3A_181 = tpu.memref_slice %arg11[%dma_start3A_179, %dma_start3A_180] : memref<10240x128xf32, #tpu.memory_space<vmem_shared>> -> memref<10240x128xf32, #tpu.memory_space<vmem_shared>>
        tpu.enqueue_indirect_dma source(%arg10 : memref<80x128xf32, #tpu.memory_space<vmem>>) target(%dma_start3A_181 : memref<10240x128xf32, #tpu.memory_space<vmem_shared>>) offsets(%dma_start3A_178 : memref<80xi32, #tpu.memory_space<vmem>>) semaphore(%run_scoped3A_175 : memref<!tpu.dma_semaphore, #tpu.memory_space<semaphore_mem>>) {add = true}
        %dma_wait3A_182 = arith.constant 0 : i32
        %dma_wait3A_183 = tpu.memref_slice %arg7[%add3A_174, %dma_wait3A_182] : memref<25x80xi32, #tpu.memory_space<vmem>> -> memref<1x80xi32, #tpu.memory_space<vmem>>
        %dma_wait3A_184 = tpu.memref_squeeze %dma_wait3A_183 : memref<1x80xi32, #tpu.memory_space<vmem>> -> memref<80xi32, #tpu.memory_space<vmem>>
        %dma_wait3A_185 = arith.constant 0 : i32
        %dma_wait3A_186 = arith.constant 0 : i32
        %dma_wait3A_187 = tpu.memref_slice %arg11[%dma_wait3A_185, %dma_wait3A_186] : memref<10240x128xf32, #tpu.memory_space<vmem_shared>> -> memref<10240x128xf32, #tpu.memory_space<vmem_shared>>
        tpu.wait_indirect_dma semaphore(%run_scoped3A_175 : memref<!tpu.dma_semaphore, #tpu.memory_space<semaphore_mem>>) src(%arg10 : memref<80x128xf32, #tpu.memory_space<vmem>>) dst(%dma_wait3A_187 : memref<10240x128xf32, #tpu.memory_space<vmem_shared>>)
        tpu.yield
      }) : () -> ()
    }
    %scan3A_31 = arith.constant 8 : i32
    %dma_start3A_32 = arith.constant 24 : i32
    %dma_start3A_33 = arith.constant 0 : i32
    %dma_start3A_34 = tpu.memref_slice %arg6[%dma_start3A_32, %dma_start3A_33] : memref<25x80xi32, #tpu.memory_space<vmem>> -> memref<1x80xi32, #tpu.memory_space<vmem>>
    %dma_start3A_35 = tpu.memref_squeeze %dma_start3A_34 : memref<1x80xi32, #tpu.memory_space<vmem>> -> memref<80xi32, #tpu.memory_space<vmem>>
    %dma_start3A_36 = arith.constant 0 : i32
    %dma_start3A_37 = arith.constant 0 : i32
    %dma_start3A_38 = tpu.memref_slice %arg2[%dma_start3A_36, %dma_start3A_37] : memref<10000x128xf32, #tpu.memory_space<hbm>> -> memref<10000x128xf32, #tpu.memory_space<hbm>>
    tpu.enqueue_indirect_dma source(%dma_start3A_38 : memref<10000x128xf32, #tpu.memory_space<hbm>>) target(%arg8 : memref<80x128xf32, #tpu.memory_space<vmem>>) offsets(%dma_start3A_35 : memref<80xi32, #tpu.memory_space<vmem>>) semaphore(%arg12 : memref<!tpu.dma_semaphore, #tpu.memory_space<semaphore_mem>>)
    %dma_wait3A_39 = arith.constant 24 : i32
    %dma_wait3A_40 = arith.constant 0 : i32
    %dma_wait3A_41 = tpu.memref_slice %arg6[%dma_wait3A_39, %dma_wait3A_40] : memref<25x80xi32, #tpu.memory_space<vmem>> -> memref<1x80xi32, #tpu.memory_space<vmem>>
    %dma_wait3A_42 = tpu.memref_squeeze %dma_wait3A_41 : memref<1x80xi32, #tpu.memory_space<vmem>> -> memref<80xi32, #tpu.memory_space<vmem>>
    %dma_wait3A_43 = arith.constant 0 : i32
    %dma_wait3A_44 = arith.constant 0 : i32
    %dma_wait3A_45 = tpu.memref_slice %arg2[%dma_wait3A_43, %dma_wait3A_44] : memref<10000x128xf32, #tpu.memory_space<hbm>> -> memref<10000x128xf32, #tpu.memory_space<hbm>>
    tpu.wait_indirect_dma semaphore(%arg12 : memref<!tpu.dma_semaphore, #tpu.memory_space<semaphore_mem>>) src(%dma_wait3A_45 : memref<10000x128xf32, #tpu.memory_space<hbm>>) dst(%arg8 : memref<80x128xf32, #tpu.memory_space<vmem>>)
    %run_scoped3A_46 = arith.constant 24 : i32
    "tpu.region"() ({
      %run_scoped3A_124 = tpu.sem_alloc : memref<!tpu.dma_semaphore, #tpu.memory_space<semaphore_mem>>
      %dma_start3A_125 = arith.constant 0 : i32
      %dma_start3A_126 = tpu.memref_slice %arg7[%run_scoped3A_46, %dma_start3A_125] : memref<25x80xi32, #tpu.memory_space<vmem>> -> memref<1x80xi32, #tpu.memory_space<vmem>>
      %dma_start3A_127 = tpu.memref_squeeze %dma_start3A_126 : memref<1x80xi32, #tpu.memory_space<vmem>> -> memref<80xi32, #tpu.memory_space<vmem>>
      %dma_start3A_128 = arith.constant 0 : i32
      %dma_start3A_129 = arith.constant 0 : i32
      %dma_start3A_130 = tpu.memref_slice %arg11[%dma_start3A_128, %dma_start3A_129] : memref<10240x128xf32, #tpu.memory_space<vmem_shared>> -> memref<10240x128xf32, #tpu.memory_space<vmem_shared>>
      tpu.enqueue_indirect_dma source(%arg8 : memref<80x128xf32, #tpu.memory_space<vmem>>) target(%dma_start3A_130 : memref<10240x128xf32, #tpu.memory_space<vmem_shared>>) offsets(%dma_start3A_127 : memref<80xi32, #tpu.memory_space<vmem>>) semaphore(%run_scoped3A_124 : memref<!tpu.dma_semaphore, #tpu.memory_space<semaphore_mem>>) {add = true}
      %dma_wait3A_131 = arith.constant 0 : i32
      %dma_wait3A_132 = tpu.memref_slice %arg7[%run_scoped3A_46, %dma_wait3A_131] : memref<25x80xi32, #tpu.memory_space<vmem>> -> memref<1x80xi32, #tpu.memory_space<vmem>>
      %dma_wait3A_133 = tpu.memref_squeeze %dma_wait3A_132 : memref<1x80xi32, #tpu.memory_space<vmem>> -> memref<80xi32, #tpu.memory_space<vmem>>
      %dma_wait3A_134 = arith.constant 0 : i32
      %dma_wait3A_135 = arith.constant 0 : i32
      %dma_wait3A_136 = tpu.memref_slice %arg11[%dma_wait3A_134, %dma_wait3A_135] : memref<10240x128xf32, #tpu.memory_space<vmem_shared>> -> memref<10240x128xf32, #tpu.memory_space<vmem_shared>>
      tpu.wait_indirect_dma semaphore(%run_scoped3A_124 : memref<!tpu.dma_semaphore, #tpu.memory_space<semaphore_mem>>) src(%arg8 : memref<80x128xf32, #tpu.memory_space<vmem>>) dst(%dma_wait3A_136 : memref<10240x128xf32, #tpu.memory_space<vmem_shared>>)
      tpu.yield
    }) : () -> ()
    %run_scoped3A_47 = arith.constant 0 : i32
    %run_scoped3A_48 = arith.constant 2 : i32
    "tpu.region"() ({
      %run_scoped3A_124 = tpu.sem_alloc : memref<!tpu.dma_semaphore, #tpu.memory_space<semaphore_mem>>
      %dma_start3A_125 = arith.constant 0 : i32
      %dma_start3A_126 = arith.constant 0 : i32
      %dma_start3A_127 = tpu.memref_slice %arg3[%run_scoped3A_47, %add3A, %run_scoped3A_48, %dma_start3A_125, %dma_start3A_126] : memref<2x32x5x25x80xi32, #tpu.memory_space<hbm>> -> memref<1x1x1x25x80xi32, #tpu.memory_space<hbm>>
      %dma_start3A_128 = tpu.memref_squeeze %dma_start3A_127 : memref<1x1x1x25x80xi32, #tpu.memory_space<hbm>> -> memref<25x80xi32, #tpu.memory_space<hbm>>
      %dma_start3A_129 = arith.constant 0 : i32
      %dma_start3A_130 = arith.constant 0 : i32
      %dma_start3A_131 = tpu.memref_slice %arg3[%run_scoped3A_47, %add3A, %run_scoped3A_48, %dma_start3A_129, %dma_start3A_130] : memref<2x32x5x25x80xi32, #tpu.memory_space<hbm>> -> memref<1x1x1x25x80xi32, #tpu.memory_space<hbm>>
      %dma_start3A_132 = tpu.memref_squeeze %dma_start3A_131 : memref<1x1x1x25x80xi32, #tpu.memory_space<hbm>> -> memref<25x80xi32, #tpu.memory_space<hbm>>
      tpu.enqueue_dma source(%dma_start3A_132 : memref<25x80xi32, #tpu.memory_space<hbm>>) target(%arg6 : memref<25x80xi32, #tpu.memory_space<vmem>>) target_semaphore(%run_scoped3A_124 : memref<!tpu.dma_semaphore, #tpu.memory_space<semaphore_mem>>)
      %dma_wait3A_133 = arith.constant 0 : i32
      %dma_wait3A_134 = arith.constant 0 : i32
      %dma_wait3A_135 = tpu.memref_slice %arg3[%run_scoped3A_47, %add3A, %run_scoped3A_48, %dma_wait3A_133, %dma_wait3A_134] : memref<2x32x5x25x80xi32, #tpu.memory_space<hbm>> -> memref<1x1x1x25x80xi32, #tpu.memory_space<hbm>>
      %dma_wait3A_136 = tpu.memref_squeeze %dma_wait3A_135 : memref<1x1x1x25x80xi32, #tpu.memory_space<hbm>> -> memref<25x80xi32, #tpu.memory_space<hbm>>
      %dma_wait3A_137 = arith.constant 0 : i32
      %dma_wait3A_138 = arith.constant 0 : i32
      %dma_wait3A_139 = tpu.memref_slice %arg3[%run_scoped3A_47, %add3A, %run_scoped3A_48, %dma_wait3A_137, %dma_wait3A_138] : memref<2x32x5x25x80xi32, #tpu.memory_space<hbm>> -> memref<1x1x1x25x80xi32, #tpu.memory_space<hbm>>
      %dma_wait3A_140 = tpu.memref_squeeze %dma_wait3A_139 : memref<1x1x1x25x80xi32, #tpu.memory_space<hbm>> -> memref<25x80xi32, #tpu.memory_space<hbm>>
      tpu.wait_dma2 semaphore(%run_scoped3A_124 : memref<!tpu.dma_semaphore, #tpu.memory_space<semaphore_mem>>) src(%dma_wait3A_140 : memref<25x80xi32, #tpu.memory_space<hbm>>) dst(%arg6 : memref<25x80xi32, #tpu.memory_space<vmem>>)
      tpu.yield
    }) : () -> ()
    %run_scoped3A_49 = arith.constant 1 : i32
    %run_scoped3A_50 = arith.constant 2 : i32
    "tpu.region"() ({
      %run_scoped3A_124 = tpu.sem_alloc : memref<!tpu.dma_semaphore, #tpu.memory_space<semaphore_mem>>
      %dma_start3A_125 = arith.constant 0 : i32
      %dma_start3A_126 = arith.constant 0 : i32
      %dma_start3A_127 = tpu.memref_slice %arg3[%run_scoped3A_49, %add3A, %run_scoped3A_50, %dma_start3A_125, %dma_start3A_126] : memref<2x32x5x25x80xi32, #tpu.memory_space<hbm>> -> memref<1x1x1x25x80xi32, #tpu.memory_space<hbm>>
      %dma_start3A_128 = tpu.memref_squeeze %dma_start3A_127 : memref<1x1x1x25x80xi32, #tpu.memory_space<hbm>> -> memref<25x80xi32, #tpu.memory_space<hbm>>
      %dma_start3A_129 = arith.constant 0 : i32
      %dma_start3A_130 = arith.constant 0 : i32
      %dma_start3A_131 = tpu.memref_slice %arg3[%run_scoped3A_49, %add3A, %run_scoped3A_50, %dma_start3A_129, %dma_start3A_130] : memref<2x32x5x25x80xi32, #tpu.memory_space<hbm>> -> memref<1x1x1x25x80xi32, #tpu.memory_space<hbm>>
      %dma_start3A_132 = tpu.memref_squeeze %dma_start3A_131 : memref<1x1x1x25x80xi32, #tpu.memory_space<hbm>> -> memref<25x80xi32, #tpu.memory_space<hbm>>
      tpu.enqueue_dma source(%dma_start3A_132 : memref<25x80xi32, #tpu.memory_space<hbm>>) target(%arg7 : memref<25x80xi32, #tpu.memory_space<vmem>>) target_semaphore(%run_scoped3A_124 : memref<!tpu.dma_semaphore, #tpu.memory_space<semaphore_mem>>)
      %dma_wait3A_133 = arith.constant 0 : i32
      %dma_wait3A_134 = arith.constant 0 : i32
      %dma_wait3A_135 = tpu.memref_slice %arg3[%run_scoped3A_49, %add3A, %run_scoped3A_50, %dma_wait3A_133, %dma_wait3A_134] : memref<2x32x5x25x80xi32, #tpu.memory_space<hbm>> -> memref<1x1x1x25x80xi32, #tpu.memory_space<hbm>>
      %dma_wait3A_136 = tpu.memref_squeeze %dma_wait3A_135 : memref<1x1x1x25x80xi32, #tpu.memory_space<hbm>> -> memref<25x80xi32, #tpu.memory_space<hbm>>
      %dma_wait3A_137 = arith.constant 0 : i32
      %dma_wait3A_138 = arith.constant 0 : i32
      %dma_wait3A_139 = tpu.memref_slice %arg3[%run_scoped3A_49, %add3A, %run_scoped3A_50, %dma_wait3A_137, %dma_wait3A_138] : memref<2x32x5x25x80xi32, #tpu.memory_space<hbm>> -> memref<1x1x1x25x80xi32, #tpu.memory_space<hbm>>
      %dma_wait3A_140 = tpu.memref_squeeze %dma_wait3A_139 : memref<1x1x1x25x80xi32, #tpu.memory_space<hbm>> -> memref<25x80xi32, #tpu.memory_space<hbm>>
      tpu.wait_dma2 semaphore(%run_scoped3A_124 : memref<!tpu.dma_semaphore, #tpu.memory_space<semaphore_mem>>) src(%dma_wait3A_140 : memref<25x80xi32, #tpu.memory_space<hbm>>) dst(%arg7 : memref<25x80xi32, #tpu.memory_space<vmem>>)
      tpu.yield
    }) : () -> ()
    %scan3A_51 = arith.constant 0 : i32
    %scan3A_52 = arith.constant 8 : i32
    %scan3A_53 = arith.addi %scan3A_51, %scan3A_52 : i32
    %scan3A_54 = arith.constant 1 : i32
    scf.for %scan3A_124 = %scan3A_51 to %scan3A_53 step %scan3A_54  : i32 {
      %mul3A_125 = arith.constant 1 : i32
      %mul3A_126 = arith.muli %scan3A_124, %mul3A_125 : i32
      %add3A_127 = arith.constant 0 : i32
      %add3A_128 = arith.addi %add3A_127, %mul3A_126 : i32
      %mul3A_129 = arith.constant 3 : i32
      %mul3A_130 = arith.muli %add3A_128, %mul3A_129 : i32
      %dma_start3A_131 = arith.constant 0 : i32
      %dma_start3A_132 = tpu.memref_slice %arg6[%mul3A_130, %dma_start3A_131] : memref<25x80xi32, #tpu.memory_space<vmem>> -> memref<1x80xi32, #tpu.memory_space<vmem>>
      %dma_start3A_133 = tpu.memref_squeeze %dma_start3A_132 : memref<1x80xi32, #tpu.memory_space<vmem>> -> memref<80xi32, #tpu.memory_space<vmem>>
      %dma_start3A_134 = arith.constant 0 : i32
      %dma_start3A_135 = arith.constant 0 : i32
      %dma_start3A_136 = tpu.memref_slice %arg2[%dma_start3A_134, %dma_start3A_135] : memref<10000x128xf32, #tpu.memory_space<hbm>> -> memref<10000x128xf32, #tpu.memory_space<hbm>>
      tpu.enqueue_indirect_dma source(%dma_start3A_136 : memref<10000x128xf32, #tpu.memory_space<hbm>>) target(%arg8 : memref<80x128xf32, #tpu.memory_space<vmem>>) offsets(%dma_start3A_133 : memref<80xi32, #tpu.memory_space<vmem>>) semaphore(%arg12 : memref<!tpu.dma_semaphore, #tpu.memory_space<semaphore_mem>>)
      %add3A_137 = arith.constant 1 : i32
      %add3A_138 = arith.addi %mul3A_130, %add3A_137 : i32
      %dma_start3A_139 = arith.constant 0 : i32
      %dma_start3A_140 = tpu.memref_slice %arg6[%add3A_138, %dma_start3A_139] : memref<25x80xi32, #tpu.memory_space<vmem>> -> memref<1x80xi32, #tpu.memory_space<vmem>>
      %dma_start3A_141 = tpu.memref_squeeze %dma_start3A_140 : memref<1x80xi32, #tpu.memory_space<vmem>> -> memref<80xi32, #tpu.memory_space<vmem>>
      %dma_start3A_142 = arith.constant 0 : i32
      %dma_start3A_143 = arith.constant 0 : i32
      %dma_start3A_144 = tpu.memref_slice %arg2[%dma_start3A_142, %dma_start3A_143] : memref<10000x128xf32, #tpu.memory_space<hbm>> -> memref<10000x128xf32, #tpu.memory_space<hbm>>
      tpu.enqueue_indirect_dma source(%dma_start3A_144 : memref<10000x128xf32, #tpu.memory_space<hbm>>) target(%arg9 : memref<80x128xf32, #tpu.memory_space<vmem>>) offsets(%dma_start3A_141 : memref<80xi32, #tpu.memory_space<vmem>>) semaphore(%arg13 : memref<!tpu.dma_semaphore, #tpu.memory_space<semaphore_mem>>)
      %add3A_145 = arith.constant 2 : i32
      %add3A_146 = arith.addi %mul3A_130, %add3A_145 : i32
      %dma_start3A_147 = arith.constant 0 : i32
      %dma_start3A_148 = tpu.memref_slice %arg6[%add3A_146, %dma_start3A_147] : memref<25x80xi32, #tpu.memory_space<vmem>> -> memref<1x80xi32, #tpu.memory_space<vmem>>
      %dma_start3A_149 = tpu.memref_squeeze %dma_start3A_148 : memref<1x80xi32, #tpu.memory_space<vmem>> -> memref<80xi32, #tpu.memory_space<vmem>>
      %dma_start3A_150 = arith.constant 0 : i32
      %dma_start3A_151 = arith.constant 0 : i32
      %dma_start3A_152 = tpu.memref_slice %arg2[%dma_start3A_150, %dma_start3A_151] : memref<10000x128xf32, #tpu.memory_space<hbm>> -> memref<10000x128xf32, #tpu.memory_space<hbm>>
      tpu.enqueue_indirect_dma source(%dma_start3A_152 : memref<10000x128xf32, #tpu.memory_space<hbm>>) target(%arg10 : memref<80x128xf32, #tpu.memory_space<vmem>>) offsets(%dma_start3A_149 : memref<80xi32, #tpu.memory_space<vmem>>) semaphore(%arg14 : memref<!tpu.dma_semaphore, #tpu.memory_space<semaphore_mem>>)
      %dma_wait3A_153 = arith.constant 0 : i32
      %dma_wait3A_154 = tpu.memref_slice %arg6[%mul3A_130, %dma_wait3A_153] : memref<25x80xi32, #tpu.memory_space<vmem>> -> memref<1x80xi32, #tpu.memory_space<vmem>>
      %dma_wait3A_155 = tpu.memref_squeeze %dma_wait3A_154 : memref<1x80xi32, #tpu.memory_space<vmem>> -> memref<80xi32, #tpu.memory_space<vmem>>
      %dma_wait3A_156 = arith.constant 0 : i32
      %dma_wait3A_157 = arith.constant 0 : i32
      %dma_wait3A_158 = tpu.memref_slice %arg2[%dma_wait3A_156, %dma_wait3A_157] : memref<10000x128xf32, #tpu.memory_space<hbm>> -> memref<10000x128xf32, #tpu.memory_space<hbm>>
      tpu.wait_indirect_dma semaphore(%arg12 : memref<!tpu.dma_semaphore, #tpu.memory_space<semaphore_mem>>) src(%dma_wait3A_158 : memref<10000x128xf32, #tpu.memory_space<hbm>>) dst(%arg8 : memref<80x128xf32, #tpu.memory_space<vmem>>)
      "tpu.region"() ({
        %run_scoped3A_175 = tpu.sem_alloc : memref<!tpu.dma_semaphore, #tpu.memory_space<semaphore_mem>>
        %dma_start3A_176 = arith.constant 0 : i32
        %dma_start3A_177 = tpu.memref_slice %arg7[%mul3A_130, %dma_start3A_176] : memref<25x80xi32, #tpu.memory_space<vmem>> -> memref<1x80xi32, #tpu.memory_space<vmem>>
        %dma_start3A_178 = tpu.memref_squeeze %dma_start3A_177 : memref<1x80xi32, #tpu.memory_space<vmem>> -> memref<80xi32, #tpu.memory_space<vmem>>
        %dma_start3A_179 = arith.constant 0 : i32
        %dma_start3A_180 = arith.constant 0 : i32
        %dma_start3A_181 = tpu.memref_slice %arg11[%dma_start3A_179, %dma_start3A_180] : memref<10240x128xf32, #tpu.memory_space<vmem_shared>> -> memref<10240x128xf32, #tpu.memory_space<vmem_shared>>
        tpu.enqueue_indirect_dma source(%arg8 : memref<80x128xf32, #tpu.memory_space<vmem>>) target(%dma_start3A_181 : memref<10240x128xf32, #tpu.memory_space<vmem_shared>>) offsets(%dma_start3A_178 : memref<80xi32, #tpu.memory_space<vmem>>) semaphore(%run_scoped3A_175 : memref<!tpu.dma_semaphore, #tpu.memory_space<semaphore_mem>>) {add = true}
        %dma_wait3A_182 = arith.constant 0 : i32
        %dma_wait3A_183 = tpu.memref_slice %arg7[%mul3A_130, %dma_wait3A_182] : memref<25x80xi32, #tpu.memory_space<vmem>> -> memref<1x80xi32, #tpu.memory_space<vmem>>
        %dma_wait3A_184 = tpu.memref_squeeze %dma_wait3A_183 : memref<1x80xi32, #tpu.memory_space<vmem>> -> memref<80xi32, #tpu.memory_space<vmem>>
        %dma_wait3A_185 = arith.constant 0 : i32
        %dma_wait3A_186 = arith.constant 0 : i32
        %dma_wait3A_187 = tpu.memref_slice %arg11[%dma_wait3A_185, %dma_wait3A_186] : memref<10240x128xf32, #tpu.memory_space<vmem_shared>> -> memref<10240x128xf32, #tpu.memory_space<vmem_shared>>
        tpu.wait_indirect_dma semaphore(%run_scoped3A_175 : memref<!tpu.dma_semaphore, #tpu.memory_space<semaphore_mem>>) src(%arg8 : memref<80x128xf32, #tpu.memory_space<vmem>>) dst(%dma_wait3A_187 : memref<10240x128xf32, #tpu.memory_space<vmem_shared>>)
        tpu.yield
      }) : () -> ()
      %dma_wait3A_159 = arith.constant 0 : i32
      %dma_wait3A_160 = tpu.memref_slice %arg6[%add3A_138, %dma_wait3A_159] : memref<25x80xi32, #tpu.memory_space<vmem>> -> memref<1x80xi32, #tpu.memory_space<vmem>>
      %dma_wait3A_161 = tpu.memref_squeeze %dma_wait3A_160 : memref<1x80xi32, #tpu.memory_space<vmem>> -> memref<80xi32, #tpu.memory_space<vmem>>
      %dma_wait3A_162 = arith.constant 0 : i32
      %dma_wait3A_163 = arith.constant 0 : i32
      %dma_wait3A_164 = tpu.memref_slice %arg2[%dma_wait3A_162, %dma_wait3A_163] : memref<10000x128xf32, #tpu.memory_space<hbm>> -> memref<10000x128xf32, #tpu.memory_space<hbm>>
      tpu.wait_indirect_dma semaphore(%arg13 : memref<!tpu.dma_semaphore, #tpu.memory_space<semaphore_mem>>) src(%dma_wait3A_164 : memref<10000x128xf32, #tpu.memory_space<hbm>>) dst(%arg9 : memref<80x128xf32, #tpu.memory_space<vmem>>)
      %add3A_165 = arith.constant 1 : i32
      %add3A_166 = arith.addi %mul3A_130, %add3A_165 : i32
      "tpu.region"() ({
        %run_scoped3A_175 = tpu.sem_alloc : memref<!tpu.dma_semaphore, #tpu.memory_space<semaphore_mem>>
        %dma_start3A_176 = arith.constant 0 : i32
        %dma_start3A_177 = tpu.memref_slice %arg7[%add3A_166, %dma_start3A_176] : memref<25x80xi32, #tpu.memory_space<vmem>> -> memref<1x80xi32, #tpu.memory_space<vmem>>
        %dma_start3A_178 = tpu.memref_squeeze %dma_start3A_177 : memref<1x80xi32, #tpu.memory_space<vmem>> -> memref<80xi32, #tpu.memory_space<vmem>>
        %dma_start3A_179 = arith.constant 0 : i32
        %dma_start3A_180 = arith.constant 0 : i32
        %dma_start3A_181 = tpu.memref_slice %arg11[%dma_start3A_179, %dma_start3A_180] : memref<10240x128xf32, #tpu.memory_space<vmem_shared>> -> memref<10240x128xf32, #tpu.memory_space<vmem_shared>>
        tpu.enqueue_indirect_dma source(%arg9 : memref<80x128xf32, #tpu.memory_space<vmem>>) target(%dma_start3A_181 : memref<10240x128xf32, #tpu.memory_space<vmem_shared>>) offsets(%dma_start3A_178 : memref<80xi32, #tpu.memory_space<vmem>>) semaphore(%run_scoped3A_175 : memref<!tpu.dma_semaphore, #tpu.memory_space<semaphore_mem>>) {add = true}
        %dma_wait3A_182 = arith.constant 0 : i32
        %dma_wait3A_183 = tpu.memref_slice %arg7[%add3A_166, %dma_wait3A_182] : memref<25x80xi32, #tpu.memory_space<vmem>> -> memref<1x80xi32, #tpu.memory_space<vmem>>
        %dma_wait3A_184 = tpu.memref_squeeze %dma_wait3A_183 : memref<1x80xi32, #tpu.memory_space<vmem>> -> memref<80xi32, #tpu.memory_space<vmem>>
        %dma_wait3A_185 = arith.constant 0 : i32
        %dma_wait3A_186 = arith.constant 0 : i32
        %dma_wait3A_187 = tpu.memref_slice %arg11[%dma_wait3A_185, %dma_wait3A_186] : memref<10240x128xf32, #tpu.memory_space<vmem_shared>> -> memref<10240x128xf32, #tpu.memory_space<vmem_shared>>
        tpu.wait_indirect_dma semaphore(%run_scoped3A_175 : memref<!tpu.dma_semaphore, #tpu.memory_space<semaphore_mem>>) src(%arg9 : memref<80x128xf32, #tpu.memory_space<vmem>>) dst(%dma_wait3A_187 : memref<10240x128xf32, #tpu.memory_space<vmem_shared>>)
        tpu.yield
      }) : () -> ()
      %dma_wait3A_167 = arith.constant 0 : i32
      %dma_wait3A_168 = tpu.memref_slice %arg6[%add3A_146, %dma_wait3A_167] : memref<25x80xi32, #tpu.memory_space<vmem>> -> memref<1x80xi32, #tpu.memory_space<vmem>>
      %dma_wait3A_169 = tpu.memref_squeeze %dma_wait3A_168 : memref<1x80xi32, #tpu.memory_space<vmem>> -> memref<80xi32, #tpu.memory_space<vmem>>
      %dma_wait3A_170 = arith.constant 0 : i32
      %dma_wait3A_171 = arith.constant 0 : i32
      %dma_wait3A_172 = tpu.memref_slice %arg2[%dma_wait3A_170, %dma_wait3A_171] : memref<10000x128xf32, #tpu.memory_space<hbm>> -> memref<10000x128xf32, #tpu.memory_space<hbm>>
      tpu.wait_indirect_dma semaphore(%arg14 : memref<!tpu.dma_semaphore, #tpu.memory_space<semaphore_mem>>) src(%dma_wait3A_172 : memref<10000x128xf32, #tpu.memory_space<hbm>>) dst(%arg10 : memref<80x128xf32, #tpu.memory_space<vmem>>)
      %add3A_173 = arith.constant 2 : i32
      %add3A_174 = arith.addi %mul3A_130, %add3A_173 : i32
      "tpu.region"() ({
        %run_scoped3A_175 = tpu.sem_alloc : memref<!tpu.dma_semaphore, #tpu.memory_space<semaphore_mem>>
        %dma_start3A_176 = arith.constant 0 : i32
        %dma_start3A_177 = tpu.memref_slice %arg7[%add3A_174, %dma_start3A_176] : memref<25x80xi32, #tpu.memory_space<vmem>> -> memref<1x80xi32, #tpu.memory_space<vmem>>
        %dma_start3A_178 = tpu.memref_squeeze %dma_start3A_177 : memref<1x80xi32, #tpu.memory_space<vmem>> -> memref<80xi32, #tpu.memory_space<vmem>>
        %dma_start3A_179 = arith.constant 0 : i32
        %dma_start3A_180 = arith.constant 0 : i32
        %dma_start3A_181 = tpu.memref_slice %arg11[%dma_start3A_179, %dma_start3A_180] : memref<10240x128xf32, #tpu.memory_space<vmem_shared>> -> memref<10240x128xf32, #tpu.memory_space<vmem_shared>>
        tpu.enqueue_indirect_dma source(%arg10 : memref<80x128xf32, #tpu.memory_space<vmem>>) target(%dma_start3A_181 : memref<10240x128xf32, #tpu.memory_space<vmem_shared>>) offsets(%dma_start3A_178 : memref<80xi32, #tpu.memory_space<vmem>>) semaphore(%run_scoped3A_175 : memref<!tpu.dma_semaphore, #tpu.memory_space<semaphore_mem>>) {add = true}
        %dma_wait3A_182 = arith.constant 0 : i32
        %dma_wait3A_183 = tpu.memref_slice %arg7[%add3A_174, %dma_wait3A_182] : memref<25x80xi32, #tpu.memory_space<vmem>> -> memref<1x80xi32, #tpu.memory_space<vmem>>
        %dma_wait3A_184 = tpu.memref_squeeze %dma_wait3A_183 : memref<1x80xi32, #tpu.memory_space<vmem>> -> memref<80xi32, #tpu.memory_space<vmem>>
        %dma_wait3A_185 = arith.constant 0 : i32
        %dma_wait3A_186 = arith.constant 0 : i32
        %dma_wait3A_187 = tpu.memref_slice %arg11[%dma_wait3A_185, %dma_wait3A_186] : memref<10240x128xf32, #tpu.memory_space<vmem_shared>> -> memref<10240x128xf32, #tpu.memory_space<vmem_shared>>
        tpu.wait_indirect_dma semaphore(%run_scoped3A_175 : memref<!tpu.dma_semaphore, #tpu.memory_space<semaphore_mem>>) src(%arg10 : memref<80x128xf32, #tpu.memory_space<vmem>>) dst(%dma_wait3A_187 : memref<10240x128xf32, #tpu.memory_space<vmem_shared>>)
        tpu.yield
      }) : () -> ()
    }
    %scan3A_55 = arith.constant 8 : i32
    %dma_start3A_56 = arith.constant 24 : i32
    %dma_start3A_57 = arith.constant 0 : i32
    %dma_start3A_58 = tpu.memref_slice %arg6[%dma_start3A_56, %dma_start3A_57] : memref<25x80xi32, #tpu.memory_space<vmem>> -> memref<1x80xi32, #tpu.memory_space<vmem>>
    %dma_start3A_59 = tpu.memref_squeeze %dma_start3A_58 : memref<1x80xi32, #tpu.memory_space<vmem>> -> memref<80xi32, #tpu.memory_space<vmem>>
    %dma_start3A_60 = arith.constant 0 : i32
    %dma_start3A_61 = arith.constant 0 : i32
    %dma_start3A_62 = tpu.memref_slice %arg2[%dma_start3A_60, %dma_start3A_61] : memref<10000x128xf32, #tpu.memory_space<hbm>> -> memref<10000x128xf32, #tpu.memory_space<hbm>>
    tpu.enqueue_indirect_dma source(%dma_start3A_62 : memref<10000x128xf32, #tpu.memory_space<hbm>>) target(%arg8 : memref<80x128xf32, #tpu.memory_space<vmem>>) offsets(%dma_start3A_59 : memref<80xi32, #tpu.memory_space<vmem>>) semaphore(%arg12 : memref<!tpu.dma_semaphore, #tpu.memory_space<semaphore_mem>>)
    %dma_wait3A_63 = arith.constant 24 : i32
    %dma_wait3A_64 = arith.constant 0 : i32
    %dma_wait3A_65 = tpu.memref_slice %arg6[%dma_wait3A_63, %dma_wait3A_64] : memref<25x80xi32, #tpu.memory_space<vmem>> -> memref<1x80xi32, #tpu.memory_space<vmem>>
    %dma_wait3A_66 = tpu.memref_squeeze %dma_wait3A_65 : memref<1x80xi32, #tpu.memory_space<vmem>> -> memref<80xi32, #tpu.memory_space<vmem>>
    %dma_wait3A_67 = arith.constant 0 : i32
    %dma_wait3A_68 = arith.constant 0 : i32
    %dma_wait3A_69 = tpu.memref_slice %arg2[%dma_wait3A_67, %dma_wait3A_68] : memref<10000x128xf32, #tpu.memory_space<hbm>> -> memref<10000x128xf32, #tpu.memory_space<hbm>>
    tpu.wait_indirect_dma semaphore(%arg12 : memref<!tpu.dma_semaphore, #tpu.memory_space<semaphore_mem>>) src(%dma_wait3A_69 : memref<10000x128xf32, #tpu.memory_space<hbm>>) dst(%arg8 : memref<80x128xf32, #tpu.memory_space<vmem>>)
    %run_scoped3A_70 = arith.constant 24 : i32
    "tpu.region"() ({
      %run_scoped3A_124 = tpu.sem_alloc : memref<!tpu.dma_semaphore, #tpu.memory_space<semaphore_mem>>
      %dma_start3A_125 = arith.constant 0 : i32
      %dma_start3A_126 = tpu.memref_slice %arg7[%run_scoped3A_70, %dma_start3A_125] : memref<25x80xi32, #tpu.memory_space<vmem>> -> memref<1x80xi32, #tpu.memory_space<vmem>>
      %dma_start3A_127 = tpu.memref_squeeze %dma_start3A_126 : memref<1x80xi32, #tpu.memory_space<vmem>> -> memref<80xi32, #tpu.memory_space<vmem>>
      %dma_start3A_128 = arith.constant 0 : i32
      %dma_start3A_129 = arith.constant 0 : i32
      %dma_start3A_130 = tpu.memref_slice %arg11[%dma_start3A_128, %dma_start3A_129] : memref<10240x128xf32, #tpu.memory_space<vmem_shared>> -> memref<10240x128xf32, #tpu.memory_space<vmem_shared>>
      tpu.enqueue_indirect_dma source(%arg8 : memref<80x128xf32, #tpu.memory_space<vmem>>) target(%dma_start3A_130 : memref<10240x128xf32, #tpu.memory_space<vmem_shared>>) offsets(%dma_start3A_127 : memref<80xi32, #tpu.memory_space<vmem>>) semaphore(%run_scoped3A_124 : memref<!tpu.dma_semaphore, #tpu.memory_space<semaphore_mem>>) {add = true}
      %dma_wait3A_131 = arith.constant 0 : i32
      %dma_wait3A_132 = tpu.memref_slice %arg7[%run_scoped3A_70, %dma_wait3A_131] : memref<25x80xi32, #tpu.memory_space<vmem>> -> memref<1x80xi32, #tpu.memory_space<vmem>>
      %dma_wait3A_133 = tpu.memref_squeeze %dma_wait3A_132 : memref<1x80xi32, #tpu.memory_space<vmem>> -> memref<80xi32, #tpu.memory_space<vmem>>
      %dma_wait3A_134 = arith.constant 0 : i32
      %dma_wait3A_135 = arith.constant 0 : i32
      %dma_wait3A_136 = tpu.memref_slice %arg11[%dma_wait3A_134, %dma_wait3A_135] : memref<10240x128xf32, #tpu.memory_space<vmem_shared>> -> memref<10240x128xf32, #tpu.memory_space<vmem_shared>>
      tpu.wait_indirect_dma semaphore(%run_scoped3A_124 : memref<!tpu.dma_semaphore, #tpu.memory_space<semaphore_mem>>) src(%arg8 : memref<80x128xf32, #tpu.memory_space<vmem>>) dst(%dma_wait3A_136 : memref<10240x128xf32, #tpu.memory_space<vmem_shared>>)
      tpu.yield
    }) : () -> ()
    %run_scoped3A_71 = arith.constant 0 : i32
    %run_scoped3A_72 = arith.constant 3 : i32
    "tpu.region"() ({
      %run_scoped3A_124 = tpu.sem_alloc : memref<!tpu.dma_semaphore, #tpu.memory_space<semaphore_mem>>
      %dma_start3A_125 = arith.constant 0 : i32
      %dma_start3A_126 = arith.constant 0 : i32
      %dma_start3A_127 = tpu.memref_slice %arg3[%run_scoped3A_71, %add3A, %run_scoped3A_72, %dma_start3A_125, %dma_start3A_126] : memref<2x32x5x25x80xi32, #tpu.memory_space<hbm>> -> memref<1x1x1x25x80xi32, #tpu.memory_space<hbm>>
      %dma_start3A_128 = tpu.memref_squeeze %dma_start3A_127 : memref<1x1x1x25x80xi32, #tpu.memory_space<hbm>> -> memref<25x80xi32, #tpu.memory_space<hbm>>
      %dma_start3A_129 = arith.constant 0 : i32
      %dma_start3A_130 = arith.constant 0 : i32
      %dma_start3A_131 = tpu.memref_slice %arg3[%run_scoped3A_71, %add3A, %run_scoped3A_72, %dma_start3A_129, %dma_start3A_130] : memref<2x32x5x25x80xi32, #tpu.memory_space<hbm>> -> memref<1x1x1x25x80xi32, #tpu.memory_space<hbm>>
      %dma_start3A_132 = tpu.memref_squeeze %dma_start3A_131 : memref<1x1x1x25x80xi32, #tpu.memory_space<hbm>> -> memref<25x80xi32, #tpu.memory_space<hbm>>
      tpu.enqueue_dma source(%dma_start3A_132 : memref<25x80xi32, #tpu.memory_space<hbm>>) target(%arg6 : memref<25x80xi32, #tpu.memory_space<vmem>>) target_semaphore(%run_scoped3A_124 : memref<!tpu.dma_semaphore, #tpu.memory_space<semaphore_mem>>)
      %dma_wait3A_133 = arith.constant 0 : i32
      %dma_wait3A_134 = arith.constant 0 : i32
      %dma_wait3A_135 = tpu.memref_slice %arg3[%run_scoped3A_71, %add3A, %run_scoped3A_72, %dma_wait3A_133, %dma_wait3A_134] : memref<2x32x5x25x80xi32, #tpu.memory_space<hbm>> -> memref<1x1x1x25x80xi32, #tpu.memory_space<hbm>>
      %dma_wait3A_136 = tpu.memref_squeeze %dma_wait3A_135 : memref<1x1x1x25x80xi32, #tpu.memory_space<hbm>> -> memref<25x80xi32, #tpu.memory_space<hbm>>
      %dma_wait3A_137 = arith.constant 0 : i32
      %dma_wait3A_138 = arith.constant 0 : i32
      %dma_wait3A_139 = tpu.memref_slice %arg3[%run_scoped3A_71, %add3A, %run_scoped3A_72, %dma_wait3A_137, %dma_wait3A_138] : memref<2x32x5x25x80xi32, #tpu.memory_space<hbm>> -> memref<1x1x1x25x80xi32, #tpu.memory_space<hbm>>
      %dma_wait3A_140 = tpu.memref_squeeze %dma_wait3A_139 : memref<1x1x1x25x80xi32, #tpu.memory_space<hbm>> -> memref<25x80xi32, #tpu.memory_space<hbm>>
      tpu.wait_dma2 semaphore(%run_scoped3A_124 : memref<!tpu.dma_semaphore, #tpu.memory_space<semaphore_mem>>) src(%dma_wait3A_140 : memref<25x80xi32, #tpu.memory_space<hbm>>) dst(%arg6 : memref<25x80xi32, #tpu.memory_space<vmem>>)
      tpu.yield
    }) : () -> ()
    %run_scoped3A_73 = arith.constant 1 : i32
    %run_scoped3A_74 = arith.constant 3 : i32
    "tpu.region"() ({
      %run_scoped3A_124 = tpu.sem_alloc : memref<!tpu.dma_semaphore, #tpu.memory_space<semaphore_mem>>
      %dma_start3A_125 = arith.constant 0 : i32
      %dma_start3A_126 = arith.constant 0 : i32
      %dma_start3A_127 = tpu.memref_slice %arg3[%run_scoped3A_73, %add3A, %run_scoped3A_74, %dma_start3A_125, %dma_start3A_126] : memref<2x32x5x25x80xi32, #tpu.memory_space<hbm>> -> memref<1x1x1x25x80xi32, #tpu.memory_space<hbm>>
      %dma_start3A_128 = tpu.memref_squeeze %dma_start3A_127 : memref<1x1x1x25x80xi32, #tpu.memory_space<hbm>> -> memref<25x80xi32, #tpu.memory_space<hbm>>
      %dma_start3A_129 = arith.constant 0 : i32
      %dma_start3A_130 = arith.constant 0 : i32
      %dma_start3A_131 = tpu.memref_slice %arg3[%run_scoped3A_73, %add3A, %run_scoped3A_74, %dma_start3A_129, %dma_start3A_130] : memref<2x32x5x25x80xi32, #tpu.memory_space<hbm>> -> memref<1x1x1x25x80xi32, #tpu.memory_space<hbm>>
      %dma_start3A_132 = tpu.memref_squeeze %dma_start3A_131 : memref<1x1x1x25x80xi32, #tpu.memory_space<hbm>> -> memref<25x80xi32, #tpu.memory_space<hbm>>
      tpu.enqueue_dma source(%dma_start3A_132 : memref<25x80xi32, #tpu.memory_space<hbm>>) target(%arg7 : memref<25x80xi32, #tpu.memory_space<vmem>>) target_semaphore(%run_scoped3A_124 : memref<!tpu.dma_semaphore, #tpu.memory_space<semaphore_mem>>)
      %dma_wait3A_133 = arith.constant 0 : i32
      %dma_wait3A_134 = arith.constant 0 : i32
      %dma_wait3A_135 = tpu.memref_slice %arg3[%run_scoped3A_73, %add3A, %run_scoped3A_74, %dma_wait3A_133, %dma_wait3A_134] : memref<2x32x5x25x80xi32, #tpu.memory_space<hbm>> -> memref<1x1x1x25x80xi32, #tpu.memory_space<hbm>>
      %dma_wait3A_136 = tpu.memref_squeeze %dma_wait3A_135 : memref<1x1x1x25x80xi32, #tpu.memory_space<hbm>> -> memref<25x80xi32, #tpu.memory_space<hbm>>
      %dma_wait3A_137 = arith.constant 0 : i32
      %dma_wait3A_138 = arith.constant 0 : i32
      %dma_wait3A_139 = tpu.memref_slice %arg3[%run_scoped3A_73, %add3A, %run_scoped3A_74, %dma_wait3A_137, %dma_wait3A_138] : memref<2x32x5x25x80xi32, #tpu.memory_space<hbm>> -> memref<1x1x1x25x80xi32, #tpu.memory_space<hbm>>
      %dma_wait3A_140 = tpu.memref_squeeze %dma_wait3A_139 : memref<1x1x1x25x80xi32, #tpu.memory_space<hbm>> -> memref<25x80xi32, #tpu.memory_space<hbm>>
      tpu.wait_dma2 semaphore(%run_scoped3A_124 : memref<!tpu.dma_semaphore, #tpu.memory_space<semaphore_mem>>) src(%dma_wait3A_140 : memref<25x80xi32, #tpu.memory_space<hbm>>) dst(%arg7 : memref<25x80xi32, #tpu.memory_space<vmem>>)
      tpu.yield
    }) : () -> ()
    %scan3A_75 = arith.constant 0 : i32
    %scan3A_76 = arith.constant 8 : i32
    %scan3A_77 = arith.addi %scan3A_75, %scan3A_76 : i32
    %scan3A_78 = arith.constant 1 : i32
    scf.for %scan3A_124 = %scan3A_75 to %scan3A_77 step %scan3A_78  : i32 {
      %mul3A_125 = arith.constant 1 : i32
      %mul3A_126 = arith.muli %scan3A_124, %mul3A_125 : i32
      %add3A_127 = arith.constant 0 : i32
      %add3A_128 = arith.addi %add3A_127, %mul3A_126 : i32
      %mul3A_129 = arith.constant 3 : i32
      %mul3A_130 = arith.muli %add3A_128, %mul3A_129 : i32
      %dma_start3A_131 = arith.constant 0 : i32
      %dma_start3A_132 = tpu.memref_slice %arg6[%mul3A_130, %dma_start3A_131] : memref<25x80xi32, #tpu.memory_space<vmem>> -> memref<1x80xi32, #tpu.memory_space<vmem>>
      %dma_start3A_133 = tpu.memref_squeeze %dma_start3A_132 : memref<1x80xi32, #tpu.memory_space<vmem>> -> memref<80xi32, #tpu.memory_space<vmem>>
      %dma_start3A_134 = arith.constant 0 : i32
      %dma_start3A_135 = arith.constant 0 : i32
      %dma_start3A_136 = tpu.memref_slice %arg2[%dma_start3A_134, %dma_start3A_135] : memref<10000x128xf32, #tpu.memory_space<hbm>> -> memref<10000x128xf32, #tpu.memory_space<hbm>>
      tpu.enqueue_indirect_dma source(%dma_start3A_136 : memref<10000x128xf32, #tpu.memory_space<hbm>>) target(%arg8 : memref<80x128xf32, #tpu.memory_space<vmem>>) offsets(%dma_start3A_133 : memref<80xi32, #tpu.memory_space<vmem>>) semaphore(%arg12 : memref<!tpu.dma_semaphore, #tpu.memory_space<semaphore_mem>>)
      %add3A_137 = arith.constant 1 : i32
      %add3A_138 = arith.addi %mul3A_130, %add3A_137 : i32
      %dma_start3A_139 = arith.constant 0 : i32
      %dma_start3A_140 = tpu.memref_slice %arg6[%add3A_138, %dma_start3A_139] : memref<25x80xi32, #tpu.memory_space<vmem>> -> memref<1x80xi32, #tpu.memory_space<vmem>>
      %dma_start3A_141 = tpu.memref_squeeze %dma_start3A_140 : memref<1x80xi32, #tpu.memory_space<vmem>> -> memref<80xi32, #tpu.memory_space<vmem>>
      %dma_start3A_142 = arith.constant 0 : i32
      %dma_start3A_143 = arith.constant 0 : i32
      %dma_start3A_144 = tpu.memref_slice %arg2[%dma_start3A_142, %dma_start3A_143] : memref<10000x128xf32, #tpu.memory_space<hbm>> -> memref<10000x128xf32, #tpu.memory_space<hbm>>
      tpu.enqueue_indirect_dma source(%dma_start3A_144 : memref<10000x128xf32, #tpu.memory_space<hbm>>) target(%arg9 : memref<80x128xf32, #tpu.memory_space<vmem>>) offsets(%dma_start3A_141 : memref<80xi32, #tpu.memory_space<vmem>>) semaphore(%arg13 : memref<!tpu.dma_semaphore, #tpu.memory_space<semaphore_mem>>)
      %add3A_145 = arith.constant 2 : i32
      %add3A_146 = arith.addi %mul3A_130, %add3A_145 : i32
      %dma_start3A_147 = arith.constant 0 : i32
      %dma_start3A_148 = tpu.memref_slice %arg6[%add3A_146, %dma_start3A_147] : memref<25x80xi32, #tpu.memory_space<vmem>> -> memref<1x80xi32, #tpu.memory_space<vmem>>
      %dma_start3A_149 = tpu.memref_squeeze %dma_start3A_148 : memref<1x80xi32, #tpu.memory_space<vmem>> -> memref<80xi32, #tpu.memory_space<vmem>>
      %dma_start3A_150 = arith.constant 0 : i32
      %dma_start3A_151 = arith.constant 0 : i32
      %dma_start3A_152 = tpu.memref_slice %arg2[%dma_start3A_150, %dma_start3A_151] : memref<10000x128xf32, #tpu.memory_space<hbm>> -> memref<10000x128xf32, #tpu.memory_space<hbm>>
      tpu.enqueue_indirect_dma source(%dma_start3A_152 : memref<10000x128xf32, #tpu.memory_space<hbm>>) target(%arg10 : memref<80x128xf32, #tpu.memory_space<vmem>>) offsets(%dma_start3A_149 : memref<80xi32, #tpu.memory_space<vmem>>) semaphore(%arg14 : memref<!tpu.dma_semaphore, #tpu.memory_space<semaphore_mem>>)
      %dma_wait3A_153 = arith.constant 0 : i32
      %dma_wait3A_154 = tpu.memref_slice %arg6[%mul3A_130, %dma_wait3A_153] : memref<25x80xi32, #tpu.memory_space<vmem>> -> memref<1x80xi32, #tpu.memory_space<vmem>>
      %dma_wait3A_155 = tpu.memref_squeeze %dma_wait3A_154 : memref<1x80xi32, #tpu.memory_space<vmem>> -> memref<80xi32, #tpu.memory_space<vmem>>
      %dma_wait3A_156 = arith.constant 0 : i32
      %dma_wait3A_157 = arith.constant 0 : i32
      %dma_wait3A_158 = tpu.memref_slice %arg2[%dma_wait3A_156, %dma_wait3A_157] : memref<10000x128xf32, #tpu.memory_space<hbm>> -> memref<10000x128xf32, #tpu.memory_space<hbm>>
      tpu.wait_indirect_dma semaphore(%arg12 : memref<!tpu.dma_semaphore, #tpu.memory_space<semaphore_mem>>) src(%dma_wait3A_158 : memref<10000x128xf32, #tpu.memory_space<hbm>>) dst(%arg8 : memref<80x128xf32, #tpu.memory_space<vmem>>)
      "tpu.region"() ({
        %run_scoped3A_175 = tpu.sem_alloc : memref<!tpu.dma_semaphore, #tpu.memory_space<semaphore_mem>>
        %dma_start3A_176 = arith.constant 0 : i32
        %dma_start3A_177 = tpu.memref_slice %arg7[%mul3A_130, %dma_start3A_176] : memref<25x80xi32, #tpu.memory_space<vmem>> -> memref<1x80xi32, #tpu.memory_space<vmem>>
        %dma_start3A_178 = tpu.memref_squeeze %dma_start3A_177 : memref<1x80xi32, #tpu.memory_space<vmem>> -> memref<80xi32, #tpu.memory_space<vmem>>
        %dma_start3A_179 = arith.constant 0 : i32
        %dma_start3A_180 = arith.constant 0 : i32
        %dma_start3A_181 = tpu.memref_slice %arg11[%dma_start3A_179, %dma_start3A_180] : memref<10240x128xf32, #tpu.memory_space<vmem_shared>> -> memref<10240x128xf32, #tpu.memory_space<vmem_shared>>
        tpu.enqueue_indirect_dma source(%arg8 : memref<80x128xf32, #tpu.memory_space<vmem>>) target(%dma_start3A_181 : memref<10240x128xf32, #tpu.memory_space<vmem_shared>>) offsets(%dma_start3A_178 : memref<80xi32, #tpu.memory_space<vmem>>) semaphore(%run_scoped3A_175 : memref<!tpu.dma_semaphore, #tpu.memory_space<semaphore_mem>>) {add = true}
        %dma_wait3A_182 = arith.constant 0 : i32
        %dma_wait3A_183 = tpu.memref_slice %arg7[%mul3A_130, %dma_wait3A_182] : memref<25x80xi32, #tpu.memory_space<vmem>> -> memref<1x80xi32, #tpu.memory_space<vmem>>
        %dma_wait3A_184 = tpu.memref_squeeze %dma_wait3A_183 : memref<1x80xi32, #tpu.memory_space<vmem>> -> memref<80xi32, #tpu.memory_space<vmem>>
        %dma_wait3A_185 = arith.constant 0 : i32
        %dma_wait3A_186 = arith.constant 0 : i32
        %dma_wait3A_187 = tpu.memref_slice %arg11[%dma_wait3A_185, %dma_wait3A_186] : memref<10240x128xf32, #tpu.memory_space<vmem_shared>> -> memref<10240x128xf32, #tpu.memory_space<vmem_shared>>
        tpu.wait_indirect_dma semaphore(%run_scoped3A_175 : memref<!tpu.dma_semaphore, #tpu.memory_space<semaphore_mem>>) src(%arg8 : memref<80x128xf32, #tpu.memory_space<vmem>>) dst(%dma_wait3A_187 : memref<10240x128xf32, #tpu.memory_space<vmem_shared>>)
        tpu.yield
      }) : () -> ()
      %dma_wait3A_159 = arith.constant 0 : i32
      %dma_wait3A_160 = tpu.memref_slice %arg6[%add3A_138, %dma_wait3A_159] : memref<25x80xi32, #tpu.memory_space<vmem>> -> memref<1x80xi32, #tpu.memory_space<vmem>>
      %dma_wait3A_161 = tpu.memref_squeeze %dma_wait3A_160 : memref<1x80xi32, #tpu.memory_space<vmem>> -> memref<80xi32, #tpu.memory_space<vmem>>
      %dma_wait3A_162 = arith.constant 0 : i32
      %dma_wait3A_163 = arith.constant 0 : i32
      %dma_wait3A_164 = tpu.memref_slice %arg2[%dma_wait3A_162, %dma_wait3A_163] : memref<10000x128xf32, #tpu.memory_space<hbm>> -> memref<10000x128xf32, #tpu.memory_space<hbm>>
      tpu.wait_indirect_dma semaphore(%arg13 : memref<!tpu.dma_semaphore, #tpu.memory_space<semaphore_mem>>) src(%dma_wait3A_164 : memref<10000x128xf32, #tpu.memory_space<hbm>>) dst(%arg9 : memref<80x128xf32, #tpu.memory_space<vmem>>)
      %add3A_165 = arith.constant 1 : i32
      %add3A_166 = arith.addi %mul3A_130, %add3A_165 : i32
      "tpu.region"() ({
        %run_scoped3A_175 = tpu.sem_alloc : memref<!tpu.dma_semaphore, #tpu.memory_space<semaphore_mem>>
        %dma_start3A_176 = arith.constant 0 : i32
        %dma_start3A_177 = tpu.memref_slice %arg7[%add3A_166, %dma_start3A_176] : memref<25x80xi32, #tpu.memory_space<vmem>> -> memref<1x80xi32, #tpu.memory_space<vmem>>
        %dma_start3A_178 = tpu.memref_squeeze %dma_start3A_177 : memref<1x80xi32, #tpu.memory_space<vmem>> -> memref<80xi32, #tpu.memory_space<vmem>>
        %dma_start3A_179 = arith.constant 0 : i32
        %dma_start3A_180 = arith.constant 0 : i32
        %dma_start3A_181 = tpu.memref_slice %arg11[%dma_start3A_179, %dma_start3A_180] : memref<10240x128xf32, #tpu.memory_space<vmem_shared>> -> memref<10240x128xf32, #tpu.memory_space<vmem_shared>>
        tpu.enqueue_indirect_dma source(%arg9 : memref<80x128xf32, #tpu.memory_space<vmem>>) target(%dma_start3A_181 : memref<10240x128xf32, #tpu.memory_space<vmem_shared>>) offsets(%dma_start3A_178 : memref<80xi32, #tpu.memory_space<vmem>>) semaphore(%run_scoped3A_175 : memref<!tpu.dma_semaphore, #tpu.memory_space<semaphore_mem>>) {add = true}
        %dma_wait3A_182 = arith.constant 0 : i32
        %dma_wait3A_183 = tpu.memref_slice %arg7[%add3A_166, %dma_wait3A_182] : memref<25x80xi32, #tpu.memory_space<vmem>> -> memref<1x80xi32, #tpu.memory_space<vmem>>
        %dma_wait3A_184 = tpu.memref_squeeze %dma_wait3A_183 : memref<1x80xi32, #tpu.memory_space<vmem>> -> memref<80xi32, #tpu.memory_space<vmem>>
        %dma_wait3A_185 = arith.constant 0 : i32
        %dma_wait3A_186 = arith.constant 0 : i32
        %dma_wait3A_187 = tpu.memref_slice %arg11[%dma_wait3A_185, %dma_wait3A_186] : memref<10240x128xf32, #tpu.memory_space<vmem_shared>> -> memref<10240x128xf32, #tpu.memory_space<vmem_shared>>
        tpu.wait_indirect_dma semaphore(%run_scoped3A_175 : memref<!tpu.dma_semaphore, #tpu.memory_space<semaphore_mem>>) src(%arg9 : memref<80x128xf32, #tpu.memory_space<vmem>>) dst(%dma_wait3A_187 : memref<10240x128xf32, #tpu.memory_space<vmem_shared>>)
        tpu.yield
      }) : () -> ()
      %dma_wait3A_167 = arith.constant 0 : i32
      %dma_wait3A_168 = tpu.memref_slice %arg6[%add3A_146, %dma_wait3A_167] : memref<25x80xi32, #tpu.memory_space<vmem>> -> memref<1x80xi32, #tpu.memory_space<vmem>>
      %dma_wait3A_169 = tpu.memref_squeeze %dma_wait3A_168 : memref<1x80xi32, #tpu.memory_space<vmem>> -> memref<80xi32, #tpu.memory_space<vmem>>
      %dma_wait3A_170 = arith.constant 0 : i32
      %dma_wait3A_171 = arith.constant 0 : i32
      %dma_wait3A_172 = tpu.memref_slice %arg2[%dma_wait3A_170, %dma_wait3A_171] : memref<10000x128xf32, #tpu.memory_space<hbm>> -> memref<10000x128xf32, #tpu.memory_space<hbm>>
      tpu.wait_indirect_dma semaphore(%arg14 : memref<!tpu.dma_semaphore, #tpu.memory_space<semaphore_mem>>) src(%dma_wait3A_172 : memref<10000x128xf32, #tpu.memory_space<hbm>>) dst(%arg10 : memref<80x128xf32, #tpu.memory_space<vmem>>)
      %add3A_173 = arith.constant 2 : i32
      %add3A_174 = arith.addi %mul3A_130, %add3A_173 : i32
      "tpu.region"() ({
        %run_scoped3A_175 = tpu.sem_alloc : memref<!tpu.dma_semaphore, #tpu.memory_space<semaphore_mem>>
        %dma_start3A_176 = arith.constant 0 : i32
        %dma_start3A_177 = tpu.memref_slice %arg7[%add3A_174, %dma_start3A_176] : memref<25x80xi32, #tpu.memory_space<vmem>> -> memref<1x80xi32, #tpu.memory_space<vmem>>
        %dma_start3A_178 = tpu.memref_squeeze %dma_start3A_177 : memref<1x80xi32, #tpu.memory_space<vmem>> -> memref<80xi32, #tpu.memory_space<vmem>>
        %dma_start3A_179 = arith.constant 0 : i32
        %dma_start3A_180 = arith.constant 0 : i32
        %dma_start3A_181 = tpu.memref_slice %arg11[%dma_start3A_179, %dma_start3A_180] : memref<10240x128xf32, #tpu.memory_space<vmem_shared>> -> memref<10240x128xf32, #tpu.memory_space<vmem_shared>>
        tpu.enqueue_indirect_dma source(%arg10 : memref<80x128xf32, #tpu.memory_space<vmem>>) target(%dma_start3A_181 : memref<10240x128xf32, #tpu.memory_space<vmem_shared>>) offsets(%dma_start3A_178 : memref<80xi32, #tpu.memory_space<vmem>>) semaphore(%run_scoped3A_175 : memref<!tpu.dma_semaphore, #tpu.memory_space<semaphore_mem>>) {add = true}
        %dma_wait3A_182 = arith.constant 0 : i32
        %dma_wait3A_183 = tpu.memref_slice %arg7[%add3A_174, %dma_wait3A_182] : memref<25x80xi32, #tpu.memory_space<vmem>> -> memref<1x80xi32, #tpu.memory_space<vmem>>
        %dma_wait3A_184 = tpu.memref_squeeze %dma_wait3A_183 : memref<1x80xi32, #tpu.memory_space<vmem>> -> memref<80xi32, #tpu.memory_space<vmem>>
        %dma_wait3A_185 = arith.constant 0 : i32
        %dma_wait3A_186 = arith.constant 0 : i32
        %dma_wait3A_187 = tpu.memref_slice %arg11[%dma_wait3A_185, %dma_wait3A_186] : memref<10240x128xf32, #tpu.memory_space<vmem_shared>> -> memref<10240x128xf32, #tpu.memory_space<vmem_shared>>
        tpu.wait_indirect_dma semaphore(%run_scoped3A_175 : memref<!tpu.dma_semaphore, #tpu.memory_space<semaphore_mem>>) src(%arg10 : memref<80x128xf32, #tpu.memory_space<vmem>>) dst(%dma_wait3A_187 : memref<10240x128xf32, #tpu.memory_space<vmem_shared>>)
        tpu.yield
      }) : () -> ()
    }
    %scan3A_79 = arith.constant 8 : i32
    %dma_start3A_80 = arith.constant 24 : i32
    %dma_start3A_81 = arith.constant 0 : i32
    %dma_start3A_82 = tpu.memref_slice %arg6[%dma_start3A_80, %dma_start3A_81] : memref<25x80xi32, #tpu.memory_space<vmem>> -> memref<1x80xi32, #tpu.memory_space<vmem>>
    %dma_start3A_83 = tpu.memref_squeeze %dma_start3A_82 : memref<1x80xi32, #tpu.memory_space<vmem>> -> memref<80xi32, #tpu.memory_space<vmem>>
    %dma_start3A_84 = arith.constant 0 : i32
    %dma_start3A_85 = arith.constant 0 : i32
    %dma_start3A_86 = tpu.memref_slice %arg2[%dma_start3A_84, %dma_start3A_85] : memref<10000x128xf32, #tpu.memory_space<hbm>> -> memref<10000x128xf32, #tpu.memory_space<hbm>>
    tpu.enqueue_indirect_dma source(%dma_start3A_86 : memref<10000x128xf32, #tpu.memory_space<hbm>>) target(%arg8 : memref<80x128xf32, #tpu.memory_space<vmem>>) offsets(%dma_start3A_83 : memref<80xi32, #tpu.memory_space<vmem>>) semaphore(%arg12 : memref<!tpu.dma_semaphore, #tpu.memory_space<semaphore_mem>>)
    %dma_wait3A_87 = arith.constant 24 : i32
    %dma_wait3A_88 = arith.constant 0 : i32
    %dma_wait3A_89 = tpu.memref_slice %arg6[%dma_wait3A_87, %dma_wait3A_88] : memref<25x80xi32, #tpu.memory_space<vmem>> -> memref<1x80xi32, #tpu.memory_space<vmem>>
    %dma_wait3A_90 = tpu.memref_squeeze %dma_wait3A_89 : memref<1x80xi32, #tpu.memory_space<vmem>> -> memref<80xi32, #tpu.memory_space<vmem>>
    %dma_wait3A_91 = arith.constant 0 : i32
    %dma_wait3A_92 = arith.constant 0 : i32
    %dma_wait3A_93 = tpu.memref_slice %arg2[%dma_wait3A_91, %dma_wait3A_92] : memref<10000x128xf32, #tpu.memory_space<hbm>> -> memref<10000x128xf32, #tpu.memory_space<hbm>>
    tpu.wait_indirect_dma semaphore(%arg12 : memref<!tpu.dma_semaphore, #tpu.memory_space<semaphore_mem>>) src(%dma_wait3A_93 : memref<10000x128xf32, #tpu.memory_space<hbm>>) dst(%arg8 : memref<80x128xf32, #tpu.memory_space<vmem>>)
    %run_scoped3A_94 = arith.constant 24 : i32
    "tpu.region"() ({
      %run_scoped3A_124 = tpu.sem_alloc : memref<!tpu.dma_semaphore, #tpu.memory_space<semaphore_mem>>
      %dma_start3A_125 = arith.constant 0 : i32
      %dma_start3A_126 = tpu.memref_slice %arg7[%run_scoped3A_94, %dma_start3A_125] : memref<25x80xi32, #tpu.memory_space<vmem>> -> memref<1x80xi32, #tpu.memory_space<vmem>>
      %dma_start3A_127 = tpu.memref_squeeze %dma_start3A_126 : memref<1x80xi32, #tpu.memory_space<vmem>> -> memref<80xi32, #tpu.memory_space<vmem>>
      %dma_start3A_128 = arith.constant 0 : i32
      %dma_start3A_129 = arith.constant 0 : i32
      %dma_start3A_130 = tpu.memref_slice %arg11[%dma_start3A_128, %dma_start3A_129] : memref<10240x128xf32, #tpu.memory_space<vmem_shared>> -> memref<10240x128xf32, #tpu.memory_space<vmem_shared>>
      tpu.enqueue_indirect_dma source(%arg8 : memref<80x128xf32, #tpu.memory_space<vmem>>) target(%dma_start3A_130 : memref<10240x128xf32, #tpu.memory_space<vmem_shared>>) offsets(%dma_start3A_127 : memref<80xi32, #tpu.memory_space<vmem>>) semaphore(%run_scoped3A_124 : memref<!tpu.dma_semaphore, #tpu.memory_space<semaphore_mem>>) {add = true}
      %dma_wait3A_131 = arith.constant 0 : i32
      %dma_wait3A_132 = tpu.memref_slice %arg7[%run_scoped3A_94, %dma_wait3A_131] : memref<25x80xi32, #tpu.memory_space<vmem>> -> memref<1x80xi32, #tpu.memory_space<vmem>>
      %dma_wait3A_133 = tpu.memref_squeeze %dma_wait3A_132 : memref<1x80xi32, #tpu.memory_space<vmem>> -> memref<80xi32, #tpu.memory_space<vmem>>
      %dma_wait3A_134 = arith.constant 0 : i32
      %dma_wait3A_135 = arith.constant 0 : i32
      %dma_wait3A_136 = tpu.memref_slice %arg11[%dma_wait3A_134, %dma_wait3A_135] : memref<10240x128xf32, #tpu.memory_space<vmem_shared>> -> memref<10240x128xf32, #tpu.memory_space<vmem_shared>>
      tpu.wait_indirect_dma semaphore(%run_scoped3A_124 : memref<!tpu.dma_semaphore, #tpu.memory_space<semaphore_mem>>) src(%arg8 : memref<80x128xf32, #tpu.memory_space<vmem>>) dst(%dma_wait3A_136 : memref<10240x128xf32, #tpu.memory_space<vmem_shared>>)
      tpu.yield
    }) : () -> ()
    %run_scoped3A_95 = arith.constant 0 : i32
    %run_scoped3A_96 = arith.constant 4 : i32
    "tpu.region"() ({
      %run_scoped3A_124 = tpu.sem_alloc : memref<!tpu.dma_semaphore, #tpu.memory_space<semaphore_mem>>
      %dma_start3A_125 = arith.constant 0 : i32
      %dma_start3A_126 = arith.constant 0 : i32
      %dma_start3A_127 = tpu.memref_slice %arg3[%run_scoped3A_95, %add3A, %run_scoped3A_96, %dma_start3A_125, %dma_start3A_126] : memref<2x32x5x25x80xi32, #tpu.memory_space<hbm>> -> memref<1x1x1x25x80xi32, #tpu.memory_space<hbm>>
      %dma_start3A_128 = tpu.memref_squeeze %dma_start3A_127 : memref<1x1x1x25x80xi32, #tpu.memory_space<hbm>> -> memref<25x80xi32, #tpu.memory_space<hbm>>
      %dma_start3A_129 = arith.constant 0 : i32
      %dma_start3A_130 = arith.constant 0 : i32
      %dma_start3A_131 = tpu.memref_slice %arg3[%run_scoped3A_95, %add3A, %run_scoped3A_96, %dma_start3A_129, %dma_start3A_130] : memref<2x32x5x25x80xi32, #tpu.memory_space<hbm>> -> memref<1x1x1x25x80xi32, #tpu.memory_space<hbm>>
      %dma_start3A_132 = tpu.memref_squeeze %dma_start3A_131 : memref<1x1x1x25x80xi32, #tpu.memory_space<hbm>> -> memref<25x80xi32, #tpu.memory_space<hbm>>
      tpu.enqueue_dma source(%dma_start3A_132 : memref<25x80xi32, #tpu.memory_space<hbm>>) target(%arg6 : memref<25x80xi32, #tpu.memory_space<vmem>>) target_semaphore(%run_scoped3A_124 : memref<!tpu.dma_semaphore, #tpu.memory_space<semaphore_mem>>)
      %dma_wait3A_133 = arith.constant 0 : i32
      %dma_wait3A_134 = arith.constant 0 : i32
      %dma_wait3A_135 = tpu.memref_slice %arg3[%run_scoped3A_95, %add3A, %run_scoped3A_96, %dma_wait3A_133, %dma_wait3A_134] : memref<2x32x5x25x80xi32, #tpu.memory_space<hbm>> -> memref<1x1x1x25x80xi32, #tpu.memory_space<hbm>>
      %dma_wait3A_136 = tpu.memref_squeeze %dma_wait3A_135 : memref<1x1x1x25x80xi32, #tpu.memory_space<hbm>> -> memref<25x80xi32, #tpu.memory_space<hbm>>
      %dma_wait3A_137 = arith.constant 0 : i32
      %dma_wait3A_138 = arith.constant 0 : i32
      %dma_wait3A_139 = tpu.memref_slice %arg3[%run_scoped3A_95, %add3A, %run_scoped3A_96, %dma_wait3A_137, %dma_wait3A_138] : memref<2x32x5x25x80xi32, #tpu.memory_space<hbm>> -> memref<1x1x1x25x80xi32, #tpu.memory_space<hbm>>
      %dma_wait3A_140 = tpu.memref_squeeze %dma_wait3A_139 : memref<1x1x1x25x80xi32, #tpu.memory_space<hbm>> -> memref<25x80xi32, #tpu.memory_space<hbm>>
      tpu.wait_dma2 semaphore(%run_scoped3A_124 : memref<!tpu.dma_semaphore, #tpu.memory_space<semaphore_mem>>) src(%dma_wait3A_140 : memref<25x80xi32, #tpu.memory_space<hbm>>) dst(%arg6 : memref<25x80xi32, #tpu.memory_space<vmem>>)
      tpu.yield
    }) : () -> ()
    %run_scoped3A_97 = arith.constant 1 : i32
    %run_scoped3A_98 = arith.constant 4 : i32
    "tpu.region"() ({
      %run_scoped3A_124 = tpu.sem_alloc : memref<!tpu.dma_semaphore, #tpu.memory_space<semaphore_mem>>
      %dma_start3A_125 = arith.constant 0 : i32
      %dma_start3A_126 = arith.constant 0 : i32
      %dma_start3A_127 = tpu.memref_slice %arg3[%run_scoped3A_97, %add3A, %run_scoped3A_98, %dma_start3A_125, %dma_start3A_126] : memref<2x32x5x25x80xi32, #tpu.memory_space<hbm>> -> memref<1x1x1x25x80xi32, #tpu.memory_space<hbm>>
      %dma_start3A_128 = tpu.memref_squeeze %dma_start3A_127 : memref<1x1x1x25x80xi32, #tpu.memory_space<hbm>> -> memref<25x80xi32, #tpu.memory_space<hbm>>
      %dma_start3A_129 = arith.constant 0 : i32
      %dma_start3A_130 = arith.constant 0 : i32
      %dma_start3A_131 = tpu.memref_slice %arg3[%run_scoped3A_97, %add3A, %run_scoped3A_98, %dma_start3A_129, %dma_start3A_130] : memref<2x32x5x25x80xi32, #tpu.memory_space<hbm>> -> memref<1x1x1x25x80xi32, #tpu.memory_space<hbm>>
      %dma_start3A_132 = tpu.memref_squeeze %dma_start3A_131 : memref<1x1x1x25x80xi32, #tpu.memory_space<hbm>> -> memref<25x80xi32, #tpu.memory_space<hbm>>
      tpu.enqueue_dma source(%dma_start3A_132 : memref<25x80xi32, #tpu.memory_space<hbm>>) target(%arg7 : memref<25x80xi32, #tpu.memory_space<vmem>>) target_semaphore(%run_scoped3A_124 : memref<!tpu.dma_semaphore, #tpu.memory_space<semaphore_mem>>)
      %dma_wait3A_133 = arith.constant 0 : i32
      %dma_wait3A_134 = arith.constant 0 : i32
      %dma_wait3A_135 = tpu.memref_slice %arg3[%run_scoped3A_97, %add3A, %run_scoped3A_98, %dma_wait3A_133, %dma_wait3A_134] : memref<2x32x5x25x80xi32, #tpu.memory_space<hbm>> -> memref<1x1x1x25x80xi32, #tpu.memory_space<hbm>>
      %dma_wait3A_136 = tpu.memref_squeeze %dma_wait3A_135 : memref<1x1x1x25x80xi32, #tpu.memory_space<hbm>> -> memref<25x80xi32, #tpu.memory_space<hbm>>
      %dma_wait3A_137 = arith.constant 0 : i32
      %dma_wait3A_138 = arith.constant 0 : i32
      %dma_wait3A_139 = tpu.memref_slice %arg3[%run_scoped3A_97, %add3A, %run_scoped3A_98, %dma_wait3A_137, %dma_wait3A_138] : memref<2x32x5x25x80xi32, #tpu.memory_space<hbm>> -> memref<1x1x1x25x80xi32, #tpu.memory_space<hbm>>
      %dma_wait3A_140 = tpu.memref_squeeze %dma_wait3A_139 : memref<1x1x1x25x80xi32, #tpu.memory_space<hbm>> -> memref<25x80xi32, #tpu.memory_space<hbm>>
      tpu.wait_dma2 semaphore(%run_scoped3A_124 : memref<!tpu.dma_semaphore, #tpu.memory_space<semaphore_mem>>) src(%dma_wait3A_140 : memref<25x80xi32, #tpu.memory_space<hbm>>) dst(%arg7 : memref<25x80xi32, #tpu.memory_space<vmem>>)
      tpu.yield
    }) : () -> ()
    %scan3A_99 = arith.constant 0 : i32
    %scan3A_100 = arith.constant 8 : i32
    %scan3A_101 = arith.addi %scan3A_99, %scan3A_100 : i32
    %scan3A_102 = arith.constant 1 : i32
    scf.for %scan3A_124 = %scan3A_99 to %scan3A_101 step %scan3A_102  : i32 {
      %mul3A_125 = arith.constant 1 : i32
      %mul3A_126 = arith.muli %scan3A_124, %mul3A_125 : i32
      %add3A_127 = arith.constant 0 : i32
      %add3A_128 = arith.addi %add3A_127, %mul3A_126 : i32
      %mul3A_129 = arith.constant 3 : i32
      %mul3A_130 = arith.muli %add3A_128, %mul3A_129 : i32
      %dma_start3A_131 = arith.constant 0 : i32
      %dma_start3A_132 = tpu.memref_slice %arg6[%mul3A_130, %dma_start3A_131] : memref<25x80xi32, #tpu.memory_space<vmem>> -> memref<1x80xi32, #tpu.memory_space<vmem>>
      %dma_start3A_133 = tpu.memref_squeeze %dma_start3A_132 : memref<1x80xi32, #tpu.memory_space<vmem>> -> memref<80xi32, #tpu.memory_space<vmem>>
      %dma_start3A_134 = arith.constant 0 : i32
      %dma_start3A_135 = arith.constant 0 : i32
      %dma_start3A_136 = tpu.memref_slice %arg2[%dma_start3A_134, %dma_start3A_135] : memref<10000x128xf32, #tpu.memory_space<hbm>> -> memref<10000x128xf32, #tpu.memory_space<hbm>>
      tpu.enqueue_indirect_dma source(%dma_start3A_136 : memref<10000x128xf32, #tpu.memory_space<hbm>>) target(%arg8 : memref<80x128xf32, #tpu.memory_space<vmem>>) offsets(%dma_start3A_133 : memref<80xi32, #tpu.memory_space<vmem>>) semaphore(%arg12 : memref<!tpu.dma_semaphore, #tpu.memory_space<semaphore_mem>>)
      %add3A_137 = arith.constant 1 : i32
      %add3A_138 = arith.addi %mul3A_130, %add3A_137 : i32
      %dma_start3A_139 = arith.constant 0 : i32
      %dma_start3A_140 = tpu.memref_slice %arg6[%add3A_138, %dma_start3A_139] : memref<25x80xi32, #tpu.memory_space<vmem>> -> memref<1x80xi32, #tpu.memory_space<vmem>>
      %dma_start3A_141 = tpu.memref_squeeze %dma_start3A_140 : memref<1x80xi32, #tpu.memory_space<vmem>> -> memref<80xi32, #tpu.memory_space<vmem>>
      %dma_start3A_142 = arith.constant 0 : i32
      %dma_start3A_143 = arith.constant 0 : i32
      %dma_start3A_144 = tpu.memref_slice %arg2[%dma_start3A_142, %dma_start3A_143] : memref<10000x128xf32, #tpu.memory_space<hbm>> -> memref<10000x128xf32, #tpu.memory_space<hbm>>
      tpu.enqueue_indirect_dma source(%dma_start3A_144 : memref<10000x128xf32, #tpu.memory_space<hbm>>) target(%arg9 : memref<80x128xf32, #tpu.memory_space<vmem>>) offsets(%dma_start3A_141 : memref<80xi32, #tpu.memory_space<vmem>>) semaphore(%arg13 : memref<!tpu.dma_semaphore, #tpu.memory_space<semaphore_mem>>)
      %add3A_145 = arith.constant 2 : i32
      %add3A_146 = arith.addi %mul3A_130, %add3A_145 : i32
      %dma_start3A_147 = arith.constant 0 : i32
      %dma_start3A_148 = tpu.memref_slice %arg6[%add3A_146, %dma_start3A_147] : memref<25x80xi32, #tpu.memory_space<vmem>> -> memref<1x80xi32, #tpu.memory_space<vmem>>
      %dma_start3A_149 = tpu.memref_squeeze %dma_start3A_148 : memref<1x80xi32, #tpu.memory_space<vmem>> -> memref<80xi32, #tpu.memory_space<vmem>>
      %dma_start3A_150 = arith.constant 0 : i32
      %dma_start3A_151 = arith.constant 0 : i32
      %dma_start3A_152 = tpu.memref_slice %arg2[%dma_start3A_150, %dma_start3A_151] : memref<10000x128xf32, #tpu.memory_space<hbm>> -> memref<10000x128xf32, #tpu.memory_space<hbm>>
      tpu.enqueue_indirect_dma source(%dma_start3A_152 : memref<10000x128xf32, #tpu.memory_space<hbm>>) target(%arg10 : memref<80x128xf32, #tpu.memory_space<vmem>>) offsets(%dma_start3A_149 : memref<80xi32, #tpu.memory_space<vmem>>) semaphore(%arg14 : memref<!tpu.dma_semaphore, #tpu.memory_space<semaphore_mem>>)
      %dma_wait3A_153 = arith.constant 0 : i32
      %dma_wait3A_154 = tpu.memref_slice %arg6[%mul3A_130, %dma_wait3A_153] : memref<25x80xi32, #tpu.memory_space<vmem>> -> memref<1x80xi32, #tpu.memory_space<vmem>>
      %dma_wait3A_155 = tpu.memref_squeeze %dma_wait3A_154 : memref<1x80xi32, #tpu.memory_space<vmem>> -> memref<80xi32, #tpu.memory_space<vmem>>
      %dma_wait3A_156 = arith.constant 0 : i32
      %dma_wait3A_157 = arith.constant 0 : i32
      %dma_wait3A_158 = tpu.memref_slice %arg2[%dma_wait3A_156, %dma_wait3A_157] : memref<10000x128xf32, #tpu.memory_space<hbm>> -> memref<10000x128xf32, #tpu.memory_space<hbm>>
      tpu.wait_indirect_dma semaphore(%arg12 : memref<!tpu.dma_semaphore, #tpu.memory_space<semaphore_mem>>) src(%dma_wait3A_158 : memref<10000x128xf32, #tpu.memory_space<hbm>>) dst(%arg8 : memref<80x128xf32, #tpu.memory_space<vmem>>)
      "tpu.region"() ({
        %run_scoped3A_175 = tpu.sem_alloc : memref<!tpu.dma_semaphore, #tpu.memory_space<semaphore_mem>>
        %dma_start3A_176 = arith.constant 0 : i32
        %dma_start3A_177 = tpu.memref_slice %arg7[%mul3A_130, %dma_start3A_176] : memref<25x80xi32, #tpu.memory_space<vmem>> -> memref<1x80xi32, #tpu.memory_space<vmem>>
        %dma_start3A_178 = tpu.memref_squeeze %dma_start3A_177 : memref<1x80xi32, #tpu.memory_space<vmem>> -> memref<80xi32, #tpu.memory_space<vmem>>
        %dma_start3A_179 = arith.constant 0 : i32
        %dma_start3A_180 = arith.constant 0 : i32
        %dma_start3A_181 = tpu.memref_slice %arg11[%dma_start3A_179, %dma_start3A_180] : memref<10240x128xf32, #tpu.memory_space<vmem_shared>> -> memref<10240x128xf32, #tpu.memory_space<vmem_shared>>
        tpu.enqueue_indirect_dma source(%arg8 : memref<80x128xf32, #tpu.memory_space<vmem>>) target(%dma_start3A_181 : memref<10240x128xf32, #tpu.memory_space<vmem_shared>>) offsets(%dma_start3A_178 : memref<80xi32, #tpu.memory_space<vmem>>) semaphore(%run_scoped3A_175 : memref<!tpu.dma_semaphore, #tpu.memory_space<semaphore_mem>>) {add = true}
        %dma_wait3A_182 = arith.constant 0 : i32
        %dma_wait3A_183 = tpu.memref_slice %arg7[%mul3A_130, %dma_wait3A_182] : memref<25x80xi32, #tpu.memory_space<vmem>> -> memref<1x80xi32, #tpu.memory_space<vmem>>
        %dma_wait3A_184 = tpu.memref_squeeze %dma_wait3A_183 : memref<1x80xi32, #tpu.memory_space<vmem>> -> memref<80xi32, #tpu.memory_space<vmem>>
        %dma_wait3A_185 = arith.constant 0 : i32
        %dma_wait3A_186 = arith.constant 0 : i32
        %dma_wait3A_187 = tpu.memref_slice %arg11[%dma_wait3A_185, %dma_wait3A_186] : memref<10240x128xf32, #tpu.memory_space<vmem_shared>> -> memref<10240x128xf32, #tpu.memory_space<vmem_shared>>
        tpu.wait_indirect_dma semaphore(%run_scoped3A_175 : memref<!tpu.dma_semaphore, #tpu.memory_space<semaphore_mem>>) src(%arg8 : memref<80x128xf32, #tpu.memory_space<vmem>>) dst(%dma_wait3A_187 : memref<10240x128xf32, #tpu.memory_space<vmem_shared>>)
        tpu.yield
      }) : () -> ()
      %dma_wait3A_159 = arith.constant 0 : i32
      %dma_wait3A_160 = tpu.memref_slice %arg6[%add3A_138, %dma_wait3A_159] : memref<25x80xi32, #tpu.memory_space<vmem>> -> memref<1x80xi32, #tpu.memory_space<vmem>>
      %dma_wait3A_161 = tpu.memref_squeeze %dma_wait3A_160 : memref<1x80xi32, #tpu.memory_space<vmem>> -> memref<80xi32, #tpu.memory_space<vmem>>
      %dma_wait3A_162 = arith.constant 0 : i32
      %dma_wait3A_163 = arith.constant 0 : i32
      %dma_wait3A_164 = tpu.memref_slice %arg2[%dma_wait3A_162, %dma_wait3A_163] : memref<10000x128xf32, #tpu.memory_space<hbm>> -> memref<10000x128xf32, #tpu.memory_space<hbm>>
      tpu.wait_indirect_dma semaphore(%arg13 : memref<!tpu.dma_semaphore, #tpu.memory_space<semaphore_mem>>) src(%dma_wait3A_164 : memref<10000x128xf32, #tpu.memory_space<hbm>>) dst(%arg9 : memref<80x128xf32, #tpu.memory_space<vmem>>)
      %add3A_165 = arith.constant 1 : i32
      %add3A_166 = arith.addi %mul3A_130, %add3A_165 : i32
      "tpu.region"() ({
        %run_scoped3A_175 = tpu.sem_alloc : memref<!tpu.dma_semaphore, #tpu.memory_space<semaphore_mem>>
        %dma_start3A_176 = arith.constant 0 : i32
        %dma_start3A_177 = tpu.memref_slice %arg7[%add3A_166, %dma_start3A_176] : memref<25x80xi32, #tpu.memory_space<vmem>> -> memref<1x80xi32, #tpu.memory_space<vmem>>
        %dma_start3A_178 = tpu.memref_squeeze %dma_start3A_177 : memref<1x80xi32, #tpu.memory_space<vmem>> -> memref<80xi32, #tpu.memory_space<vmem>>
        %dma_start3A_179 = arith.constant 0 : i32
        %dma_start3A_180 = arith.constant 0 : i32
        %dma_start3A_181 = tpu.memref_slice %arg11[%dma_start3A_179, %dma_start3A_180] : memref<10240x128xf32, #tpu.memory_space<vmem_shared>> -> memref<10240x128xf32, #tpu.memory_space<vmem_shared>>
        tpu.enqueue_indirect_dma source(%arg9 : memref<80x128xf32, #tpu.memory_space<vmem>>) target(%dma_start3A_181 : memref<10240x128xf32, #tpu.memory_space<vmem_shared>>) offsets(%dma_start3A_178 : memref<80xi32, #tpu.memory_space<vmem>>) semaphore(%run_scoped3A_175 : memref<!tpu.dma_semaphore, #tpu.memory_space<semaphore_mem>>) {add = true}
        %dma_wait3A_182 = arith.constant 0 : i32
        %dma_wait3A_183 = tpu.memref_slice %arg7[%add3A_166, %dma_wait3A_182] : memref<25x80xi32, #tpu.memory_space<vmem>> -> memref<1x80xi32, #tpu.memory_space<vmem>>
        %dma_wait3A_184 = tpu.memref_squeeze %dma_wait3A_183 : memref<1x80xi32, #tpu.memory_space<vmem>> -> memref<80xi32, #tpu.memory_space<vmem>>
        %dma_wait3A_185 = arith.constant 0 : i32
        %dma_wait3A_186 = arith.constant 0 : i32
        %dma_wait3A_187 = tpu.memref_slice %arg11[%dma_wait3A_185, %dma_wait3A_186] : memref<10240x128xf32, #tpu.memory_space<vmem_shared>> -> memref<10240x128xf32, #tpu.memory_space<vmem_shared>>
        tpu.wait_indirect_dma semaphore(%run_scoped3A_175 : memref<!tpu.dma_semaphore, #tpu.memory_space<semaphore_mem>>) src(%arg9 : memref<80x128xf32, #tpu.memory_space<vmem>>) dst(%dma_wait3A_187 : memref<10240x128xf32, #tpu.memory_space<vmem_shared>>)
        tpu.yield
      }) : () -> ()
      %dma_wait3A_167 = arith.constant 0 : i32
      %dma_wait3A_168 = tpu.memref_slice %arg6[%add3A_146, %dma_wait3A_167] : memref<25x80xi32, #tpu.memory_space<vmem>> -> memref<1x80xi32, #tpu.memory_space<vmem>>
      %dma_wait3A_169 = tpu.memref_squeeze %dma_wait3A_168 : memref<1x80xi32, #tpu.memory_space<vmem>> -> memref<80xi32, #tpu.memory_space<vmem>>
      %dma_wait3A_170 = arith.constant 0 : i32
      %dma_wait3A_171 = arith.constant 0 : i32
      %dma_wait3A_172 = tpu.memref_slice %arg2[%dma_wait3A_170, %dma_wait3A_171] : memref<10000x128xf32, #tpu.memory_space<hbm>> -> memref<10000x128xf32, #tpu.memory_space<hbm>>
      tpu.wait_indirect_dma semaphore(%arg14 : memref<!tpu.dma_semaphore, #tpu.memory_space<semaphore_mem>>) src(%dma_wait3A_172 : memref<10000x128xf32, #tpu.memory_space<hbm>>) dst(%arg10 : memref<80x128xf32, #tpu.memory_space<vmem>>)
      %add3A_173 = arith.constant 2 : i32
      %add3A_174 = arith.addi %mul3A_130, %add3A_173 : i32
      "tpu.region"() ({
        %run_scoped3A_175 = tpu.sem_alloc : memref<!tpu.dma_semaphore, #tpu.memory_space<semaphore_mem>>
        %dma_start3A_176 = arith.constant 0 : i32
        %dma_start3A_177 = tpu.memref_slice %arg7[%add3A_174, %dma_start3A_176] : memref<25x80xi32, #tpu.memory_space<vmem>> -> memref<1x80xi32, #tpu.memory_space<vmem>>
        %dma_start3A_178 = tpu.memref_squeeze %dma_start3A_177 : memref<1x80xi32, #tpu.memory_space<vmem>> -> memref<80xi32, #tpu.memory_space<vmem>>
        %dma_start3A_179 = arith.constant 0 : i32
        %dma_start3A_180 = arith.constant 0 : i32
        %dma_start3A_181 = tpu.memref_slice %arg11[%dma_start3A_179, %dma_start3A_180] : memref<10240x128xf32, #tpu.memory_space<vmem_shared>> -> memref<10240x128xf32, #tpu.memory_space<vmem_shared>>
        tpu.enqueue_indirect_dma source(%arg10 : memref<80x128xf32, #tpu.memory_space<vmem>>) target(%dma_start3A_181 : memref<10240x128xf32, #tpu.memory_space<vmem_shared>>) offsets(%dma_start3A_178 : memref<80xi32, #tpu.memory_space<vmem>>) semaphore(%run_scoped3A_175 : memref<!tpu.dma_semaphore, #tpu.memory_space<semaphore_mem>>) {add = true}
        %dma_wait3A_182 = arith.constant 0 : i32
        %dma_wait3A_183 = tpu.memref_slice %arg7[%add3A_174, %dma_wait3A_182] : memref<25x80xi32, #tpu.memory_space<vmem>> -> memref<1x80xi32, #tpu.memory_space<vmem>>
        %dma_wait3A_184 = tpu.memref_squeeze %dma_wait3A_183 : memref<1x80xi32, #tpu.memory_space<vmem>> -> memref<80xi32, #tpu.memory_space<vmem>>
        %dma_wait3A_185 = arith.constant 0 : i32
        %dma_wait3A_186 = arith.constant 0 : i32
        %dma_wait3A_187 = tpu.memref_slice %arg11[%dma_wait3A_185, %dma_wait3A_186] : memref<10240x128xf32, #tpu.memory_space<vmem_shared>> -> memref<10240x128xf32, #tpu.memory_space<vmem_shared>>
        tpu.wait_indirect_dma semaphore(%run_scoped3A_175 : memref<!tpu.dma_semaphore, #tpu.memory_space<semaphore_mem>>) src(%arg10 : memref<80x128xf32, #tpu.memory_space<vmem>>) dst(%dma_wait3A_187 : memref<10240x128xf32, #tpu.memory_space<vmem_shared>>)
        tpu.yield
      }) : () -> ()
    }
    %scan3A_103 = arith.constant 8 : i32
    %dma_start3A_104 = arith.constant 24 : i32
    %dma_start3A_105 = arith.constant 0 : i32
    %dma_start3A_106 = tpu.memref_slice %arg6[%dma_start3A_104, %dma_start3A_105] : memref<25x80xi32, #tpu.memory_space<vmem>> -> memref<1x80xi32, #tpu.memory_space<vmem>>
    %dma_start3A_107 = tpu.memref_squeeze %dma_start3A_106 : memref<1x80xi32, #tpu.memory_space<vmem>> -> memref<80xi32, #tpu.memory_space<vmem>>
    %dma_start3A_108 = arith.constant 0 : i32
    %dma_start3A_109 = arith.constant 0 : i32
    %dma_start3A_110 = tpu.memref_slice %arg2[%dma_start3A_108, %dma_start3A_109] : memref<10000x128xf32, #tpu.memory_space<hbm>> -> memref<10000x128xf32, #tpu.memory_space<hbm>>
    tpu.enqueue_indirect_dma source(%dma_start3A_110 : memref<10000x128xf32, #tpu.memory_space<hbm>>) target(%arg8 : memref<80x128xf32, #tpu.memory_space<vmem>>) offsets(%dma_start3A_107 : memref<80xi32, #tpu.memory_space<vmem>>) semaphore(%arg12 : memref<!tpu.dma_semaphore, #tpu.memory_space<semaphore_mem>>)
    %dma_wait3A_111 = arith.constant 24 : i32
    %dma_wait3A_112 = arith.constant 0 : i32
    %dma_wait3A_113 = tpu.memref_slice %arg6[%dma_wait3A_111, %dma_wait3A_112] : memref<25x80xi32, #tpu.memory_space<vmem>> -> memref<1x80xi32, #tpu.memory_space<vmem>>
    %dma_wait3A_114 = tpu.memref_squeeze %dma_wait3A_113 : memref<1x80xi32, #tpu.memory_space<vmem>> -> memref<80xi32, #tpu.memory_space<vmem>>
    %dma_wait3A_115 = arith.constant 0 : i32
    %dma_wait3A_116 = arith.constant 0 : i32
    %dma_wait3A_117 = tpu.memref_slice %arg2[%dma_wait3A_115, %dma_wait3A_116] : memref<10000x128xf32, #tpu.memory_space<hbm>> -> memref<10000x128xf32, #tpu.memory_space<hbm>>
    tpu.wait_indirect_dma semaphore(%arg12 : memref<!tpu.dma_semaphore, #tpu.memory_space<semaphore_mem>>) src(%dma_wait3A_117 : memref<10000x128xf32, #tpu.memory_space<hbm>>) dst(%arg8 : memref<80x128xf32, #tpu.memory_space<vmem>>)
    %run_scoped3A_118 = arith.constant 24 : i32
    "tpu.region"() ({
      %run_scoped3A_124 = tpu.sem_alloc : memref<!tpu.dma_semaphore, #tpu.memory_space<semaphore_mem>>
      %dma_start3A_125 = arith.constant 0 : i32
      %dma_start3A_126 = tpu.memref_slice %arg7[%run_scoped3A_118, %dma_start3A_125] : memref<25x80xi32, #tpu.memory_space<vmem>> -> memref<1x80xi32, #tpu.memory_space<vmem>>
      %dma_start3A_127 = tpu.memref_squeeze %dma_start3A_126 : memref<1x80xi32, #tpu.memory_space<vmem>> -> memref<80xi32, #tpu.memory_space<vmem>>
      %dma_start3A_128 = arith.constant 0 : i32
      %dma_start3A_129 = arith.constant 0 : i32
      %dma_start3A_130 = tpu.memref_slice %arg11[%dma_start3A_128, %dma_start3A_129] : memref<10240x128xf32, #tpu.memory_space<vmem_shared>> -> memref<10240x128xf32, #tpu.memory_space<vmem_shared>>
      tpu.enqueue_indirect_dma source(%arg8 : memref<80x128xf32, #tpu.memory_space<vmem>>) target(%dma_start3A_130 : memref<10240x128xf32, #tpu.memory_space<vmem_shared>>) offsets(%dma_start3A_127 : memref<80xi32, #tpu.memory_space<vmem>>) semaphore(%run_scoped3A_124 : memref<!tpu.dma_semaphore, #tpu.memory_space<semaphore_mem>>) {add = true}
      %dma_wait3A_131 = arith.constant 0 : i32
      %dma_wait3A_132 = tpu.memref_slice %arg7[%run_scoped3A_118, %dma_wait3A_131] : memref<25x80xi32, #tpu.memory_space<vmem>> -> memref<1x80xi32, #tpu.memory_space<vmem>>
      %dma_wait3A_133 = tpu.memref_squeeze %dma_wait3A_132 : memref<1x80xi32, #tpu.memory_space<vmem>> -> memref<80xi32, #tpu.memory_space<vmem>>
      %dma_wait3A_134 = arith.constant 0 : i32
      %dma_wait3A_135 = arith.constant 0 : i32
      %dma_wait3A_136 = tpu.memref_slice %arg11[%dma_wait3A_134, %dma_wait3A_135] : memref<10240x128xf32, #tpu.memory_space<vmem_shared>> -> memref<10240x128xf32, #tpu.memory_space<vmem_shared>>
      tpu.wait_indirect_dma semaphore(%run_scoped3A_124 : memref<!tpu.dma_semaphore, #tpu.memory_space<semaphore_mem>>) src(%arg8 : memref<80x128xf32, #tpu.memory_space<vmem>>) dst(%dma_wait3A_136 : memref<10240x128xf32, #tpu.memory_space<vmem_shared>>)
      tpu.yield
    }) : () -> ()
    %barrier3A_119 = arith.constant 0 : index
    tpu.barrier barrier_id(%barrier3A_119)
    %mul3A_120 = arith.constant 640 : i32
    %mul3A_121 = arith.muli %arg1, %mul3A_120 : i32
    %mul3A_122 = arith.constant 640 : i32
    %mul3A_123 = arith.muli %arg1, %mul3A_122 : i32
    "tpu.region"() ({
      %run_scoped3A_124 = tpu.sem_alloc : memref<!tpu.dma_semaphore, #tpu.memory_space<semaphore_mem>>
      %dma_start3A_125 = arith.constant 0 : i32
      %dma_start3A_126 = tpu.memref_slice %arg5[%arg0, %mul3A_123, %dma_start3A_125] : memref<2x10240x128xf32, #tpu.memory_space<hbm>> -> memref<1x640x128xf32, #tpu.memory_space<hbm>>
      %dma_start3A_127 = tpu.memref_squeeze %dma_start3A_126 : memref<1x640x128xf32, #tpu.memory_space<hbm>> -> memref<640x128xf32, #tpu.memory_space<hbm>>
      %dma_start3A_128 = arith.constant 0 : i32
      %dma_start3A_129 = tpu.memref_slice %arg11[%mul3A_121, %dma_start3A_128] : memref<10240x128xf32, #tpu.memory_space<vmem_shared>> -> memref<640x128xf32, #tpu.memory_space<vmem_shared>>
      tpu.enqueue_dma source(%dma_start3A_129 : memref<640x128xf32, #tpu.memory_space<vmem_shared>>) target(%dma_start3A_127 : memref<640x128xf32, #tpu.memory_space<hbm>>) target_semaphore(%run_scoped3A_124 : memref<!tpu.dma_semaphore, #tpu.memory_space<semaphore_mem>>)
      %dma_wait3A_130 = arith.constant 0 : i32
      %dma_wait3A_131 = tpu.memref_slice %arg5[%arg0, %mul3A_123, %dma_wait3A_130] : memref<2x10240x128xf32, #tpu.memory_space<hbm>> -> memref<1x640x128xf32, #tpu.memory_space<hbm>>
      %dma_wait3A_132 = tpu.memref_squeeze %dma_wait3A_131 : memref<1x640x128xf32, #tpu.memory_space<hbm>> -> memref<640x128xf32, #tpu.memory_space<hbm>>
      %dma_wait3A_133 = arith.constant 0 : i32
      %dma_wait3A_134 = tpu.memref_slice %arg11[%mul3A_121, %dma_wait3A_133] : memref<10240x128xf32, #tpu.memory_space<vmem_shared>> -> memref<640x128xf32, #tpu.memory_space<vmem_shared>>
      tpu.wait_dma2 semaphore(%run_scoped3A_124 : memref<!tpu.dma_semaphore, #tpu.memory_space<semaphore_mem>>) src(%dma_wait3A_134 : memref<640x128xf32, #tpu.memory_space<vmem_shared>>) dst(%dma_wait3A_132 : memref<640x128xf32, #tpu.memory_space<hbm>>)
      tpu.yield
    }) : () -> ()
    return
  }
}

#map = affine_map<(d0, d1) -> (0, 0)>
#map1 = affine_map<(d0, d1) -> (0, 0, 0, 0, 0)>
#map2 = affine_map<(d0, d1) -> (0)>
#map3 = affine_map<(d0, d1) -> (0, 0, 0)>
module attributes {stable_mosaic.version = 14 : i64} {
  func.func @_sc_body_l1(%arg0: i32, %arg1: i32, %arg2: memref<10000x128xf32, #tpu.memory_space<hbm>>, %arg3: memref<2x32x5x25x80xi32, #tpu.memory_space<hbm>>, %arg4: memref<640x128xf32, #tpu.memory_space<hbm>>, %arg5: memref<10240xf32, #tpu.memory_space<hbm>>, %arg6: memref<2x10240x128xf32, #tpu.memory_space<hbm>>, %arg7: memref<2x16x10240xf32, #tpu.memory_space<hbm>>, %arg8: memref<25x80xi32, #tpu.memory_space<vmem>>, %arg9: memref<25x80xi32, #tpu.memory_space<vmem>>, %arg10: memref<80x128xf32, #tpu.memory_space<vmem>>, %arg11: memref<80x128xf32, #tpu.memory_space<vmem>>, %arg12: memref<10240xf32, #tpu.memory_space<vmem>>, %arg13: memref<10240x128xf32, #tpu.memory_space<vmem_shared>>, %arg14: memref<!tpu.dma_semaphore, #tpu.memory_space<semaphore_mem>>, %arg15: memref<!tpu.dma_semaphore, #tpu.memory_space<semaphore_mem>>) attributes {dimension_semantics = [#tpu.dimension_semantics<core_parallel>, #tpu.dimension_semantics<subcore_parallel>], iteration_bounds = array<i64: 2, 16>, scalar_prefetch = 0 : i64, scratch_operands = 8 : i64, tpu.core_type = #tpu.core_type<sc_vector_subcore>, window_params = [{transform_indices = #map}, {transform_indices = #map1}, {transform_indices = #map}, {transform_indices = #map2}, {transform_indices = #map3}, {transform_indices = #map3}]} {
    %mul3A = arith.constant 2 : i32
    %mul3A_0 = arith.muli %arg1, %mul3A : i32
    %add3A = arith.addi %mul3A_0, %arg0 : i32
    %mul3A_1 = arith.constant 640 : i32
    %mul3A_2 = arith.muli %arg1, %mul3A_1 : i32
    "tpu.region"() ({
      %run_scoped3A_224 = tpu.sem_alloc : memref<!tpu.dma_semaphore, #tpu.memory_space<semaphore_mem>>
      %dma_start3A_225 = arith.constant 0 : i32
      %dma_start3A_226 = tpu.memref_slice %arg13[%mul3A_2, %dma_start3A_225] : memref<10240x128xf32, #tpu.memory_space<vmem_shared>> -> memref<640x128xf32, #tpu.memory_space<vmem_shared>>
      tpu.enqueue_dma source(%arg4 : memref<640x128xf32, #tpu.memory_space<hbm>>) target(%dma_start3A_226 : memref<640x128xf32, #tpu.memory_space<vmem_shared>>) target_semaphore(%run_scoped3A_224 : memref<!tpu.dma_semaphore, #tpu.memory_space<semaphore_mem>>)
      %dma_wait3A_227 = arith.constant 0 : i32
      %dma_wait3A_228 = tpu.memref_slice %arg13[%mul3A_2, %dma_wait3A_227] : memref<10240x128xf32, #tpu.memory_space<vmem_shared>> -> memref<640x128xf32, #tpu.memory_space<vmem_shared>>
      tpu.wait_dma2 semaphore(%run_scoped3A_224 : memref<!tpu.dma_semaphore, #tpu.memory_space<semaphore_mem>>) src(%arg4 : memref<640x128xf32, #tpu.memory_space<hbm>>) dst(%dma_wait3A_228 : memref<640x128xf32, #tpu.memory_space<vmem_shared>>)
      tpu.yield
    }) : () -> ()
    "tpu.region"() ({
      %run_scoped3A_224 = tpu.sem_alloc : memref<!tpu.dma_semaphore, #tpu.memory_space<semaphore_mem>>
      tpu.enqueue_dma source(%arg5 : memref<10240xf32, #tpu.memory_space<hbm>>) target(%arg12 : memref<10240xf32, #tpu.memory_space<vmem>>) target_semaphore(%run_scoped3A_224 : memref<!tpu.dma_semaphore, #tpu.memory_space<semaphore_mem>>)
      tpu.wait_dma2 semaphore(%run_scoped3A_224 : memref<!tpu.dma_semaphore, #tpu.memory_space<semaphore_mem>>) src(%arg5 : memref<10240xf32, #tpu.memory_space<hbm>>) dst(%arg12 : memref<10240xf32, #tpu.memory_space<vmem>>)
      tpu.yield
    }) : () -> ()
    %barrier3A = arith.constant 0 : index
    tpu.barrier barrier_id(%barrier3A)
    %broadcast_in_dim3A = arith.constant 1.000000e+00 : f32
    %broadcast_in_dim3A_3 = vector.broadcast %broadcast_in_dim3A : f32 to vector<16xf32>
    %run_scoped3A = arith.constant 0 : i32
    %run_scoped3A_4 = arith.constant 0 : i32
    "tpu.region"() ({
      %run_scoped3A_224 = tpu.sem_alloc : memref<!tpu.dma_semaphore, #tpu.memory_space<semaphore_mem>>
      %dma_start3A_225 = arith.constant 0 : i32
      %dma_start3A_226 = arith.constant 0 : i32
      %dma_start3A_227 = tpu.memref_slice %arg3[%run_scoped3A, %add3A, %run_scoped3A_4, %dma_start3A_225, %dma_start3A_226] : memref<2x32x5x25x80xi32, #tpu.memory_space<hbm>> -> memref<1x1x1x25x80xi32, #tpu.memory_space<hbm>>
      %dma_start3A_228 = tpu.memref_squeeze %dma_start3A_227 : memref<1x1x1x25x80xi32, #tpu.memory_space<hbm>> -> memref<25x80xi32, #tpu.memory_space<hbm>>
      %dma_start3A_229 = arith.constant 0 : i32
      %dma_start3A_230 = arith.constant 0 : i32
      %dma_start3A_231 = tpu.memref_slice %arg3[%run_scoped3A, %add3A, %run_scoped3A_4, %dma_start3A_229, %dma_start3A_230] : memref<2x32x5x25x80xi32, #tpu.memory_space<hbm>> -> memref<1x1x1x25x80xi32, #tpu.memory_space<hbm>>
      %dma_start3A_232 = tpu.memref_squeeze %dma_start3A_231 : memref<1x1x1x25x80xi32, #tpu.memory_space<hbm>> -> memref<25x80xi32, #tpu.memory_space<hbm>>
      tpu.enqueue_dma source(%dma_start3A_232 : memref<25x80xi32, #tpu.memory_space<hbm>>) target(%arg8 : memref<25x80xi32, #tpu.memory_space<vmem>>) target_semaphore(%run_scoped3A_224 : memref<!tpu.dma_semaphore, #tpu.memory_space<semaphore_mem>>)
      %dma_wait3A_233 = arith.constant 0 : i32
      %dma_wait3A_234 = arith.constant 0 : i32
      %dma_wait3A_235 = tpu.memref_slice %arg3[%run_scoped3A, %add3A, %run_scoped3A_4, %dma_wait3A_233, %dma_wait3A_234] : memref<2x32x5x25x80xi32, #tpu.memory_space<hbm>> -> memref<1x1x1x25x80xi32, #tpu.memory_space<hbm>>
      %dma_wait3A_236 = tpu.memref_squeeze %dma_wait3A_235 : memref<1x1x1x25x80xi32, #tpu.memory_space<hbm>> -> memref<25x80xi32, #tpu.memory_space<hbm>>
      %dma_wait3A_237 = arith.constant 0 : i32
      %dma_wait3A_238 = arith.constant 0 : i32
      %dma_wait3A_239 = tpu.memref_slice %arg3[%run_scoped3A, %add3A, %run_scoped3A_4, %dma_wait3A_237, %dma_wait3A_238] : memref<2x32x5x25x80xi32, #tpu.memory_space<hbm>> -> memref<1x1x1x25x80xi32, #tpu.memory_space<hbm>>
      %dma_wait3A_240 = tpu.memref_squeeze %dma_wait3A_239 : memref<1x1x1x25x80xi32, #tpu.memory_space<hbm>> -> memref<25x80xi32, #tpu.memory_space<hbm>>
      tpu.wait_dma2 semaphore(%run_scoped3A_224 : memref<!tpu.dma_semaphore, #tpu.memory_space<semaphore_mem>>) src(%dma_wait3A_240 : memref<25x80xi32, #tpu.memory_space<hbm>>) dst(%arg8 : memref<25x80xi32, #tpu.memory_space<vmem>>)
      tpu.yield
    }) : () -> ()
    %run_scoped3A_5 = arith.constant 1 : i32
    %run_scoped3A_6 = arith.constant 0 : i32
    "tpu.region"() ({
      %run_scoped3A_224 = tpu.sem_alloc : memref<!tpu.dma_semaphore, #tpu.memory_space<semaphore_mem>>
      %dma_start3A_225 = arith.constant 0 : i32
      %dma_start3A_226 = arith.constant 0 : i32
      %dma_start3A_227 = tpu.memref_slice %arg3[%run_scoped3A_5, %add3A, %run_scoped3A_6, %dma_start3A_225, %dma_start3A_226] : memref<2x32x5x25x80xi32, #tpu.memory_space<hbm>> -> memref<1x1x1x25x80xi32, #tpu.memory_space<hbm>>
      %dma_start3A_228 = tpu.memref_squeeze %dma_start3A_227 : memref<1x1x1x25x80xi32, #tpu.memory_space<hbm>> -> memref<25x80xi32, #tpu.memory_space<hbm>>
      %dma_start3A_229 = arith.constant 0 : i32
      %dma_start3A_230 = arith.constant 0 : i32
      %dma_start3A_231 = tpu.memref_slice %arg3[%run_scoped3A_5, %add3A, %run_scoped3A_6, %dma_start3A_229, %dma_start3A_230] : memref<2x32x5x25x80xi32, #tpu.memory_space<hbm>> -> memref<1x1x1x25x80xi32, #tpu.memory_space<hbm>>
      %dma_start3A_232 = tpu.memref_squeeze %dma_start3A_231 : memref<1x1x1x25x80xi32, #tpu.memory_space<hbm>> -> memref<25x80xi32, #tpu.memory_space<hbm>>
      tpu.enqueue_dma source(%dma_start3A_232 : memref<25x80xi32, #tpu.memory_space<hbm>>) target(%arg9 : memref<25x80xi32, #tpu.memory_space<vmem>>) target_semaphore(%run_scoped3A_224 : memref<!tpu.dma_semaphore, #tpu.memory_space<semaphore_mem>>)
      %dma_wait3A_233 = arith.constant 0 : i32
      %dma_wait3A_234 = arith.constant 0 : i32
      %dma_wait3A_235 = tpu.memref_slice %arg3[%run_scoped3A_5, %add3A, %run_scoped3A_6, %dma_wait3A_233, %dma_wait3A_234] : memref<2x32x5x25x80xi32, #tpu.memory_space<hbm>> -> memref<1x1x1x25x80xi32, #tpu.memory_space<hbm>>
      %dma_wait3A_236 = tpu.memref_squeeze %dma_wait3A_235 : memref<1x1x1x25x80xi32, #tpu.memory_space<hbm>> -> memref<25x80xi32, #tpu.memory_space<hbm>>
      %dma_wait3A_237 = arith.constant 0 : i32
      %dma_wait3A_238 = arith.constant 0 : i32
      %dma_wait3A_239 = tpu.memref_slice %arg3[%run_scoped3A_5, %add3A, %run_scoped3A_6, %dma_wait3A_237, %dma_wait3A_238] : memref<2x32x5x25x80xi32, #tpu.memory_space<hbm>> -> memref<1x1x1x25x80xi32, #tpu.memory_space<hbm>>
      %dma_wait3A_240 = tpu.memref_squeeze %dma_wait3A_239 : memref<1x1x1x25x80xi32, #tpu.memory_space<hbm>> -> memref<25x80xi32, #tpu.memory_space<hbm>>
      tpu.wait_dma2 semaphore(%run_scoped3A_224 : memref<!tpu.dma_semaphore, #tpu.memory_space<semaphore_mem>>) src(%dma_wait3A_240 : memref<25x80xi32, #tpu.memory_space<hbm>>) dst(%arg9 : memref<25x80xi32, #tpu.memory_space<vmem>>)
      tpu.yield
    }) : () -> ()
    %scan3A = arith.constant 0 : i32
    %scan3A_7 = arith.constant 12 : i32
    %scan3A_8 = arith.addi %scan3A, %scan3A_7 : i32
    %scan3A_9 = arith.constant 1 : i32
    scf.for %scan3A_224 = %scan3A to %scan3A_8 step %scan3A_9  : i32 {
      %mul3A_225 = arith.constant 1 : i32
      %mul3A_226 = arith.muli %scan3A_224, %mul3A_225 : i32
      %add3A_227 = arith.constant 0 : i32
      %add3A_228 = arith.addi %add3A_227, %mul3A_226 : i32
      %mul3A_229 = arith.constant 2 : i32
      %mul3A_230 = arith.muli %add3A_228, %mul3A_229 : i32
      %add3A_231 = arith.constant 1 : i32
      %add3A_232 = arith.addi %mul3A_230, %add3A_231 : i32
      %dma_start3A_233 = arith.constant 0 : i32
      %dma_start3A_234 = tpu.memref_slice %arg8[%mul3A_230, %dma_start3A_233] : memref<25x80xi32, #tpu.memory_space<vmem>> -> memref<1x80xi32, #tpu.memory_space<vmem>>
      %dma_start3A_235 = tpu.memref_squeeze %dma_start3A_234 : memref<1x80xi32, #tpu.memory_space<vmem>> -> memref<80xi32, #tpu.memory_space<vmem>>
      %dma_start3A_236 = arith.constant 0 : i32
      %dma_start3A_237 = arith.constant 0 : i32
      %dma_start3A_238 = tpu.memref_slice %arg2[%dma_start3A_236, %dma_start3A_237] : memref<10000x128xf32, #tpu.memory_space<hbm>> -> memref<10000x128xf32, #tpu.memory_space<hbm>>
      tpu.enqueue_indirect_dma source(%dma_start3A_238 : memref<10000x128xf32, #tpu.memory_space<hbm>>) target(%arg10 : memref<80x128xf32, #tpu.memory_space<vmem>>) offsets(%dma_start3A_235 : memref<80xi32, #tpu.memory_space<vmem>>) semaphore(%arg14 : memref<!tpu.dma_semaphore, #tpu.memory_space<semaphore_mem>>)
      %dma_start3A_239 = arith.constant 0 : i32
      %dma_start3A_240 = tpu.memref_slice %arg8[%add3A_232, %dma_start3A_239] : memref<25x80xi32, #tpu.memory_space<vmem>> -> memref<1x80xi32, #tpu.memory_space<vmem>>
      %dma_start3A_241 = tpu.memref_squeeze %dma_start3A_240 : memref<1x80xi32, #tpu.memory_space<vmem>> -> memref<80xi32, #tpu.memory_space<vmem>>
      %dma_start3A_242 = arith.constant 0 : i32
      %dma_start3A_243 = arith.constant 0 : i32
      %dma_start3A_244 = tpu.memref_slice %arg2[%dma_start3A_242, %dma_start3A_243] : memref<10000x128xf32, #tpu.memory_space<hbm>> -> memref<10000x128xf32, #tpu.memory_space<hbm>>
      tpu.enqueue_indirect_dma source(%dma_start3A_244 : memref<10000x128xf32, #tpu.memory_space<hbm>>) target(%arg11 : memref<80x128xf32, #tpu.memory_space<vmem>>) offsets(%dma_start3A_241 : memref<80xi32, #tpu.memory_space<vmem>>) semaphore(%arg15 : memref<!tpu.dma_semaphore, #tpu.memory_space<semaphore_mem>>)
      %get3A_245 = arith.index_cast %mul3A_230 : i32 to index
      %get3A_246 = arith.constant 0 : index
      %get3A_247 = tpu.vector_load %arg9[%get3A_245, %get3A_246] {strides = array<i32>} : memref<25x80xi32, #tpu.memory_space<vmem>>, vector<16xi32>,
      tpu.vector_store_idx %arg12[%get3A_247], %broadcast_in_dim3A_3 {add = true} : memref<10240xf32, #tpu.memory_space<vmem>>[vector<16xi32>], vector<16xf32>,
      %get3A_248 = arith.index_cast %mul3A_230 : i32 to index
      %get3A_249 = arith.constant 16 : index
      %get3A_250 = tpu.vector_load %arg9[%get3A_248, %get3A_249] {strides = array<i32>} : memref<25x80xi32, #tpu.memory_space<vmem>>, vector<16xi32>,
      tpu.vector_store_idx %arg12[%get3A_250], %broadcast_in_dim3A_3 {add = true} : memref<10240xf32, #tpu.memory_space<vmem>>[vector<16xi32>], vector<16xf32>,
      %get3A_251 = arith.index_cast %mul3A_230 : i32 to index
      %get3A_252 = arith.constant 32 : index
      %get3A_253 = tpu.vector_load %arg9[%get3A_251, %get3A_252] {strides = array<i32>} : memref<25x80xi32, #tpu.memory_space<vmem>>, vector<16xi32>,
      tpu.vector_store_idx %arg12[%get3A_253], %broadcast_in_dim3A_3 {add = true} : memref<10240xf32, #tpu.memory_space<vmem>>[vector<16xi32>], vector<16xf32>,
      %get3A_254 = arith.index_cast %mul3A_230 : i32 to index
      %get3A_255 = arith.constant 48 : index
      %get3A_256 = tpu.vector_load %arg9[%get3A_254, %get3A_255] {strides = array<i32>} : memref<25x80xi32, #tpu.memory_space<vmem>>, vector<16xi32>,
      tpu.vector_store_idx %arg12[%get3A_256], %broadcast_in_dim3A_3 {add = true} : memref<10240xf32, #tpu.memory_space<vmem>>[vector<16xi32>], vector<16xf32>,
      %get3A_257 = arith.index_cast %mul3A_230 : i32 to index
      %get3A_258 = arith.constant 64 : index
      %get3A_259 = tpu.vector_load %arg9[%get3A_257, %get3A_258] {strides = array<i32>} : memref<25x80xi32, #tpu.memory_space<vmem>>, vector<16xi32>,
      tpu.vector_store_idx %arg12[%get3A_259], %broadcast_in_dim3A_3 {add = true} : memref<10240xf32, #tpu.memory_space<vmem>>[vector<16xi32>], vector<16xf32>,
      %dma_wait3A_260 = arith.constant 0 : i32
      %dma_wait3A_261 = tpu.memref_slice %arg8[%mul3A_230, %dma_wait3A_260] : memref<25x80xi32, #tpu.memory_space<vmem>> -> memref<1x80xi32, #tpu.memory_space<vmem>>
      %dma_wait3A_262 = tpu.memref_squeeze %dma_wait3A_261 : memref<1x80xi32, #tpu.memory_space<vmem>> -> memref<80xi32, #tpu.memory_space<vmem>>
      %dma_wait3A_263 = arith.constant 0 : i32
      %dma_wait3A_264 = arith.constant 0 : i32
      %dma_wait3A_265 = tpu.memref_slice %arg2[%dma_wait3A_263, %dma_wait3A_264] : memref<10000x128xf32, #tpu.memory_space<hbm>> -> memref<10000x128xf32, #tpu.memory_space<hbm>>
      tpu.wait_indirect_dma semaphore(%arg14 : memref<!tpu.dma_semaphore, #tpu.memory_space<semaphore_mem>>) src(%dma_wait3A_265 : memref<10000x128xf32, #tpu.memory_space<hbm>>) dst(%arg10 : memref<80x128xf32, #tpu.memory_space<vmem>>)
      "tpu.region"() ({
        %run_scoped3A_287 = tpu.sem_alloc : memref<!tpu.dma_semaphore, #tpu.memory_space<semaphore_mem>>
        %dma_start3A_288 = arith.constant 0 : i32
        %dma_start3A_289 = tpu.memref_slice %arg9[%mul3A_230, %dma_start3A_288] : memref<25x80xi32, #tpu.memory_space<vmem>> -> memref<1x80xi32, #tpu.memory_space<vmem>>
        %dma_start3A_290 = tpu.memref_squeeze %dma_start3A_289 : memref<1x80xi32, #tpu.memory_space<vmem>> -> memref<80xi32, #tpu.memory_space<vmem>>
        %dma_start3A_291 = arith.constant 0 : i32
        %dma_start3A_292 = arith.constant 0 : i32
        %dma_start3A_293 = tpu.memref_slice %arg13[%dma_start3A_291, %dma_start3A_292] : memref<10240x128xf32, #tpu.memory_space<vmem_shared>> -> memref<10240x128xf32, #tpu.memory_space<vmem_shared>>
        tpu.enqueue_indirect_dma source(%arg10 : memref<80x128xf32, #tpu.memory_space<vmem>>) target(%dma_start3A_293 : memref<10240x128xf32, #tpu.memory_space<vmem_shared>>) offsets(%dma_start3A_290 : memref<80xi32, #tpu.memory_space<vmem>>) semaphore(%run_scoped3A_287 : memref<!tpu.dma_semaphore, #tpu.memory_space<semaphore_mem>>) {add = true}
        %dma_wait3A_294 = arith.constant 0 : i32
        %dma_wait3A_295 = tpu.memref_slice %arg9[%mul3A_230, %dma_wait3A_294] : memref<25x80xi32, #tpu.memory_space<vmem>> -> memref<1x80xi32, #tpu.memory_space<vmem>>
        %dma_wait3A_296 = tpu.memref_squeeze %dma_wait3A_295 : memref<1x80xi32, #tpu.memory_space<vmem>> -> memref<80xi32, #tpu.memory_space<vmem>>
        %dma_wait3A_297 = arith.constant 0 : i32
        %dma_wait3A_298 = arith.constant 0 : i32
        %dma_wait3A_299 = tpu.memref_slice %arg13[%dma_wait3A_297, %dma_wait3A_298] : memref<10240x128xf32, #tpu.memory_space<vmem_shared>> -> memref<10240x128xf32, #tpu.memory_space<vmem_shared>>
        tpu.wait_indirect_dma semaphore(%run_scoped3A_287 : memref<!tpu.dma_semaphore, #tpu.memory_space<semaphore_mem>>) src(%arg10 : memref<80x128xf32, #tpu.memory_space<vmem>>) dst(%dma_wait3A_299 : memref<10240x128xf32, #tpu.memory_space<vmem_shared>>)
        tpu.yield
      }) : () -> ()
      %get3A_266 = arith.index_cast %add3A_232 : i32 to index
      %get3A_267 = arith.constant 0 : index
      %get3A_268 = tpu.vector_load %arg9[%get3A_266, %get3A_267] {strides = array<i32>} : memref<25x80xi32, #tpu.memory_space<vmem>>, vector<16xi32>,
      tpu.vector_store_idx %arg12[%get3A_268], %broadcast_in_dim3A_3 {add = true} : memref<10240xf32, #tpu.memory_space<vmem>>[vector<16xi32>], vector<16xf32>,
      %get3A_269 = arith.index_cast %add3A_232 : i32 to index
      %get3A_270 = arith.constant 16 : index
      %get3A_271 = tpu.vector_load %arg9[%get3A_269, %get3A_270] {strides = array<i32>} : memref<25x80xi32, #tpu.memory_space<vmem>>, vector<16xi32>,
      tpu.vector_store_idx %arg12[%get3A_271], %broadcast_in_dim3A_3 {add = true} : memref<10240xf32, #tpu.memory_space<vmem>>[vector<16xi32>], vector<16xf32>,
      %get3A_272 = arith.index_cast %add3A_232 : i32 to index
      %get3A_273 = arith.constant 32 : index
      %get3A_274 = tpu.vector_load %arg9[%get3A_272, %get3A_273] {strides = array<i32>} : memref<25x80xi32, #tpu.memory_space<vmem>>, vector<16xi32>,
      tpu.vector_store_idx %arg12[%get3A_274], %broadcast_in_dim3A_3 {add = true} : memref<10240xf32, #tpu.memory_space<vmem>>[vector<16xi32>], vector<16xf32>,
      %get3A_275 = arith.index_cast %add3A_232 : i32 to index
      %get3A_276 = arith.constant 48 : index
      %get3A_277 = tpu.vector_load %arg9[%get3A_275, %get3A_276] {strides = array<i32>} : memref<25x80xi32, #tpu.memory_space<vmem>>, vector<16xi32>,
      tpu.vector_store_idx %arg12[%get3A_277], %broadcast_in_dim3A_3 {add = true} : memref<10240xf32, #tpu.memory_space<vmem>>[vector<16xi32>], vector<16xf32>,
      %get3A_278 = arith.index_cast %add3A_232 : i32 to index
      %get3A_279 = arith.constant 64 : index
      %get3A_280 = tpu.vector_load %arg9[%get3A_278, %get3A_279] {strides = array<i32>} : memref<25x80xi32, #tpu.memory_space<vmem>>, vector<16xi32>,
      tpu.vector_store_idx %arg12[%get3A_280], %broadcast_in_dim3A_3 {add = true} : memref<10240xf32, #tpu.memory_space<vmem>>[vector<16xi32>], vector<16xf32>,
      %dma_wait3A_281 = arith.constant 0 : i32
      %dma_wait3A_282 = tpu.memref_slice %arg8[%add3A_232, %dma_wait3A_281] : memref<25x80xi32, #tpu.memory_space<vmem>> -> memref<1x80xi32, #tpu.memory_space<vmem>>
      %dma_wait3A_283 = tpu.memref_squeeze %dma_wait3A_282 : memref<1x80xi32, #tpu.memory_space<vmem>> -> memref<80xi32, #tpu.memory_space<vmem>>
      %dma_wait3A_284 = arith.constant 0 : i32
      %dma_wait3A_285 = arith.constant 0 : i32
      %dma_wait3A_286 = tpu.memref_slice %arg2[%dma_wait3A_284, %dma_wait3A_285] : memref<10000x128xf32, #tpu.memory_space<hbm>> -> memref<10000x128xf32, #tpu.memory_space<hbm>>
      tpu.wait_indirect_dma semaphore(%arg15 : memref<!tpu.dma_semaphore, #tpu.memory_space<semaphore_mem>>) src(%dma_wait3A_286 : memref<10000x128xf32, #tpu.memory_space<hbm>>) dst(%arg11 : memref<80x128xf32, #tpu.memory_space<vmem>>)
      "tpu.region"() ({
        %run_scoped3A_287 = tpu.sem_alloc : memref<!tpu.dma_semaphore, #tpu.memory_space<semaphore_mem>>
        %dma_start3A_288 = arith.constant 0 : i32
        %dma_start3A_289 = tpu.memref_slice %arg9[%add3A_232, %dma_start3A_288] : memref<25x80xi32, #tpu.memory_space<vmem>> -> memref<1x80xi32, #tpu.memory_space<vmem>>
        %dma_start3A_290 = tpu.memref_squeeze %dma_start3A_289 : memref<1x80xi32, #tpu.memory_space<vmem>> -> memref<80xi32, #tpu.memory_space<vmem>>
        %dma_start3A_291 = arith.constant 0 : i32
        %dma_start3A_292 = arith.constant 0 : i32
        %dma_start3A_293 = tpu.memref_slice %arg13[%dma_start3A_291, %dma_start3A_292] : memref<10240x128xf32, #tpu.memory_space<vmem_shared>> -> memref<10240x128xf32, #tpu.memory_space<vmem_shared>>
        tpu.enqueue_indirect_dma source(%arg11 : memref<80x128xf32, #tpu.memory_space<vmem>>) target(%dma_start3A_293 : memref<10240x128xf32, #tpu.memory_space<vmem_shared>>) offsets(%dma_start3A_290 : memref<80xi32, #tpu.memory_space<vmem>>) semaphore(%run_scoped3A_287 : memref<!tpu.dma_semaphore, #tpu.memory_space<semaphore_mem>>) {add = true}
        %dma_wait3A_294 = arith.constant 0 : i32
        %dma_wait3A_295 = tpu.memref_slice %arg9[%add3A_232, %dma_wait3A_294] : memref<25x80xi32, #tpu.memory_space<vmem>> -> memref<1x80xi32, #tpu.memory_space<vmem>>
        %dma_wait3A_296 = tpu.memref_squeeze %dma_wait3A_295 : memref<1x80xi32, #tpu.memory_space<vmem>> -> memref<80xi32, #tpu.memory_space<vmem>>
        %dma_wait3A_297 = arith.constant 0 : i32
        %dma_wait3A_298 = arith.constant 0 : i32
        %dma_wait3A_299 = tpu.memref_slice %arg13[%dma_wait3A_297, %dma_wait3A_298] : memref<10240x128xf32, #tpu.memory_space<vmem_shared>> -> memref<10240x128xf32, #tpu.memory_space<vmem_shared>>
        tpu.wait_indirect_dma semaphore(%run_scoped3A_287 : memref<!tpu.dma_semaphore, #tpu.memory_space<semaphore_mem>>) src(%arg11 : memref<80x128xf32, #tpu.memory_space<vmem>>) dst(%dma_wait3A_299 : memref<10240x128xf32, #tpu.memory_space<vmem_shared>>)
        tpu.yield
      }) : () -> ()
    }
    %scan3A_10 = arith.constant 12 : i32
    %dma_start3A = arith.constant 24 : i32
    %dma_start3A_11 = arith.constant 0 : i32
    %dma_start3A_12 = tpu.memref_slice %arg8[%dma_start3A, %dma_start3A_11] : memref<25x80xi32, #tpu.memory_space<vmem>> -> memref<1x80xi32, #tpu.memory_space<vmem>>
    %dma_start3A_13 = tpu.memref_squeeze %dma_start3A_12 : memref<1x80xi32, #tpu.memory_space<vmem>> -> memref<80xi32, #tpu.memory_space<vmem>>
    %dma_start3A_14 = arith.constant 0 : i32
    %dma_start3A_15 = arith.constant 0 : i32
    %dma_start3A_16 = tpu.memref_slice %arg2[%dma_start3A_14, %dma_start3A_15] : memref<10000x128xf32, #tpu.memory_space<hbm>> -> memref<10000x128xf32, #tpu.memory_space<hbm>>
    tpu.enqueue_indirect_dma source(%dma_start3A_16 : memref<10000x128xf32, #tpu.memory_space<hbm>>) target(%arg10 : memref<80x128xf32, #tpu.memory_space<vmem>>) offsets(%dma_start3A_13 : memref<80xi32, #tpu.memory_space<vmem>>) semaphore(%arg14 : memref<!tpu.dma_semaphore, #tpu.memory_space<semaphore_mem>>)
    %dma_wait3A = arith.constant 24 : i32
    %dma_wait3A_17 = arith.constant 0 : i32
    %dma_wait3A_18 = tpu.memref_slice %arg8[%dma_wait3A, %dma_wait3A_17] : memref<25x80xi32, #tpu.memory_space<vmem>> -> memref<1x80xi32, #tpu.memory_space<vmem>>
    %dma_wait3A_19 = tpu.memref_squeeze %dma_wait3A_18 : memref<1x80xi32, #tpu.memory_space<vmem>> -> memref<80xi32, #tpu.memory_space<vmem>>
    %dma_wait3A_20 = arith.constant 0 : i32
    %dma_wait3A_21 = arith.constant 0 : i32
    %dma_wait3A_22 = tpu.memref_slice %arg2[%dma_wait3A_20, %dma_wait3A_21] : memref<10000x128xf32, #tpu.memory_space<hbm>> -> memref<10000x128xf32, #tpu.memory_space<hbm>>
    tpu.wait_indirect_dma semaphore(%arg14 : memref<!tpu.dma_semaphore, #tpu.memory_space<semaphore_mem>>) src(%dma_wait3A_22 : memref<10000x128xf32, #tpu.memory_space<hbm>>) dst(%arg10 : memref<80x128xf32, #tpu.memory_space<vmem>>)
    %get3A = arith.constant 24 : i32
    %get3A_23 = arith.index_cast %get3A : i32 to index
    %get3A_24 = arith.constant 0 : index
    %get3A_25 = tpu.vector_load %arg9[%get3A_23, %get3A_24] {strides = array<i32>} : memref<25x80xi32, #tpu.memory_space<vmem>>, vector<16xi32>,
    tpu.vector_store_idx %arg12[%get3A_25], %broadcast_in_dim3A_3 {add = true} : memref<10240xf32, #tpu.memory_space<vmem>>[vector<16xi32>], vector<16xf32>,
    %get3A_26 = arith.constant 24 : i32
    %get3A_27 = arith.index_cast %get3A_26 : i32 to index
    %get3A_28 = arith.constant 16 : index
    %get3A_29 = tpu.vector_load %arg9[%get3A_27, %get3A_28] {strides = array<i32>} : memref<25x80xi32, #tpu.memory_space<vmem>>, vector<16xi32>,
    tpu.vector_store_idx %arg12[%get3A_29], %broadcast_in_dim3A_3 {add = true} : memref<10240xf32, #tpu.memory_space<vmem>>[vector<16xi32>], vector<16xf32>,
    %get3A_30 = arith.constant 24 : i32
    %get3A_31 = arith.index_cast %get3A_30 : i32 to index
    %get3A_32 = arith.constant 32 : index
    %get3A_33 = tpu.vector_load %arg9[%get3A_31, %get3A_32] {strides = array<i32>} : memref<25x80xi32, #tpu.memory_space<vmem>>, vector<16xi32>,
    tpu.vector_store_idx %arg12[%get3A_33], %broadcast_in_dim3A_3 {add = true} : memref<10240xf32, #tpu.memory_space<vmem>>[vector<16xi32>], vector<16xf32>,
    %get3A_34 = arith.constant 24 : i32
    %get3A_35 = arith.index_cast %get3A_34 : i32 to index
    %get3A_36 = arith.constant 48 : index
    %get3A_37 = tpu.vector_load %arg9[%get3A_35, %get3A_36] {strides = array<i32>} : memref<25x80xi32, #tpu.memory_space<vmem>>, vector<16xi32>,
    tpu.vector_store_idx %arg12[%get3A_37], %broadcast_in_dim3A_3 {add = true} : memref<10240xf32, #tpu.memory_space<vmem>>[vector<16xi32>], vector<16xf32>,
    %get3A_38 = arith.constant 24 : i32
    %get3A_39 = arith.index_cast %get3A_38 : i32 to index
    %get3A_40 = arith.constant 64 : index
    %get3A_41 = tpu.vector_load %arg9[%get3A_39, %get3A_40] {strides = array<i32>} : memref<25x80xi32, #tpu.memory_space<vmem>>, vector<16xi32>,
    tpu.vector_store_idx %arg12[%get3A_41], %broadcast_in_dim3A_3 {add = true} : memref<10240xf32, #tpu.memory_space<vmem>>[vector<16xi32>], vector<16xf32>,
    %run_scoped3A_42 = arith.constant 24 : i32
    "tpu.region"() ({
      %run_scoped3A_224 = tpu.sem_alloc : memref<!tpu.dma_semaphore, #tpu.memory_space<semaphore_mem>>
      %dma_start3A_225 = arith.constant 0 : i32
      %dma_start3A_226 = tpu.memref_slice %arg9[%run_scoped3A_42, %dma_start3A_225] : memref<25x80xi32, #tpu.memory_space<vmem>> -> memref<1x80xi32, #tpu.memory_space<vmem>>
      %dma_start3A_227 = tpu.memref_squeeze %dma_start3A_226 : memref<1x80xi32, #tpu.memory_space<vmem>> -> memref<80xi32, #tpu.memory_space<vmem>>
      %dma_start3A_228 = arith.constant 0 : i32
      %dma_start3A_229 = arith.constant 0 : i32
      %dma_start3A_230 = tpu.memref_slice %arg13[%dma_start3A_228, %dma_start3A_229] : memref<10240x128xf32, #tpu.memory_space<vmem_shared>> -> memref<10240x128xf32, #tpu.memory_space<vmem_shared>>
      tpu.enqueue_indirect_dma source(%arg10 : memref<80x128xf32, #tpu.memory_space<vmem>>) target(%dma_start3A_230 : memref<10240x128xf32, #tpu.memory_space<vmem_shared>>) offsets(%dma_start3A_227 : memref<80xi32, #tpu.memory_space<vmem>>) semaphore(%run_scoped3A_224 : memref<!tpu.dma_semaphore, #tpu.memory_space<semaphore_mem>>) {add = true}
      %dma_wait3A_231 = arith.constant 0 : i32
      %dma_wait3A_232 = tpu.memref_slice %arg9[%run_scoped3A_42, %dma_wait3A_231] : memref<25x80xi32, #tpu.memory_space<vmem>> -> memref<1x80xi32, #tpu.memory_space<vmem>>
      %dma_wait3A_233 = tpu.memref_squeeze %dma_wait3A_232 : memref<1x80xi32, #tpu.memory_space<vmem>> -> memref<80xi32, #tpu.memory_space<vmem>>
      %dma_wait3A_234 = arith.constant 0 : i32
      %dma_wait3A_235 = arith.constant 0 : i32
      %dma_wait3A_236 = tpu.memref_slice %arg13[%dma_wait3A_234, %dma_wait3A_235] : memref<10240x128xf32, #tpu.memory_space<vmem_shared>> -> memref<10240x128xf32, #tpu.memory_space<vmem_shared>>
      tpu.wait_indirect_dma semaphore(%run_scoped3A_224 : memref<!tpu.dma_semaphore, #tpu.memory_space<semaphore_mem>>) src(%arg10 : memref<80x128xf32, #tpu.memory_space<vmem>>) dst(%dma_wait3A_236 : memref<10240x128xf32, #tpu.memory_space<vmem_shared>>)
      tpu.yield
    }) : () -> ()
    %run_scoped3A_43 = arith.constant 0 : i32
    %run_scoped3A_44 = arith.constant 1 : i32
    "tpu.region"() ({
      %run_scoped3A_224 = tpu.sem_alloc : memref<!tpu.dma_semaphore, #tpu.memory_space<semaphore_mem>>
      %dma_start3A_225 = arith.constant 0 : i32
      %dma_start3A_226 = arith.constant 0 : i32
      %dma_start3A_227 = tpu.memref_slice %arg3[%run_scoped3A_43, %add3A, %run_scoped3A_44, %dma_start3A_225, %dma_start3A_226] : memref<2x32x5x25x80xi32, #tpu.memory_space<hbm>> -> memref<1x1x1x25x80xi32, #tpu.memory_space<hbm>>
      %dma_start3A_228 = tpu.memref_squeeze %dma_start3A_227 : memref<1x1x1x25x80xi32, #tpu.memory_space<hbm>> -> memref<25x80xi32, #tpu.memory_space<hbm>>
      %dma_start3A_229 = arith.constant 0 : i32
      %dma_start3A_230 = arith.constant 0 : i32
      %dma_start3A_231 = tpu.memref_slice %arg3[%run_scoped3A_43, %add3A, %run_scoped3A_44, %dma_start3A_229, %dma_start3A_230] : memref<2x32x5x25x80xi32, #tpu.memory_space<hbm>> -> memref<1x1x1x25x80xi32, #tpu.memory_space<hbm>>
      %dma_start3A_232 = tpu.memref_squeeze %dma_start3A_231 : memref<1x1x1x25x80xi32, #tpu.memory_space<hbm>> -> memref<25x80xi32, #tpu.memory_space<hbm>>
      tpu.enqueue_dma source(%dma_start3A_232 : memref<25x80xi32, #tpu.memory_space<hbm>>) target(%arg8 : memref<25x80xi32, #tpu.memory_space<vmem>>) target_semaphore(%run_scoped3A_224 : memref<!tpu.dma_semaphore, #tpu.memory_space<semaphore_mem>>)
      %dma_wait3A_233 = arith.constant 0 : i32
      %dma_wait3A_234 = arith.constant 0 : i32
      %dma_wait3A_235 = tpu.memref_slice %arg3[%run_scoped3A_43, %add3A, %run_scoped3A_44, %dma_wait3A_233, %dma_wait3A_234] : memref<2x32x5x25x80xi32, #tpu.memory_space<hbm>> -> memref<1x1x1x25x80xi32, #tpu.memory_space<hbm>>
      %dma_wait3A_236 = tpu.memref_squeeze %dma_wait3A_235 : memref<1x1x1x25x80xi32, #tpu.memory_space<hbm>> -> memref<25x80xi32, #tpu.memory_space<hbm>>
      %dma_wait3A_237 = arith.constant 0 : i32
      %dma_wait3A_238 = arith.constant 0 : i32
      %dma_wait3A_239 = tpu.memref_slice %arg3[%run_scoped3A_43, %add3A, %run_scoped3A_44, %dma_wait3A_237, %dma_wait3A_238] : memref<2x32x5x25x80xi32, #tpu.memory_space<hbm>> -> memref<1x1x1x25x80xi32, #tpu.memory_space<hbm>>
      %dma_wait3A_240 = tpu.memref_squeeze %dma_wait3A_239 : memref<1x1x1x25x80xi32, #tpu.memory_space<hbm>> -> memref<25x80xi32, #tpu.memory_space<hbm>>
      tpu.wait_dma2 semaphore(%run_scoped3A_224 : memref<!tpu.dma_semaphore, #tpu.memory_space<semaphore_mem>>) src(%dma_wait3A_240 : memref<25x80xi32, #tpu.memory_space<hbm>>) dst(%arg8 : memref<25x80xi32, #tpu.memory_space<vmem>>)
      tpu.yield
    }) : () -> ()
    %run_scoped3A_45 = arith.constant 1 : i32
    %run_scoped3A_46 = arith.constant 1 : i32
    "tpu.region"() ({
      %run_scoped3A_224 = tpu.sem_alloc : memref<!tpu.dma_semaphore, #tpu.memory_space<semaphore_mem>>
      %dma_start3A_225 = arith.constant 0 : i32
      %dma_start3A_226 = arith.constant 0 : i32
      %dma_start3A_227 = tpu.memref_slice %arg3[%run_scoped3A_45, %add3A, %run_scoped3A_46, %dma_start3A_225, %dma_start3A_226] : memref<2x32x5x25x80xi32, #tpu.memory_space<hbm>> -> memref<1x1x1x25x80xi32, #tpu.memory_space<hbm>>
      %dma_start3A_228 = tpu.memref_squeeze %dma_start3A_227 : memref<1x1x1x25x80xi32, #tpu.memory_space<hbm>> -> memref<25x80xi32, #tpu.memory_space<hbm>>
      %dma_start3A_229 = arith.constant 0 : i32
      %dma_start3A_230 = arith.constant 0 : i32
      %dma_start3A_231 = tpu.memref_slice %arg3[%run_scoped3A_45, %add3A, %run_scoped3A_46, %dma_start3A_229, %dma_start3A_230] : memref<2x32x5x25x80xi32, #tpu.memory_space<hbm>> -> memref<1x1x1x25x80xi32, #tpu.memory_space<hbm>>
      %dma_start3A_232 = tpu.memref_squeeze %dma_start3A_231 : memref<1x1x1x25x80xi32, #tpu.memory_space<hbm>> -> memref<25x80xi32, #tpu.memory_space<hbm>>
      tpu.enqueue_dma source(%dma_start3A_232 : memref<25x80xi32, #tpu.memory_space<hbm>>) target(%arg9 : memref<25x80xi32, #tpu.memory_space<vmem>>) target_semaphore(%run_scoped3A_224 : memref<!tpu.dma_semaphore, #tpu.memory_space<semaphore_mem>>)
      %dma_wait3A_233 = arith.constant 0 : i32
      %dma_wait3A_234 = arith.constant 0 : i32
      %dma_wait3A_235 = tpu.memref_slice %arg3[%run_scoped3A_45, %add3A, %run_scoped3A_46, %dma_wait3A_233, %dma_wait3A_234] : memref<2x32x5x25x80xi32, #tpu.memory_space<hbm>> -> memref<1x1x1x25x80xi32, #tpu.memory_space<hbm>>
      %dma_wait3A_236 = tpu.memref_squeeze %dma_wait3A_235 : memref<1x1x1x25x80xi32, #tpu.memory_space<hbm>> -> memref<25x80xi32, #tpu.memory_space<hbm>>
      %dma_wait3A_237 = arith.constant 0 : i32
      %dma_wait3A_238 = arith.constant 0 : i32
      %dma_wait3A_239 = tpu.memref_slice %arg3[%run_scoped3A_45, %add3A, %run_scoped3A_46, %dma_wait3A_237, %dma_wait3A_238] : memref<2x32x5x25x80xi32, #tpu.memory_space<hbm>> -> memref<1x1x1x25x80xi32, #tpu.memory_space<hbm>>
      %dma_wait3A_240 = tpu.memref_squeeze %dma_wait3A_239 : memref<1x1x1x25x80xi32, #tpu.memory_space<hbm>> -> memref<25x80xi32, #tpu.memory_space<hbm>>
      tpu.wait_dma2 semaphore(%run_scoped3A_224 : memref<!tpu.dma_semaphore, #tpu.memory_space<semaphore_mem>>) src(%dma_wait3A_240 : memref<25x80xi32, #tpu.memory_space<hbm>>) dst(%arg9 : memref<25x80xi32, #tpu.memory_space<vmem>>)
      tpu.yield
    }) : () -> ()
    %scan3A_47 = arith.constant 0 : i32
    %scan3A_48 = arith.constant 12 : i32
    %scan3A_49 = arith.addi %scan3A_47, %scan3A_48 : i32
    %scan3A_50 = arith.constant 1 : i32
    scf.for %scan3A_224 = %scan3A_47 to %scan3A_49 step %scan3A_50  : i32 {
      %mul3A_225 = arith.constant 1 : i32
      %mul3A_226 = arith.muli %scan3A_224, %mul3A_225 : i32
      %add3A_227 = arith.constant 0 : i32
      %add3A_228 = arith.addi %add3A_227, %mul3A_226 : i32
      %mul3A_229 = arith.constant 2 : i32
      %mul3A_230 = arith.muli %add3A_228, %mul3A_229 : i32
      %add3A_231 = arith.constant 1 : i32
      %add3A_232 = arith.addi %mul3A_230, %add3A_231 : i32
      %dma_start3A_233 = arith.constant 0 : i32
      %dma_start3A_234 = tpu.memref_slice %arg8[%mul3A_230, %dma_start3A_233] : memref<25x80xi32, #tpu.memory_space<vmem>> -> memref<1x80xi32, #tpu.memory_space<vmem>>
      %dma_start3A_235 = tpu.memref_squeeze %dma_start3A_234 : memref<1x80xi32, #tpu.memory_space<vmem>> -> memref<80xi32, #tpu.memory_space<vmem>>
      %dma_start3A_236 = arith.constant 0 : i32
      %dma_start3A_237 = arith.constant 0 : i32
      %dma_start3A_238 = tpu.memref_slice %arg2[%dma_start3A_236, %dma_start3A_237] : memref<10000x128xf32, #tpu.memory_space<hbm>> -> memref<10000x128xf32, #tpu.memory_space<hbm>>
      tpu.enqueue_indirect_dma source(%dma_start3A_238 : memref<10000x128xf32, #tpu.memory_space<hbm>>) target(%arg10 : memref<80x128xf32, #tpu.memory_space<vmem>>) offsets(%dma_start3A_235 : memref<80xi32, #tpu.memory_space<vmem>>) semaphore(%arg14 : memref<!tpu.dma_semaphore, #tpu.memory_space<semaphore_mem>>)
      %dma_start3A_239 = arith.constant 0 : i32
      %dma_start3A_240 = tpu.memref_slice %arg8[%add3A_232, %dma_start3A_239] : memref<25x80xi32, #tpu.memory_space<vmem>> -> memref<1x80xi32, #tpu.memory_space<vmem>>
      %dma_start3A_241 = tpu.memref_squeeze %dma_start3A_240 : memref<1x80xi32, #tpu.memory_space<vmem>> -> memref<80xi32, #tpu.memory_space<vmem>>
      %dma_start3A_242 = arith.constant 0 : i32
      %dma_start3A_243 = arith.constant 0 : i32
      %dma_start3A_244 = tpu.memref_slice %arg2[%dma_start3A_242, %dma_start3A_243] : memref<10000x128xf32, #tpu.memory_space<hbm>> -> memref<10000x128xf32, #tpu.memory_space<hbm>>
      tpu.enqueue_indirect_dma source(%dma_start3A_244 : memref<10000x128xf32, #tpu.memory_space<hbm>>) target(%arg11 : memref<80x128xf32, #tpu.memory_space<vmem>>) offsets(%dma_start3A_241 : memref<80xi32, #tpu.memory_space<vmem>>) semaphore(%arg15 : memref<!tpu.dma_semaphore, #tpu.memory_space<semaphore_mem>>)
      %get3A_245 = arith.index_cast %mul3A_230 : i32 to index
      %get3A_246 = arith.constant 0 : index
      %get3A_247 = tpu.vector_load %arg9[%get3A_245, %get3A_246] {strides = array<i32>} : memref<25x80xi32, #tpu.memory_space<vmem>>, vector<16xi32>,
      tpu.vector_store_idx %arg12[%get3A_247], %broadcast_in_dim3A_3 {add = true} : memref<10240xf32, #tpu.memory_space<vmem>>[vector<16xi32>], vector<16xf32>,
      %get3A_248 = arith.index_cast %mul3A_230 : i32 to index
      %get3A_249 = arith.constant 16 : index
      %get3A_250 = tpu.vector_load %arg9[%get3A_248, %get3A_249] {strides = array<i32>} : memref<25x80xi32, #tpu.memory_space<vmem>>, vector<16xi32>,
      tpu.vector_store_idx %arg12[%get3A_250], %broadcast_in_dim3A_3 {add = true} : memref<10240xf32, #tpu.memory_space<vmem>>[vector<16xi32>], vector<16xf32>,
      %get3A_251 = arith.index_cast %mul3A_230 : i32 to index
      %get3A_252 = arith.constant 32 : index
      %get3A_253 = tpu.vector_load %arg9[%get3A_251, %get3A_252] {strides = array<i32>} : memref<25x80xi32, #tpu.memory_space<vmem>>, vector<16xi32>,
      tpu.vector_store_idx %arg12[%get3A_253], %broadcast_in_dim3A_3 {add = true} : memref<10240xf32, #tpu.memory_space<vmem>>[vector<16xi32>], vector<16xf32>,
      %get3A_254 = arith.index_cast %mul3A_230 : i32 to index
      %get3A_255 = arith.constant 48 : index
      %get3A_256 = tpu.vector_load %arg9[%get3A_254, %get3A_255] {strides = array<i32>} : memref<25x80xi32, #tpu.memory_space<vmem>>, vector<16xi32>,
      tpu.vector_store_idx %arg12[%get3A_256], %broadcast_in_dim3A_3 {add = true} : memref<10240xf32, #tpu.memory_space<vmem>>[vector<16xi32>], vector<16xf32>,
      %get3A_257 = arith.index_cast %mul3A_230 : i32 to index
      %get3A_258 = arith.constant 64 : index
      %get3A_259 = tpu.vector_load %arg9[%get3A_257, %get3A_258] {strides = array<i32>} : memref<25x80xi32, #tpu.memory_space<vmem>>, vector<16xi32>,
      tpu.vector_store_idx %arg12[%get3A_259], %broadcast_in_dim3A_3 {add = true} : memref<10240xf32, #tpu.memory_space<vmem>>[vector<16xi32>], vector<16xf32>,
      %dma_wait3A_260 = arith.constant 0 : i32
      %dma_wait3A_261 = tpu.memref_slice %arg8[%mul3A_230, %dma_wait3A_260] : memref<25x80xi32, #tpu.memory_space<vmem>> -> memref<1x80xi32, #tpu.memory_space<vmem>>
      %dma_wait3A_262 = tpu.memref_squeeze %dma_wait3A_261 : memref<1x80xi32, #tpu.memory_space<vmem>> -> memref<80xi32, #tpu.memory_space<vmem>>
      %dma_wait3A_263 = arith.constant 0 : i32
      %dma_wait3A_264 = arith.constant 0 : i32
      %dma_wait3A_265 = tpu.memref_slice %arg2[%dma_wait3A_263, %dma_wait3A_264] : memref<10000x128xf32, #tpu.memory_space<hbm>> -> memref<10000x128xf32, #tpu.memory_space<hbm>>
      tpu.wait_indirect_dma semaphore(%arg14 : memref<!tpu.dma_semaphore, #tpu.memory_space<semaphore_mem>>) src(%dma_wait3A_265 : memref<10000x128xf32, #tpu.memory_space<hbm>>) dst(%arg10 : memref<80x128xf32, #tpu.memory_space<vmem>>)
      "tpu.region"() ({
        %run_scoped3A_287 = tpu.sem_alloc : memref<!tpu.dma_semaphore, #tpu.memory_space<semaphore_mem>>
        %dma_start3A_288 = arith.constant 0 : i32
        %dma_start3A_289 = tpu.memref_slice %arg9[%mul3A_230, %dma_start3A_288] : memref<25x80xi32, #tpu.memory_space<vmem>> -> memref<1x80xi32, #tpu.memory_space<vmem>>
        %dma_start3A_290 = tpu.memref_squeeze %dma_start3A_289 : memref<1x80xi32, #tpu.memory_space<vmem>> -> memref<80xi32, #tpu.memory_space<vmem>>
        %dma_start3A_291 = arith.constant 0 : i32
        %dma_start3A_292 = arith.constant 0 : i32
        %dma_start3A_293 = tpu.memref_slice %arg13[%dma_start3A_291, %dma_start3A_292] : memref<10240x128xf32, #tpu.memory_space<vmem_shared>> -> memref<10240x128xf32, #tpu.memory_space<vmem_shared>>
        tpu.enqueue_indirect_dma source(%arg10 : memref<80x128xf32, #tpu.memory_space<vmem>>) target(%dma_start3A_293 : memref<10240x128xf32, #tpu.memory_space<vmem_shared>>) offsets(%dma_start3A_290 : memref<80xi32, #tpu.memory_space<vmem>>) semaphore(%run_scoped3A_287 : memref<!tpu.dma_semaphore, #tpu.memory_space<semaphore_mem>>) {add = true}
        %dma_wait3A_294 = arith.constant 0 : i32
        %dma_wait3A_295 = tpu.memref_slice %arg9[%mul3A_230, %dma_wait3A_294] : memref<25x80xi32, #tpu.memory_space<vmem>> -> memref<1x80xi32, #tpu.memory_space<vmem>>
        %dma_wait3A_296 = tpu.memref_squeeze %dma_wait3A_295 : memref<1x80xi32, #tpu.memory_space<vmem>> -> memref<80xi32, #tpu.memory_space<vmem>>
        %dma_wait3A_297 = arith.constant 0 : i32
        %dma_wait3A_298 = arith.constant 0 : i32
        %dma_wait3A_299 = tpu.memref_slice %arg13[%dma_wait3A_297, %dma_wait3A_298] : memref<10240x128xf32, #tpu.memory_space<vmem_shared>> -> memref<10240x128xf32, #tpu.memory_space<vmem_shared>>
        tpu.wait_indirect_dma semaphore(%run_scoped3A_287 : memref<!tpu.dma_semaphore, #tpu.memory_space<semaphore_mem>>) src(%arg10 : memref<80x128xf32, #tpu.memory_space<vmem>>) dst(%dma_wait3A_299 : memref<10240x128xf32, #tpu.memory_space<vmem_shared>>)
        tpu.yield
      }) : () -> ()
      %get3A_266 = arith.index_cast %add3A_232 : i32 to index
      %get3A_267 = arith.constant 0 : index
      %get3A_268 = tpu.vector_load %arg9[%get3A_266, %get3A_267] {strides = array<i32>} : memref<25x80xi32, #tpu.memory_space<vmem>>, vector<16xi32>,
      tpu.vector_store_idx %arg12[%get3A_268], %broadcast_in_dim3A_3 {add = true} : memref<10240xf32, #tpu.memory_space<vmem>>[vector<16xi32>], vector<16xf32>,
      %get3A_269 = arith.index_cast %add3A_232 : i32 to index
      %get3A_270 = arith.constant 16 : index
      %get3A_271 = tpu.vector_load %arg9[%get3A_269, %get3A_270] {strides = array<i32>} : memref<25x80xi32, #tpu.memory_space<vmem>>, vector<16xi32>,
      tpu.vector_store_idx %arg12[%get3A_271], %broadcast_in_dim3A_3 {add = true} : memref<10240xf32, #tpu.memory_space<vmem>>[vector<16xi32>], vector<16xf32>,
      %get3A_272 = arith.index_cast %add3A_232 : i32 to index
      %get3A_273 = arith.constant 32 : index
      %get3A_274 = tpu.vector_load %arg9[%get3A_272, %get3A_273] {strides = array<i32>} : memref<25x80xi32, #tpu.memory_space<vmem>>, vector<16xi32>,
      tpu.vector_store_idx %arg12[%get3A_274], %broadcast_in_dim3A_3 {add = true} : memref<10240xf32, #tpu.memory_space<vmem>>[vector<16xi32>], vector<16xf32>,
      %get3A_275 = arith.index_cast %add3A_232 : i32 to index
      %get3A_276 = arith.constant 48 : index
      %get3A_277 = tpu.vector_load %arg9[%get3A_275, %get3A_276] {strides = array<i32>} : memref<25x80xi32, #tpu.memory_space<vmem>>, vector<16xi32>,
      tpu.vector_store_idx %arg12[%get3A_277], %broadcast_in_dim3A_3 {add = true} : memref<10240xf32, #tpu.memory_space<vmem>>[vector<16xi32>], vector<16xf32>,
      %get3A_278 = arith.index_cast %add3A_232 : i32 to index
      %get3A_279 = arith.constant 64 : index
      %get3A_280 = tpu.vector_load %arg9[%get3A_278, %get3A_279] {strides = array<i32>} : memref<25x80xi32, #tpu.memory_space<vmem>>, vector<16xi32>,
      tpu.vector_store_idx %arg12[%get3A_280], %broadcast_in_dim3A_3 {add = true} : memref<10240xf32, #tpu.memory_space<vmem>>[vector<16xi32>], vector<16xf32>,
      %dma_wait3A_281 = arith.constant 0 : i32
      %dma_wait3A_282 = tpu.memref_slice %arg8[%add3A_232, %dma_wait3A_281] : memref<25x80xi32, #tpu.memory_space<vmem>> -> memref<1x80xi32, #tpu.memory_space<vmem>>
      %dma_wait3A_283 = tpu.memref_squeeze %dma_wait3A_282 : memref<1x80xi32, #tpu.memory_space<vmem>> -> memref<80xi32, #tpu.memory_space<vmem>>
      %dma_wait3A_284 = arith.constant 0 : i32
      %dma_wait3A_285 = arith.constant 0 : i32
      %dma_wait3A_286 = tpu.memref_slice %arg2[%dma_wait3A_284, %dma_wait3A_285] : memref<10000x128xf32, #tpu.memory_space<hbm>> -> memref<10000x128xf32, #tpu.memory_space<hbm>>
      tpu.wait_indirect_dma semaphore(%arg15 : memref<!tpu.dma_semaphore, #tpu.memory_space<semaphore_mem>>) src(%dma_wait3A_286 : memref<10000x128xf32, #tpu.memory_space<hbm>>) dst(%arg11 : memref<80x128xf32, #tpu.memory_space<vmem>>)
      "tpu.region"() ({
        %run_scoped3A_287 = tpu.sem_alloc : memref<!tpu.dma_semaphore, #tpu.memory_space<semaphore_mem>>
        %dma_start3A_288 = arith.constant 0 : i32
        %dma_start3A_289 = tpu.memref_slice %arg9[%add3A_232, %dma_start3A_288] : memref<25x80xi32, #tpu.memory_space<vmem>> -> memref<1x80xi32, #tpu.memory_space<vmem>>
        %dma_start3A_290 = tpu.memref_squeeze %dma_start3A_289 : memref<1x80xi32, #tpu.memory_space<vmem>> -> memref<80xi32, #tpu.memory_space<vmem>>
        %dma_start3A_291 = arith.constant 0 : i32
        %dma_start3A_292 = arith.constant 0 : i32
        %dma_start3A_293 = tpu.memref_slice %arg13[%dma_start3A_291, %dma_start3A_292] : memref<10240x128xf32, #tpu.memory_space<vmem_shared>> -> memref<10240x128xf32, #tpu.memory_space<vmem_shared>>
        tpu.enqueue_indirect_dma source(%arg11 : memref<80x128xf32, #tpu.memory_space<vmem>>) target(%dma_start3A_293 : memref<10240x128xf32, #tpu.memory_space<vmem_shared>>) offsets(%dma_start3A_290 : memref<80xi32, #tpu.memory_space<vmem>>) semaphore(%run_scoped3A_287 : memref<!tpu.dma_semaphore, #tpu.memory_space<semaphore_mem>>) {add = true}
        %dma_wait3A_294 = arith.constant 0 : i32
        %dma_wait3A_295 = tpu.memref_slice %arg9[%add3A_232, %dma_wait3A_294] : memref<25x80xi32, #tpu.memory_space<vmem>> -> memref<1x80xi32, #tpu.memory_space<vmem>>
        %dma_wait3A_296 = tpu.memref_squeeze %dma_wait3A_295 : memref<1x80xi32, #tpu.memory_space<vmem>> -> memref<80xi32, #tpu.memory_space<vmem>>
        %dma_wait3A_297 = arith.constant 0 : i32
        %dma_wait3A_298 = arith.constant 0 : i32
        %dma_wait3A_299 = tpu.memref_slice %arg13[%dma_wait3A_297, %dma_wait3A_298] : memref<10240x128xf32, #tpu.memory_space<vmem_shared>> -> memref<10240x128xf32, #tpu.memory_space<vmem_shared>>
        tpu.wait_indirect_dma semaphore(%run_scoped3A_287 : memref<!tpu.dma_semaphore, #tpu.memory_space<semaphore_mem>>) src(%arg11 : memref<80x128xf32, #tpu.memory_space<vmem>>) dst(%dma_wait3A_299 : memref<10240x128xf32, #tpu.memory_space<vmem_shared>>)
        tpu.yield
      }) : () -> ()
    }
    %scan3A_51 = arith.constant 12 : i32
    %dma_start3A_52 = arith.constant 24 : i32
    %dma_start3A_53 = arith.constant 0 : i32
    %dma_start3A_54 = tpu.memref_slice %arg8[%dma_start3A_52, %dma_start3A_53] : memref<25x80xi32, #tpu.memory_space<vmem>> -> memref<1x80xi32, #tpu.memory_space<vmem>>
    %dma_start3A_55 = tpu.memref_squeeze %dma_start3A_54 : memref<1x80xi32, #tpu.memory_space<vmem>> -> memref<80xi32, #tpu.memory_space<vmem>>
    %dma_start3A_56 = arith.constant 0 : i32
    %dma_start3A_57 = arith.constant 0 : i32
    %dma_start3A_58 = tpu.memref_slice %arg2[%dma_start3A_56, %dma_start3A_57] : memref<10000x128xf32, #tpu.memory_space<hbm>> -> memref<10000x128xf32, #tpu.memory_space<hbm>>
    tpu.enqueue_indirect_dma source(%dma_start3A_58 : memref<10000x128xf32, #tpu.memory_space<hbm>>) target(%arg10 : memref<80x128xf32, #tpu.memory_space<vmem>>) offsets(%dma_start3A_55 : memref<80xi32, #tpu.memory_space<vmem>>) semaphore(%arg14 : memref<!tpu.dma_semaphore, #tpu.memory_space<semaphore_mem>>)
    %dma_wait3A_59 = arith.constant 24 : i32
    %dma_wait3A_60 = arith.constant 0 : i32
    %dma_wait3A_61 = tpu.memref_slice %arg8[%dma_wait3A_59, %dma_wait3A_60] : memref<25x80xi32, #tpu.memory_space<vmem>> -> memref<1x80xi32, #tpu.memory_space<vmem>>
    %dma_wait3A_62 = tpu.memref_squeeze %dma_wait3A_61 : memref<1x80xi32, #tpu.memory_space<vmem>> -> memref<80xi32, #tpu.memory_space<vmem>>
    %dma_wait3A_63 = arith.constant 0 : i32
    %dma_wait3A_64 = arith.constant 0 : i32
    %dma_wait3A_65 = tpu.memref_slice %arg2[%dma_wait3A_63, %dma_wait3A_64] : memref<10000x128xf32, #tpu.memory_space<hbm>> -> memref<10000x128xf32, #tpu.memory_space<hbm>>
    tpu.wait_indirect_dma semaphore(%arg14 : memref<!tpu.dma_semaphore, #tpu.memory_space<semaphore_mem>>) src(%dma_wait3A_65 : memref<10000x128xf32, #tpu.memory_space<hbm>>) dst(%arg10 : memref<80x128xf32, #tpu.memory_space<vmem>>)
    %get3A_66 = arith.constant 24 : i32
    %get3A_67 = arith.index_cast %get3A_66 : i32 to index
    %get3A_68 = arith.constant 0 : index
    %get3A_69 = tpu.vector_load %arg9[%get3A_67, %get3A_68] {strides = array<i32>} : memref<25x80xi32, #tpu.memory_space<vmem>>, vector<16xi32>,
    tpu.vector_store_idx %arg12[%get3A_69], %broadcast_in_dim3A_3 {add = true} : memref<10240xf32, #tpu.memory_space<vmem>>[vector<16xi32>], vector<16xf32>,
    %get3A_70 = arith.constant 24 : i32
    %get3A_71 = arith.index_cast %get3A_70 : i32 to index
    %get3A_72 = arith.constant 16 : index
    %get3A_73 = tpu.vector_load %arg9[%get3A_71, %get3A_72] {strides = array<i32>} : memref<25x80xi32, #tpu.memory_space<vmem>>, vector<16xi32>,
    tpu.vector_store_idx %arg12[%get3A_73], %broadcast_in_dim3A_3 {add = true} : memref<10240xf32, #tpu.memory_space<vmem>>[vector<16xi32>], vector<16xf32>,
    %get3A_74 = arith.constant 24 : i32
    %get3A_75 = arith.index_cast %get3A_74 : i32 to index
    %get3A_76 = arith.constant 32 : index
    %get3A_77 = tpu.vector_load %arg9[%get3A_75, %get3A_76] {strides = array<i32>} : memref<25x80xi32, #tpu.memory_space<vmem>>, vector<16xi32>,
    tpu.vector_store_idx %arg12[%get3A_77], %broadcast_in_dim3A_3 {add = true} : memref<10240xf32, #tpu.memory_space<vmem>>[vector<16xi32>], vector<16xf32>,
    %get3A_78 = arith.constant 24 : i32
    %get3A_79 = arith.index_cast %get3A_78 : i32 to index
    %get3A_80 = arith.constant 48 : index
    %get3A_81 = tpu.vector_load %arg9[%get3A_79, %get3A_80] {strides = array<i32>} : memref<25x80xi32, #tpu.memory_space<vmem>>, vector<16xi32>,
    tpu.vector_store_idx %arg12[%get3A_81], %broadcast_in_dim3A_3 {add = true} : memref<10240xf32, #tpu.memory_space<vmem>>[vector<16xi32>], vector<16xf32>,
    %get3A_82 = arith.constant 24 : i32
    %get3A_83 = arith.index_cast %get3A_82 : i32 to index
    %get3A_84 = arith.constant 64 : index
    %get3A_85 = tpu.vector_load %arg9[%get3A_83, %get3A_84] {strides = array<i32>} : memref<25x80xi32, #tpu.memory_space<vmem>>, vector<16xi32>,
    tpu.vector_store_idx %arg12[%get3A_85], %broadcast_in_dim3A_3 {add = true} : memref<10240xf32, #tpu.memory_space<vmem>>[vector<16xi32>], vector<16xf32>,
    %run_scoped3A_86 = arith.constant 24 : i32
    "tpu.region"() ({
      %run_scoped3A_224 = tpu.sem_alloc : memref<!tpu.dma_semaphore, #tpu.memory_space<semaphore_mem>>
      %dma_start3A_225 = arith.constant 0 : i32
      %dma_start3A_226 = tpu.memref_slice %arg9[%run_scoped3A_86, %dma_start3A_225] : memref<25x80xi32, #tpu.memory_space<vmem>> -> memref<1x80xi32, #tpu.memory_space<vmem>>
      %dma_start3A_227 = tpu.memref_squeeze %dma_start3A_226 : memref<1x80xi32, #tpu.memory_space<vmem>> -> memref<80xi32, #tpu.memory_space<vmem>>
      %dma_start3A_228 = arith.constant 0 : i32
      %dma_start3A_229 = arith.constant 0 : i32
      %dma_start3A_230 = tpu.memref_slice %arg13[%dma_start3A_228, %dma_start3A_229] : memref<10240x128xf32, #tpu.memory_space<vmem_shared>> -> memref<10240x128xf32, #tpu.memory_space<vmem_shared>>
      tpu.enqueue_indirect_dma source(%arg10 : memref<80x128xf32, #tpu.memory_space<vmem>>) target(%dma_start3A_230 : memref<10240x128xf32, #tpu.memory_space<vmem_shared>>) offsets(%dma_start3A_227 : memref<80xi32, #tpu.memory_space<vmem>>) semaphore(%run_scoped3A_224 : memref<!tpu.dma_semaphore, #tpu.memory_space<semaphore_mem>>) {add = true}
      %dma_wait3A_231 = arith.constant 0 : i32
      %dma_wait3A_232 = tpu.memref_slice %arg9[%run_scoped3A_86, %dma_wait3A_231] : memref<25x80xi32, #tpu.memory_space<vmem>> -> memref<1x80xi32, #tpu.memory_space<vmem>>
      %dma_wait3A_233 = tpu.memref_squeeze %dma_wait3A_232 : memref<1x80xi32, #tpu.memory_space<vmem>> -> memref<80xi32, #tpu.memory_space<vmem>>
      %dma_wait3A_234 = arith.constant 0 : i32
      %dma_wait3A_235 = arith.constant 0 : i32
      %dma_wait3A_236 = tpu.memref_slice %arg13[%dma_wait3A_234, %dma_wait3A_235] : memref<10240x128xf32, #tpu.memory_space<vmem_shared>> -> memref<10240x128xf32, #tpu.memory_space<vmem_shared>>
      tpu.wait_indirect_dma semaphore(%run_scoped3A_224 : memref<!tpu.dma_semaphore, #tpu.memory_space<semaphore_mem>>) src(%arg10 : memref<80x128xf32, #tpu.memory_space<vmem>>) dst(%dma_wait3A_236 : memref<10240x128xf32, #tpu.memory_space<vmem_shared>>)
      tpu.yield
    }) : () -> ()
    %run_scoped3A_87 = arith.constant 0 : i32
    %run_scoped3A_88 = arith.constant 2 : i32
    "tpu.region"() ({
      %run_scoped3A_224 = tpu.sem_alloc : memref<!tpu.dma_semaphore, #tpu.memory_space<semaphore_mem>>
      %dma_start3A_225 = arith.constant 0 : i32
      %dma_start3A_226 = arith.constant 0 : i32
      %dma_start3A_227 = tpu.memref_slice %arg3[%run_scoped3A_87, %add3A, %run_scoped3A_88, %dma_start3A_225, %dma_start3A_226] : memref<2x32x5x25x80xi32, #tpu.memory_space<hbm>> -> memref<1x1x1x25x80xi32, #tpu.memory_space<hbm>>
      %dma_start3A_228 = tpu.memref_squeeze %dma_start3A_227 : memref<1x1x1x25x80xi32, #tpu.memory_space<hbm>> -> memref<25x80xi32, #tpu.memory_space<hbm>>
      %dma_start3A_229 = arith.constant 0 : i32
      %dma_start3A_230 = arith.constant 0 : i32
      %dma_start3A_231 = tpu.memref_slice %arg3[%run_scoped3A_87, %add3A, %run_scoped3A_88, %dma_start3A_229, %dma_start3A_230] : memref<2x32x5x25x80xi32, #tpu.memory_space<hbm>> -> memref<1x1x1x25x80xi32, #tpu.memory_space<hbm>>
      %dma_start3A_232 = tpu.memref_squeeze %dma_start3A_231 : memref<1x1x1x25x80xi32, #tpu.memory_space<hbm>> -> memref<25x80xi32, #tpu.memory_space<hbm>>
      tpu.enqueue_dma source(%dma_start3A_232 : memref<25x80xi32, #tpu.memory_space<hbm>>) target(%arg8 : memref<25x80xi32, #tpu.memory_space<vmem>>) target_semaphore(%run_scoped3A_224 : memref<!tpu.dma_semaphore, #tpu.memory_space<semaphore_mem>>)
      %dma_wait3A_233 = arith.constant 0 : i32
      %dma_wait3A_234 = arith.constant 0 : i32
      %dma_wait3A_235 = tpu.memref_slice %arg3[%run_scoped3A_87, %add3A, %run_scoped3A_88, %dma_wait3A_233, %dma_wait3A_234] : memref<2x32x5x25x80xi32, #tpu.memory_space<hbm>> -> memref<1x1x1x25x80xi32, #tpu.memory_space<hbm>>
      %dma_wait3A_236 = tpu.memref_squeeze %dma_wait3A_235 : memref<1x1x1x25x80xi32, #tpu.memory_space<hbm>> -> memref<25x80xi32, #tpu.memory_space<hbm>>
      %dma_wait3A_237 = arith.constant 0 : i32
      %dma_wait3A_238 = arith.constant 0 : i32
      %dma_wait3A_239 = tpu.memref_slice %arg3[%run_scoped3A_87, %add3A, %run_scoped3A_88, %dma_wait3A_237, %dma_wait3A_238] : memref<2x32x5x25x80xi32, #tpu.memory_space<hbm>> -> memref<1x1x1x25x80xi32, #tpu.memory_space<hbm>>
      %dma_wait3A_240 = tpu.memref_squeeze %dma_wait3A_239 : memref<1x1x1x25x80xi32, #tpu.memory_space<hbm>> -> memref<25x80xi32, #tpu.memory_space<hbm>>
      tpu.wait_dma2 semaphore(%run_scoped3A_224 : memref<!tpu.dma_semaphore, #tpu.memory_space<semaphore_mem>>) src(%dma_wait3A_240 : memref<25x80xi32, #tpu.memory_space<hbm>>) dst(%arg8 : memref<25x80xi32, #tpu.memory_space<vmem>>)
      tpu.yield
    }) : () -> ()
    %run_scoped3A_89 = arith.constant 1 : i32
    %run_scoped3A_90 = arith.constant 2 : i32
    "tpu.region"() ({
      %run_scoped3A_224 = tpu.sem_alloc : memref<!tpu.dma_semaphore, #tpu.memory_space<semaphore_mem>>
      %dma_start3A_225 = arith.constant 0 : i32
      %dma_start3A_226 = arith.constant 0 : i32
      %dma_start3A_227 = tpu.memref_slice %arg3[%run_scoped3A_89, %add3A, %run_scoped3A_90, %dma_start3A_225, %dma_start3A_226] : memref<2x32x5x25x80xi32, #tpu.memory_space<hbm>> -> memref<1x1x1x25x80xi32, #tpu.memory_space<hbm>>
      %dma_start3A_228 = tpu.memref_squeeze %dma_start3A_227 : memref<1x1x1x25x80xi32, #tpu.memory_space<hbm>> -> memref<25x80xi32, #tpu.memory_space<hbm>>
      %dma_start3A_229 = arith.constant 0 : i32
      %dma_start3A_230 = arith.constant 0 : i32
      %dma_start3A_231 = tpu.memref_slice %arg3[%run_scoped3A_89, %add3A, %run_scoped3A_90, %dma_start3A_229, %dma_start3A_230] : memref<2x32x5x25x80xi32, #tpu.memory_space<hbm>> -> memref<1x1x1x25x80xi32, #tpu.memory_space<hbm>>
      %dma_start3A_232 = tpu.memref_squeeze %dma_start3A_231 : memref<1x1x1x25x80xi32, #tpu.memory_space<hbm>> -> memref<25x80xi32, #tpu.memory_space<hbm>>
      tpu.enqueue_dma source(%dma_start3A_232 : memref<25x80xi32, #tpu.memory_space<hbm>>) target(%arg9 : memref<25x80xi32, #tpu.memory_space<vmem>>) target_semaphore(%run_scoped3A_224 : memref<!tpu.dma_semaphore, #tpu.memory_space<semaphore_mem>>)
      %dma_wait3A_233 = arith.constant 0 : i32
      %dma_wait3A_234 = arith.constant 0 : i32
      %dma_wait3A_235 = tpu.memref_slice %arg3[%run_scoped3A_89, %add3A, %run_scoped3A_90, %dma_wait3A_233, %dma_wait3A_234] : memref<2x32x5x25x80xi32, #tpu.memory_space<hbm>> -> memref<1x1x1x25x80xi32, #tpu.memory_space<hbm>>
      %dma_wait3A_236 = tpu.memref_squeeze %dma_wait3A_235 : memref<1x1x1x25x80xi32, #tpu.memory_space<hbm>> -> memref<25x80xi32, #tpu.memory_space<hbm>>
      %dma_wait3A_237 = arith.constant 0 : i32
      %dma_wait3A_238 = arith.constant 0 : i32
      %dma_wait3A_239 = tpu.memref_slice %arg3[%run_scoped3A_89, %add3A, %run_scoped3A_90, %dma_wait3A_237, %dma_wait3A_238] : memref<2x32x5x25x80xi32, #tpu.memory_space<hbm>> -> memref<1x1x1x25x80xi32, #tpu.memory_space<hbm>>
      %dma_wait3A_240 = tpu.memref_squeeze %dma_wait3A_239 : memref<1x1x1x25x80xi32, #tpu.memory_space<hbm>> -> memref<25x80xi32, #tpu.memory_space<hbm>>
      tpu.wait_dma2 semaphore(%run_scoped3A_224 : memref<!tpu.dma_semaphore, #tpu.memory_space<semaphore_mem>>) src(%dma_wait3A_240 : memref<25x80xi32, #tpu.memory_space<hbm>>) dst(%arg9 : memref<25x80xi32, #tpu.memory_space<vmem>>)
      tpu.yield
    }) : () -> ()
    %scan3A_91 = arith.constant 0 : i32
    %scan3A_92 = arith.constant 12 : i32
    %scan3A_93 = arith.addi %scan3A_91, %scan3A_92 : i32
    %scan3A_94 = arith.constant 1 : i32
    scf.for %scan3A_224 = %scan3A_91 to %scan3A_93 step %scan3A_94  : i32 {
      %mul3A_225 = arith.constant 1 : i32
      %mul3A_226 = arith.muli %scan3A_224, %mul3A_225 : i32
      %add3A_227 = arith.constant 0 : i32
      %add3A_228 = arith.addi %add3A_227, %mul3A_226 : i32
      %mul3A_229 = arith.constant 2 : i32
      %mul3A_230 = arith.muli %add3A_228, %mul3A_229 : i32
      %add3A_231 = arith.constant 1 : i32
      %add3A_232 = arith.addi %mul3A_230, %add3A_231 : i32
      %dma_start3A_233 = arith.constant 0 : i32
      %dma_start3A_234 = tpu.memref_slice %arg8[%mul3A_230, %dma_start3A_233] : memref<25x80xi32, #tpu.memory_space<vmem>> -> memref<1x80xi32, #tpu.memory_space<vmem>>
      %dma_start3A_235 = tpu.memref_squeeze %dma_start3A_234 : memref<1x80xi32, #tpu.memory_space<vmem>> -> memref<80xi32, #tpu.memory_space<vmem>>
      %dma_start3A_236 = arith.constant 0 : i32
      %dma_start3A_237 = arith.constant 0 : i32
      %dma_start3A_238 = tpu.memref_slice %arg2[%dma_start3A_236, %dma_start3A_237] : memref<10000x128xf32, #tpu.memory_space<hbm>> -> memref<10000x128xf32, #tpu.memory_space<hbm>>
      tpu.enqueue_indirect_dma source(%dma_start3A_238 : memref<10000x128xf32, #tpu.memory_space<hbm>>) target(%arg10 : memref<80x128xf32, #tpu.memory_space<vmem>>) offsets(%dma_start3A_235 : memref<80xi32, #tpu.memory_space<vmem>>) semaphore(%arg14 : memref<!tpu.dma_semaphore, #tpu.memory_space<semaphore_mem>>)
      %dma_start3A_239 = arith.constant 0 : i32
      %dma_start3A_240 = tpu.memref_slice %arg8[%add3A_232, %dma_start3A_239] : memref<25x80xi32, #tpu.memory_space<vmem>> -> memref<1x80xi32, #tpu.memory_space<vmem>>
      %dma_start3A_241 = tpu.memref_squeeze %dma_start3A_240 : memref<1x80xi32, #tpu.memory_space<vmem>> -> memref<80xi32, #tpu.memory_space<vmem>>
      %dma_start3A_242 = arith.constant 0 : i32
      %dma_start3A_243 = arith.constant 0 : i32
      %dma_start3A_244 = tpu.memref_slice %arg2[%dma_start3A_242, %dma_start3A_243] : memref<10000x128xf32, #tpu.memory_space<hbm>> -> memref<10000x128xf32, #tpu.memory_space<hbm>>
      tpu.enqueue_indirect_dma source(%dma_start3A_244 : memref<10000x128xf32, #tpu.memory_space<hbm>>) target(%arg11 : memref<80x128xf32, #tpu.memory_space<vmem>>) offsets(%dma_start3A_241 : memref<80xi32, #tpu.memory_space<vmem>>) semaphore(%arg15 : memref<!tpu.dma_semaphore, #tpu.memory_space<semaphore_mem>>)
      %get3A_245 = arith.index_cast %mul3A_230 : i32 to index
      %get3A_246 = arith.constant 0 : index
      %get3A_247 = tpu.vector_load %arg9[%get3A_245, %get3A_246] {strides = array<i32>} : memref<25x80xi32, #tpu.memory_space<vmem>>, vector<16xi32>,
      tpu.vector_store_idx %arg12[%get3A_247], %broadcast_in_dim3A_3 {add = true} : memref<10240xf32, #tpu.memory_space<vmem>>[vector<16xi32>], vector<16xf32>,
      %get3A_248 = arith.index_cast %mul3A_230 : i32 to index
      %get3A_249 = arith.constant 16 : index
      %get3A_250 = tpu.vector_load %arg9[%get3A_248, %get3A_249] {strides = array<i32>} : memref<25x80xi32, #tpu.memory_space<vmem>>, vector<16xi32>,
      tpu.vector_store_idx %arg12[%get3A_250], %broadcast_in_dim3A_3 {add = true} : memref<10240xf32, #tpu.memory_space<vmem>>[vector<16xi32>], vector<16xf32>,
      %get3A_251 = arith.index_cast %mul3A_230 : i32 to index
      %get3A_252 = arith.constant 32 : index
      %get3A_253 = tpu.vector_load %arg9[%get3A_251, %get3A_252] {strides = array<i32>} : memref<25x80xi32, #tpu.memory_space<vmem>>, vector<16xi32>,
      tpu.vector_store_idx %arg12[%get3A_253], %broadcast_in_dim3A_3 {add = true} : memref<10240xf32, #tpu.memory_space<vmem>>[vector<16xi32>], vector<16xf32>,
      %get3A_254 = arith.index_cast %mul3A_230 : i32 to index
      %get3A_255 = arith.constant 48 : index
      %get3A_256 = tpu.vector_load %arg9[%get3A_254, %get3A_255] {strides = array<i32>} : memref<25x80xi32, #tpu.memory_space<vmem>>, vector<16xi32>,
      tpu.vector_store_idx %arg12[%get3A_256], %broadcast_in_dim3A_3 {add = true} : memref<10240xf32, #tpu.memory_space<vmem>>[vector<16xi32>], vector<16xf32>,
      %get3A_257 = arith.index_cast %mul3A_230 : i32 to index
      %get3A_258 = arith.constant 64 : index
      %get3A_259 = tpu.vector_load %arg9[%get3A_257, %get3A_258] {strides = array<i32>} : memref<25x80xi32, #tpu.memory_space<vmem>>, vector<16xi32>,
      tpu.vector_store_idx %arg12[%get3A_259], %broadcast_in_dim3A_3 {add = true} : memref<10240xf32, #tpu.memory_space<vmem>>[vector<16xi32>], vector<16xf32>,
      %dma_wait3A_260 = arith.constant 0 : i32
      %dma_wait3A_261 = tpu.memref_slice %arg8[%mul3A_230, %dma_wait3A_260] : memref<25x80xi32, #tpu.memory_space<vmem>> -> memref<1x80xi32, #tpu.memory_space<vmem>>
      %dma_wait3A_262 = tpu.memref_squeeze %dma_wait3A_261 : memref<1x80xi32, #tpu.memory_space<vmem>> -> memref<80xi32, #tpu.memory_space<vmem>>
      %dma_wait3A_263 = arith.constant 0 : i32
      %dma_wait3A_264 = arith.constant 0 : i32
      %dma_wait3A_265 = tpu.memref_slice %arg2[%dma_wait3A_263, %dma_wait3A_264] : memref<10000x128xf32, #tpu.memory_space<hbm>> -> memref<10000x128xf32, #tpu.memory_space<hbm>>
      tpu.wait_indirect_dma semaphore(%arg14 : memref<!tpu.dma_semaphore, #tpu.memory_space<semaphore_mem>>) src(%dma_wait3A_265 : memref<10000x128xf32, #tpu.memory_space<hbm>>) dst(%arg10 : memref<80x128xf32, #tpu.memory_space<vmem>>)
      "tpu.region"() ({
        %run_scoped3A_287 = tpu.sem_alloc : memref<!tpu.dma_semaphore, #tpu.memory_space<semaphore_mem>>
        %dma_start3A_288 = arith.constant 0 : i32
        %dma_start3A_289 = tpu.memref_slice %arg9[%mul3A_230, %dma_start3A_288] : memref<25x80xi32, #tpu.memory_space<vmem>> -> memref<1x80xi32, #tpu.memory_space<vmem>>
        %dma_start3A_290 = tpu.memref_squeeze %dma_start3A_289 : memref<1x80xi32, #tpu.memory_space<vmem>> -> memref<80xi32, #tpu.memory_space<vmem>>
        %dma_start3A_291 = arith.constant 0 : i32
        %dma_start3A_292 = arith.constant 0 : i32
        %dma_start3A_293 = tpu.memref_slice %arg13[%dma_start3A_291, %dma_start3A_292] : memref<10240x128xf32, #tpu.memory_space<vmem_shared>> -> memref<10240x128xf32, #tpu.memory_space<vmem_shared>>
        tpu.enqueue_indirect_dma source(%arg10 : memref<80x128xf32, #tpu.memory_space<vmem>>) target(%dma_start3A_293 : memref<10240x128xf32, #tpu.memory_space<vmem_shared>>) offsets(%dma_start3A_290 : memref<80xi32, #tpu.memory_space<vmem>>) semaphore(%run_scoped3A_287 : memref<!tpu.dma_semaphore, #tpu.memory_space<semaphore_mem>>) {add = true}
        %dma_wait3A_294 = arith.constant 0 : i32
        %dma_wait3A_295 = tpu.memref_slice %arg9[%mul3A_230, %dma_wait3A_294] : memref<25x80xi32, #tpu.memory_space<vmem>> -> memref<1x80xi32, #tpu.memory_space<vmem>>
        %dma_wait3A_296 = tpu.memref_squeeze %dma_wait3A_295 : memref<1x80xi32, #tpu.memory_space<vmem>> -> memref<80xi32, #tpu.memory_space<vmem>>
        %dma_wait3A_297 = arith.constant 0 : i32
        %dma_wait3A_298 = arith.constant 0 : i32
        %dma_wait3A_299 = tpu.memref_slice %arg13[%dma_wait3A_297, %dma_wait3A_298] : memref<10240x128xf32, #tpu.memory_space<vmem_shared>> -> memref<10240x128xf32, #tpu.memory_space<vmem_shared>>
        tpu.wait_indirect_dma semaphore(%run_scoped3A_287 : memref<!tpu.dma_semaphore, #tpu.memory_space<semaphore_mem>>) src(%arg10 : memref<80x128xf32, #tpu.memory_space<vmem>>) dst(%dma_wait3A_299 : memref<10240x128xf32, #tpu.memory_space<vmem_shared>>)
        tpu.yield
      }) : () -> ()
      %get3A_266 = arith.index_cast %add3A_232 : i32 to index
      %get3A_267 = arith.constant 0 : index
      %get3A_268 = tpu.vector_load %arg9[%get3A_266, %get3A_267] {strides = array<i32>} : memref<25x80xi32, #tpu.memory_space<vmem>>, vector<16xi32>,
      tpu.vector_store_idx %arg12[%get3A_268], %broadcast_in_dim3A_3 {add = true} : memref<10240xf32, #tpu.memory_space<vmem>>[vector<16xi32>], vector<16xf32>,
      %get3A_269 = arith.index_cast %add3A_232 : i32 to index
      %get3A_270 = arith.constant 16 : index
      %get3A_271 = tpu.vector_load %arg9[%get3A_269, %get3A_270] {strides = array<i32>} : memref<25x80xi32, #tpu.memory_space<vmem>>, vector<16xi32>,
      tpu.vector_store_idx %arg12[%get3A_271], %broadcast_in_dim3A_3 {add = true} : memref<10240xf32, #tpu.memory_space<vmem>>[vector<16xi32>], vector<16xf32>,
      %get3A_272 = arith.index_cast %add3A_232 : i32 to index
      %get3A_273 = arith.constant 32 : index
      %get3A_274 = tpu.vector_load %arg9[%get3A_272, %get3A_273] {strides = array<i32>} : memref<25x80xi32, #tpu.memory_space<vmem>>, vector<16xi32>,
      tpu.vector_store_idx %arg12[%get3A_274], %broadcast_in_dim3A_3 {add = true} : memref<10240xf32, #tpu.memory_space<vmem>>[vector<16xi32>], vector<16xf32>,
      %get3A_275 = arith.index_cast %add3A_232 : i32 to index
      %get3A_276 = arith.constant 48 : index
      %get3A_277 = tpu.vector_load %arg9[%get3A_275, %get3A_276] {strides = array<i32>} : memref<25x80xi32, #tpu.memory_space<vmem>>, vector<16xi32>,
      tpu.vector_store_idx %arg12[%get3A_277], %broadcast_in_dim3A_3 {add = true} : memref<10240xf32, #tpu.memory_space<vmem>>[vector<16xi32>], vector<16xf32>,
      %get3A_278 = arith.index_cast %add3A_232 : i32 to index
      %get3A_279 = arith.constant 64 : index
      %get3A_280 = tpu.vector_load %arg9[%get3A_278, %get3A_279] {strides = array<i32>} : memref<25x80xi32, #tpu.memory_space<vmem>>, vector<16xi32>,
      tpu.vector_store_idx %arg12[%get3A_280], %broadcast_in_dim3A_3 {add = true} : memref<10240xf32, #tpu.memory_space<vmem>>[vector<16xi32>], vector<16xf32>,
      %dma_wait3A_281 = arith.constant 0 : i32
      %dma_wait3A_282 = tpu.memref_slice %arg8[%add3A_232, %dma_wait3A_281] : memref<25x80xi32, #tpu.memory_space<vmem>> -> memref<1x80xi32, #tpu.memory_space<vmem>>
      %dma_wait3A_283 = tpu.memref_squeeze %dma_wait3A_282 : memref<1x80xi32, #tpu.memory_space<vmem>> -> memref<80xi32, #tpu.memory_space<vmem>>
      %dma_wait3A_284 = arith.constant 0 : i32
      %dma_wait3A_285 = arith.constant 0 : i32
      %dma_wait3A_286 = tpu.memref_slice %arg2[%dma_wait3A_284, %dma_wait3A_285] : memref<10000x128xf32, #tpu.memory_space<hbm>> -> memref<10000x128xf32, #tpu.memory_space<hbm>>
      tpu.wait_indirect_dma semaphore(%arg15 : memref<!tpu.dma_semaphore, #tpu.memory_space<semaphore_mem>>) src(%dma_wait3A_286 : memref<10000x128xf32, #tpu.memory_space<hbm>>) dst(%arg11 : memref<80x128xf32, #tpu.memory_space<vmem>>)
      "tpu.region"() ({
        %run_scoped3A_287 = tpu.sem_alloc : memref<!tpu.dma_semaphore, #tpu.memory_space<semaphore_mem>>
        %dma_start3A_288 = arith.constant 0 : i32
        %dma_start3A_289 = tpu.memref_slice %arg9[%add3A_232, %dma_start3A_288] : memref<25x80xi32, #tpu.memory_space<vmem>> -> memref<1x80xi32, #tpu.memory_space<vmem>>
        %dma_start3A_290 = tpu.memref_squeeze %dma_start3A_289 : memref<1x80xi32, #tpu.memory_space<vmem>> -> memref<80xi32, #tpu.memory_space<vmem>>
        %dma_start3A_291 = arith.constant 0 : i32
        %dma_start3A_292 = arith.constant 0 : i32
        %dma_start3A_293 = tpu.memref_slice %arg13[%dma_start3A_291, %dma_start3A_292] : memref<10240x128xf32, #tpu.memory_space<vmem_shared>> -> memref<10240x128xf32, #tpu.memory_space<vmem_shared>>
        tpu.enqueue_indirect_dma source(%arg11 : memref<80x128xf32, #tpu.memory_space<vmem>>) target(%dma_start3A_293 : memref<10240x128xf32, #tpu.memory_space<vmem_shared>>) offsets(%dma_start3A_290 : memref<80xi32, #tpu.memory_space<vmem>>) semaphore(%run_scoped3A_287 : memref<!tpu.dma_semaphore, #tpu.memory_space<semaphore_mem>>) {add = true}
        %dma_wait3A_294 = arith.constant 0 : i32
        %dma_wait3A_295 = tpu.memref_slice %arg9[%add3A_232, %dma_wait3A_294] : memref<25x80xi32, #tpu.memory_space<vmem>> -> memref<1x80xi32, #tpu.memory_space<vmem>>
        %dma_wait3A_296 = tpu.memref_squeeze %dma_wait3A_295 : memref<1x80xi32, #tpu.memory_space<vmem>> -> memref<80xi32, #tpu.memory_space<vmem>>
        %dma_wait3A_297 = arith.constant 0 : i32
        %dma_wait3A_298 = arith.constant 0 : i32
        %dma_wait3A_299 = tpu.memref_slice %arg13[%dma_wait3A_297, %dma_wait3A_298] : memref<10240x128xf32, #tpu.memory_space<vmem_shared>> -> memref<10240x128xf32, #tpu.memory_space<vmem_shared>>
        tpu.wait_indirect_dma semaphore(%run_scoped3A_287 : memref<!tpu.dma_semaphore, #tpu.memory_space<semaphore_mem>>) src(%arg11 : memref<80x128xf32, #tpu.memory_space<vmem>>) dst(%dma_wait3A_299 : memref<10240x128xf32, #tpu.memory_space<vmem_shared>>)
        tpu.yield
      }) : () -> ()
    }
    %scan3A_95 = arith.constant 12 : i32
    %dma_start3A_96 = arith.constant 24 : i32
    %dma_start3A_97 = arith.constant 0 : i32
    %dma_start3A_98 = tpu.memref_slice %arg8[%dma_start3A_96, %dma_start3A_97] : memref<25x80xi32, #tpu.memory_space<vmem>> -> memref<1x80xi32, #tpu.memory_space<vmem>>
    %dma_start3A_99 = tpu.memref_squeeze %dma_start3A_98 : memref<1x80xi32, #tpu.memory_space<vmem>> -> memref<80xi32, #tpu.memory_space<vmem>>
    %dma_start3A_100 = arith.constant 0 : i32
    %dma_start3A_101 = arith.constant 0 : i32
    %dma_start3A_102 = tpu.memref_slice %arg2[%dma_start3A_100, %dma_start3A_101] : memref<10000x128xf32, #tpu.memory_space<hbm>> -> memref<10000x128xf32, #tpu.memory_space<hbm>>
    tpu.enqueue_indirect_dma source(%dma_start3A_102 : memref<10000x128xf32, #tpu.memory_space<hbm>>) target(%arg10 : memref<80x128xf32, #tpu.memory_space<vmem>>) offsets(%dma_start3A_99 : memref<80xi32, #tpu.memory_space<vmem>>) semaphore(%arg14 : memref<!tpu.dma_semaphore, #tpu.memory_space<semaphore_mem>>)
    %dma_wait3A_103 = arith.constant 24 : i32
    %dma_wait3A_104 = arith.constant 0 : i32
    %dma_wait3A_105 = tpu.memref_slice %arg8[%dma_wait3A_103, %dma_wait3A_104] : memref<25x80xi32, #tpu.memory_space<vmem>> -> memref<1x80xi32, #tpu.memory_space<vmem>>
    %dma_wait3A_106 = tpu.memref_squeeze %dma_wait3A_105 : memref<1x80xi32, #tpu.memory_space<vmem>> -> memref<80xi32, #tpu.memory_space<vmem>>
    %dma_wait3A_107 = arith.constant 0 : i32
    %dma_wait3A_108 = arith.constant 0 : i32
    %dma_wait3A_109 = tpu.memref_slice %arg2[%dma_wait3A_107, %dma_wait3A_108] : memref<10000x128xf32, #tpu.memory_space<hbm>> -> memref<10000x128xf32, #tpu.memory_space<hbm>>
    tpu.wait_indirect_dma semaphore(%arg14 : memref<!tpu.dma_semaphore, #tpu.memory_space<semaphore_mem>>) src(%dma_wait3A_109 : memref<10000x128xf32, #tpu.memory_space<hbm>>) dst(%arg10 : memref<80x128xf32, #tpu.memory_space<vmem>>)
    %get3A_110 = arith.constant 24 : i32
    %get3A_111 = arith.index_cast %get3A_110 : i32 to index
    %get3A_112 = arith.constant 0 : index
    %get3A_113 = tpu.vector_load %arg9[%get3A_111, %get3A_112] {strides = array<i32>} : memref<25x80xi32, #tpu.memory_space<vmem>>, vector<16xi32>,
    tpu.vector_store_idx %arg12[%get3A_113], %broadcast_in_dim3A_3 {add = true} : memref<10240xf32, #tpu.memory_space<vmem>>[vector<16xi32>], vector<16xf32>,
    %get3A_114 = arith.constant 24 : i32
    %get3A_115 = arith.index_cast %get3A_114 : i32 to index
    %get3A_116 = arith.constant 16 : index
    %get3A_117 = tpu.vector_load %arg9[%get3A_115, %get3A_116] {strides = array<i32>} : memref<25x80xi32, #tpu.memory_space<vmem>>, vector<16xi32>,
    tpu.vector_store_idx %arg12[%get3A_117], %broadcast_in_dim3A_3 {add = true} : memref<10240xf32, #tpu.memory_space<vmem>>[vector<16xi32>], vector<16xf32>,
    %get3A_118 = arith.constant 24 : i32
    %get3A_119 = arith.index_cast %get3A_118 : i32 to index
    %get3A_120 = arith.constant 32 : index
    %get3A_121 = tpu.vector_load %arg9[%get3A_119, %get3A_120] {strides = array<i32>} : memref<25x80xi32, #tpu.memory_space<vmem>>, vector<16xi32>,
    tpu.vector_store_idx %arg12[%get3A_121], %broadcast_in_dim3A_3 {add = true} : memref<10240xf32, #tpu.memory_space<vmem>>[vector<16xi32>], vector<16xf32>,
    %get3A_122 = arith.constant 24 : i32
    %get3A_123 = arith.index_cast %get3A_122 : i32 to index
    %get3A_124 = arith.constant 48 : index
    %get3A_125 = tpu.vector_load %arg9[%get3A_123, %get3A_124] {strides = array<i32>} : memref<25x80xi32, #tpu.memory_space<vmem>>, vector<16xi32>,
    tpu.vector_store_idx %arg12[%get3A_125], %broadcast_in_dim3A_3 {add = true} : memref<10240xf32, #tpu.memory_space<vmem>>[vector<16xi32>], vector<16xf32>,
    %get3A_126 = arith.constant 24 : i32
    %get3A_127 = arith.index_cast %get3A_126 : i32 to index
    %get3A_128 = arith.constant 64 : index
    %get3A_129 = tpu.vector_load %arg9[%get3A_127, %get3A_128] {strides = array<i32>} : memref<25x80xi32, #tpu.memory_space<vmem>>, vector<16xi32>,
    tpu.vector_store_idx %arg12[%get3A_129], %broadcast_in_dim3A_3 {add = true} : memref<10240xf32, #tpu.memory_space<vmem>>[vector<16xi32>], vector<16xf32>,
    %run_scoped3A_130 = arith.constant 24 : i32
    "tpu.region"() ({
      %run_scoped3A_224 = tpu.sem_alloc : memref<!tpu.dma_semaphore, #tpu.memory_space<semaphore_mem>>
      %dma_start3A_225 = arith.constant 0 : i32
      %dma_start3A_226 = tpu.memref_slice %arg9[%run_scoped3A_130, %dma_start3A_225] : memref<25x80xi32, #tpu.memory_space<vmem>> -> memref<1x80xi32, #tpu.memory_space<vmem>>
      %dma_start3A_227 = tpu.memref_squeeze %dma_start3A_226 : memref<1x80xi32, #tpu.memory_space<vmem>> -> memref<80xi32, #tpu.memory_space<vmem>>
      %dma_start3A_228 = arith.constant 0 : i32
      %dma_start3A_229 = arith.constant 0 : i32
      %dma_start3A_230 = tpu.memref_slice %arg13[%dma_start3A_228, %dma_start3A_229] : memref<10240x128xf32, #tpu.memory_space<vmem_shared>> -> memref<10240x128xf32, #tpu.memory_space<vmem_shared>>
      tpu.enqueue_indirect_dma source(%arg10 : memref<80x128xf32, #tpu.memory_space<vmem>>) target(%dma_start3A_230 : memref<10240x128xf32, #tpu.memory_space<vmem_shared>>) offsets(%dma_start3A_227 : memref<80xi32, #tpu.memory_space<vmem>>) semaphore(%run_scoped3A_224 : memref<!tpu.dma_semaphore, #tpu.memory_space<semaphore_mem>>) {add = true}
      %dma_wait3A_231 = arith.constant 0 : i32
      %dma_wait3A_232 = tpu.memref_slice %arg9[%run_scoped3A_130, %dma_wait3A_231] : memref<25x80xi32, #tpu.memory_space<vmem>> -> memref<1x80xi32, #tpu.memory_space<vmem>>
      %dma_wait3A_233 = tpu.memref_squeeze %dma_wait3A_232 : memref<1x80xi32, #tpu.memory_space<vmem>> -> memref<80xi32, #tpu.memory_space<vmem>>
      %dma_wait3A_234 = arith.constant 0 : i32
      %dma_wait3A_235 = arith.constant 0 : i32
      %dma_wait3A_236 = tpu.memref_slice %arg13[%dma_wait3A_234, %dma_wait3A_235] : memref<10240x128xf32, #tpu.memory_space<vmem_shared>> -> memref<10240x128xf32, #tpu.memory_space<vmem_shared>>
      tpu.wait_indirect_dma semaphore(%run_scoped3A_224 : memref<!tpu.dma_semaphore, #tpu.memory_space<semaphore_mem>>) src(%arg10 : memref<80x128xf32, #tpu.memory_space<vmem>>) dst(%dma_wait3A_236 : memref<10240x128xf32, #tpu.memory_space<vmem_shared>>)
      tpu.yield
    }) : () -> ()
    %run_scoped3A_131 = arith.constant 0 : i32
    %run_scoped3A_132 = arith.constant 3 : i32
    "tpu.region"() ({
      %run_scoped3A_224 = tpu.sem_alloc : memref<!tpu.dma_semaphore, #tpu.memory_space<semaphore_mem>>
      %dma_start3A_225 = arith.constant 0 : i32
      %dma_start3A_226 = arith.constant 0 : i32
      %dma_start3A_227 = tpu.memref_slice %arg3[%run_scoped3A_131, %add3A, %run_scoped3A_132, %dma_start3A_225, %dma_start3A_226] : memref<2x32x5x25x80xi32, #tpu.memory_space<hbm>> -> memref<1x1x1x25x80xi32, #tpu.memory_space<hbm>>
      %dma_start3A_228 = tpu.memref_squeeze %dma_start3A_227 : memref<1x1x1x25x80xi32, #tpu.memory_space<hbm>> -> memref<25x80xi32, #tpu.memory_space<hbm>>
      %dma_start3A_229 = arith.constant 0 : i32
      %dma_start3A_230 = arith.constant 0 : i32
      %dma_start3A_231 = tpu.memref_slice %arg3[%run_scoped3A_131, %add3A, %run_scoped3A_132, %dma_start3A_229, %dma_start3A_230] : memref<2x32x5x25x80xi32, #tpu.memory_space<hbm>> -> memref<1x1x1x25x80xi32, #tpu.memory_space<hbm>>
      %dma_start3A_232 = tpu.memref_squeeze %dma_start3A_231 : memref<1x1x1x25x80xi32, #tpu.memory_space<hbm>> -> memref<25x80xi32, #tpu.memory_space<hbm>>
      tpu.enqueue_dma source(%dma_start3A_232 : memref<25x80xi32, #tpu.memory_space<hbm>>) target(%arg8 : memref<25x80xi32, #tpu.memory_space<vmem>>) target_semaphore(%run_scoped3A_224 : memref<!tpu.dma_semaphore, #tpu.memory_space<semaphore_mem>>)
      %dma_wait3A_233 = arith.constant 0 : i32
      %dma_wait3A_234 = arith.constant 0 : i32
      %dma_wait3A_235 = tpu.memref_slice %arg3[%run_scoped3A_131, %add3A, %run_scoped3A_132, %dma_wait3A_233, %dma_wait3A_234] : memref<2x32x5x25x80xi32, #tpu.memory_space<hbm>> -> memref<1x1x1x25x80xi32, #tpu.memory_space<hbm>>
      %dma_wait3A_236 = tpu.memref_squeeze %dma_wait3A_235 : memref<1x1x1x25x80xi32, #tpu.memory_space<hbm>> -> memref<25x80xi32, #tpu.memory_space<hbm>>
      %dma_wait3A_237 = arith.constant 0 : i32
      %dma_wait3A_238 = arith.constant 0 : i32
      %dma_wait3A_239 = tpu.memref_slice %arg3[%run_scoped3A_131, %add3A, %run_scoped3A_132, %dma_wait3A_237, %dma_wait3A_238] : memref<2x32x5x25x80xi32, #tpu.memory_space<hbm>> -> memref<1x1x1x25x80xi32, #tpu.memory_space<hbm>>
      %dma_wait3A_240 = tpu.memref_squeeze %dma_wait3A_239 : memref<1x1x1x25x80xi32, #tpu.memory_space<hbm>> -> memref<25x80xi32, #tpu.memory_space<hbm>>
      tpu.wait_dma2 semaphore(%run_scoped3A_224 : memref<!tpu.dma_semaphore, #tpu.memory_space<semaphore_mem>>) src(%dma_wait3A_240 : memref<25x80xi32, #tpu.memory_space<hbm>>) dst(%arg8 : memref<25x80xi32, #tpu.memory_space<vmem>>)
      tpu.yield
    }) : () -> ()
    %run_scoped3A_133 = arith.constant 1 : i32
    %run_scoped3A_134 = arith.constant 3 : i32
    "tpu.region"() ({
      %run_scoped3A_224 = tpu.sem_alloc : memref<!tpu.dma_semaphore, #tpu.memory_space<semaphore_mem>>
      %dma_start3A_225 = arith.constant 0 : i32
      %dma_start3A_226 = arith.constant 0 : i32
      %dma_start3A_227 = tpu.memref_slice %arg3[%run_scoped3A_133, %add3A, %run_scoped3A_134, %dma_start3A_225, %dma_start3A_226] : memref<2x32x5x25x80xi32, #tpu.memory_space<hbm>> -> memref<1x1x1x25x80xi32, #tpu.memory_space<hbm>>
      %dma_start3A_228 = tpu.memref_squeeze %dma_start3A_227 : memref<1x1x1x25x80xi32, #tpu.memory_space<hbm>> -> memref<25x80xi32, #tpu.memory_space<hbm>>
      %dma_start3A_229 = arith.constant 0 : i32
      %dma_start3A_230 = arith.constant 0 : i32
      %dma_start3A_231 = tpu.memref_slice %arg3[%run_scoped3A_133, %add3A, %run_scoped3A_134, %dma_start3A_229, %dma_start3A_230] : memref<2x32x5x25x80xi32, #tpu.memory_space<hbm>> -> memref<1x1x1x25x80xi32, #tpu.memory_space<hbm>>
      %dma_start3A_232 = tpu.memref_squeeze %dma_start3A_231 : memref<1x1x1x25x80xi32, #tpu.memory_space<hbm>> -> memref<25x80xi32, #tpu.memory_space<hbm>>
      tpu.enqueue_dma source(%dma_start3A_232 : memref<25x80xi32, #tpu.memory_space<hbm>>) target(%arg9 : memref<25x80xi32, #tpu.memory_space<vmem>>) target_semaphore(%run_scoped3A_224 : memref<!tpu.dma_semaphore, #tpu.memory_space<semaphore_mem>>)
      %dma_wait3A_233 = arith.constant 0 : i32
      %dma_wait3A_234 = arith.constant 0 : i32
      %dma_wait3A_235 = tpu.memref_slice %arg3[%run_scoped3A_133, %add3A, %run_scoped3A_134, %dma_wait3A_233, %dma_wait3A_234] : memref<2x32x5x25x80xi32, #tpu.memory_space<hbm>> -> memref<1x1x1x25x80xi32, #tpu.memory_space<hbm>>
      %dma_wait3A_236 = tpu.memref_squeeze %dma_wait3A_235 : memref<1x1x1x25x80xi32, #tpu.memory_space<hbm>> -> memref<25x80xi32, #tpu.memory_space<hbm>>
      %dma_wait3A_237 = arith.constant 0 : i32
      %dma_wait3A_238 = arith.constant 0 : i32
      %dma_wait3A_239 = tpu.memref_slice %arg3[%run_scoped3A_133, %add3A, %run_scoped3A_134, %dma_wait3A_237, %dma_wait3A_238] : memref<2x32x5x25x80xi32, #tpu.memory_space<hbm>> -> memref<1x1x1x25x80xi32, #tpu.memory_space<hbm>>
      %dma_wait3A_240 = tpu.memref_squeeze %dma_wait3A_239 : memref<1x1x1x25x80xi32, #tpu.memory_space<hbm>> -> memref<25x80xi32, #tpu.memory_space<hbm>>
      tpu.wait_dma2 semaphore(%run_scoped3A_224 : memref<!tpu.dma_semaphore, #tpu.memory_space<semaphore_mem>>) src(%dma_wait3A_240 : memref<25x80xi32, #tpu.memory_space<hbm>>) dst(%arg9 : memref<25x80xi32, #tpu.memory_space<vmem>>)
      tpu.yield
    }) : () -> ()
    %scan3A_135 = arith.constant 0 : i32
    %scan3A_136 = arith.constant 12 : i32
    %scan3A_137 = arith.addi %scan3A_135, %scan3A_136 : i32
    %scan3A_138 = arith.constant 1 : i32
    scf.for %scan3A_224 = %scan3A_135 to %scan3A_137 step %scan3A_138  : i32 {
      %mul3A_225 = arith.constant 1 : i32
      %mul3A_226 = arith.muli %scan3A_224, %mul3A_225 : i32
      %add3A_227 = arith.constant 0 : i32
      %add3A_228 = arith.addi %add3A_227, %mul3A_226 : i32
      %mul3A_229 = arith.constant 2 : i32
      %mul3A_230 = arith.muli %add3A_228, %mul3A_229 : i32
      %add3A_231 = arith.constant 1 : i32
      %add3A_232 = arith.addi %mul3A_230, %add3A_231 : i32
      %dma_start3A_233 = arith.constant 0 : i32
      %dma_start3A_234 = tpu.memref_slice %arg8[%mul3A_230, %dma_start3A_233] : memref<25x80xi32, #tpu.memory_space<vmem>> -> memref<1x80xi32, #tpu.memory_space<vmem>>
      %dma_start3A_235 = tpu.memref_squeeze %dma_start3A_234 : memref<1x80xi32, #tpu.memory_space<vmem>> -> memref<80xi32, #tpu.memory_space<vmem>>
      %dma_start3A_236 = arith.constant 0 : i32
      %dma_start3A_237 = arith.constant 0 : i32
      %dma_start3A_238 = tpu.memref_slice %arg2[%dma_start3A_236, %dma_start3A_237] : memref<10000x128xf32, #tpu.memory_space<hbm>> -> memref<10000x128xf32, #tpu.memory_space<hbm>>
      tpu.enqueue_indirect_dma source(%dma_start3A_238 : memref<10000x128xf32, #tpu.memory_space<hbm>>) target(%arg10 : memref<80x128xf32, #tpu.memory_space<vmem>>) offsets(%dma_start3A_235 : memref<80xi32, #tpu.memory_space<vmem>>) semaphore(%arg14 : memref<!tpu.dma_semaphore, #tpu.memory_space<semaphore_mem>>)
      %dma_start3A_239 = arith.constant 0 : i32
      %dma_start3A_240 = tpu.memref_slice %arg8[%add3A_232, %dma_start3A_239] : memref<25x80xi32, #tpu.memory_space<vmem>> -> memref<1x80xi32, #tpu.memory_space<vmem>>
      %dma_start3A_241 = tpu.memref_squeeze %dma_start3A_240 : memref<1x80xi32, #tpu.memory_space<vmem>> -> memref<80xi32, #tpu.memory_space<vmem>>
      %dma_start3A_242 = arith.constant 0 : i32
      %dma_start3A_243 = arith.constant 0 : i32
      %dma_start3A_244 = tpu.memref_slice %arg2[%dma_start3A_242, %dma_start3A_243] : memref<10000x128xf32, #tpu.memory_space<hbm>> -> memref<10000x128xf32, #tpu.memory_space<hbm>>
      tpu.enqueue_indirect_dma source(%dma_start3A_244 : memref<10000x128xf32, #tpu.memory_space<hbm>>) target(%arg11 : memref<80x128xf32, #tpu.memory_space<vmem>>) offsets(%dma_start3A_241 : memref<80xi32, #tpu.memory_space<vmem>>) semaphore(%arg15 : memref<!tpu.dma_semaphore, #tpu.memory_space<semaphore_mem>>)
      %get3A_245 = arith.index_cast %mul3A_230 : i32 to index
      %get3A_246 = arith.constant 0 : index
      %get3A_247 = tpu.vector_load %arg9[%get3A_245, %get3A_246] {strides = array<i32>} : memref<25x80xi32, #tpu.memory_space<vmem>>, vector<16xi32>,
      tpu.vector_store_idx %arg12[%get3A_247], %broadcast_in_dim3A_3 {add = true} : memref<10240xf32, #tpu.memory_space<vmem>>[vector<16xi32>], vector<16xf32>,
      %get3A_248 = arith.index_cast %mul3A_230 : i32 to index
      %get3A_249 = arith.constant 16 : index
      %get3A_250 = tpu.vector_load %arg9[%get3A_248, %get3A_249] {strides = array<i32>} : memref<25x80xi32, #tpu.memory_space<vmem>>, vector<16xi32>,
      tpu.vector_store_idx %arg12[%get3A_250], %broadcast_in_dim3A_3 {add = true} : memref<10240xf32, #tpu.memory_space<vmem>>[vector<16xi32>], vector<16xf32>,
      %get3A_251 = arith.index_cast %mul3A_230 : i32 to index
      %get3A_252 = arith.constant 32 : index
      %get3A_253 = tpu.vector_load %arg9[%get3A_251, %get3A_252] {strides = array<i32>} : memref<25x80xi32, #tpu.memory_space<vmem>>, vector<16xi32>,
      tpu.vector_store_idx %arg12[%get3A_253], %broadcast_in_dim3A_3 {add = true} : memref<10240xf32, #tpu.memory_space<vmem>>[vector<16xi32>], vector<16xf32>,
      %get3A_254 = arith.index_cast %mul3A_230 : i32 to index
      %get3A_255 = arith.constant 48 : index
      %get3A_256 = tpu.vector_load %arg9[%get3A_254, %get3A_255] {strides = array<i32>} : memref<25x80xi32, #tpu.memory_space<vmem>>, vector<16xi32>,
      tpu.vector_store_idx %arg12[%get3A_256], %broadcast_in_dim3A_3 {add = true} : memref<10240xf32, #tpu.memory_space<vmem>>[vector<16xi32>], vector<16xf32>,
      %get3A_257 = arith.index_cast %mul3A_230 : i32 to index
      %get3A_258 = arith.constant 64 : index
      %get3A_259 = tpu.vector_load %arg9[%get3A_257, %get3A_258] {strides = array<i32>} : memref<25x80xi32, #tpu.memory_space<vmem>>, vector<16xi32>,
      tpu.vector_store_idx %arg12[%get3A_259], %broadcast_in_dim3A_3 {add = true} : memref<10240xf32, #tpu.memory_space<vmem>>[vector<16xi32>], vector<16xf32>,
      %dma_wait3A_260 = arith.constant 0 : i32
      %dma_wait3A_261 = tpu.memref_slice %arg8[%mul3A_230, %dma_wait3A_260] : memref<25x80xi32, #tpu.memory_space<vmem>> -> memref<1x80xi32, #tpu.memory_space<vmem>>
      %dma_wait3A_262 = tpu.memref_squeeze %dma_wait3A_261 : memref<1x80xi32, #tpu.memory_space<vmem>> -> memref<80xi32, #tpu.memory_space<vmem>>
      %dma_wait3A_263 = arith.constant 0 : i32
      %dma_wait3A_264 = arith.constant 0 : i32
      %dma_wait3A_265 = tpu.memref_slice %arg2[%dma_wait3A_263, %dma_wait3A_264] : memref<10000x128xf32, #tpu.memory_space<hbm>> -> memref<10000x128xf32, #tpu.memory_space<hbm>>
      tpu.wait_indirect_dma semaphore(%arg14 : memref<!tpu.dma_semaphore, #tpu.memory_space<semaphore_mem>>) src(%dma_wait3A_265 : memref<10000x128xf32, #tpu.memory_space<hbm>>) dst(%arg10 : memref<80x128xf32, #tpu.memory_space<vmem>>)
      "tpu.region"() ({
        %run_scoped3A_287 = tpu.sem_alloc : memref<!tpu.dma_semaphore, #tpu.memory_space<semaphore_mem>>
        %dma_start3A_288 = arith.constant 0 : i32
        %dma_start3A_289 = tpu.memref_slice %arg9[%mul3A_230, %dma_start3A_288] : memref<25x80xi32, #tpu.memory_space<vmem>> -> memref<1x80xi32, #tpu.memory_space<vmem>>
        %dma_start3A_290 = tpu.memref_squeeze %dma_start3A_289 : memref<1x80xi32, #tpu.memory_space<vmem>> -> memref<80xi32, #tpu.memory_space<vmem>>
        %dma_start3A_291 = arith.constant 0 : i32
        %dma_start3A_292 = arith.constant 0 : i32
        %dma_start3A_293 = tpu.memref_slice %arg13[%dma_start3A_291, %dma_start3A_292] : memref<10240x128xf32, #tpu.memory_space<vmem_shared>> -> memref<10240x128xf32, #tpu.memory_space<vmem_shared>>
        tpu.enqueue_indirect_dma source(%arg10 : memref<80x128xf32, #tpu.memory_space<vmem>>) target(%dma_start3A_293 : memref<10240x128xf32, #tpu.memory_space<vmem_shared>>) offsets(%dma_start3A_290 : memref<80xi32, #tpu.memory_space<vmem>>) semaphore(%run_scoped3A_287 : memref<!tpu.dma_semaphore, #tpu.memory_space<semaphore_mem>>) {add = true}
        %dma_wait3A_294 = arith.constant 0 : i32
        %dma_wait3A_295 = tpu.memref_slice %arg9[%mul3A_230, %dma_wait3A_294] : memref<25x80xi32, #tpu.memory_space<vmem>> -> memref<1x80xi32, #tpu.memory_space<vmem>>
        %dma_wait3A_296 = tpu.memref_squeeze %dma_wait3A_295 : memref<1x80xi32, #tpu.memory_space<vmem>> -> memref<80xi32, #tpu.memory_space<vmem>>
        %dma_wait3A_297 = arith.constant 0 : i32
        %dma_wait3A_298 = arith.constant 0 : i32
        %dma_wait3A_299 = tpu.memref_slice %arg13[%dma_wait3A_297, %dma_wait3A_298] : memref<10240x128xf32, #tpu.memory_space<vmem_shared>> -> memref<10240x128xf32, #tpu.memory_space<vmem_shared>>
        tpu.wait_indirect_dma semaphore(%run_scoped3A_287 : memref<!tpu.dma_semaphore, #tpu.memory_space<semaphore_mem>>) src(%arg10 : memref<80x128xf32, #tpu.memory_space<vmem>>) dst(%dma_wait3A_299 : memref<10240x128xf32, #tpu.memory_space<vmem_shared>>)
        tpu.yield
      }) : () -> ()
      %get3A_266 = arith.index_cast %add3A_232 : i32 to index
      %get3A_267 = arith.constant 0 : index
      %get3A_268 = tpu.vector_load %arg9[%get3A_266, %get3A_267] {strides = array<i32>} : memref<25x80xi32, #tpu.memory_space<vmem>>, vector<16xi32>,
      tpu.vector_store_idx %arg12[%get3A_268], %broadcast_in_dim3A_3 {add = true} : memref<10240xf32, #tpu.memory_space<vmem>>[vector<16xi32>], vector<16xf32>,
      %get3A_269 = arith.index_cast %add3A_232 : i32 to index
      %get3A_270 = arith.constant 16 : index
      %get3A_271 = tpu.vector_load %arg9[%get3A_269, %get3A_270] {strides = array<i32>} : memref<25x80xi32, #tpu.memory_space<vmem>>, vector<16xi32>,
      tpu.vector_store_idx %arg12[%get3A_271], %broadcast_in_dim3A_3 {add = true} : memref<10240xf32, #tpu.memory_space<vmem>>[vector<16xi32>], vector<16xf32>,
      %get3A_272 = arith.index_cast %add3A_232 : i32 to index
      %get3A_273 = arith.constant 32 : index
      %get3A_274 = tpu.vector_load %arg9[%get3A_272, %get3A_273] {strides = array<i32>} : memref<25x80xi32, #tpu.memory_space<vmem>>, vector<16xi32>,
      tpu.vector_store_idx %arg12[%get3A_274], %broadcast_in_dim3A_3 {add = true} : memref<10240xf32, #tpu.memory_space<vmem>>[vector<16xi32>], vector<16xf32>,
      %get3A_275 = arith.index_cast %add3A_232 : i32 to index
      %get3A_276 = arith.constant 48 : index
      %get3A_277 = tpu.vector_load %arg9[%get3A_275, %get3A_276] {strides = array<i32>} : memref<25x80xi32, #tpu.memory_space<vmem>>, vector<16xi32>,
      tpu.vector_store_idx %arg12[%get3A_277], %broadcast_in_dim3A_3 {add = true} : memref<10240xf32, #tpu.memory_space<vmem>>[vector<16xi32>], vector<16xf32>,
      %get3A_278 = arith.index_cast %add3A_232 : i32 to index
      %get3A_279 = arith.constant 64 : index
      %get3A_280 = tpu.vector_load %arg9[%get3A_278, %get3A_279] {strides = array<i32>} : memref<25x80xi32, #tpu.memory_space<vmem>>, vector<16xi32>,
      tpu.vector_store_idx %arg12[%get3A_280], %broadcast_in_dim3A_3 {add = true} : memref<10240xf32, #tpu.memory_space<vmem>>[vector<16xi32>], vector<16xf32>,
      %dma_wait3A_281 = arith.constant 0 : i32
      %dma_wait3A_282 = tpu.memref_slice %arg8[%add3A_232, %dma_wait3A_281] : memref<25x80xi32, #tpu.memory_space<vmem>> -> memref<1x80xi32, #tpu.memory_space<vmem>>
      %dma_wait3A_283 = tpu.memref_squeeze %dma_wait3A_282 : memref<1x80xi32, #tpu.memory_space<vmem>> -> memref<80xi32, #tpu.memory_space<vmem>>
      %dma_wait3A_284 = arith.constant 0 : i32
      %dma_wait3A_285 = arith.constant 0 : i32
      %dma_wait3A_286 = tpu.memref_slice %arg2[%dma_wait3A_284, %dma_wait3A_285] : memref<10000x128xf32, #tpu.memory_space<hbm>> -> memref<10000x128xf32, #tpu.memory_space<hbm>>
      tpu.wait_indirect_dma semaphore(%arg15 : memref<!tpu.dma_semaphore, #tpu.memory_space<semaphore_mem>>) src(%dma_wait3A_286 : memref<10000x128xf32, #tpu.memory_space<hbm>>) dst(%arg11 : memref<80x128xf32, #tpu.memory_space<vmem>>)
      "tpu.region"() ({
        %run_scoped3A_287 = tpu.sem_alloc : memref<!tpu.dma_semaphore, #tpu.memory_space<semaphore_mem>>
        %dma_start3A_288 = arith.constant 0 : i32
        %dma_start3A_289 = tpu.memref_slice %arg9[%add3A_232, %dma_start3A_288] : memref<25x80xi32, #tpu.memory_space<vmem>> -> memref<1x80xi32, #tpu.memory_space<vmem>>
        %dma_start3A_290 = tpu.memref_squeeze %dma_start3A_289 : memref<1x80xi32, #tpu.memory_space<vmem>> -> memref<80xi32, #tpu.memory_space<vmem>>
        %dma_start3A_291 = arith.constant 0 : i32
        %dma_start3A_292 = arith.constant 0 : i32
        %dma_start3A_293 = tpu.memref_slice %arg13[%dma_start3A_291, %dma_start3A_292] : memref<10240x128xf32, #tpu.memory_space<vmem_shared>> -> memref<10240x128xf32, #tpu.memory_space<vmem_shared>>
        tpu.enqueue_indirect_dma source(%arg11 : memref<80x128xf32, #tpu.memory_space<vmem>>) target(%dma_start3A_293 : memref<10240x128xf32, #tpu.memory_space<vmem_shared>>) offsets(%dma_start3A_290 : memref<80xi32, #tpu.memory_space<vmem>>) semaphore(%run_scoped3A_287 : memref<!tpu.dma_semaphore, #tpu.memory_space<semaphore_mem>>) {add = true}
        %dma_wait3A_294 = arith.constant 0 : i32
        %dma_wait3A_295 = tpu.memref_slice %arg9[%add3A_232, %dma_wait3A_294] : memref<25x80xi32, #tpu.memory_space<vmem>> -> memref<1x80xi32, #tpu.memory_space<vmem>>
        %dma_wait3A_296 = tpu.memref_squeeze %dma_wait3A_295 : memref<1x80xi32, #tpu.memory_space<vmem>> -> memref<80xi32, #tpu.memory_space<vmem>>
        %dma_wait3A_297 = arith.constant 0 : i32
        %dma_wait3A_298 = arith.constant 0 : i32
        %dma_wait3A_299 = tpu.memref_slice %arg13[%dma_wait3A_297, %dma_wait3A_298] : memref<10240x128xf32, #tpu.memory_space<vmem_shared>> -> memref<10240x128xf32, #tpu.memory_space<vmem_shared>>
        tpu.wait_indirect_dma semaphore(%run_scoped3A_287 : memref<!tpu.dma_semaphore, #tpu.memory_space<semaphore_mem>>) src(%arg11 : memref<80x128xf32, #tpu.memory_space<vmem>>) dst(%dma_wait3A_299 : memref<10240x128xf32, #tpu.memory_space<vmem_shared>>)
        tpu.yield
      }) : () -> ()
    }
    %scan3A_139 = arith.constant 12 : i32
    %dma_start3A_140 = arith.constant 24 : i32
    %dma_start3A_141 = arith.constant 0 : i32
    %dma_start3A_142 = tpu.memref_slice %arg8[%dma_start3A_140, %dma_start3A_141] : memref<25x80xi32, #tpu.memory_space<vmem>> -> memref<1x80xi32, #tpu.memory_space<vmem>>
    %dma_start3A_143 = tpu.memref_squeeze %dma_start3A_142 : memref<1x80xi32, #tpu.memory_space<vmem>> -> memref<80xi32, #tpu.memory_space<vmem>>
    %dma_start3A_144 = arith.constant 0 : i32
    %dma_start3A_145 = arith.constant 0 : i32
    %dma_start3A_146 = tpu.memref_slice %arg2[%dma_start3A_144, %dma_start3A_145] : memref<10000x128xf32, #tpu.memory_space<hbm>> -> memref<10000x128xf32, #tpu.memory_space<hbm>>
    tpu.enqueue_indirect_dma source(%dma_start3A_146 : memref<10000x128xf32, #tpu.memory_space<hbm>>) target(%arg10 : memref<80x128xf32, #tpu.memory_space<vmem>>) offsets(%dma_start3A_143 : memref<80xi32, #tpu.memory_space<vmem>>) semaphore(%arg14 : memref<!tpu.dma_semaphore, #tpu.memory_space<semaphore_mem>>)
    %dma_wait3A_147 = arith.constant 24 : i32
    %dma_wait3A_148 = arith.constant 0 : i32
    %dma_wait3A_149 = tpu.memref_slice %arg8[%dma_wait3A_147, %dma_wait3A_148] : memref<25x80xi32, #tpu.memory_space<vmem>> -> memref<1x80xi32, #tpu.memory_space<vmem>>
    %dma_wait3A_150 = tpu.memref_squeeze %dma_wait3A_149 : memref<1x80xi32, #tpu.memory_space<vmem>> -> memref<80xi32, #tpu.memory_space<vmem>>
    %dma_wait3A_151 = arith.constant 0 : i32
    %dma_wait3A_152 = arith.constant 0 : i32
    %dma_wait3A_153 = tpu.memref_slice %arg2[%dma_wait3A_151, %dma_wait3A_152] : memref<10000x128xf32, #tpu.memory_space<hbm>> -> memref<10000x128xf32, #tpu.memory_space<hbm>>
    tpu.wait_indirect_dma semaphore(%arg14 : memref<!tpu.dma_semaphore, #tpu.memory_space<semaphore_mem>>) src(%dma_wait3A_153 : memref<10000x128xf32, #tpu.memory_space<hbm>>) dst(%arg10 : memref<80x128xf32, #tpu.memory_space<vmem>>)
    %get3A_154 = arith.constant 24 : i32
    %get3A_155 = arith.index_cast %get3A_154 : i32 to index
    %get3A_156 = arith.constant 0 : index
    %get3A_157 = tpu.vector_load %arg9[%get3A_155, %get3A_156] {strides = array<i32>} : memref<25x80xi32, #tpu.memory_space<vmem>>, vector<16xi32>,
    tpu.vector_store_idx %arg12[%get3A_157], %broadcast_in_dim3A_3 {add = true} : memref<10240xf32, #tpu.memory_space<vmem>>[vector<16xi32>], vector<16xf32>,
    %get3A_158 = arith.constant 24 : i32
    %get3A_159 = arith.index_cast %get3A_158 : i32 to index
    %get3A_160 = arith.constant 16 : index
    %get3A_161 = tpu.vector_load %arg9[%get3A_159, %get3A_160] {strides = array<i32>} : memref<25x80xi32, #tpu.memory_space<vmem>>, vector<16xi32>,
    tpu.vector_store_idx %arg12[%get3A_161], %broadcast_in_dim3A_3 {add = true} : memref<10240xf32, #tpu.memory_space<vmem>>[vector<16xi32>], vector<16xf32>,
    %get3A_162 = arith.constant 24 : i32
    %get3A_163 = arith.index_cast %get3A_162 : i32 to index
    %get3A_164 = arith.constant 32 : index
    %get3A_165 = tpu.vector_load %arg9[%get3A_163, %get3A_164] {strides = array<i32>} : memref<25x80xi32, #tpu.memory_space<vmem>>, vector<16xi32>,
    tpu.vector_store_idx %arg12[%get3A_165], %broadcast_in_dim3A_3 {add = true} : memref<10240xf32, #tpu.memory_space<vmem>>[vector<16xi32>], vector<16xf32>,
    %get3A_166 = arith.constant 24 : i32
    %get3A_167 = arith.index_cast %get3A_166 : i32 to index
    %get3A_168 = arith.constant 48 : index
    %get3A_169 = tpu.vector_load %arg9[%get3A_167, %get3A_168] {strides = array<i32>} : memref<25x80xi32, #tpu.memory_space<vmem>>, vector<16xi32>,
    tpu.vector_store_idx %arg12[%get3A_169], %broadcast_in_dim3A_3 {add = true} : memref<10240xf32, #tpu.memory_space<vmem>>[vector<16xi32>], vector<16xf32>,
    %get3A_170 = arith.constant 24 : i32
    %get3A_171 = arith.index_cast %get3A_170 : i32 to index
    %get3A_172 = arith.constant 64 : index
    %get3A_173 = tpu.vector_load %arg9[%get3A_171, %get3A_172] {strides = array<i32>} : memref<25x80xi32, #tpu.memory_space<vmem>>, vector<16xi32>,
    tpu.vector_store_idx %arg12[%get3A_173], %broadcast_in_dim3A_3 {add = true} : memref<10240xf32, #tpu.memory_space<vmem>>[vector<16xi32>], vector<16xf32>,
    %run_scoped3A_174 = arith.constant 24 : i32
    "tpu.region"() ({
      %run_scoped3A_224 = tpu.sem_alloc : memref<!tpu.dma_semaphore, #tpu.memory_space<semaphore_mem>>
      %dma_start3A_225 = arith.constant 0 : i32
      %dma_start3A_226 = tpu.memref_slice %arg9[%run_scoped3A_174, %dma_start3A_225] : memref<25x80xi32, #tpu.memory_space<vmem>> -> memref<1x80xi32, #tpu.memory_space<vmem>>
      %dma_start3A_227 = tpu.memref_squeeze %dma_start3A_226 : memref<1x80xi32, #tpu.memory_space<vmem>> -> memref<80xi32, #tpu.memory_space<vmem>>
      %dma_start3A_228 = arith.constant 0 : i32
      %dma_start3A_229 = arith.constant 0 : i32
      %dma_start3A_230 = tpu.memref_slice %arg13[%dma_start3A_228, %dma_start3A_229] : memref<10240x128xf32, #tpu.memory_space<vmem_shared>> -> memref<10240x128xf32, #tpu.memory_space<vmem_shared>>
      tpu.enqueue_indirect_dma source(%arg10 : memref<80x128xf32, #tpu.memory_space<vmem>>) target(%dma_start3A_230 : memref<10240x128xf32, #tpu.memory_space<vmem_shared>>) offsets(%dma_start3A_227 : memref<80xi32, #tpu.memory_space<vmem>>) semaphore(%run_scoped3A_224 : memref<!tpu.dma_semaphore, #tpu.memory_space<semaphore_mem>>) {add = true}
      %dma_wait3A_231 = arith.constant 0 : i32
      %dma_wait3A_232 = tpu.memref_slice %arg9[%run_scoped3A_174, %dma_wait3A_231] : memref<25x80xi32, #tpu.memory_space<vmem>> -> memref<1x80xi32, #tpu.memory_space<vmem>>
      %dma_wait3A_233 = tpu.memref_squeeze %dma_wait3A_232 : memref<1x80xi32, #tpu.memory_space<vmem>> -> memref<80xi32, #tpu.memory_space<vmem>>
      %dma_wait3A_234 = arith.constant 0 : i32
      %dma_wait3A_235 = arith.constant 0 : i32
      %dma_wait3A_236 = tpu.memref_slice %arg13[%dma_wait3A_234, %dma_wait3A_235] : memref<10240x128xf32, #tpu.memory_space<vmem_shared>> -> memref<10240x128xf32, #tpu.memory_space<vmem_shared>>
      tpu.wait_indirect_dma semaphore(%run_scoped3A_224 : memref<!tpu.dma_semaphore, #tpu.memory_space<semaphore_mem>>) src(%arg10 : memref<80x128xf32, #tpu.memory_space<vmem>>) dst(%dma_wait3A_236 : memref<10240x128xf32, #tpu.memory_space<vmem_shared>>)
      tpu.yield
    }) : () -> ()
    %run_scoped3A_175 = arith.constant 0 : i32
    %run_scoped3A_176 = arith.constant 4 : i32
    "tpu.region"() ({
      %run_scoped3A_224 = tpu.sem_alloc : memref<!tpu.dma_semaphore, #tpu.memory_space<semaphore_mem>>
      %dma_start3A_225 = arith.constant 0 : i32
      %dma_start3A_226 = arith.constant 0 : i32
      %dma_start3A_227 = tpu.memref_slice %arg3[%run_scoped3A_175, %add3A, %run_scoped3A_176, %dma_start3A_225, %dma_start3A_226] : memref<2x32x5x25x80xi32, #tpu.memory_space<hbm>> -> memref<1x1x1x25x80xi32, #tpu.memory_space<hbm>>
      %dma_start3A_228 = tpu.memref_squeeze %dma_start3A_227 : memref<1x1x1x25x80xi32, #tpu.memory_space<hbm>> -> memref<25x80xi32, #tpu.memory_space<hbm>>
      %dma_start3A_229 = arith.constant 0 : i32
      %dma_start3A_230 = arith.constant 0 : i32
      %dma_start3A_231 = tpu.memref_slice %arg3[%run_scoped3A_175, %add3A, %run_scoped3A_176, %dma_start3A_229, %dma_start3A_230] : memref<2x32x5x25x80xi32, #tpu.memory_space<hbm>> -> memref<1x1x1x25x80xi32, #tpu.memory_space<hbm>>
      %dma_start3A_232 = tpu.memref_squeeze %dma_start3A_231 : memref<1x1x1x25x80xi32, #tpu.memory_space<hbm>> -> memref<25x80xi32, #tpu.memory_space<hbm>>
      tpu.enqueue_dma source(%dma_start3A_232 : memref<25x80xi32, #tpu.memory_space<hbm>>) target(%arg8 : memref<25x80xi32, #tpu.memory_space<vmem>>) target_semaphore(%run_scoped3A_224 : memref<!tpu.dma_semaphore, #tpu.memory_space<semaphore_mem>>)
      %dma_wait3A_233 = arith.constant 0 : i32
      %dma_wait3A_234 = arith.constant 0 : i32
      %dma_wait3A_235 = tpu.memref_slice %arg3[%run_scoped3A_175, %add3A, %run_scoped3A_176, %dma_wait3A_233, %dma_wait3A_234] : memref<2x32x5x25x80xi32, #tpu.memory_space<hbm>> -> memref<1x1x1x25x80xi32, #tpu.memory_space<hbm>>
      %dma_wait3A_236 = tpu.memref_squeeze %dma_wait3A_235 : memref<1x1x1x25x80xi32, #tpu.memory_space<hbm>> -> memref<25x80xi32, #tpu.memory_space<hbm>>
      %dma_wait3A_237 = arith.constant 0 : i32
      %dma_wait3A_238 = arith.constant 0 : i32
      %dma_wait3A_239 = tpu.memref_slice %arg3[%run_scoped3A_175, %add3A, %run_scoped3A_176, %dma_wait3A_237, %dma_wait3A_238] : memref<2x32x5x25x80xi32, #tpu.memory_space<hbm>> -> memref<1x1x1x25x80xi32, #tpu.memory_space<hbm>>
      %dma_wait3A_240 = tpu.memref_squeeze %dma_wait3A_239 : memref<1x1x1x25x80xi32, #tpu.memory_space<hbm>> -> memref<25x80xi32, #tpu.memory_space<hbm>>
      tpu.wait_dma2 semaphore(%run_scoped3A_224 : memref<!tpu.dma_semaphore, #tpu.memory_space<semaphore_mem>>) src(%dma_wait3A_240 : memref<25x80xi32, #tpu.memory_space<hbm>>) dst(%arg8 : memref<25x80xi32, #tpu.memory_space<vmem>>)
      tpu.yield
    }) : () -> ()
    %run_scoped3A_177 = arith.constant 1 : i32
    %run_scoped3A_178 = arith.constant 4 : i32
    "tpu.region"() ({
      %run_scoped3A_224 = tpu.sem_alloc : memref<!tpu.dma_semaphore, #tpu.memory_space<semaphore_mem>>
      %dma_start3A_225 = arith.constant 0 : i32
      %dma_start3A_226 = arith.constant 0 : i32
      %dma_start3A_227 = tpu.memref_slice %arg3[%run_scoped3A_177, %add3A, %run_scoped3A_178, %dma_start3A_225, %dma_start3A_226] : memref<2x32x5x25x80xi32, #tpu.memory_space<hbm>> -> memref<1x1x1x25x80xi32, #tpu.memory_space<hbm>>
      %dma_start3A_228 = tpu.memref_squeeze %dma_start3A_227 : memref<1x1x1x25x80xi32, #tpu.memory_space<hbm>> -> memref<25x80xi32, #tpu.memory_space<hbm>>
      %dma_start3A_229 = arith.constant 0 : i32
      %dma_start3A_230 = arith.constant 0 : i32
      %dma_start3A_231 = tpu.memref_slice %arg3[%run_scoped3A_177, %add3A, %run_scoped3A_178, %dma_start3A_229, %dma_start3A_230] : memref<2x32x5x25x80xi32, #tpu.memory_space<hbm>> -> memref<1x1x1x25x80xi32, #tpu.memory_space<hbm>>
      %dma_start3A_232 = tpu.memref_squeeze %dma_start3A_231 : memref<1x1x1x25x80xi32, #tpu.memory_space<hbm>> -> memref<25x80xi32, #tpu.memory_space<hbm>>
      tpu.enqueue_dma source(%dma_start3A_232 : memref<25x80xi32, #tpu.memory_space<hbm>>) target(%arg9 : memref<25x80xi32, #tpu.memory_space<vmem>>) target_semaphore(%run_scoped3A_224 : memref<!tpu.dma_semaphore, #tpu.memory_space<semaphore_mem>>)
      %dma_wait3A_233 = arith.constant 0 : i32
      %dma_wait3A_234 = arith.constant 0 : i32
      %dma_wait3A_235 = tpu.memref_slice %arg3[%run_scoped3A_177, %add3A, %run_scoped3A_178, %dma_wait3A_233, %dma_wait3A_234] : memref<2x32x5x25x80xi32, #tpu.memory_space<hbm>> -> memref<1x1x1x25x80xi32, #tpu.memory_space<hbm>>
      %dma_wait3A_236 = tpu.memref_squeeze %dma_wait3A_235 : memref<1x1x1x25x80xi32, #tpu.memory_space<hbm>> -> memref<25x80xi32, #tpu.memory_space<hbm>>
      %dma_wait3A_237 = arith.constant 0 : i32
      %dma_wait3A_238 = arith.constant 0 : i32
      %dma_wait3A_239 = tpu.memref_slice %arg3[%run_scoped3A_177, %add3A, %run_scoped3A_178, %dma_wait3A_237, %dma_wait3A_238] : memref<2x32x5x25x80xi32, #tpu.memory_space<hbm>> -> memref<1x1x1x25x80xi32, #tpu.memory_space<hbm>>
      %dma_wait3A_240 = tpu.memref_squeeze %dma_wait3A_239 : memref<1x1x1x25x80xi32, #tpu.memory_space<hbm>> -> memref<25x80xi32, #tpu.memory_space<hbm>>
      tpu.wait_dma2 semaphore(%run_scoped3A_224 : memref<!tpu.dma_semaphore, #tpu.memory_space<semaphore_mem>>) src(%dma_wait3A_240 : memref<25x80xi32, #tpu.memory_space<hbm>>) dst(%arg9 : memref<25x80xi32, #tpu.memory_space<vmem>>)
      tpu.yield
    }) : () -> ()
    %scan3A_179 = arith.constant 0 : i32
    %scan3A_180 = arith.constant 12 : i32
    %scan3A_181 = arith.addi %scan3A_179, %scan3A_180 : i32
    %scan3A_182 = arith.constant 1 : i32
    scf.for %scan3A_224 = %scan3A_179 to %scan3A_181 step %scan3A_182  : i32 {
      %mul3A_225 = arith.constant 1 : i32
      %mul3A_226 = arith.muli %scan3A_224, %mul3A_225 : i32
      %add3A_227 = arith.constant 0 : i32
      %add3A_228 = arith.addi %add3A_227, %mul3A_226 : i32
      %mul3A_229 = arith.constant 2 : i32
      %mul3A_230 = arith.muli %add3A_228, %mul3A_229 : i32
      %add3A_231 = arith.constant 1 : i32
      %add3A_232 = arith.addi %mul3A_230, %add3A_231 : i32
      %dma_start3A_233 = arith.constant 0 : i32
      %dma_start3A_234 = tpu.memref_slice %arg8[%mul3A_230, %dma_start3A_233] : memref<25x80xi32, #tpu.memory_space<vmem>> -> memref<1x80xi32, #tpu.memory_space<vmem>>
      %dma_start3A_235 = tpu.memref_squeeze %dma_start3A_234 : memref<1x80xi32, #tpu.memory_space<vmem>> -> memref<80xi32, #tpu.memory_space<vmem>>
      %dma_start3A_236 = arith.constant 0 : i32
      %dma_start3A_237 = arith.constant 0 : i32
      %dma_start3A_238 = tpu.memref_slice %arg2[%dma_start3A_236, %dma_start3A_237] : memref<10000x128xf32, #tpu.memory_space<hbm>> -> memref<10000x128xf32, #tpu.memory_space<hbm>>
      tpu.enqueue_indirect_dma source(%dma_start3A_238 : memref<10000x128xf32, #tpu.memory_space<hbm>>) target(%arg10 : memref<80x128xf32, #tpu.memory_space<vmem>>) offsets(%dma_start3A_235 : memref<80xi32, #tpu.memory_space<vmem>>) semaphore(%arg14 : memref<!tpu.dma_semaphore, #tpu.memory_space<semaphore_mem>>)
      %dma_start3A_239 = arith.constant 0 : i32
      %dma_start3A_240 = tpu.memref_slice %arg8[%add3A_232, %dma_start3A_239] : memref<25x80xi32, #tpu.memory_space<vmem>> -> memref<1x80xi32, #tpu.memory_space<vmem>>
      %dma_start3A_241 = tpu.memref_squeeze %dma_start3A_240 : memref<1x80xi32, #tpu.memory_space<vmem>> -> memref<80xi32, #tpu.memory_space<vmem>>
      %dma_start3A_242 = arith.constant 0 : i32
      %dma_start3A_243 = arith.constant 0 : i32
      %dma_start3A_244 = tpu.memref_slice %arg2[%dma_start3A_242, %dma_start3A_243] : memref<10000x128xf32, #tpu.memory_space<hbm>> -> memref<10000x128xf32, #tpu.memory_space<hbm>>
      tpu.enqueue_indirect_dma source(%dma_start3A_244 : memref<10000x128xf32, #tpu.memory_space<hbm>>) target(%arg11 : memref<80x128xf32, #tpu.memory_space<vmem>>) offsets(%dma_start3A_241 : memref<80xi32, #tpu.memory_space<vmem>>) semaphore(%arg15 : memref<!tpu.dma_semaphore, #tpu.memory_space<semaphore_mem>>)
      %get3A_245 = arith.index_cast %mul3A_230 : i32 to index
      %get3A_246 = arith.constant 0 : index
      %get3A_247 = tpu.vector_load %arg9[%get3A_245, %get3A_246] {strides = array<i32>} : memref<25x80xi32, #tpu.memory_space<vmem>>, vector<16xi32>,
      tpu.vector_store_idx %arg12[%get3A_247], %broadcast_in_dim3A_3 {add = true} : memref<10240xf32, #tpu.memory_space<vmem>>[vector<16xi32>], vector<16xf32>,
      %get3A_248 = arith.index_cast %mul3A_230 : i32 to index
      %get3A_249 = arith.constant 16 : index
      %get3A_250 = tpu.vector_load %arg9[%get3A_248, %get3A_249] {strides = array<i32>} : memref<25x80xi32, #tpu.memory_space<vmem>>, vector<16xi32>,
      tpu.vector_store_idx %arg12[%get3A_250], %broadcast_in_dim3A_3 {add = true} : memref<10240xf32, #tpu.memory_space<vmem>>[vector<16xi32>], vector<16xf32>,
      %get3A_251 = arith.index_cast %mul3A_230 : i32 to index
      %get3A_252 = arith.constant 32 : index
      %get3A_253 = tpu.vector_load %arg9[%get3A_251, %get3A_252] {strides = array<i32>} : memref<25x80xi32, #tpu.memory_space<vmem>>, vector<16xi32>,
      tpu.vector_store_idx %arg12[%get3A_253], %broadcast_in_dim3A_3 {add = true} : memref<10240xf32, #tpu.memory_space<vmem>>[vector<16xi32>], vector<16xf32>,
      %get3A_254 = arith.index_cast %mul3A_230 : i32 to index
      %get3A_255 = arith.constant 48 : index
      %get3A_256 = tpu.vector_load %arg9[%get3A_254, %get3A_255] {strides = array<i32>} : memref<25x80xi32, #tpu.memory_space<vmem>>, vector<16xi32>,
      tpu.vector_store_idx %arg12[%get3A_256], %broadcast_in_dim3A_3 {add = true} : memref<10240xf32, #tpu.memory_space<vmem>>[vector<16xi32>], vector<16xf32>,
      %get3A_257 = arith.index_cast %mul3A_230 : i32 to index
      %get3A_258 = arith.constant 64 : index
      %get3A_259 = tpu.vector_load %arg9[%get3A_257, %get3A_258] {strides = array<i32>} : memref<25x80xi32, #tpu.memory_space<vmem>>, vector<16xi32>,
      tpu.vector_store_idx %arg12[%get3A_259], %broadcast_in_dim3A_3 {add = true} : memref<10240xf32, #tpu.memory_space<vmem>>[vector<16xi32>], vector<16xf32>,
      %dma_wait3A_260 = arith.constant 0 : i32
      %dma_wait3A_261 = tpu.memref_slice %arg8[%mul3A_230, %dma_wait3A_260] : memref<25x80xi32, #tpu.memory_space<vmem>> -> memref<1x80xi32, #tpu.memory_space<vmem>>
      %dma_wait3A_262 = tpu.memref_squeeze %dma_wait3A_261 : memref<1x80xi32, #tpu.memory_space<vmem>> -> memref<80xi32, #tpu.memory_space<vmem>>
      %dma_wait3A_263 = arith.constant 0 : i32
      %dma_wait3A_264 = arith.constant 0 : i32
      %dma_wait3A_265 = tpu.memref_slice %arg2[%dma_wait3A_263, %dma_wait3A_264] : memref<10000x128xf32, #tpu.memory_space<hbm>> -> memref<10000x128xf32, #tpu.memory_space<hbm>>
      tpu.wait_indirect_dma semaphore(%arg14 : memref<!tpu.dma_semaphore, #tpu.memory_space<semaphore_mem>>) src(%dma_wait3A_265 : memref<10000x128xf32, #tpu.memory_space<hbm>>) dst(%arg10 : memref<80x128xf32, #tpu.memory_space<vmem>>)
      "tpu.region"() ({
        %run_scoped3A_287 = tpu.sem_alloc : memref<!tpu.dma_semaphore, #tpu.memory_space<semaphore_mem>>
        %dma_start3A_288 = arith.constant 0 : i32
        %dma_start3A_289 = tpu.memref_slice %arg9[%mul3A_230, %dma_start3A_288] : memref<25x80xi32, #tpu.memory_space<vmem>> -> memref<1x80xi32, #tpu.memory_space<vmem>>
        %dma_start3A_290 = tpu.memref_squeeze %dma_start3A_289 : memref<1x80xi32, #tpu.memory_space<vmem>> -> memref<80xi32, #tpu.memory_space<vmem>>
        %dma_start3A_291 = arith.constant 0 : i32
        %dma_start3A_292 = arith.constant 0 : i32
        %dma_start3A_293 = tpu.memref_slice %arg13[%dma_start3A_291, %dma_start3A_292] : memref<10240x128xf32, #tpu.memory_space<vmem_shared>> -> memref<10240x128xf32, #tpu.memory_space<vmem_shared>>
        tpu.enqueue_indirect_dma source(%arg10 : memref<80x128xf32, #tpu.memory_space<vmem>>) target(%dma_start3A_293 : memref<10240x128xf32, #tpu.memory_space<vmem_shared>>) offsets(%dma_start3A_290 : memref<80xi32, #tpu.memory_space<vmem>>) semaphore(%run_scoped3A_287 : memref<!tpu.dma_semaphore, #tpu.memory_space<semaphore_mem>>) {add = true}
        %dma_wait3A_294 = arith.constant 0 : i32
        %dma_wait3A_295 = tpu.memref_slice %arg9[%mul3A_230, %dma_wait3A_294] : memref<25x80xi32, #tpu.memory_space<vmem>> -> memref<1x80xi32, #tpu.memory_space<vmem>>
        %dma_wait3A_296 = tpu.memref_squeeze %dma_wait3A_295 : memref<1x80xi32, #tpu.memory_space<vmem>> -> memref<80xi32, #tpu.memory_space<vmem>>
        %dma_wait3A_297 = arith.constant 0 : i32
        %dma_wait3A_298 = arith.constant 0 : i32
        %dma_wait3A_299 = tpu.memref_slice %arg13[%dma_wait3A_297, %dma_wait3A_298] : memref<10240x128xf32, #tpu.memory_space<vmem_shared>> -> memref<10240x128xf32, #tpu.memory_space<vmem_shared>>
        tpu.wait_indirect_dma semaphore(%run_scoped3A_287 : memref<!tpu.dma_semaphore, #tpu.memory_space<semaphore_mem>>) src(%arg10 : memref<80x128xf32, #tpu.memory_space<vmem>>) dst(%dma_wait3A_299 : memref<10240x128xf32, #tpu.memory_space<vmem_shared>>)
        tpu.yield
      }) : () -> ()
      %get3A_266 = arith.index_cast %add3A_232 : i32 to index
      %get3A_267 = arith.constant 0 : index
      %get3A_268 = tpu.vector_load %arg9[%get3A_266, %get3A_267] {strides = array<i32>} : memref<25x80xi32, #tpu.memory_space<vmem>>, vector<16xi32>,
      tpu.vector_store_idx %arg12[%get3A_268], %broadcast_in_dim3A_3 {add = true} : memref<10240xf32, #tpu.memory_space<vmem>>[vector<16xi32>], vector<16xf32>,
      %get3A_269 = arith.index_cast %add3A_232 : i32 to index
      %get3A_270 = arith.constant 16 : index
      %get3A_271 = tpu.vector_load %arg9[%get3A_269, %get3A_270] {strides = array<i32>} : memref<25x80xi32, #tpu.memory_space<vmem>>, vector<16xi32>,
      tpu.vector_store_idx %arg12[%get3A_271], %broadcast_in_dim3A_3 {add = true} : memref<10240xf32, #tpu.memory_space<vmem>>[vector<16xi32>], vector<16xf32>,
      %get3A_272 = arith.index_cast %add3A_232 : i32 to index
      %get3A_273 = arith.constant 32 : index
      %get3A_274 = tpu.vector_load %arg9[%get3A_272, %get3A_273] {strides = array<i32>} : memref<25x80xi32, #tpu.memory_space<vmem>>, vector<16xi32>,
      tpu.vector_store_idx %arg12[%get3A_274], %broadcast_in_dim3A_3 {add = true} : memref<10240xf32, #tpu.memory_space<vmem>>[vector<16xi32>], vector<16xf32>,
      %get3A_275 = arith.index_cast %add3A_232 : i32 to index
      %get3A_276 = arith.constant 48 : index
      %get3A_277 = tpu.vector_load %arg9[%get3A_275, %get3A_276] {strides = array<i32>} : memref<25x80xi32, #tpu.memory_space<vmem>>, vector<16xi32>,
      tpu.vector_store_idx %arg12[%get3A_277], %broadcast_in_dim3A_3 {add = true} : memref<10240xf32, #tpu.memory_space<vmem>>[vector<16xi32>], vector<16xf32>,
      %get3A_278 = arith.index_cast %add3A_232 : i32 to index
      %get3A_279 = arith.constant 64 : index
      %get3A_280 = tpu.vector_load %arg9[%get3A_278, %get3A_279] {strides = array<i32>} : memref<25x80xi32, #tpu.memory_space<vmem>>, vector<16xi32>,
      tpu.vector_store_idx %arg12[%get3A_280], %broadcast_in_dim3A_3 {add = true} : memref<10240xf32, #tpu.memory_space<vmem>>[vector<16xi32>], vector<16xf32>,
      %dma_wait3A_281 = arith.constant 0 : i32
      %dma_wait3A_282 = tpu.memref_slice %arg8[%add3A_232, %dma_wait3A_281] : memref<25x80xi32, #tpu.memory_space<vmem>> -> memref<1x80xi32, #tpu.memory_space<vmem>>
      %dma_wait3A_283 = tpu.memref_squeeze %dma_wait3A_282 : memref<1x80xi32, #tpu.memory_space<vmem>> -> memref<80xi32, #tpu.memory_space<vmem>>
      %dma_wait3A_284 = arith.constant 0 : i32
      %dma_wait3A_285 = arith.constant 0 : i32
      %dma_wait3A_286 = tpu.memref_slice %arg2[%dma_wait3A_284, %dma_wait3A_285] : memref<10000x128xf32, #tpu.memory_space<hbm>> -> memref<10000x128xf32, #tpu.memory_space<hbm>>
      tpu.wait_indirect_dma semaphore(%arg15 : memref<!tpu.dma_semaphore, #tpu.memory_space<semaphore_mem>>) src(%dma_wait3A_286 : memref<10000x128xf32, #tpu.memory_space<hbm>>) dst(%arg11 : memref<80x128xf32, #tpu.memory_space<vmem>>)
      "tpu.region"() ({
        %run_scoped3A_287 = tpu.sem_alloc : memref<!tpu.dma_semaphore, #tpu.memory_space<semaphore_mem>>
        %dma_start3A_288 = arith.constant 0 : i32
        %dma_start3A_289 = tpu.memref_slice %arg9[%add3A_232, %dma_start3A_288] : memref<25x80xi32, #tpu.memory_space<vmem>> -> memref<1x80xi32, #tpu.memory_space<vmem>>
        %dma_start3A_290 = tpu.memref_squeeze %dma_start3A_289 : memref<1x80xi32, #tpu.memory_space<vmem>> -> memref<80xi32, #tpu.memory_space<vmem>>
        %dma_start3A_291 = arith.constant 0 : i32
        %dma_start3A_292 = arith.constant 0 : i32
        %dma_start3A_293 = tpu.memref_slice %arg13[%dma_start3A_291, %dma_start3A_292] : memref<10240x128xf32, #tpu.memory_space<vmem_shared>> -> memref<10240x128xf32, #tpu.memory_space<vmem_shared>>
        tpu.enqueue_indirect_dma source(%arg11 : memref<80x128xf32, #tpu.memory_space<vmem>>) target(%dma_start3A_293 : memref<10240x128xf32, #tpu.memory_space<vmem_shared>>) offsets(%dma_start3A_290 : memref<80xi32, #tpu.memory_space<vmem>>) semaphore(%run_scoped3A_287 : memref<!tpu.dma_semaphore, #tpu.memory_space<semaphore_mem>>) {add = true}
        %dma_wait3A_294 = arith.constant 0 : i32
        %dma_wait3A_295 = tpu.memref_slice %arg9[%add3A_232, %dma_wait3A_294] : memref<25x80xi32, #tpu.memory_space<vmem>> -> memref<1x80xi32, #tpu.memory_space<vmem>>
        %dma_wait3A_296 = tpu.memref_squeeze %dma_wait3A_295 : memref<1x80xi32, #tpu.memory_space<vmem>> -> memref<80xi32, #tpu.memory_space<vmem>>
        %dma_wait3A_297 = arith.constant 0 : i32
        %dma_wait3A_298 = arith.constant 0 : i32
        %dma_wait3A_299 = tpu.memref_slice %arg13[%dma_wait3A_297, %dma_wait3A_298] : memref<10240x128xf32, #tpu.memory_space<vmem_shared>> -> memref<10240x128xf32, #tpu.memory_space<vmem_shared>>
        tpu.wait_indirect_dma semaphore(%run_scoped3A_287 : memref<!tpu.dma_semaphore, #tpu.memory_space<semaphore_mem>>) src(%arg11 : memref<80x128xf32, #tpu.memory_space<vmem>>) dst(%dma_wait3A_299 : memref<10240x128xf32, #tpu.memory_space<vmem_shared>>)
        tpu.yield
      }) : () -> ()
    }
    %scan3A_183 = arith.constant 12 : i32
    %dma_start3A_184 = arith.constant 24 : i32
    %dma_start3A_185 = arith.constant 0 : i32
    %dma_start3A_186 = tpu.memref_slice %arg8[%dma_start3A_184, %dma_start3A_185] : memref<25x80xi32, #tpu.memory_space<vmem>> -> memref<1x80xi32, #tpu.memory_space<vmem>>
    %dma_start3A_187 = tpu.memref_squeeze %dma_start3A_186 : memref<1x80xi32, #tpu.memory_space<vmem>> -> memref<80xi32, #tpu.memory_space<vmem>>
    %dma_start3A_188 = arith.constant 0 : i32
    %dma_start3A_189 = arith.constant 0 : i32
    %dma_start3A_190 = tpu.memref_slice %arg2[%dma_start3A_188, %dma_start3A_189] : memref<10000x128xf32, #tpu.memory_space<hbm>> -> memref<10000x128xf32, #tpu.memory_space<hbm>>
    tpu.enqueue_indirect_dma source(%dma_start3A_190 : memref<10000x128xf32, #tpu.memory_space<hbm>>) target(%arg10 : memref<80x128xf32, #tpu.memory_space<vmem>>) offsets(%dma_start3A_187 : memref<80xi32, #tpu.memory_space<vmem>>) semaphore(%arg14 : memref<!tpu.dma_semaphore, #tpu.memory_space<semaphore_mem>>)
    %dma_wait3A_191 = arith.constant 24 : i32
    %dma_wait3A_192 = arith.constant 0 : i32
    %dma_wait3A_193 = tpu.memref_slice %arg8[%dma_wait3A_191, %dma_wait3A_192] : memref<25x80xi32, #tpu.memory_space<vmem>> -> memref<1x80xi32, #tpu.memory_space<vmem>>
    %dma_wait3A_194 = tpu.memref_squeeze %dma_wait3A_193 : memref<1x80xi32, #tpu.memory_space<vmem>> -> memref<80xi32, #tpu.memory_space<vmem>>
    %dma_wait3A_195 = arith.constant 0 : i32
    %dma_wait3A_196 = arith.constant 0 : i32
    %dma_wait3A_197 = tpu.memref_slice %arg2[%dma_wait3A_195, %dma_wait3A_196] : memref<10000x128xf32, #tpu.memory_space<hbm>> -> memref<10000x128xf32, #tpu.memory_space<hbm>>
    tpu.wait_indirect_dma semaphore(%arg14 : memref<!tpu.dma_semaphore, #tpu.memory_space<semaphore_mem>>) src(%dma_wait3A_197 : memref<10000x128xf32, #tpu.memory_space<hbm>>) dst(%arg10 : memref<80x128xf32, #tpu.memory_space<vmem>>)
    %get3A_198 = arith.constant 24 : i32
    %get3A_199 = arith.index_cast %get3A_198 : i32 to index
    %get3A_200 = arith.constant 0 : index
    %get3A_201 = tpu.vector_load %arg9[%get3A_199, %get3A_200] {strides = array<i32>} : memref<25x80xi32, #tpu.memory_space<vmem>>, vector<16xi32>,
    tpu.vector_store_idx %arg12[%get3A_201], %broadcast_in_dim3A_3 {add = true} : memref<10240xf32, #tpu.memory_space<vmem>>[vector<16xi32>], vector<16xf32>,
    %get3A_202 = arith.constant 24 : i32
    %get3A_203 = arith.index_cast %get3A_202 : i32 to index
    %get3A_204 = arith.constant 16 : index
    %get3A_205 = tpu.vector_load %arg9[%get3A_203, %get3A_204] {strides = array<i32>} : memref<25x80xi32, #tpu.memory_space<vmem>>, vector<16xi32>,
    tpu.vector_store_idx %arg12[%get3A_205], %broadcast_in_dim3A_3 {add = true} : memref<10240xf32, #tpu.memory_space<vmem>>[vector<16xi32>], vector<16xf32>,
    %get3A_206 = arith.constant 24 : i32
    %get3A_207 = arith.index_cast %get3A_206 : i32 to index
    %get3A_208 = arith.constant 32 : index
    %get3A_209 = tpu.vector_load %arg9[%get3A_207, %get3A_208] {strides = array<i32>} : memref<25x80xi32, #tpu.memory_space<vmem>>, vector<16xi32>,
    tpu.vector_store_idx %arg12[%get3A_209], %broadcast_in_dim3A_3 {add = true} : memref<10240xf32, #tpu.memory_space<vmem>>[vector<16xi32>], vector<16xf32>,
    %get3A_210 = arith.constant 24 : i32
    %get3A_211 = arith.index_cast %get3A_210 : i32 to index
    %get3A_212 = arith.constant 48 : index
    %get3A_213 = tpu.vector_load %arg9[%get3A_211, %get3A_212] {strides = array<i32>} : memref<25x80xi32, #tpu.memory_space<vmem>>, vector<16xi32>,
    tpu.vector_store_idx %arg12[%get3A_213], %broadcast_in_dim3A_3 {add = true} : memref<10240xf32, #tpu.memory_space<vmem>>[vector<16xi32>], vector<16xf32>,
    %get3A_214 = arith.constant 24 : i32
    %get3A_215 = arith.index_cast %get3A_214 : i32 to index
    %get3A_216 = arith.constant 64 : index
    %get3A_217 = tpu.vector_load %arg9[%get3A_215, %get3A_216] {strides = array<i32>} : memref<25x80xi32, #tpu.memory_space<vmem>>, vector<16xi32>,
    tpu.vector_store_idx %arg12[%get3A_217], %broadcast_in_dim3A_3 {add = true} : memref<10240xf32, #tpu.memory_space<vmem>>[vector<16xi32>], vector<16xf32>,
    %run_scoped3A_218 = arith.constant 24 : i32
    "tpu.region"() ({
      %run_scoped3A_224 = tpu.sem_alloc : memref<!tpu.dma_semaphore, #tpu.memory_space<semaphore_mem>>
      %dma_start3A_225 = arith.constant 0 : i32
      %dma_start3A_226 = tpu.memref_slice %arg9[%run_scoped3A_218, %dma_start3A_225] : memref<25x80xi32, #tpu.memory_space<vmem>> -> memref<1x80xi32, #tpu.memory_space<vmem>>
      %dma_start3A_227 = tpu.memref_squeeze %dma_start3A_226 : memref<1x80xi32, #tpu.memory_space<vmem>> -> memref<80xi32, #tpu.memory_space<vmem>>
      %dma_start3A_228 = arith.constant 0 : i32
      %dma_start3A_229 = arith.constant 0 : i32
      %dma_start3A_230 = tpu.memref_slice %arg13[%dma_start3A_228, %dma_start3A_229] : memref<10240x128xf32, #tpu.memory_space<vmem_shared>> -> memref<10240x128xf32, #tpu.memory_space<vmem_shared>>
      tpu.enqueue_indirect_dma source(%arg10 : memref<80x128xf32, #tpu.memory_space<vmem>>) target(%dma_start3A_230 : memref<10240x128xf32, #tpu.memory_space<vmem_shared>>) offsets(%dma_start3A_227 : memref<80xi32, #tpu.memory_space<vmem>>) semaphore(%run_scoped3A_224 : memref<!tpu.dma_semaphore, #tpu.memory_space<semaphore_mem>>) {add = true}
      %dma_wait3A_231 = arith.constant 0 : i32
      %dma_wait3A_232 = tpu.memref_slice %arg9[%run_scoped3A_218, %dma_wait3A_231] : memref<25x80xi32, #tpu.memory_space<vmem>> -> memref<1x80xi32, #tpu.memory_space<vmem>>
      %dma_wait3A_233 = tpu.memref_squeeze %dma_wait3A_232 : memref<1x80xi32, #tpu.memory_space<vmem>> -> memref<80xi32, #tpu.memory_space<vmem>>
      %dma_wait3A_234 = arith.constant 0 : i32
      %dma_wait3A_235 = arith.constant 0 : i32
      %dma_wait3A_236 = tpu.memref_slice %arg13[%dma_wait3A_234, %dma_wait3A_235] : memref<10240x128xf32, #tpu.memory_space<vmem_shared>> -> memref<10240x128xf32, #tpu.memory_space<vmem_shared>>
      tpu.wait_indirect_dma semaphore(%run_scoped3A_224 : memref<!tpu.dma_semaphore, #tpu.memory_space<semaphore_mem>>) src(%arg10 : memref<80x128xf32, #tpu.memory_space<vmem>>) dst(%dma_wait3A_236 : memref<10240x128xf32, #tpu.memory_space<vmem_shared>>)
      tpu.yield
    }) : () -> ()
    %barrier3A_219 = arith.constant 0 : index
    tpu.barrier barrier_id(%barrier3A_219)
    %mul3A_220 = arith.constant 640 : i32
    %mul3A_221 = arith.muli %arg1, %mul3A_220 : i32
    %mul3A_222 = arith.constant 640 : i32
    %mul3A_223 = arith.muli %arg1, %mul3A_222 : i32
    "tpu.region"() ({
      %run_scoped3A_224 = tpu.sem_alloc : memref<!tpu.dma_semaphore, #tpu.memory_space<semaphore_mem>>
      %dma_start3A_225 = arith.constant 0 : i32
      %dma_start3A_226 = tpu.memref_slice %arg6[%arg0, %mul3A_223, %dma_start3A_225] : memref<2x10240x128xf32, #tpu.memory_space<hbm>> -> memref<1x640x128xf32, #tpu.memory_space<hbm>>
      %dma_start3A_227 = tpu.memref_squeeze %dma_start3A_226 : memref<1x640x128xf32, #tpu.memory_space<hbm>> -> memref<640x128xf32, #tpu.memory_space<hbm>>
      %dma_start3A_228 = arith.constant 0 : i32
      %dma_start3A_229 = tpu.memref_slice %arg13[%mul3A_221, %dma_start3A_228] : memref<10240x128xf32, #tpu.memory_space<vmem_shared>> -> memref<640x128xf32, #tpu.memory_space<vmem_shared>>
      tpu.enqueue_dma source(%dma_start3A_229 : memref<640x128xf32, #tpu.memory_space<vmem_shared>>) target(%dma_start3A_227 : memref<640x128xf32, #tpu.memory_space<hbm>>) target_semaphore(%run_scoped3A_224 : memref<!tpu.dma_semaphore, #tpu.memory_space<semaphore_mem>>)
      %dma_wait3A_230 = arith.constant 0 : i32
      %dma_wait3A_231 = tpu.memref_slice %arg6[%arg0, %mul3A_223, %dma_wait3A_230] : memref<2x10240x128xf32, #tpu.memory_space<hbm>> -> memref<1x640x128xf32, #tpu.memory_space<hbm>>
      %dma_wait3A_232 = tpu.memref_squeeze %dma_wait3A_231 : memref<1x640x128xf32, #tpu.memory_space<hbm>> -> memref<640x128xf32, #tpu.memory_space<hbm>>
      %dma_wait3A_233 = arith.constant 0 : i32
      %dma_wait3A_234 = tpu.memref_slice %arg13[%mul3A_221, %dma_wait3A_233] : memref<10240x128xf32, #tpu.memory_space<vmem_shared>> -> memref<640x128xf32, #tpu.memory_space<vmem_shared>>
      tpu.wait_dma2 semaphore(%run_scoped3A_224 : memref<!tpu.dma_semaphore, #tpu.memory_space<semaphore_mem>>) src(%dma_wait3A_234 : memref<640x128xf32, #tpu.memory_space<vmem_shared>>) dst(%dma_wait3A_232 : memref<640x128xf32, #tpu.memory_space<hbm>>)
      tpu.yield
    }) : () -> ()
    "tpu.region"() ({
      %run_scoped3A_224 = tpu.sem_alloc : memref<!tpu.dma_semaphore, #tpu.memory_space<semaphore_mem>>
      %dma_start3A_225 = arith.constant 0 : i32
      %dma_start3A_226 = tpu.memref_slice %arg7[%arg0, %arg1, %dma_start3A_225] : memref<2x16x10240xf32, #tpu.memory_space<hbm>> -> memref<1x1x10240xf32, #tpu.memory_space<hbm>>
      %dma_start3A_227 = tpu.memref_squeeze %dma_start3A_226 : memref<1x1x10240xf32, #tpu.memory_space<hbm>> -> memref<10240xf32, #tpu.memory_space<hbm>>
      %dma_start3A_228 = arith.constant 0 : i32
      %dma_start3A_229 = tpu.memref_slice %arg7[%arg0, %arg1, %dma_start3A_228] : memref<2x16x10240xf32, #tpu.memory_space<hbm>> -> memref<1x1x10240xf32, #tpu.memory_space<hbm>>
      %dma_start3A_230 = tpu.memref_squeeze %dma_start3A_229 : memref<1x1x10240xf32, #tpu.memory_space<hbm>> -> memref<10240xf32, #tpu.memory_space<hbm>>
      tpu.enqueue_dma source(%arg12 : memref<10240xf32, #tpu.memory_space<vmem>>) target(%dma_start3A_230 : memref<10240xf32, #tpu.memory_space<hbm>>) target_semaphore(%run_scoped3A_224 : memref<!tpu.dma_semaphore, #tpu.memory_space<semaphore_mem>>)
      %dma_wait3A_231 = arith.constant 0 : i32
      %dma_wait3A_232 = tpu.memref_slice %arg7[%arg0, %arg1, %dma_wait3A_231] : memref<2x16x10240xf32, #tpu.memory_space<hbm>> -> memref<1x1x10240xf32, #tpu.memory_space<hbm>>
      %dma_wait3A_233 = tpu.memref_squeeze %dma_wait3A_232 : memref<1x1x10240xf32, #tpu.memory_space<hbm>> -> memref<10240xf32, #tpu.memory_space<hbm>>
      %dma_wait3A_234 = arith.constant 0 : i32
      %dma_wait3A_235 = tpu.memref_slice %arg7[%arg0, %arg1, %dma_wait3A_234] : memref<2x16x10240xf32, #tpu.memory_space<hbm>> -> memref<1x1x10240xf32, #tpu.memory_space<hbm>>
      %dma_wait3A_236 = tpu.memref_squeeze %dma_wait3A_235 : memref<1x1x10240xf32, #tpu.memory_space<hbm>> -> memref<10240xf32, #tpu.memory_space<hbm>>
      tpu.wait_dma2 semaphore(%run_scoped3A_224 : memref<!tpu.dma_semaphore, #tpu.memory_space<semaphore_mem>>) src(%arg12 : memref<10240xf32, #tpu.memory_space<vmem>>) dst(%dma_wait3A_236 : memref<10240xf32, #tpu.memory_space<hbm>>)
      tpu.yield
    }) : () -> ()
    return
  }
}

module attributes {stable_mosaic.version = 14 : i64} {
  func.func @_tc1_body(%arg0: memref<2x10240x128xf32, #tpu.memory_space<vmem>>, %arg1: memref<10000x1xf32, #tpu.memory_space<vmem>>, %arg2: memref<10000x128xf32, #tpu.memory_space<vmem>>, %arg3: memref<128x128xf32, #tpu.memory_space<vmem>>, %arg4: memref<128x128xf32, #tpu.memory_space<vmem>>, %arg5: memref<1x128xf32, #tpu.memory_space<vmem>>, %arg6: memref<1x128xf32, #tpu.memory_space<vmem>>, %arg7: memref<1x128xf32, #tpu.memory_space<vmem>>, %arg8: memref<128x128xf32, #tpu.memory_space<vmem>>, %arg9: memref<10000x128xf32, #tpu.memory_space<vmem>>, %arg10: memref<10000x128xf32, #tpu.memory_space<vmem>>) attributes {dimension_semantics = [], scalar_prefetch = 0 : i64, scratch_operands = 0 : i64, tpu.core_type = #tpu.core_type<tc>} {
    %get3A = arith.constant 0 : index
    %get3A_0 = arith.constant 0 : index
    %get3A_1 = vector.load %arg1[%get3A, %get3A_0] : memref<10000x1xf32, #tpu.memory_space<vmem>>, vector<10000x1xf32>
    %max3A = arith.constant 1.000000e+00 : f32
    %max3A_2 = vector.broadcast %max3A : f32 to vector<10000x1xf32>
    %max3A_3 = arith.maximumf %get3A_1, %max3A_2 : vector<10000x1xf32>
    %get3A_4 = arith.constant 0 : index
    %get3A_5 = arith.constant 0 : index
    %get3A_6 = arith.constant 0 : index
    %get3A_7 = vector.load %arg0[%get3A_4, %get3A_5, %get3A_6] : memref<2x10240x128xf32, #tpu.memory_space<vmem>>, vector<1x10000x128xf32>
    %get3A_8 = vector.shape_cast %get3A_7 : vector<1x10000x128xf32> to vector<10000x128xf32>
    %get3A_9 = arith.constant 1 : index
    %get3A_10 = arith.constant 0 : index
    %get3A_11 = arith.constant 0 : index
    %get3A_12 = vector.load %arg0[%get3A_9, %get3A_10, %get3A_11] : memref<2x10240x128xf32, #tpu.memory_space<vmem>>, vector<1x10000x128xf32>
    %get3A_13 = vector.shape_cast %get3A_12 : vector<1x10000x128xf32> to vector<10000x128xf32>
    %add3A = arith.addf %get3A_8, %get3A_13 : vector<10000x128xf32>
    %div3A = vector.broadcast %max3A_3 : vector<10000x1xf32> to vector<10000x128xf32>
    %div3A_14 = arith.divf %add3A, %div3A : vector<10000x128xf32>
    %get3A_15 = arith.constant 0 : index
    %get3A_16 = arith.constant 0 : index
    %get3A_17 = vector.load %arg3[%get3A_15, %get3A_16] : memref<128x128xf32, #tpu.memory_space<vmem>>, vector<128x128xf32>
    %dot_general3A = arith.constant dense<0.000000e+00> : vector<10000x128xf32>
    %dot_general3A_18 = tpu.matmul %div3A_14, %get3A_17, %dot_general3A {dimension_numbers = #tpu.dot_dimension_numbers<[1], [0], [0], [1], [0, 0, 1, 1], [], []>, transpose_lhs_hint = false} : vector<10000x128xf32>, vector<128x128xf32>, vector<10000x128xf32> -> vector<10000x128xf32>
    %get3A_19 = arith.constant 0 : index
    %get3A_20 = arith.constant 0 : index
    %get3A_21 = vector.load %arg2[%get3A_19, %get3A_20] : memref<10000x128xf32, #tpu.memory_space<vmem>>, vector<10000x128xf32>
    %get3A_22 = arith.constant 0 : index
    %get3A_23 = arith.constant 0 : index
    %get3A_24 = vector.load %arg4[%get3A_22, %get3A_23] : memref<128x128xf32, #tpu.memory_space<vmem>>, vector<128x128xf32>
    %dot_general3A_25 = arith.constant dense<0.000000e+00> : vector<10000x128xf32>
    %dot_general3A_26 = tpu.matmul %get3A_21, %get3A_24, %dot_general3A_25 {dimension_numbers = #tpu.dot_dimension_numbers<[1], [0], [0], [1], [0, 0, 1, 1], [], []>, transpose_lhs_hint = false} : vector<10000x128xf32>, vector<128x128xf32>, vector<10000x128xf32> -> vector<10000x128xf32>
    %add3A_27 = arith.addf %dot_general3A_18, %dot_general3A_26 : vector<10000x128xf32>
    %get3A_28 = arith.constant 0 : index
    %get3A_29 = arith.constant 0 : index
    %get3A_30 = vector.load %arg5[%get3A_28, %get3A_29] : memref<1x128xf32, #tpu.memory_space<vmem>>, vector<1x128xf32>
    %add3A_31 = vector.broadcast %get3A_30 : vector<1x128xf32> to vector<10000x128xf32>
    %add3A_32 = arith.addf %add3A_27, %add3A_31 : vector<10000x128xf32>
    %reduce_sum3A = arith.constant dense<0.000000e+00> : vector<128xf32>
    %reduce_sum3A_33 = vector.multi_reduction <add>, %add3A_32, %reduce_sum3A [0] : vector<10000x128xf32> to vector<128xf32>
    %broadcast_in_dim3A = vector.shape_cast %reduce_sum3A_33 : vector<128xf32> to vector<1x128xf32>
    %div3A_34 = arith.constant 1.000000e+04 : f32
    %div3A_35 = vector.broadcast %div3A_34 : f32 to vector<1x128xf32>
    %div3A_36 = arith.divf %broadcast_in_dim3A, %div3A_35 : vector<1x128xf32>
    %sub3A = vector.broadcast %div3A_36 : vector<1x128xf32> to vector<10000x128xf32>
    %sub3A_37 = arith.subf %add3A_32, %sub3A : vector<10000x128xf32>
    %integer_pow3A = arith.mulf %sub3A_37, %sub3A_37 : vector<10000x128xf32>
    %reduce_sum3A_38 = arith.constant dense<0.000000e+00> : vector<128xf32>
    %reduce_sum3A_39 = vector.multi_reduction <add>, %integer_pow3A, %reduce_sum3A_38 [0] : vector<10000x128xf32> to vector<128xf32>
    %broadcast_in_dim3A_40 = vector.shape_cast %reduce_sum3A_39 : vector<128xf32> to vector<1x128xf32>
    %div3A_41 = arith.constant 1.000000e+04 : f32
    %div3A_42 = vector.broadcast %div3A_41 : f32 to vector<1x128xf32>
    %div3A_43 = arith.divf %broadcast_in_dim3A_40, %div3A_42 : vector<1x128xf32>
    %get3A_44 = arith.constant 0 : index
    %get3A_45 = arith.constant 0 : index
    %get3A_46 = vector.load %arg6[%get3A_44, %get3A_45] : memref<1x128xf32, #tpu.memory_space<vmem>>, vector<1x128xf32>
    %add3A_47 = arith.constant 9.99999974E-6 : f32
    %add3A_48 = vector.broadcast %add3A_47 : f32 to vector<1x128xf32>
    %add3A_49 = arith.addf %div3A_43, %add3A_48 : vector<1x128xf32>
    %rsqrt3A = math.rsqrt %add3A_49 : vector<1x128xf32>
    %mul3A = arith.mulf %get3A_46, %rsqrt3A : vector<1x128xf32>
    %get3A_50 = arith.constant 0 : index
    %get3A_51 = arith.constant 0 : index
    %get3A_52 = vector.load %arg7[%get3A_50, %get3A_51] : memref<1x128xf32, #tpu.memory_space<vmem>>, vector<1x128xf32>
    %mul3A_53 = arith.mulf %div3A_36, %mul3A : vector<1x128xf32>
    %sub3A_54 = arith.subf %get3A_52, %mul3A_53 : vector<1x128xf32>
    %mul3A_55 = vector.broadcast %mul3A : vector<1x128xf32> to vector<10000x128xf32>
    %mul3A_56 = arith.mulf %add3A_32, %mul3A_55 : vector<10000x128xf32>
    %add3A_57 = vector.broadcast %sub3A_54 : vector<1x128xf32> to vector<10000x128xf32>
    %add3A_58 = arith.addf %mul3A_56, %add3A_57 : vector<10000x128xf32>
    %max3A_59 = arith.constant 0.000000e+00 : f32
    %max3A_60 = vector.broadcast %max3A_59 : f32 to vector<10000x128xf32>
    %max3A_61 = arith.maximumf %add3A_58, %max3A_60 : vector<10000x128xf32>
    %swap3A = arith.constant 0 : index
    %swap3A_62 = arith.constant 0 : index
    %swap3A_63 = vector.load %arg9[%swap3A, %swap3A_62] : memref<10000x128xf32, #tpu.memory_space<vmem>>, vector<10000x128xf32>
    tpu.vector_store %arg9[%swap3A, %swap3A_62], %max3A_61 {strides = array<i32>} : memref<10000x128xf32, #tpu.memory_space<vmem>>, vector<10000x128xf32>,
    %get3A_64 = arith.constant 0 : index
    %get3A_65 = arith.constant 0 : index
    %get3A_66 = vector.load %arg8[%get3A_64, %get3A_65] : memref<128x128xf32, #tpu.memory_space<vmem>>, vector<128x128xf32>
    %dot_general3A_67 = arith.constant dense<0.000000e+00> : vector<10000x128xf32>
    %dot_general3A_68 = tpu.matmul %max3A_61, %get3A_66, %dot_general3A_67 {dimension_numbers = #tpu.dot_dimension_numbers<[1], [0], [0], [1], [0, 0, 1, 1], [], []>, transpose_lhs_hint = false} : vector<10000x128xf32>, vector<128x128xf32>, vector<10000x128xf32> -> vector<10000x128xf32>
    %swap3A_69 = arith.constant 0 : index
    %swap3A_70 = arith.constant 0 : index
    %swap3A_71 = vector.load %arg10[%swap3A_69, %swap3A_70] : memref<10000x128xf32, #tpu.memory_space<vmem>>, vector<10000x128xf32>
    tpu.vector_store %arg10[%swap3A_69, %swap3A_70], %dot_general3A_68 {strides = array<i32>} : memref<10000x128xf32, #tpu.memory_space<vmem>>, vector<10000x128xf32>,
    return
  }
}

module attributes {stable_mosaic.version = 14 : i64} {
  func.func @_tc2_body(%arg0: memref<2x10240x128xf32, #tpu.memory_space<vmem>>, %arg1: memref<10000x1xf32, #tpu.memory_space<vmem>>, %arg2: memref<10000x128xf32, #tpu.memory_space<vmem>>, %arg3: memref<128x128xf32, #tpu.memory_space<vmem>>, %arg4: memref<1x128xf32, #tpu.memory_space<vmem>>, %arg5: memref<1x128xf32, #tpu.memory_space<vmem>>, %arg6: memref<1x128xf32, #tpu.memory_space<vmem>>, %arg7: memref<10000x128xf32, #tpu.memory_space<vmem>>, %arg8: memref<128x128xf32, #tpu.memory_space<vmem>>, %arg9: memref<1x128xf32, #tpu.memory_space<vmem>>, %arg10: memref<128x128xf32, #tpu.memory_space<vmem>>, %arg11: memref<1x128xf32, #tpu.memory_space<vmem>>, %arg12: memref<10000x128xf32, #tpu.memory_space<vmem>>) attributes {dimension_semantics = [], scalar_prefetch = 0 : i64, scratch_operands = 0 : i64, tpu.core_type = #tpu.core_type<tc>} {
    %get3A = arith.constant 0 : index
    %get3A_0 = arith.constant 0 : index
    %get3A_1 = vector.load %arg1[%get3A, %get3A_0] : memref<10000x1xf32, #tpu.memory_space<vmem>>, vector<10000x1xf32>
    %max3A = arith.constant 1.000000e+00 : f32
    %max3A_2 = vector.broadcast %max3A : f32 to vector<10000x1xf32>
    %max3A_3 = arith.maximumf %get3A_1, %max3A_2 : vector<10000x1xf32>
    %get3A_4 = arith.constant 0 : index
    %get3A_5 = arith.constant 0 : index
    %get3A_6 = arith.constant 0 : index
    %get3A_7 = vector.load %arg0[%get3A_4, %get3A_5, %get3A_6] : memref<2x10240x128xf32, #tpu.memory_space<vmem>>, vector<1x10000x128xf32>
    %get3A_8 = vector.shape_cast %get3A_7 : vector<1x10000x128xf32> to vector<10000x128xf32>
    %get3A_9 = arith.constant 1 : index
    %get3A_10 = arith.constant 0 : index
    %get3A_11 = arith.constant 0 : index
    %get3A_12 = vector.load %arg0[%get3A_9, %get3A_10, %get3A_11] : memref<2x10240x128xf32, #tpu.memory_space<vmem>>, vector<1x10000x128xf32>
    %get3A_13 = vector.shape_cast %get3A_12 : vector<1x10000x128xf32> to vector<10000x128xf32>
    %add3A = arith.addf %get3A_8, %get3A_13 : vector<10000x128xf32>
    %div3A = vector.broadcast %max3A_3 : vector<10000x1xf32> to vector<10000x128xf32>
    %div3A_14 = arith.divf %add3A, %div3A : vector<10000x128xf32>
    %get3A_15 = arith.constant 0 : index
    %get3A_16 = arith.constant 0 : index
    %get3A_17 = vector.load %arg3[%get3A_15, %get3A_16] : memref<128x128xf32, #tpu.memory_space<vmem>>, vector<128x128xf32>
    %dot_general3A = arith.constant dense<0.000000e+00> : vector<10000x128xf32>
    %dot_general3A_18 = tpu.matmul %div3A_14, %get3A_17, %dot_general3A {dimension_numbers = #tpu.dot_dimension_numbers<[1], [0], [0], [1], [0, 0, 1, 1], [], []>, transpose_lhs_hint = false} : vector<10000x128xf32>, vector<128x128xf32>, vector<10000x128xf32> -> vector<10000x128xf32>
    %get3A_19 = arith.constant 0 : index
    %get3A_20 = arith.constant 0 : index
    %get3A_21 = vector.load %arg2[%get3A_19, %get3A_20] : memref<10000x128xf32, #tpu.memory_space<vmem>>, vector<10000x128xf32>
    %add3A_22 = arith.addf %dot_general3A_18, %get3A_21 : vector<10000x128xf32>
    %get3A_23 = arith.constant 0 : index
    %get3A_24 = arith.constant 0 : index
    %get3A_25 = vector.load %arg4[%get3A_23, %get3A_24] : memref<1x128xf32, #tpu.memory_space<vmem>>, vector<1x128xf32>
    %add3A_26 = vector.broadcast %get3A_25 : vector<1x128xf32> to vector<10000x128xf32>
    %add3A_27 = arith.addf %add3A_22, %add3A_26 : vector<10000x128xf32>
    %reduce_sum3A = arith.constant dense<0.000000e+00> : vector<128xf32>
    %reduce_sum3A_28 = vector.multi_reduction <add>, %add3A_27, %reduce_sum3A [0] : vector<10000x128xf32> to vector<128xf32>
    %broadcast_in_dim3A = vector.shape_cast %reduce_sum3A_28 : vector<128xf32> to vector<1x128xf32>
    %div3A_29 = arith.constant 1.000000e+04 : f32
    %div3A_30 = vector.broadcast %div3A_29 : f32 to vector<1x128xf32>
    %div3A_31 = arith.divf %broadcast_in_dim3A, %div3A_30 : vector<1x128xf32>
    %sub3A = vector.broadcast %div3A_31 : vector<1x128xf32> to vector<10000x128xf32>
    %sub3A_32 = arith.subf %add3A_27, %sub3A : vector<10000x128xf32>
    %integer_pow3A = arith.mulf %sub3A_32, %sub3A_32 : vector<10000x128xf32>
    %reduce_sum3A_33 = arith.constant dense<0.000000e+00> : vector<128xf32>
    %reduce_sum3A_34 = vector.multi_reduction <add>, %integer_pow3A, %reduce_sum3A_33 [0] : vector<10000x128xf32> to vector<128xf32>
    %broadcast_in_dim3A_35 = vector.shape_cast %reduce_sum3A_34 : vector<128xf32> to vector<1x128xf32>
    %div3A_36 = arith.constant 1.000000e+04 : f32
    %div3A_37 = vector.broadcast %div3A_36 : f32 to vector<1x128xf32>
    %div3A_38 = arith.divf %broadcast_in_dim3A_35, %div3A_37 : vector<1x128xf32>
    %get3A_39 = arith.constant 0 : index
    %get3A_40 = arith.constant 0 : index
    %get3A_41 = vector.load %arg5[%get3A_39, %get3A_40] : memref<1x128xf32, #tpu.memory_space<vmem>>, vector<1x128xf32>
    %add3A_42 = arith.constant 9.99999974E-6 : f32
    %add3A_43 = vector.broadcast %add3A_42 : f32 to vector<1x128xf32>
    %add3A_44 = arith.addf %div3A_38, %add3A_43 : vector<1x128xf32>
    %rsqrt3A = math.rsqrt %add3A_44 : vector<1x128xf32>
    %mul3A = arith.mulf %get3A_41, %rsqrt3A : vector<1x128xf32>
    %get3A_45 = arith.constant 0 : index
    %get3A_46 = arith.constant 0 : index
    %get3A_47 = vector.load %arg6[%get3A_45, %get3A_46] : memref<1x128xf32, #tpu.memory_space<vmem>>, vector<1x128xf32>
    %mul3A_48 = arith.mulf %div3A_31, %mul3A : vector<1x128xf32>
    %sub3A_49 = arith.subf %get3A_47, %mul3A_48 : vector<1x128xf32>
    %mul3A_50 = vector.broadcast %mul3A : vector<1x128xf32> to vector<10000x128xf32>
    %mul3A_51 = arith.mulf %add3A_27, %mul3A_50 : vector<10000x128xf32>
    %add3A_52 = vector.broadcast %sub3A_49 : vector<1x128xf32> to vector<10000x128xf32>
    %add3A_53 = arith.addf %mul3A_51, %add3A_52 : vector<10000x128xf32>
    %max3A_54 = arith.constant 0.000000e+00 : f32
    %max3A_55 = vector.broadcast %max3A_54 : f32 to vector<10000x128xf32>
    %max3A_56 = arith.maximumf %add3A_53, %max3A_55 : vector<10000x128xf32>
    %get3A_57 = arith.constant 0 : index
    %get3A_58 = arith.constant 0 : index
    %get3A_59 = vector.load %arg8[%get3A_57, %get3A_58] : memref<128x128xf32, #tpu.memory_space<vmem>>, vector<128x128xf32>
    %dot_general3A_60 = arith.constant dense<0.000000e+00> : vector<10000x128xf32>
    %dot_general3A_61 = tpu.matmul %max3A_56, %get3A_59, %dot_general3A_60 {dimension_numbers = #tpu.dot_dimension_numbers<[1], [0], [0], [1], [0, 0, 1, 1], [], []>, transpose_lhs_hint = false} : vector<10000x128xf32>, vector<128x128xf32>, vector<10000x128xf32> -> vector<10000x128xf32>
    %get3A_62 = arith.constant 0 : index
    %get3A_63 = arith.constant 0 : index
    %get3A_64 = vector.load %arg9[%get3A_62, %get3A_63] : memref<1x128xf32, #tpu.memory_space<vmem>>, vector<1x128xf32>
    %add3A_65 = vector.broadcast %get3A_64 : vector<1x128xf32> to vector<10000x128xf32>
    %add3A_66 = arith.addf %dot_general3A_61, %add3A_65 : vector<10000x128xf32>
    %max3A_67 = arith.constant 0.000000e+00 : f32
    %max3A_68 = vector.broadcast %max3A_67 : f32 to vector<10000x128xf32>
    %max3A_69 = arith.maximumf %add3A_66, %max3A_68 : vector<10000x128xf32>
    %get3A_70 = arith.constant 0 : index
    %get3A_71 = arith.constant 0 : index
    %get3A_72 = vector.load %arg7[%get3A_70, %get3A_71] : memref<10000x128xf32, #tpu.memory_space<vmem>>, vector<10000x128xf32>
    %get3A_73 = arith.constant 0 : index
    %get3A_74 = arith.constant 0 : index
    %get3A_75 = vector.load %arg10[%get3A_73, %get3A_74] : memref<128x128xf32, #tpu.memory_space<vmem>>, vector<128x128xf32>
    %dot_general3A_76 = arith.constant dense<0.000000e+00> : vector<10000x128xf32>
    %dot_general3A_77 = tpu.matmul %max3A_69, %get3A_75, %dot_general3A_76 {dimension_numbers = #tpu.dot_dimension_numbers<[1], [0], [0], [1], [0, 0, 1, 1], [], []>, transpose_lhs_hint = false} : vector<10000x128xf32>, vector<128x128xf32>, vector<10000x128xf32> -> vector<10000x128xf32>
    %add3A_78 = arith.addf %get3A_72, %dot_general3A_77 : vector<10000x128xf32>
    %get3A_79 = arith.constant 0 : index
    %get3A_80 = arith.constant 0 : index
    %get3A_81 = vector.load %arg11[%get3A_79, %get3A_80] : memref<1x128xf32, #tpu.memory_space<vmem>>, vector<1x128xf32>
    %add3A_82 = vector.broadcast %get3A_81 : vector<1x128xf32> to vector<10000x128xf32>
    %add3A_83 = arith.addf %add3A_78, %add3A_82 : vector<10000x128xf32>
    %swap3A = arith.constant 0 : index
    %swap3A_84 = arith.constant 0 : index
    %swap3A_85 = vector.load %arg12[%swap3A, %swap3A_84] : memref<10000x128xf32, #tpu.memory_space<vmem>>, vector<10000x128xf32>
    tpu.vector_store %arg12[%swap3A, %swap3A_84], %add3A_83 {strides = array<i32>} : memref<10000x128xf32, #tpu.memory_space<vmem>>, vector<10000x128xf32>,
    return
  }
}

</mosaic_0001>

<sc_bundles>
// kernel: kernel.6.cloned.1.call-start
scs
__scs_entry_jumppad:
0x0: {  	(pc) =	sbr.rel $0x88, $3  }
0x1: {  	(tag) =	ssettag $0x0;
	lr =	simm.s32 $0x1  }
0x2: {  	[smem:$0x3F91] =	sst lr;
	_ =	strace $0xD0000000  }
0x3: {  	_ = 	snop  }
0x4: {  	_ = 	snop  }
0x5: {  	_ = 	snop  }
0x6: {  	_ = 	snop  }
0x7: {  	_ = 	snop  }
__scs_overlays_trampoline_lowered:
0x8: {  	[smem:$0x3FA0] =	sst s0  }
0x9: {  	[smem:$0x3FA1] =	sst s1  }
0xa: {  	[smem:$0x3FA2] =	sst s2  }
0xb: {  	[smem:$0x3FA3] =	sst s3  }
0xc: {  	[smem:$0x3FA4] =	sst s4  }
0xd: {  	[smem:$0x3FA5] =	sst s5  }
0xe: {  	[smem:$0x3FA6] =	sst s6  }
0xf: {  	[smem:$0x3FA7] =	sst s7  }
0x10: {  	[smem:$0x3FA8] =	sst s8  }
0x11: {  	[smem:$0x3FA9] =	sst s9;
	s0 =	simm.s32 @!p0 $0x0  }
0x12: {  	s1 =	sld [smem:$0x3F8F];
	s0 =	simm.s32 @p0 $0x1  }
0x13: {  	[smem:$0x3FAA] =	sst s0;
	s0 =	simm.s32 @!p1 $0x0  }
0x14: {  	s2 =	sld [smem:$0x3F8E];
	s0 =	simm.s32 @p1 $0x1  }
0x15: {  	[smem:$0x3FAB] =	sst s0;
	s0 =	simm.s32 @!p2 $0x0  }
0x16: {  	s3 =	sld [smem:$0x3FDB];
	s0 =	simm.s32 @p2 $0x1  }
0x17: {  	s4 =	simm.s32 $0x1BF5;
	[smem:$0x3FAD] =	sst s0  }
0x18: {  	s0 =	sld [smem:$0x3F90];
	_ =	swait.ge [sflag:s4], $0x0  }
0x19: {  	s7 =	sld [smem:$0x3F91]  }
0x1a: {  	s8 =	sadd.s32 $0xFFFFE003, lr  }
0x1b: {  	s9 =	sadd.s32 $0xFFFFFEF7, lr;
	s5 =	simm.s32 $0xFFFFFFFF;
	p2 =	slt.u32 s8, $0xFFFFF086  }
0x1c: {  	p1 =	slt.u32 s9, $0xF7A;
	s5 =	simm.s32 @!p2 $0x0  }
0x1d: {  	s5 =	simm.s32 @p1 $0x1;
	p0 =	seq.s32 s7, s2  }
0x1e: {  	s7 =	smul.u32 @!p0 $0xF7A, s2;
	p2 =	seq.s32 @!p0 s5, $0x0  }
0x1f: {  	s9 =	smul.u32 $0xF7A, s1;
	s8 =	simm.s32 @!p0 $0x1BF5;
	p2 =	por !p2, p0  }
0x20: {  	[sflag:s8] =	ssyncset.s32 @!p0 $0xFFFFF086;
	s6 =	sadd.s32 @!p0 s3, s7;
	s7 =	simm.s32 @!p0 $0x108  }
0x21: {  	s3 =	sadd.s32 s3, s9;
	s6 =	sadd.s32 @!p0 $0x88, s6;
	s7 =	simm.s32 @p2 $0x1082  }
0x22: {  	[simem:s7], [sflag:s8] =	dma.local @!p0 [hbm:s6], $0xF7A  }
0x23: {  	s9 =	sor.u32 $0xD0000000, s2;
	s6 =	simm.s32 $0x108;
	_ =	swait.ge @!p0 [sflag:s8], $0x0  }
0x24: {  	s3 =	sadd.s32 $0x88, s3;
	s6 =	simm.s32 @!p1 $0x1082;
	[sflag:s4] =	ssyncset.s32 $0xFFFFF086  }
0x25: {  	[simem:s6], [sflag:s4] =	dma.local [hbm:s3], $0xF7A  }
0x26: {  	[smem:$0x3F91] =	sst s1;
	(tag) =	ssettag s2;
	_ =	strace s9  }
0x27: {  	s1 =	sld [smem:$0x3FA1]  }
0x28: {  	s2 =	sld [smem:$0x3FA2]  }
0x29: {  	s4 =	sld [smem:$0x3FA4]  }
0x2a: {  	p0 =	seq.s32 s5, $0x0;
	s5 =	sld [smem:$0x3FA5]  }
0x2b: {  	s6 =	sld [smem:$0x3FA6]  }
0x2c: {  	s7 =	sld [smem:$0x3FA7]  }
0x2d: {  	s3 =	simm.s32 $0x108;
	s8 =	sld [smem:$0x3FA8]  }
0x2e: {  	s3 =	simm.s32 @!p0 $0x1082;
	s9 =	sld [smem:$0x3FA9]  }
0x2f: {  	lr =	sadd.s32 s0, s3;
	s0 =	sld [smem:$0x3FA0]  }
0x30: {  	s3 =	sld [smem:$0x3FA3]  }
0x31: {  	[smem:$0x3FAC] =	sst s10  }
0x32: {  	s10 =	sld [smem:$0x3FAA];
	_ =	sdelay $0x3  }
0x33: {  	p0 =	seq.s32 s10, $0x1;
	s10 =	sld [smem:$0x3FAC];
	_ =	sdelay $0x3  }
0x34: {  	[smem:$0x3FAC] =	sst s10  }
0x35: {  	s10 =	sld [smem:$0x3FAB];
	_ =	sdelay $0x3  }
0x36: {  	p1 =	seq.s32 s10, $0x1;
	s10 =	sld [smem:$0x3FAC];
	_ =	sdelay $0x3  }
0x37: {  	[smem:$0x3FAC] =	sst s10  }
0x38: {  	s10 =	sld [smem:$0x3FAD]  }
0x39: {  	_ = 	snop;
	(pc) =	sbr.ind lr, $3  }
0x3a: {  	_ = 	snop  }
0x3b: {  	_ = 	snop  }
0x3c: {  	p2 =	seq.s32 s10, $0x1;
	s10 =	sld [smem:$0x3FAC]  }
0x3d: {  	_ =	shalt  }
0x3e: {  	_ =	shalt  }
0x3f: {  	_ =	shalt  }
0x40: {  	_ =	shalt  }
0x41: {  	_ =	shalt  }
0x42: {  	_ =	shalt  }
0x43: {  	_ =	shalt  }
0x44: {  	_ =	shalt  }
0x45: {  	_ =	shalt  }
0x46: {  	_ =	shalt  }
0x47: {  	_ =	shalt  }
0x48: {  	_ =	shalt  }
0x49: {  	_ =	shalt  }
0x4a: {  	_ =	shalt  }
0x4b: {  	_ =	shalt  }
0x4c: {  	_ =	shalt  }
0x4d: {  	_ =	shalt  }
0x4e: {  	_ =	shalt  }
0x4f: {  	_ =	shalt  }
0x50: {  	_ =	shalt  }
0x51: {  	_ =	shalt  }
0x52: {  	_ =	shalt  }
0x53: {  	_ =	shalt  }
0x54: {  	_ =	shalt  }
0x55: {  	_ =	shalt  }
0x56: {  	_ =	shalt  }
0x57: {  	_ =	shalt  }
0x58: {  	_ =	shalt  }
0x59: {  	_ =	shalt  }
0x5a: {  	_ =	shalt  }
0x5b: {  	_ =	shalt  }
0x5c: {  	_ =	shalt  }
0x5d: {  	_ =	shalt  }
0x5e: {  	_ =	shalt  }
0x5f: {  	_ =	shalt  }
0x60: {  	_ =	shalt  }
0x61: {  	_ =	shalt  }
0x62: {  	_ =	shalt  }
0x63: {  	_ =	shalt  }
0x64: {  	_ =	shalt  }
0x65: {  	_ =	shalt  }
0x66: {  	_ =	shalt  }
0x67: {  	_ =	shalt  }
0x68: {  	_ =	shalt  }
0x69: {  	_ =	shalt  }
0x6a: {  	_ =	shalt  }
0x6b: {  	_ =	shalt  }
0x6c: {  	_ =	shalt  }
0x6d: {  	_ =	shalt  }
0x6e: {  	_ =	shalt  }
0x6f: {  	_ =	shalt  }
0x70: {  	_ =	shalt  }
0x71: {  	_ =	shalt  }
0x72: {  	_ =	shalt  }
0x73: {  	_ =	shalt  }
0x74: {  	_ =	shalt  }
0x75: {  	_ =	shalt  }
0x76: {  	_ =	shalt  }
0x77: {  	_ =	shalt  }
0x78: {  	_ =	shalt  }
0x79: {  	_ =	shalt  }
0x7a: {  	_ =	shalt  }
0x7b: {  	_ =	shalt  }
0x7c: {  	_ =	shalt  }
0x7d: {  	_ =	shalt  }
0x7e: {  	_ =	shalt  }
0x7f: {  	_ =	shalt  }
0x80: {  	_ =	shalt  }
0x81: {  	_ =	shalt  }
0x82: {  	_ =	shalt  }
0x83: {  	_ =	shalt  }
0x84: {  	_ =	shalt  }
0x85: {  	_ =	shalt  }
0x86: {  	_ =	shalt  }
0x87: {  	_ =	shalt  }
.Lfunc_end0:
.L_simem_size_0:
called_computation_lowered:
.L_overlay_start_0:
0x88: {  	s2 =	sld [smem:$0x3FD9]  }
0x89: {  	s3 =	sld [smem:$0x3FFE];
	_ =	sdelay $0x1  }
0x8a: {  	s1 =	srdreg.scid  }
0x8b: {  	s0 =	sand.u32 $0x1, s1  }
0x8c: {  	s17 =	sshll.u32 s0, $0xA;
	s2 =	sadd.s32 s3, s2  }
0x8d: {  	s2 =	sadd.s32 s2, s17  }
0x8e: {  	[smem:$0x3FB8] =	sst s2  }
0x8f: {  	_ = 	snop  }
0x90: {  	s2 =	sld [smem:$0x3FC9]  }
0x91: {  	s18 =	sld [smem:$0x3FD0];
	(tm) =	ssettm $0x1  }
0x92: {  	s4 =	sld [smem:$0x3FFB];
	_ =	sdelay $0x3  }
0x93: {  	_ =	strace s4  }
0x94: {  	s4 =	sld [smem:$0x3FFC];
	_ =	sdelay $0x3  }
0x95: {  	_ =	strace s4  }
0x96: {  	s4 =	sld [smem:$0x3FFD];
	_ =	sdelay $0x3  }
0x97: {  	_ =	strace s4  }
0x98: {  	_ =	strace $0x8FFFFFFF  }
0x99: {  	s19 =	sld [smem:$0x3FDB];
	_ =	sdelay $0x1  }
0x9a: {  	s5 =	simm.s32 $_scs_section_size  }
0x9b: {  	s6 =	simm.s32 $_size__tile_overlayer_lowered;
	s7 =	simm.s32 $_tile_overlayer_lowered  }
0x9c: {  	s22 =	simm.s32 $0x1BFF;
	s21 =	sshll.u32 s7, $0x1;
	s4 =	sadd.s32 s5, s19  }
0x9d: {  	s8 =	simm.s32 $0x0;
	s20 =	sshll.u32 s6, $0x1;
	s6 =	sadd.s32 s21, s4  }
0x9e: {  	[timem:s8], [sflag:s22] =	dma.local [hbm:s6], s20  }
0x9f: {  	_ =	swait.ge [sflag:s22], s20  }
0xa0: {  	s5 =	ssub.s32 $0x0, s20;
	[sflag:s22] =	ssyncset.done $0x0  }
0xa1: {  	[sflag:s22] =	ssyncadd.s32 s5;
	_ =	sdelay $0x1  }
0xa2: {  	s23 =	simm.s32 $0x1B8B  }
0xa3: {  	_ =	swait.ge [sflag:s23], $0x1  }
0xa4: {  	[sflag:s23] =	ssyncset.done $0x0  }
0xa5: {  	s25 =	simm.s32 $0x1B8E;
	s24 =	sld [smem:$0x3FFE];
	[sflag:s23] =	ssyncadd.s32 $0xFFFFFFFF  }
0xa6: {  	s26 =	simm.s32 $execute0_lowered;
	[smem:$0x3FD2] =	sst s25  }
0xa7: {  	s6 =	sshll.u32 s26, $0x1;
	_ =	strace $0x80000046;
	[dreg:$0x1] =	wrdreg $0xFFFFFFFF  }
0xa8: {  	s28 =	simm.s32 $_size_execute0_lowered;
	s4 =	sadd.s32 s4, s6;
	[dreg:$0x0] =	wrdreg $0x0  }
0xa9: {  	s6 =	sshll.u32 s28, $0x1;
	[dreg:$0x2] =	wrdreg s4  }
0xaa: {  	[dreg:$0x3] =	wrdreg s6  }
0xab: {  	[dreg:$0x4] =	wrdreg $0xC0  }
0xac: {  	_ =	task [dreg:s8], $0x5FFFF  }
0xad: {  	[dreg:$0x1] =	wrdreg $0xFFFFFFFF  }
0xae: {  	[dreg:$0x0] =	wrdreg $0x60  }
0xaf: {  	[dreg:$0x2] =	wrdreg s2  }
0xb0: {  	[dreg:$0x3] =	wrdreg s24  }
0xb1: {  	[dreg:$0x4] =	wrdreg s18  }
0xb2: {  	[dreg:$0x5] =	wrdreg $0x98000  }
0xb3: {  	[dreg:$0x6] =	wrdreg $0x9  }
0xb4: {  	_ =	task.clear_ibuf [dreg:s8], $0x7FFFF;
	_ =	strace $0x90000046  }
0xb5: {  	s29 =	simm.s32 $0x9;
	_ =	strace $0x80000048  }
0xb6: {  	_ =	swait.ge [sflag:s29], $0x1  }
0xb7: {  	[sflag:s29] =	ssyncadd.s32 $0xFFFFFFFF  }
0xb8: {  	_ =	strace $0x90000048  }
0xb9: {  	_ =	sfence  }
0xba: {  	s30 =	sld [smem:$0x0];
	_ =	sdelay $0x2  }
0xbb: {  	s31 =	sshll.u32 s1, $0xD;
	s1 =	sshrl.u32 s1, $0x2  }
0xbc: {  	s3 =	sand.u32 $0x4000, s31;
	s1 =	sadd.s32 s1, s30  }
0xbd: {  	s0 =	sor.u32 s3, s0;
	s1 =	sshll.u32 s1, $0x11  }
0xbe: {  	s0 =	sor.u32 s1, s0  }
0xbf: {  	s0 =	sadd.s32 $0x8F2B, s0  }
0xc0: {  	[sflag:s0] =	ssyncadd.remote.s32 $0x1  }
0xc1: {  	_ =	sfence.sel $0xFFFF  }
0xc2: {  	[dreg:$0x0] =	wrdreg $0xFFFFFFFF;
	(pc) =	sbr.abs _section_cstart, $3  }
0xc3: {  	[dreg:$0x1] =	wrdreg $0xFFFFFFFF  }
0xc4: {  	_ =	task.clear_ibuf [dreg:s8], $0x2FFFF;
	_ =	strace $0x9FFFFFFF  }
0xc5: {  	(tm) =	ssettm $0x7FFFFFFF  }
tec
execute0_lowered:
.L_overlay_start_1:
0x0: {  	(tag) =	ssettag $0x1  }
0x1: {  	s1 =	rddreg [dreg:$0x0]  }
0x2: {  	s0 =	srdreg.scid;
	s2 =	rddreg [dreg:$0x1]  }
0x3: {  	s12 =	stileid.u32;
	s5 =	rddreg [dreg:$0x2];
	s28 =	simm.s32 $0x4800  }
0x4: {  	s29 =	simm.s32 $0x1;
	s30 =	simm.s32 $0x2;
	s31 =	simm.s32 $0xC00  }
0x5: {  	s0 =	sand.u32 $0x1, s0;
	s3 =	sshll.u32 s12, $0x1;
	s8 =	smul.u32 $0x14000, s12  }
0x6: {  	s21 =	sadd.s32 $0x2B800, s2;
	s22 =	smul.u32 $0x50000, s12;
	s23 =	sadd.s32 $0x2B200, s2  }
0x7: {  	s25 =	sshll.u32 s12, $0x6;
	s10 =	sshrl.u32 s12, $0x3;
	s7 =	smul.u32 $0x140000, s0  }
0x8: {  	s4 =	sor.u32 s0, s3;
	s9 =	ssub.s32 $0x2, s0;
	s0 =	smul.u32 $0x28000, s0  }
0x9: {  	s14 =	sshll.u32 s12, $0x7;
	s3 =	rddreg [dreg:$0x3];
	s13 =	smul.u32 $0x14000, s10  }
0xa: {  	s15 =	sand.u32 $0x380, s14;
	s6 =	smul.u32 $0x5000, s4;
	s4 =	simm.s32 $0x0  }
0xb: {  	s24 =	sshrl.u32 s9, $0x1;
	[smem:$0x7FF] =	sst s4;
	s7 =	sadd.s32 s8, s7  }
0xc: {  	s8 =	sshrl.u32 s22, $0x2;
	s20 =	ssub.s32 s9, s24;
	s0 =	sadd.s32 s0, s13  }
0xd: {  	s22 =	simm.s32 $0x3;
	_ =	strace $0x80000047;
	[dreg:$0x5] =	wrdreg s21  }
0xe: {  	s24 =	simm.s32 $0x1000;
	s6 =	sshrl.u32 s6, $0x3;
	[dreg:$0x6] =	wrdreg s23  }
0xf: {  	s7 =	sshrl.u32 s7, $0x3;
	s21 =	sadd.s32 s8, s3;
	s0 =	sor.u32 s15, s0  }
0x10: {  	s20 =	smax.u32 s20, $0x1;
	s23 =	simm.s32 $0x7000;
	s17 =	sadd.s32 s6, s2  }
0x11: {  	s2 =	sadd.s32 s7, s2;
	s7 =	sor.u32 $0x1C03, s25;
	s0 =	sshrl.u32 s0, $0x3  }
0x12: {  	s21 =	sshrl.u32 s21, $0x3;
	s25 =	simm.s32 $0x50;
	s26 =	sadd.s32 $0x3200, s17  }
0x13: {  	s9 =	sadd.s32 $0x17200, s17;
	s10 =	sadd.s32 $0x3400, s17;
	s11 =	sadd.s32 $0x17400, s17  }
0x14: {  	s12 =	sadd.s32 $0x3600, s17;
	s13 =	sadd.s32 $0x17600, s17;
	s14 =	sadd.s32 $0x3800, s17  }
0x15: {  	s15 =	sadd.s32 $0x17800, s17;
	s16 =	sadd.s32 $0x3A00, s17;
	s17 =	sadd.s32 $0x17A00, s17  }
0x16: {  	s18 =	sadd.s32 $0x2E000, s2;
	s19 =	sadd.s32 s5, s0;
	s2 =	simm.s32 $0x1C00  }
0x17: {  	v0 =	vimm.f32 $1.000000000e+00;
	s0 =	simm.s32 $0x0;
	[dreg:$0x7] =	wrdreg s26;
	s26 =	simm.s32 $0x2000  }
.LBB2_1:
0x18: {  	s5 =	rddreg [dreg:$0x5]  }
0x19: {  	[spmem:s21], [sflag:s7] =	dma.local [hbm:s5], $0x2800  }
0x1a: {  	_ =	swait.ge [sflag:s22], $0x2800  }
0x1b: {  	[sflag:s22] =	ssyncset.done $0x0  }
0x1c: {  	s6 =	rddreg [dreg:$0x6];
	[sflag:s22] =	ssyncadd.s32 $0xFFFFD800  }
0x1d: {  	[tilespmem:s23], [sflag:$0x3] =	stream.linear.gather [hbm4b:s6+s4], $0x2800, $0x38;
	[tilespmem:$0x1D800] =	vst v63  }
0x1e: {  	_ =	swait.ge [sflag:s22], $0x2800  }
0x1f: {  	[sflag:s22] =	ssyncset.done $0x0  }
0x20: {  	[sflag:s22] =	ssyncadd.s32 $0xFFFFD800  }
0x21: {  	[bflag:$0x0] =	sbarrier.arrive $0xFFFF  }
0x22: {  	s8 =	rddreg [dreg:$0x7]  }
0x23: {  	[tilespmem:s4], [sflag:$0x3] =	stream.linear.gather [hbm4b:s8+s4], $0xC80, $0x38;
	[tilespmem:$0x1D800] =	vst v63  }
0x24: {  	_ =	swait.ge [sflag:s22], $0xC80  }
0x25: {  	[sflag:s22] =	ssyncset.done $0x0  }
0x26: {  	[sflag:s22] =	ssyncadd.s32 $0xFFFFF380  }
0x27: {  	[tilespmem:s24], [sflag:$0x3] =	stream.linear.gather [hbm4b:s9+s4], $0xC80, $0x38;
	[tilespmem:$0x1D800] =	vst v63  }
0x28: {  	_ =	swait.ge [sflag:s22], $0xC80  }
0x29: {  	[sflag:s22] =	ssyncset.done $0x0  }
0x2a: {  	s5 =	simm.s32 $0x0;
	[sflag:s22] =	ssyncadd.s32 $0xFFFFF380  }
.LBB2_2:
0x2b: {  	s6 =	sshra.s32 s5, $0x2  }
0x2c: {  	[tilespmem:s26], [sflag:$0x1] =	stream.indirect.gather [hbm4b:s1+s25], $0x80, s6, s25, $0xb8;
	[tilespmem:$0x1D800] =	vst v63  }
0x2d: {  	s8 =	sadd.s32 $0x80, s6  }
0x2e: {  	[tilespmem:s28], [sflag:$0x2] =	stream.indirect.gather [hbm4b:s1+s25], $0x80, s8, s25, $0xb8;
	[tilespmem:$0x1D800] =	vst v63  }
0x2f: {  	v1 =	vld [tilespmem:s6+$0x1000];
	_ =	sdelay $0x7  }
0x30: {  	[tilespmem:v1+s23+$0x0] =	vst.idx.add.f32.msk $0xffff, v0  }
0x31: {  	v1 =	vld [tilespmem:s6+$0x1010];
	_ =	sdelay $0x7  }
0x32: {  	[tilespmem:v1+s23+$0x0] =	vst.idx.add.f32.msk $0xffff, v0  }
0x33: {  	v1 =	vld [tilespmem:s6+$0x1020];
	_ =	sdelay $0x7  }
0x34: {  	[tilespmem:v1+s23+$0x0] =	vst.idx.add.f32.msk $0xffff, v0  }
0x35: {  	v1 =	vld [tilespmem:s6+$0x1030];
	_ =	sdelay $0x7  }
0x36: {  	[tilespmem:v1+s23+$0x0] =	vst.idx.add.f32.msk $0xffff, v0  }
0x37: {  	v1 =	vld [tilespmem:s6+$0x1040];
	_ =	sdelay $0x7  }
0x38: {  	[tilespmem:v1+s23+$0x0] =	vst.idx.add.f32.msk $0xffff, v0  }
0x39: {  	_ =	swait.ge [sflag:s29], $0x2800  }
0x3a: {  	[sflag:s29] =	ssyncset.done $0x0  }
0x3b: {  	s8 =	sadd.s32 $0x1000, s6;
	[sflag:s29] =	ssyncadd.s32 $0xFFFFD800  }
0x3c: {  	[spmem:s3] =	stream.indirect.scatter.add.f32 [tilespmem:s26], [sflag:$0x3], $0x80, s8, s25, $0xb8;
	[tilespmem:$0x1D800] =	vst v63  }
0x3d: {  	_ =	swait.ge [sflag:s22], $0x2800  }
0x3e: {  	[sflag:s22] =	ssyncset.done $0x0  }
0x3f: {  	[sflag:s22] =	ssyncadd.s32 $0xFFFFD800  }
0x40: {  	v1 =	vld [tilespmem:s6+$0x1080];
	_ =	sdelay $0x7  }
0x41: {  	[tilespmem:v1+s23+$0x0] =	vst.idx.add.f32.msk $0xffff, v0  }
0x42: {  	v1 =	vld [tilespmem:s6+$0x1090];
	_ =	sdelay $0x7  }
0x43: {  	[tilespmem:v1+s23+$0x0] =	vst.idx.add.f32.msk $0xffff, v0  }
0x44: {  	v1 =	vld [tilespmem:s6+$0x10A0];
	_ =	sdelay $0x7  }
0x45: {  	[tilespmem:v1+s23+$0x0] =	vst.idx.add.f32.msk $0xffff, v0  }
0x46: {  	v1 =	vld [tilespmem:s6+$0x10B0];
	_ =	sdelay $0x7  }
0x47: {  	[tilespmem:v1+s23+$0x0] =	vst.idx.add.f32.msk $0xffff, v0  }
0x48: {  	v1 =	vld [tilespmem:s6+$0x10C0];
	_ =	sdelay $0x7  }
0x49: {  	[tilespmem:v1+s23+$0x0] =	vst.idx.add.f32.msk $0xffff, v0  }
0x4a: {  	_ =	swait.ge [sflag:s30], $0x2800  }
0x4b: {  	p0 =	sne.s32 s5, $0x2C00;
	[sflag:s30] =	ssyncset.done $0x0  }
.Ltmp0:
0x4c: {  	s6 =	sadd.s32 $0x1080, s6;
	[sflag:s30] =	ssyncadd.s32 $0xFFFFD800;
	(pc) =	sbr.rel @p0 .LBB2_2-.Ltmp0, $4  }
0x4d: {  	[spmem:s3] =	stream.indirect.scatter.add.f32 [tilespmem:s28], [sflag:$0x3], $0x80, s6, s25, $0xb8;
	[tilespmem:$0x1D800] =	vst v63  }
0x4e: {  	_ =	swait.ge [sflag:s22], $0x2800  }
0x4f: {  	[sflag:s22] =	ssyncset.done $0x0  }
0x50: {  	s5 =	sadd.s32 $0x400, s5;
	[sflag:s22] =	ssyncadd.s32 $0xFFFFD800  }
0x51: {  	[tilespmem:s26], [sflag:$0x1] =	stream.indirect.gather [hbm4b:s1+s25], $0x80, s31, s25, $0xb8;
	[tilespmem:$0x1D800] =	vst v63  }
0x52: {  	_ =	swait.ge [sflag:s29], $0x2800  }
0x53: {  	[sflag:s29] =	ssyncset.done $0x0  }
0x54: {  	[sflag:s29] =	ssyncadd.s32 $0xFFFFD800  }
0x55: {  	v1 =	vld [tilespmem:$0x1C00];
	_ =	sdelay $0x7  }
0x56: {  	[tilespmem:v1+s23+$0x0] =	vst.idx.add.f32.msk $0xffff, v0  }
0x57: {  	v1 =	vld [tilespmem:$0x1C10];
	_ =	sdelay $0x7  }
0x58: {  	[tilespmem:v1+s23+$0x0] =	vst.idx.add.f32.msk $0xffff, v0  }
0x59: {  	v1 =	vld [tilespmem:$0x1C20];
	_ =	sdelay $0x7  }
0x5a: {  	[tilespmem:v1+s23+$0x0] =	vst.idx.add.f32.msk $0xffff, v0  }
0x5b: {  	v1 =	vld [tilespmem:$0x1C30];
	_ =	sdelay $0x7  }
0x5c: {  	[tilespmem:v1+s23+$0x0] =	vst.idx.add.f32.msk $0xffff, v0  }
0x5d: {  	v1 =	vld [tilespmem:$0x1C40];
	_ =	sdelay $0x7  }
0x5e: {  	[tilespmem:v1+s23+$0x0] =	vst.idx.add.f32.msk $0xffff, v0  }
0x5f: {  	[spmem:s3] =	stream.indirect.scatter.add.f32 [tilespmem:s26], [sflag:$0x3], $0x80, s2, s25, $0xb8;
	[tilespmem:$0x1D800] =	vst v63  }
0x60: {  	_ =	swait.ge [sflag:s22], $0x2800  }
0x61: {  	[sflag:s22] =	ssyncset.done $0x0  }
0x62: {  	s5 =	simm.s32 $0x0;
	[sflag:s22] =	ssyncadd.s32 $0xFFFFD800  }
0x63: {  	[tilespmem:s5], [sflag:$0x3] =	stream.linear.gather [hbm4b:s10+s5], $0xC80, $0x38;
	[tilespmem:$0x1D800] =	vst v63  }
0x64: {  	_ =	swait.ge [sflag:s22], $0xC80  }
0x65: {  	[sflag:s22] =	ssyncset.done $0x0  }
0x66: {  	[sflag:s22] =	ssyncadd.s32 $0xFFFFF380  }
0x67: {  	[tilespmem:s24], [sflag:$0x3] =	stream.linear.gather [hbm4b:s11+s5], $0xC80, $0x38;
	[tilespmem:$0x1D800] =	vst v63  }
0x68: {  	_ =	swait.ge [sflag:s22], $0xC80  }
0x69: {  	[sflag:s22] =	ssyncset.done $0x0  }
0x6a: {  	[sflag:s22] =	ssyncadd.s32 $0xFFFFF380  }
.LBB2_4:
0x6b: {  	s6 =	sshra.s32 s5, $0x2  }
0x6c: {  	[tilespmem:s26], [sflag:$0x1] =	stream.indirect.gather [hbm4b:s1+s25], $0x80, s6, s25, $0xb8;
	[tilespmem:$0x1D800] =	vst v63  }
0x6d: {  	s8 =	sadd.s32 $0x80, s6  }
0x6e: {  	[tilespmem:s28], [sflag:$0x2] =	stream.indirect.gather [hbm4b:s1+s25], $0x80, s8, s25, $0xb8;
	[tilespmem:$0x1D800] =	vst v63  }
0x6f: {  	v1 =	vld [tilespmem:s6+$0x1000];
	_ =	sdelay $0x7  }
0x70: {  	[tilespmem:v1+s23+$0x0] =	vst.idx.add.f32.msk $0xffff, v0  }
0x71: {  	v1 =	vld [tilespmem:s6+$0x1010];
	_ =	sdelay $0x7  }
0x72: {  	[tilespmem:v1+s23+$0x0] =	vst.idx.add.f32.msk $0xffff, v0  }
0x73: {  	v1 =	vld [tilespmem:s6+$0x1020];
	_ =	sdelay $0x7  }
0x74: {  	[tilespmem:v1+s23+$0x0] =	vst.idx.add.f32.msk $0xffff, v0  }
0x75: {  	v1 =	vld [tilespmem:s6+$0x1030];
	_ =	sdelay $0x7  }
0x76: {  	[tilespmem:v1+s23+$0x0] =	vst.idx.add.f32.msk $0xffff, v0  }
0x77: {  	v1 =	vld [tilespmem:s6+$0x1040];
	_ =	sdelay $0x7  }
0x78: {  	[tilespmem:v1+s23+$0x0] =	vst.idx.add.f32.msk $0xffff, v0  }
0x79: {  	_ =	swait.ge [sflag:s29], $0x2800  }
0x7a: {  	[sflag:s29] =	ssyncset.done $0x0  }
0x7b: {  	s8 =	sadd.s32 $0x1000, s6;
	[sflag:s29] =	ssyncadd.s32 $0xFFFFD800  }
0x7c: {  	[spmem:s3] =	stream.indirect.scatter.add.f32 [tilespmem:s26], [sflag:$0x3], $0x80, s8, s25, $0xb8;
	[tilespmem:$0x1D800] =	vst v63  }
0x7d: {  	_ =	swait.ge [sflag:s22], $0x2800  }
0x7e: {  	[sflag:s22] =	ssyncset.done $0x0  }
0x7f: {  	[sflag:s22] =	ssyncadd.s32 $0xFFFFD800  }
0x80: {  	v1 =	vld [tilespmem:s6+$0x1080];
	_ =	sdelay $0x7  }
0x81: {  	[tilespmem:v1+s23+$0x0] =	vst.idx.add.f32.msk $0xffff, v0  }
0x82: {  	v1 =	vld [tilespmem:s6+$0x1090];
	_ =	sdelay $0x7  }
0x83: {  	[tilespmem:v1+s23+$0x0] =	vst.idx.add.f32.msk $0xffff, v0  }
0x84: {  	v1 =	vld [tilespmem:s6+$0x10A0];
	_ =	sdelay $0x7  }
0x85: {  	[tilespmem:v1+s23+$0x0] =	vst.idx.add.f32.msk $0xffff, v0  }
0x86: {  	v1 =	vld [tilespmem:s6+$0x10B0];
	_ =	sdelay $0x7  }
0x87: {  	[tilespmem:v1+s23+$0x0] =	vst.idx.add.f32.msk $0xffff, v0  }
0x88: {  	v1 =	vld [tilespmem:s6+$0x10C0];
	_ =	sdelay $0x7  }
0x89: {  	[tilespmem:v1+s23+$0x0] =	vst.idx.add.f32.msk $0xffff, v0  }
0x8a: {  	_ =	swait.ge [sflag:s30], $0x2800  }
0x8b: {  	p0 =	sne.s32 s5, $0x2C00;
	[sflag:s30] =	ssyncset.done $0x0  }
.Ltmp1:
0x8c: {  	s6 =	sadd.s32 $0x1080, s6;
	[sflag:s30] =	ssyncadd.s32 $0xFFFFD800;
	(pc) =	sbr.rel @p0 .LBB2_4-.Ltmp1, $4  }
0x8d: {  	[spmem:s3] =	stream.indirect.scatter.add.f32 [tilespmem:s28], [sflag:$0x3], $0x80, s6, s25, $0xb8;
	[tilespmem:$0x1D800] =	vst v63  }
0x8e: {  	_ =	swait.ge [sflag:s22], $0x2800  }
0x8f: {  	[sflag:s22] =	ssyncset.done $0x0  }
0x90: {  	s5 =	sadd.s32 $0x400, s5;
	[sflag:s22] =	ssyncadd.s32 $0xFFFFD800  }
0x91: {  	[tilespmem:s26], [sflag:$0x1] =	stream.indirect.gather [hbm4b:s1+s25], $0x80, s31, s25, $0xb8;
	[tilespmem:$0x1D800] =	vst v63  }
0x92: {  	_ =	swait.ge [sflag:s29], $0x2800  }
0x93: {  	[sflag:s29] =	ssyncset.done $0x0  }
0x94: {  	[sflag:s29] =	ssyncadd.s32 $0xFFFFD800  }
0x95: {  	v1 =	vld [tilespmem:$0x1C00];
	_ =	sdelay $0x7  }
0x96: {  	[tilespmem:v1+s23+$0x0] =	vst.idx.add.f32.msk $0xffff, v0  }
0x97: {  	v1 =	vld [tilespmem:$0x1C10];
	_ =	sdelay $0x7  }
0x98: {  	[tilespmem:v1+s23+$0x0] =	vst.idx.add.f32.msk $0xffff, v0  }
0x99: {  	v1 =	vld [tilespmem:$0x1C20];
	_ =	sdelay $0x7  }
0x9a: {  	[tilespmem:v1+s23+$0x0] =	vst.idx.add.f32.msk $0xffff, v0  }
0x9b: {  	v1 =	vld [tilespmem:$0x1C30];
	_ =	sdelay $0x7  }
0x9c: {  	[tilespmem:v1+s23+$0x0] =	vst.idx.add.f32.msk $0xffff, v0  }
0x9d: {  	v1 =	vld [tilespmem:$0x1C40];
	_ =	sdelay $0x7  }
0x9e: {  	[tilespmem:v1+s23+$0x0] =	vst.idx.add.f32.msk $0xffff, v0  }
0x9f: {  	[spmem:s3] =	stream.indirect.scatter.add.f32 [tilespmem:s26], [sflag:$0x3], $0x80, s2, s25, $0xb8;
	[tilespmem:$0x1D800] =	vst v63  }
0xa0: {  	_ =	swait.ge [sflag:s22], $0x2800  }
0xa1: {  	[sflag:s22] =	ssyncset.done $0x0  }
0xa2: {  	s5 =	simm.s32 $0x0;
	[sflag:s22] =	ssyncadd.s32 $0xFFFFD800  }
0xa3: {  	[tilespmem:s5], [sflag:$0x3] =	stream.linear.gather [hbm4b:s12+s5], $0xC80, $0x38;
	[tilespmem:$0x1D800] =	vst v63  }
0xa4: {  	_ =	swait.ge [sflag:s22], $0xC80  }
0xa5: {  	[sflag:s22] =	ssyncset.done $0x0  }
0xa6: {  	[sflag:s22] =	ssyncadd.s32 $0xFFFFF380  }
0xa7: {  	[tilespmem:s24], [sflag:$0x3] =	stream.linear.gather [hbm4b:s13+s5], $0xC80, $0x38;
	[tilespmem:$0x1D800] =	vst v63  }
0xa8: {  	_ =	swait.ge [sflag:s22], $0xC80  }
0xa9: {  	[sflag:s22] =	ssyncset.done $0x0  }
0xaa: {  	[sflag:s22] =	ssyncadd.s32 $0xFFFFF380  }
.LBB2_6:
0xab: {  	s6 =	sshra.s32 s5, $0x2  }
0xac: {  	[tilespmem:s26], [sflag:$0x1] =	stream.indirect.gather [hbm4b:s1+s25], $0x80, s6, s25, $0xb8;
	[tilespmem:$0x1D800] =	vst v63  }
0xad: {  	s8 =	sadd.s32 $0x80, s6  }
0xae: {  	[tilespmem:s28], [sflag:$0x2] =	stream.indirect.gather [hbm4b:s1+s25], $0x80, s8, s25, $0xb8;
	[tilespmem:$0x1D800] =	vst v63  }
0xaf: {  	v1 =	vld [tilespmem:s6+$0x1000];
	_ =	sdelay $0x7  }
0xb0: {  	[tilespmem:v1+s23+$0x0] =	vst.idx.add.f32.msk $0xffff, v0  }
0xb1: {  	v1 =	vld [tilespmem:s6+$0x1010];
	_ =	sdelay $0x7  }
0xb2: {  	[tilespmem:v1+s23+$0x0] =	vst.idx.add.f32.msk $0xffff, v0  }
0xb3: {  	v1 =	vld [tilespmem:s6+$0x1020];
	_ =	sdelay $0x7  }
0xb4: {  	[tilespmem:v1+s23+$0x0] =	vst.idx.add.f32.msk $0xffff, v0  }
0xb5: {  	v1 =	vld [tilespmem:s6+$0x1030];
	_ =	sdelay $0x7  }
0xb6: {  	[tilespmem:v1+s23+$0x0] =	vst.idx.add.f32.msk $0xffff, v0  }
0xb7: {  	v1 =	vld [tilespmem:s6+$0x1040];
	_ =	sdelay $0x7  }
0xb8: {  	[tilespmem:v1+s23+$0x0] =	vst.idx.add.f32.msk $0xffff, v0  }
0xb9: {  	_ =	swait.ge [sflag:s29], $0x2800  }
0xba: {  	[sflag:s29] =	ssyncset.done $0x0  }
0xbb: {  	s8 =	sadd.s32 $0x1000, s6;
	[sflag:s29] =	ssyncadd.s32 $0xFFFFD800  }
0xbc: {  	[spmem:s3] =	stream.indirect.scatter.add.f32 [tilespmem:s26], [sflag:$0x3], $0x80, s8, s25, $0xb8;
	[tilespmem:$0x1D800] =	vst v63  }
0xbd: {  	_ =	swait.ge [sflag:s22], $0x2800  }
0xbe: {  	[sflag:s22] =	ssyncset.done $0x0  }
0xbf: {  	[sflag:s22] =	ssyncadd.s32 $0xFFFFD800  }
0xc0: {  	v1 =	vld [tilespmem:s6+$0x1080];
	_ =	sdelay $0x7  }
0xc1: {  	[tilespmem:v1+s23+$0x0] =	vst.idx.add.f32.msk $0xffff, v0  }
0xc2: {  	v1 =	vld [tilespmem:s6+$0x1090];
	_ =	sdelay $0x7  }
0xc3: {  	[tilespmem:v1+s23+$0x0] =	vst.idx.add.f32.msk $0xffff, v0  }
0xc4: {  	v1 =	vld [tilespmem:s6+$0x10A0];
	_ =	sdelay $0x7  }
0xc5: {  	[tilespmem:v1+s23+$0x0] =	vst.idx.add.f32.msk $0xffff, v0  }
0xc6: {  	v1 =	vld [tilespmem:s6+$0x10B0];
	_ =	sdelay $0x7  }
0xc7: {  	[tilespmem:v1+s23+$0x0] =	vst.idx.add.f32.msk $0xffff, v0  }
0xc8: {  	v1 =	vld [tilespmem:s6+$0x10C0];
	_ =	sdelay $0x7  }
0xc9: {  	[tilespmem:v1+s23+$0x0] =	vst.idx.add.f32.msk $0xffff, v0  }
0xca: {  	_ =	swait.ge [sflag:s30], $0x2800  }
0xcb: {  	p0 =	sne.s32 s5, $0x2C00;
	[sflag:s30] =	ssyncset.done $0x0  }
.Ltmp2:
0xcc: {  	s6 =	sadd.s32 $0x1080, s6;
	[sflag:s30] =	ssyncadd.s32 $0xFFFFD800;
	(pc) =	sbr.rel @p0 .LBB2_6-.Ltmp2, $4  }
0xcd: {  	[spmem:s3] =	stream.indirect.scatter.add.f32 [tilespmem:s28], [sflag:$0x3], $0x80, s6, s25, $0xb8;
	[tilespmem:$0x1D800] =	vst v63  }
0xce: {  	_ =	swait.ge [sflag:s22], $0x2800  }
0xcf: {  	[sflag:s22] =	ssyncset.done $0x0  }
0xd0: {  	s5 =	sadd.s32 $0x400, s5;
	[sflag:s22] =	ssyncadd.s32 $0xFFFFD800  }
0xd1: {  	[tilespmem:s26], [sflag:$0x1] =	stream.indirect.gather [hbm4b:s1+s25], $0x80, s31, s25, $0xb8;
	[tilespmem:$0x1D800] =	vst v63  }
0xd2: {  	_ =	swait.ge [sflag:s29], $0x2800  }
0xd3: {  	[sflag:s29] =	ssyncset.done $0x0  }
0xd4: {  	[sflag:s29] =	ssyncadd.s32 $0xFFFFD800  }
0xd5: {  	v1 =	vld [tilespmem:$0x1C00];
	_ =	sdelay $0x7  }
0xd6: {  	[tilespmem:v1+s23+$0x0] =	vst.idx.add.f32.msk $0xffff, v0  }
0xd7: {  	v1 =	vld [tilespmem:$0x1C10];
	_ =	sdelay $0x7  }
0xd8: {  	[tilespmem:v1+s23+$0x0] =	vst.idx.add.f32.msk $0xffff, v0  }
0xd9: {  	v1 =	vld [tilespmem:$0x1C20];
	_ =	sdelay $0x7  }
0xda: {  	[tilespmem:v1+s23+$0x0] =	vst.idx.add.f32.msk $0xffff, v0  }
0xdb: {  	v1 =	vld [tilespmem:$0x1C30];
	_ =	sdelay $0x7  }
0xdc: {  	[tilespmem:v1+s23+$0x0] =	vst.idx.add.f32.msk $0xffff, v0  }
0xdd: {  	v1 =	vld [tilespmem:$0x1C40];
	_ =	sdelay $0x7  }
0xde: {  	[tilespmem:v1+s23+$0x0] =	vst.idx.add.f32.msk $0xffff, v0  }
0xdf: {  	[spmem:s3] =	stream.indirect.scatter.add.f32 [tilespmem:s26], [sflag:$0x3], $0x80, s2, s25, $0xb8;
	[tilespmem:$0x1D800] =	vst v63  }
0xe0: {  	_ =	swait.ge [sflag:s22], $0x2800  }
0xe1: {  	[sflag:s22] =	ssyncset.done $0x0  }
0xe2: {  	s5 =	simm.s32 $0x0;
	[sflag:s22] =	ssyncadd.s32 $0xFFFFD800  }
0xe3: {  	[tilespmem:s5], [sflag:$0x3] =	stream.linear.gather [hbm4b:s14+s5], $0xC80, $0x38;
	[tilespmem:$0x1D800] =	vst v63  }
0xe4: {  	_ =	swait.ge [sflag:s22], $0xC80  }
0xe5: {  	[sflag:s22] =	ssyncset.done $0x0  }
0xe6: {  	[sflag:s22] =	ssyncadd.s32 $0xFFFFF380  }
0xe7: {  	[tilespmem:s24], [sflag:$0x3] =	stream.linear.gather [hbm4b:s15+s5], $0xC80, $0x38;
	[tilespmem:$0x1D800] =	vst v63  }
0xe8: {  	_ =	swait.ge [sflag:s22], $0xC80  }
0xe9: {  	[sflag:s22] =	ssyncset.done $0x0  }
0xea: {  	[sflag:s22] =	ssyncadd.s32 $0xFFFFF380  }
.LBB2_8:
0xeb: {  	s6 =	sshra.s32 s5, $0x2  }
0xec: {  	[tilespmem:s26], [sflag:$0x1] =	stream.indirect.gather [hbm4b:s1+s25], $0x80, s6, s25, $0xb8;
	[tilespmem:$0x1D800] =	vst v63  }
0xed: {  	s8 =	sadd.s32 $0x80, s6  }
0xee: {  	[tilespmem:s28], [sflag:$0x2] =	stream.indirect.gather [hbm4b:s1+s25], $0x80, s8, s25, $0xb8;
	[tilespmem:$0x1D800] =	vst v63  }
0xef: {  	v1 =	vld [tilespmem:s6+$0x1000];
	_ =	sdelay $0x7  }
0xf0: {  	[tilespmem:v1+s23+$0x0] =	vst.idx.add.f32.msk $0xffff, v0  }
0xf1: {  	v1 =	vld [tilespmem:s6+$0x1010];
	_ =	sdelay $0x7  }
0xf2: {  	[tilespmem:v1+s23+$0x0] =	vst.idx.add.f32.msk $0xffff, v0  }
0xf3: {  	v1 =	vld [tilespmem:s6+$0x1020];
	_ =	sdelay $0x7  }
0xf4: {  	[tilespmem:v1+s23+$0x0] =	vst.idx.add.f32.msk $0xffff, v0  }
0xf5: {  	v1 =	vld [tilespmem:s6+$0x1030];
	_ =	sdelay $0x7  }
0xf6: {  	[tilespmem:v1+s23+$0x0] =	vst.idx.add.f32.msk $0xffff, v0  }
0xf7: {  	v1 =	vld [tilespmem:s6+$0x1040];
	_ =	sdelay $0x7  }
0xf8: {  	[tilespmem:v1+s23+$0x0] =	vst.idx.add.f32.msk $0xffff, v0  }
0xf9: {  	_ =	swait.ge [sflag:s29], $0x2800  }
0xfa: {  	[sflag:s29] =	ssyncset.done $0x0  }
0xfb: {  	s8 =	sadd.s32 $0x1000, s6;
	[sflag:s29] =	ssyncadd.s32 $0xFFFFD800  }
0xfc: {  	[spmem:s3] =	stream.indirect.scatter.add.f32 [tilespmem:s26], [sflag:$0x3], $0x80, s8, s25, $0xb8;
	[tilespmem:$0x1D800] =	vst v63  }
0xfd: {  	_ =	swait.ge [sflag:s22], $0x2800  }
0xfe: {  	[sflag:s22] =	ssyncset.done $0x0  }
0xff: {  	[sflag:s22] =	ssyncadd.s32 $0xFFFFD800  }
0x100: {  	v1 =	vld [tilespmem:s6+$0x1080];
	_ =	sdelay $0x7  }
0x101: {  	[tilespmem:v1+s23+$0x0] =	vst.idx.add.f32.msk $0xffff, v0  }
0x102: {  	v1 =	vld [tilespmem:s6+$0x1090];
	_ =	sdelay $0x7  }
0x103: {  	[tilespmem:v1+s23+$0x0] =	vst.idx.add.f32.msk $0xffff, v0  }
0x104: {  	v1 =	vld [tilespmem:s6+$0x10A0];
	_ =	sdelay $0x7  }
0x105: {  	[tilespmem:v1+s23+$0x0] =	vst.idx.add.f32.msk $0xffff, v0  }
0x106: {  	v1 =	vld [tilespmem:s6+$0x10B0];
	_ =	sdelay $0x7  }
0x107: {  	[tilespmem:v1+s23+$0x0] =	vst.idx.add.f32.msk $0xffff, v0  }
0x108: {  	v1 =	vld [tilespmem:s6+$0x10C0];
	_ =	sdelay $0x7  }
0x109: {  	[tilespmem:v1+s23+$0x0] =	vst.idx.add.f32.msk $0xffff, v0  }
0x10a: {  	_ =	swait.ge [sflag:s30], $0x2800  }
0x10b: {  	p0 =	sne.s32 s5, $0x2C00;
	[sflag:s30] =	ssyncset.done $0x0  }
.Ltmp3:
0x10c: {  	s6 =	sadd.s32 $0x1080, s6;
	[sflag:s30] =	ssyncadd.s32 $0xFFFFD800;
	(pc) =	sbr.rel @p0 .LBB2_8-.Ltmp3, $4  }
0x10d: {  	[spmem:s3] =	stream.indirect.scatter.add.f32 [tilespmem:s28], [sflag:$0x3], $0x80, s6, s25, $0xb8;
	[tilespmem:$0x1D800] =	vst v63  }
0x10e: {  	_ =	swait.ge [sflag:s22], $0x2800  }
0x10f: {  	[sflag:s22] =	ssyncset.done $0x0  }
0x110: {  	s5 =	sadd.s32 $0x400, s5;
	[sflag:s22] =	ssyncadd.s32 $0xFFFFD800  }
0x111: {  	[tilespmem:s26], [sflag:$0x1] =	stream.indirect.gather [hbm4b:s1+s25], $0x80, s31, s25, $0xb8;
	[tilespmem:$0x1D800] =	vst v63  }
0x112: {  	_ =	swait.ge [sflag:s29], $0x2800  }
0x113: {  	[sflag:s29] =	ssyncset.done $0x0  }
0x114: {  	[sflag:s29] =	ssyncadd.s32 $0xFFFFD800  }
0x115: {  	v1 =	vld [tilespmem:$0x1C00];
	_ =	sdelay $0x7  }
0x116: {  	[tilespmem:v1+s23+$0x0] =	vst.idx.add.f32.msk $0xffff, v0  }
0x117: {  	v1 =	vld [tilespmem:$0x1C10];
	_ =	sdelay $0x7  }
0x118: {  	[tilespmem:v1+s23+$0x0] =	vst.idx.add.f32.msk $0xffff, v0  }
0x119: {  	v1 =	vld [tilespmem:$0x1C20];
	_ =	sdelay $0x7  }
0x11a: {  	[tilespmem:v1+s23+$0x0] =	vst.idx.add.f32.msk $0xffff, v0  }
0x11b: {  	v1 =	vld [tilespmem:$0x1C30];
	_ =	sdelay $0x7  }
0x11c: {  	[tilespmem:v1+s23+$0x0] =	vst.idx.add.f32.msk $0xffff, v0  }
0x11d: {  	v1 =	vld [tilespmem:$0x1C40];
	_ =	sdelay $0x7  }
0x11e: {  	[tilespmem:v1+s23+$0x0] =	vst.idx.add.f32.msk $0xffff, v0  }
0x11f: {  	[spmem:s3] =	stream.indirect.scatter.add.f32 [tilespmem:s26], [sflag:$0x3], $0x80, s2, s25, $0xb8;
	[tilespmem:$0x1D800] =	vst v63  }
0x120: {  	_ =	swait.ge [sflag:s22], $0x2800  }
0x121: {  	[sflag:s22] =	ssyncset.done $0x0  }
0x122: {  	s5 =	simm.s32 $0x0;
	[sflag:s22] =	ssyncadd.s32 $0xFFFFD800  }
0x123: {  	[tilespmem:s5], [sflag:$0x3] =	stream.linear.gather [hbm4b:s16+s5], $0xC80, $0x38;
	[tilespmem:$0x1D800] =	vst v63  }
0x124: {  	_ =	swait.ge [sflag:s22], $0xC80  }
0x125: {  	[sflag:s22] =	ssyncset.done $0x0  }
0x126: {  	[sflag:s22] =	ssyncadd.s32 $0xFFFFF380  }
0x127: {  	[tilespmem:s24], [sflag:$0x3] =	stream.linear.gather [hbm4b:s17+s5], $0xC80, $0x38;
	[tilespmem:$0x1D800] =	vst v63  }
0x128: {  	_ =	swait.ge [sflag:s22], $0xC80  }
0x129: {  	[sflag:s22] =	ssyncset.done $0x0  }
0x12a: {  	[sflag:s22] =	ssyncadd.s32 $0xFFFFF380  }
.LBB2_10:
0x12b: {  	s6 =	sshra.s32 s5, $0x2  }
0x12c: {  	[tilespmem:s26], [sflag:$0x1] =	stream.indirect.gather [hbm4b:s1+s25], $0x80, s6, s25, $0xb8;
	[tilespmem:$0x1D800] =	vst v63  }
0x12d: {  	s8 =	sadd.s32 $0x80, s6  }
0x12e: {  	[tilespmem:s28], [sflag:$0x2] =	stream.indirect.gather [hbm4b:s1+s25], $0x80, s8, s25, $0xb8;
	[tilespmem:$0x1D800] =	vst v63  }
0x12f: {  	v1 =	vld [tilespmem:s6+$0x1000];
	_ =	sdelay $0x7  }
0x130: {  	[tilespmem:v1+s23+$0x0] =	vst.idx.add.f32.msk $0xffff, v0  }
0x131: {  	v1 =	vld [tilespmem:s6+$0x1010];
	_ =	sdelay $0x7  }
0x132: {  	[tilespmem:v1+s23+$0x0] =	vst.idx.add.f32.msk $0xffff, v0  }
0x133: {  	v1 =	vld [tilespmem:s6+$0x1020];
	_ =	sdelay $0x7  }
0x134: {  	[tilespmem:v1+s23+$0x0] =	vst.idx.add.f32.msk $0xffff, v0  }
0x135: {  	v1 =	vld [tilespmem:s6+$0x1030];
	_ =	sdelay $0x7  }
0x136: {  	[tilespmem:v1+s23+$0x0] =	vst.idx.add.f32.msk $0xffff, v0  }
0x137: {  	v1 =	vld [tilespmem:s6+$0x1040];
	_ =	sdelay $0x7  }
0x138: {  	[tilespmem:v1+s23+$0x0] =	vst.idx.add.f32.msk $0xffff, v0  }
0x139: {  	_ =	swait.ge [sflag:s29], $0x2800  }
0x13a: {  	[sflag:s29] =	ssyncset.done $0x0  }
0x13b: {  	s8 =	sadd.s32 $0x1000, s6;
	[sflag:s29] =	ssyncadd.s32 $0xFFFFD800  }
0x13c: {  	[spmem:s3] =	stream.indirect.scatter.add.f32 [tilespmem:s26], [sflag:$0x3], $0x80, s8, s25, $0xb8;
	[tilespmem:$0x1D800] =	vst v63  }
0x13d: {  	_ =	swait.ge [sflag:s22], $0x2800  }
0x13e: {  	[sflag:s22] =	ssyncset.done $0x0  }
0x13f: {  	[sflag:s22] =	ssyncadd.s32 $0xFFFFD800  }
0x140: {  	v1 =	vld [tilespmem:s6+$0x1080];
	_ =	sdelay $0x7  }
0x141: {  	[tilespmem:v1+s23+$0x0] =	vst.idx.add.f32.msk $0xffff, v0  }
0x142: {  	v1 =	vld [tilespmem:s6+$0x1090];
	_ =	sdelay $0x7  }
0x143: {  	[tilespmem:v1+s23+$0x0] =	vst.idx.add.f32.msk $0xffff, v0  }
0x144: {  	v1 =	vld [tilespmem:s6+$0x10A0];
	_ =	sdelay $0x7  }
0x145: {  	[tilespmem:v1+s23+$0x0] =	vst.idx.add.f32.msk $0xffff, v0  }
0x146: {  	v1 =	vld [tilespmem:s6+$0x10B0];
	_ =	sdelay $0x7  }
0x147: {  	[tilespmem:v1+s23+$0x0] =	vst.idx.add.f32.msk $0xffff, v0  }
0x148: {  	v1 =	vld [tilespmem:s6+$0x10C0];
	_ =	sdelay $0x7  }
0x149: {  	[tilespmem:v1+s23+$0x0] =	vst.idx.add.f32.msk $0xffff, v0  }
0x14a: {  	_ =	swait.ge [sflag:s30], $0x2800  }
0x14b: {  	p0 =	sne.s32 s5, $0x2C00;
	[sflag:s30] =	ssyncset.done $0x0  }
.Ltmp4:
0x14c: {  	s6 =	sadd.s32 $0x1080, s6;
	[sflag:s30] =	ssyncadd.s32 $0xFFFFD800;
	(pc) =	sbr.rel @p0 .LBB2_10-.Ltmp4, $4  }
0x14d: {  	[spmem:s3] =	stream.indirect.scatter.add.f32 [tilespmem:s28], [sflag:$0x3], $0x80, s6, s25, $0xb8;
	[tilespmem:$0x1D800] =	vst v63  }
0x14e: {  	_ =	swait.ge [sflag:s22], $0x2800  }
0x14f: {  	[sflag:s22] =	ssyncset.done $0x0  }
0x150: {  	s5 =	sadd.s32 $0x400, s5;
	[sflag:s22] =	ssyncadd.s32 $0xFFFFD800  }
0x151: {  	[tilespmem:s26], [sflag:$0x1] =	stream.indirect.gather [hbm4b:s1+s25], $0x80, s31, s25, $0xb8;
	[tilespmem:$0x1D800] =	vst v63  }
0x152: {  	_ =	swait.ge [sflag:s29], $0x2800  }
0x153: {  	[sflag:s29] =	ssyncset.done $0x0  }
0x154: {  	[sflag:s29] =	ssyncadd.s32 $0xFFFFD800  }
0x155: {  	v1 =	vld [tilespmem:$0x1C00];
	_ =	sdelay $0x7  }
0x156: {  	[tilespmem:v1+s23+$0x0] =	vst.idx.add.f32.msk $0xffff, v0  }
0x157: {  	v1 =	vld [tilespmem:$0x1C10];
	_ =	sdelay $0x7  }
0x158: {  	[tilespmem:v1+s23+$0x0] =	vst.idx.add.f32.msk $0xffff, v0  }
0x159: {  	v1 =	vld [tilespmem:$0x1C20];
	_ =	sdelay $0x7  }
0x15a: {  	[tilespmem:v1+s23+$0x0] =	vst.idx.add.f32.msk $0xffff, v0  }
0x15b: {  	v1 =	vld [tilespmem:$0x1C30];
	_ =	sdelay $0x7  }
0x15c: {  	[tilespmem:v1+s23+$0x0] =	vst.idx.add.f32.msk $0xffff, v0  }
0x15d: {  	v1 =	vld [tilespmem:$0x1C40];
	_ =	sdelay $0x7  }
0x15e: {  	[tilespmem:v1+s23+$0x0] =	vst.idx.add.f32.msk $0xffff, v0  }
0x15f: {  	[spmem:s3] =	stream.indirect.scatter.add.f32 [tilespmem:s26], [sflag:$0x3], $0x80, s2, s25, $0xb8;
	[tilespmem:$0x1D800] =	vst v63  }
0x160: {  	_ =	swait.ge [sflag:s22], $0x2800  }
0x161: {  	[sflag:s22] =	ssyncset.done $0x0  }
0x162: {  	[sflag:s22] =	ssyncadd.s32 $0xFFFFD800  }
0x163: {  	[bflag:$0x0] =	sbarrier.arrive $0xFFFF  }
0x164: {  	[hbm:s18], [sflag:s7] =	dma.local [spmem:s21], $0x2800  }
0x165: {  	s0 =	sadd.s32 $0x1, s0;
	_ =	swait.ge [sflag:s22], $0x2800  }
0x166: {  	s5 =	simm.s32 $0x80;
	p0 =	sne.s32 s0, s20;
	[sflag:s22] =	ssyncset.done $0x0  }
.Ltmp5:
0x167: {  	s6 =	simm.s32 $0x400;
	[sflag:s22] =	ssyncadd.s32 $0xFFFFD800;
	(pc) =	sbr.rel @p0 .LBB2_1-.Ltmp5, $4  }
0x168: {  	[hbm4b:s19+s5] =	stream.strided.scatter [tilespmem:s23], [sflag:$0x3], $0x2800, s6, s5, $0x38;
	[tilespmem:$0x1D800] =	vst v63  }
0x169: {  	_ =	swait.ge [sflag:s22], $0x2800  }
0x16a: {  	[sflag:s22] =	ssyncset.done $0x0  }
0x16b: {  	[sflag:s22] =	ssyncadd.s32 $0xFFFFD800  }
0x16c: {  	_ =	sfence.sel $0x180000  }
0x16d: {  	[bflag:$0x0] =	sbarrier.arrive $0xFFFF  }
0x16e: {  	_ =	strace $0x90000047  }
0x16f: {  	s0 =	stileid.u32;
	[bflag:$0x2] =	sbarrier.arrive $0xFFFF  }
0x170: {  	p0 =	sne.s32 s0, $0x0;
	s0 =	rddreg [dreg:$0x4]  }
0x171: {  	s0 =	sadd.s32 @!p0 $0x100000, s0  }
0x172: {  	[sflag:s0] =	ssyncadd.tile.s32 @!p0 $0x1;
	_ =	shalt  }
.Lfunc_end2:
_tile_overlayer_lowered:
.L_overlay_start_2:
0x173: {  	(tag) =	ssettag $0x2  }
0x174: {  	s0 =	rddreg [dreg:$0x0];
	s2 =	stileid.u32  }
0x175: {  	s1 =	rddreg [dreg:$0x1];
	p0 =	sne.s32 s2, $0x0  }
0x176: {  	s3 =	rddreg [dreg:$0x2];
	[bflag:$0x3] =	sbarrier.arrive $0xFFFF;
	s2 =	simm.s32 @!p0 $0x1C03  }
0x177: {  	[timem:s3], [sflag:s2] =	dma.local @!p0 [hbm:s0], s1  }
0x178: {  	s0 =	simm.s32 @!p0 $0x3  }
0x179: {  	_ =	swait.ge @!p0 [sflag:s0], s1  }
0x17a: {  	s1 =	ssub.s32 @!p0 $0x0, s1;
	[sflag:s0] =	ssyncset.done @!p0 $0x0  }
0x17b: {  	[sflag:s0] =	ssyncadd.s32 @!p0 s1  }
0x17c: {  	[bflag:$0x3] =	sbarrier.arrive $0xFFFF  }
0x17d: {  	_ =	shalt  }

// kernel: kernel.9.cloned.1.call-start
scs
__scs_entry_jumppad:
0x0: {  	(pc) =	sbr.rel $0x88, $3  }
0x1: {  	(tag) =	ssettag $0x0;
	lr =	simm.s32 $0x1  }
0x2: {  	[smem:$0x3F91] =	sst lr;
	_ =	strace $0xD0000000  }
0x3: {  	_ = 	snop  }
0x4: {  	_ = 	snop  }
0x5: {  	_ = 	snop  }
0x6: {  	_ = 	snop  }
0x7: {  	_ = 	snop  }
__scs_overlays_trampoline_lowered:
0x8: {  	[smem:$0x3FA0] =	sst s0  }
0x9: {  	[smem:$0x3FA1] =	sst s1  }
0xa: {  	[smem:$0x3FA2] =	sst s2  }
0xb: {  	[smem:$0x3FA3] =	sst s3  }
0xc: {  	[smem:$0x3FA4] =	sst s4  }
0xd: {  	[smem:$0x3FA5] =	sst s5  }
0xe: {  	[smem:$0x3FA6] =	sst s6  }
0xf: {  	[smem:$0x3FA7] =	sst s7  }
0x10: {  	[smem:$0x3FA8] =	sst s8  }
0x11: {  	[smem:$0x3FA9] =	sst s9;
	s0 =	simm.s32 @!p0 $0x0  }
0x12: {  	s1 =	sld [smem:$0x3F8F];
	s0 =	simm.s32 @p0 $0x1  }
0x13: {  	[smem:$0x3FAA] =	sst s0;
	s0 =	simm.s32 @!p1 $0x0  }
0x14: {  	s2 =	sld [smem:$0x3F8E];
	s0 =	simm.s32 @p1 $0x1  }
0x15: {  	[smem:$0x3FAB] =	sst s0;
	s0 =	simm.s32 @!p2 $0x0  }
0x16: {  	s3 =	sld [smem:$0x3FDB];
	s0 =	simm.s32 @p2 $0x1  }
0x17: {  	s4 =	simm.s32 $0x1BF5;
	[smem:$0x3FAD] =	sst s0  }
0x18: {  	s0 =	sld [smem:$0x3F90];
	_ =	swait.ge [sflag:s4], $0x0  }
0x19: {  	s7 =	sld [smem:$0x3F91]  }
0x1a: {  	s8 =	sadd.s32 $0xFFFFE003, lr  }
0x1b: {  	s9 =	sadd.s32 $0xFFFFFEF7, lr;
	s5 =	simm.s32 $0xFFFFFFFF;
	p2 =	slt.u32 s8, $0xFFFFF086  }
0x1c: {  	p1 =	slt.u32 s9, $0xF7A;
	s5 =	simm.s32 @!p2 $0x0  }
0x1d: {  	s5 =	simm.s32 @p1 $0x1;
	p0 =	seq.s32 s7, s2  }
0x1e: {  	s7 =	smul.u32 @!p0 $0xF7A, s2;
	p2 =	seq.s32 @!p0 s5, $0x0  }
0x1f: {  	s9 =	smul.u32 $0xF7A, s1;
	s8 =	simm.s32 @!p0 $0x1BF5;
	p2 =	por !p2, p0  }
0x20: {  	[sflag:s8] =	ssyncset.s32 @!p0 $0xFFFFF086;
	s6 =	sadd.s32 @!p0 s3, s7;
	s7 =	simm.s32 @!p0 $0x108  }
0x21: {  	s3 =	sadd.s32 s3, s9;
	s6 =	sadd.s32 @!p0 $0x88, s6;
	s7 =	simm.s32 @p2 $0x1082  }
0x22: {  	[simem:s7], [sflag:s8] =	dma.local @!p0 [hbm:s6], $0xF7A  }
0x23: {  	s9 =	sor.u32 $0xD0000000, s2;
	s6 =	simm.s32 $0x108;
	_ =	swait.ge @!p0 [sflag:s8], $0x0  }
0x24: {  	s3 =	sadd.s32 $0x88, s3;
	s6 =	simm.s32 @!p1 $0x1082;
	[sflag:s4] =	ssyncset.s32 $0xFFFFF086  }
0x25: {  	[simem:s6], [sflag:s4] =	dma.local [hbm:s3], $0xF7A  }
0x26: {  	[smem:$0x3F91] =	sst s1;
	(tag) =	ssettag s2;
	_ =	strace s9  }
0x27: {  	s1 =	sld [smem:$0x3FA1]  }
0x28: {  	s2 =	sld [smem:$0x3FA2]  }
0x29: {  	s4 =	sld [smem:$0x3FA4]  }
0x2a: {  	p0 =	seq.s32 s5, $0x0;
	s5 =	sld [smem:$0x3FA5]  }
0x2b: {  	s6 =	sld [smem:$0x3FA6]  }
0x2c: {  	s7 =	sld [smem:$0x3FA7]  }
0x2d: {  	s3 =	simm.s32 $0x108;
	s8 =	sld [smem:$0x3FA8]  }
0x2e: {  	s3 =	simm.s32 @!p0 $0x1082;
	s9 =	sld [smem:$0x3FA9]  }
0x2f: {  	lr =	sadd.s32 s0, s3;
	s0 =	sld [smem:$0x3FA0]  }
0x30: {  	s3 =	sld [smem:$0x3FA3]  }
0x31: {  	[smem:$0x3FAC] =	sst s10  }
0x32: {  	s10 =	sld [smem:$0x3FAA];
	_ =	sdelay $0x3  }
0x33: {  	p0 =	seq.s32 s10, $0x1;
	s10 =	sld [smem:$0x3FAC];
	_ =	sdelay $0x3  }
0x34: {  	[smem:$0x3FAC] =	sst s10  }
0x35: {  	s10 =	sld [smem:$0x3FAB];
	_ =	sdelay $0x3  }
0x36: {  	p1 =	seq.s32 s10, $0x1;
	s10 =	sld [smem:$0x3FAC];
	_ =	sdelay $0x3  }
0x37: {  	[smem:$0x3FAC] =	sst s10  }
0x38: {  	s10 =	sld [smem:$0x3FAD]  }
0x39: {  	_ = 	snop;
	(pc) =	sbr.ind lr, $3  }
0x3a: {  	_ = 	snop  }
0x3b: {  	_ = 	snop  }
0x3c: {  	p2 =	seq.s32 s10, $0x1;
	s10 =	sld [smem:$0x3FAC]  }
0x3d: {  	_ =	shalt  }
0x3e: {  	_ =	shalt  }
0x3f: {  	_ =	shalt  }
0x40: {  	_ =	shalt  }
0x41: {  	_ =	shalt  }
0x42: {  	_ =	shalt  }
0x43: {  	_ =	shalt  }
0x44: {  	_ =	shalt  }
0x45: {  	_ =	shalt  }
0x46: {  	_ =	shalt  }
0x47: {  	_ =	shalt  }
0x48: {  	_ =	shalt  }
0x49: {  	_ =	shalt  }
0x4a: {  	_ =	shalt  }
0x4b: {  	_ =	shalt  }
0x4c: {  	_ =	shalt  }
0x4d: {  	_ =	shalt  }
0x4e: {  	_ =	shalt  }
0x4f: {  	_ =	shalt  }
0x50: {  	_ =	shalt  }
0x51: {  	_ =	shalt  }
0x52: {  	_ =	shalt  }
0x53: {  	_ =	shalt  }
0x54: {  	_ =	shalt  }
0x55: {  	_ =	shalt  }
0x56: {  	_ =	shalt  }
0x57: {  	_ =	shalt  }
0x58: {  	_ =	shalt  }
0x59: {  	_ =	shalt  }
0x5a: {  	_ =	shalt  }
0x5b: {  	_ =	shalt  }
0x5c: {  	_ =	shalt  }
0x5d: {  	_ =	shalt  }
0x5e: {  	_ =	shalt  }
0x5f: {  	_ =	shalt  }
0x60: {  	_ =	shalt  }
0x61: {  	_ =	shalt  }
0x62: {  	_ =	shalt  }
0x63: {  	_ =	shalt  }
0x64: {  	_ =	shalt  }
0x65: {  	_ =	shalt  }
0x66: {  	_ =	shalt  }
0x67: {  	_ =	shalt  }
0x68: {  	_ =	shalt  }
0x69: {  	_ =	shalt  }
0x6a: {  	_ =	shalt  }
0x6b: {  	_ =	shalt  }
0x6c: {  	_ =	shalt  }
0x6d: {  	_ =	shalt  }
0x6e: {  	_ =	shalt  }
0x6f: {  	_ =	shalt  }
0x70: {  	_ =	shalt  }
0x71: {  	_ =	shalt  }
0x72: {  	_ =	shalt  }
0x73: {  	_ =	shalt  }
0x74: {  	_ =	shalt  }
0x75: {  	_ =	shalt  }
0x76: {  	_ =	shalt  }
0x77: {  	_ =	shalt  }
0x78: {  	_ =	shalt  }
0x79: {  	_ =	shalt  }
0x7a: {  	_ =	shalt  }
0x7b: {  	_ =	shalt  }
0x7c: {  	_ =	shalt  }
0x7d: {  	_ =	shalt  }
0x7e: {  	_ =	shalt  }
0x7f: {  	_ =	shalt  }
0x80: {  	_ =	shalt  }
0x81: {  	_ =	shalt  }
0x82: {  	_ =	shalt  }
0x83: {  	_ =	shalt  }
0x84: {  	_ =	shalt  }
0x85: {  	_ =	shalt  }
0x86: {  	_ =	shalt  }
0x87: {  	_ =	shalt  }
.Lfunc_end0:
.L_simem_size_0:
called_computation.1_lowered:
.L_overlay_start_0:
0x88: {  	s2 =	sld [smem:$0x3FD9]  }
0x89: {  	s3 =	sld [smem:$0x3FFE];
	_ =	sdelay $0x1  }
0x8a: {  	s1 =	srdreg.scid  }
0x8b: {  	s0 =	sand.u32 $0x1, s1  }
0x8c: {  	s17 =	sshll.u32 s0, $0xA;
	s2 =	sadd.s32 s3, s2  }
0x8d: {  	s2 =	sadd.s32 s2, s17  }
0x8e: {  	[smem:$0x3FB8] =	sst s2  }
0x8f: {  	_ = 	snop  }
0x90: {  	s2 =	sld [smem:$0x3FD0];
	(tm) =	ssettm $0x1  }
0x91: {  	s18 =	sld [smem:$0x3FFB];
	_ =	sdelay $0x3  }
0x92: {  	_ =	strace s18  }
0x93: {  	s3 =	sld [smem:$0x3FFC];
	_ =	sdelay $0x3  }
0x94: {  	_ =	strace s3  }
0x95: {  	s3 =	sld [smem:$0x3FFD];
	_ =	sdelay $0x3  }
0x96: {  	_ =	strace s3  }
0x97: {  	_ =	strace $0x8FFFFFFF  }
0x98: {  	s19 =	sld [smem:$0x3FDB];
	_ =	sdelay $0x1  }
0x99: {  	s4 =	simm.s32 $_scs_section_size  }
0x9a: {  	s5 =	simm.s32 $_size__tile_overlayer_lowered;
	s6 =	simm.s32 $_tile_overlayer_lowered  }
0x9b: {  	s22 =	simm.s32 $0x1BFF;
	s21 =	sshll.u32 s6, $0x1;
	s3 =	sadd.s32 s4, s19  }
0x9c: {  	s7 =	simm.s32 $0x0;
	s20 =	sshll.u32 s5, $0x1;
	s5 =	sadd.s32 s21, s3  }
0x9d: {  	[timem:s7], [sflag:s22] =	dma.local [hbm:s5], s20  }
0x9e: {  	_ =	swait.ge [sflag:s22], s20  }
0x9f: {  	s4 =	ssub.s32 $0x0, s20;
	[sflag:s22] =	ssyncset.done $0x0  }
0xa0: {  	[sflag:s22] =	ssyncadd.s32 s4;
	_ =	sdelay $0x1  }
0xa1: {  	s23 =	simm.s32 $0x1B8B  }
0xa2: {  	_ =	swait.ge [sflag:s23], $0x1  }
0xa3: {  	[sflag:s23] =	ssyncset.done $0x0  }
0xa4: {  	s25 =	simm.s32 $0x1B8E;
	s24 =	sld [smem:$0x3FFE];
	[sflag:s23] =	ssyncadd.s32 $0xFFFFFFFF  }
0xa5: {  	s26 =	simm.s32 $execute0_lowered;
	[smem:$0x3FD2] =	sst s25  }
0xa6: {  	s5 =	sshll.u32 s26, $0x1;
	_ =	strace $0x80000049;
	[dreg:$0x1] =	wrdreg $0xFFFFFFFF  }
0xa7: {  	s28 =	simm.s32 $_size_execute0_lowered;
	s3 =	sadd.s32 s3, s5;
	[dreg:$0x0] =	wrdreg $0x0  }
0xa8: {  	s5 =	sshll.u32 s28, $0x1;
	[dreg:$0x2] =	wrdreg s3  }
0xa9: {  	[dreg:$0x3] =	wrdreg s5  }
0xaa: {  	[dreg:$0x4] =	wrdreg $0xC0  }
0xab: {  	_ =	task [dreg:s7], $0x5FFFF  }
0xac: {  	[dreg:$0x1] =	wrdreg $0xFFFFFFFF  }
0xad: {  	[dreg:$0x0] =	wrdreg $0x60  }
0xae: {  	[dreg:$0x2] =	wrdreg s2  }
0xaf: {  	[dreg:$0x3] =	wrdreg s24  }
0xb0: {  	[dreg:$0x4] =	wrdreg $0x98000  }
0xb1: {  	[dreg:$0x5] =	wrdreg $0x9  }
0xb2: {  	_ =	task.clear_ibuf [dreg:s7], $0x6FFFF;
	_ =	strace $0x90000049  }
0xb3: {  	s29 =	simm.s32 $0x9;
	_ =	strace $0x8000004B  }
0xb4: {  	_ =	swait.ge [sflag:s29], $0x1  }
0xb5: {  	[sflag:s29] =	ssyncadd.s32 $0xFFFFFFFF  }
0xb6: {  	_ =	strace $0x9000004B  }
0xb7: {  	_ =	sfence  }
0xb8: {  	s30 =	sld [smem:$0x0];
	_ =	sdelay $0x2  }
0xb9: {  	s31 =	sshll.u32 s1, $0xD;
	s1 =	sshrl.u32 s1, $0x2  }
0xba: {  	s3 =	sand.u32 $0x4000, s31;
	s1 =	sadd.s32 s1, s30  }
0xbb: {  	s0 =	sor.u32 s3, s0;
	s1 =	sshll.u32 s1, $0x11  }
0xbc: {  	s0 =	sor.u32 s1, s0  }
0xbd: {  	s0 =	sadd.s32 $0x8F2B, s0  }
0xbe: {  	[sflag:s0] =	ssyncadd.remote.s32 $0x1  }
0xbf: {  	_ =	sfence.sel $0xFFFF  }
0xc0: {  	[dreg:$0x0] =	wrdreg $0xFFFFFFFF;
	(pc) =	sbr.abs _section_cstart, $3  }
0xc1: {  	[dreg:$0x1] =	wrdreg $0xFFFFFFFF  }
0xc2: {  	_ =	task.clear_ibuf [dreg:s7], $0x2FFFF;
	_ =	strace $0x9FFFFFFF  }
0xc3: {  	(tm) =	ssettm $0x7FFFFFFF  }
tec
execute0_lowered:
.L_overlay_start_1:
0x0: {  	(tag) =	ssettag $0x1  }
0x1: {  	s1 =	rddreg [dreg:$0x0]  }
0x2: {  	s0 =	srdreg.scid;
	s5 =	rddreg [dreg:$0x1]  }
0x3: {  	s9 =	stileid.u32;
	s3 =	rddreg [dreg:$0x2]  }
0x4: {  	s4 =	simm.s32 $0x0;
	s0 =	sand.u32 $0x1, s0;
	s7 =	smul.u32 $0x14000, s9  }
0x5: {  	s2 =	sshll.u32 s9, $0x1;
	[smem:$0x7FF] =	sst s4;
	s21 =	smul.u32 $0x50000, s9  }
0x6: {  	s8 =	sadd.s32 $0x2B800, s5;
	s2 =	sor.u32 s0, s2;
	s6 =	smul.u32 $0x140000, s0  }
0x7: {  	s28 =	sshll.u32 s9, $0x6;
	_ =	strace $0x8000004A;
	s2 =	smul.u32 $0x5000, s2  }
0x8: {  	[dreg:$0x4] =	wrdreg s8;
	s29 =	sor.u32 $0x1C04, s28;
	s24 =	sshrl.u32 s21, $0x2  }
0x9: {  	s6 =	sadd.s32 s7, s6;
	s7 =	sadd.s32 s24, s3;
	s2 =	sshrl.u32 s2, $0x3  }
0xa: {  	[dreg:$0x10] =	wrdreg s29;
	s31 =	sshrl.u32 s7, $0x3;
	s2 =	sadd.s32 s2, s5  }
0xb: {  	[dreg:$0x11] =	wrdreg s31;
	s15 =	sadd.s32 $0x3200, s2  }
0xc: {  	s10 =	simm.s32 $0x50;
	s16 =	sadd.s32 $0x17200, s2;
	[dreg:$0x5] =	wrdreg s15  }
0xd: {  	s11 =	simm.s32 $0x2000;
	s17 =	sadd.s32 $0x3400, s2;
	[dreg:$0x6] =	wrdreg s16  }
0xe: {  	s13 =	simm.s32 $0x4800;
	s18 =	sadd.s32 $0x17400, s2;
	[dreg:$0x7] =	wrdreg s17  }
0xf: {  	s0 =	ssub.s32 $0x2, s0;
	s20 =	sadd.s32 $0x3600, s2;
	[dreg:$0x8] =	wrdreg s18  }
0x10: {  	s8 =	simm.s32 $0x4;
	s22 =	sadd.s32 $0x17600, s2;
	[dreg:$0x9] =	wrdreg s20  }
0x11: {  	s19 =	sshrl.u32 s0, $0x1;
	s23 =	sadd.s32 $0x3800, s2;
	[dreg:$0xa] =	wrdreg s22  }
0x12: {  	s0 =	ssub.s32 s0, s19;
	s25 =	sadd.s32 $0x17800, s2;
	[dreg:$0xb] =	wrdreg s23  }
0x13: {  	s6 =	sshrl.u32 s6, $0x3;
	s26 =	sadd.s32 $0x3A00, s2;
	[dreg:$0xc] =	wrdreg s25  }
0x14: {  	s5 =	sadd.s32 s6, s5;
	s2 =	sadd.s32 $0x17A00, s2;
	[dreg:$0xd] =	wrdreg s26  }
0x15: {  	s19 =	simm.s32 $0x3;
	s30 =	sadd.s32 $0x2E000, s5;
	[dreg:$0xe] =	wrdreg s2  }
0x16: {  	s6 =	smax.u32 s0, $0x1;
	[dreg:$0xf] =	wrdreg s30;
	s20 =	simm.s32 $0x1000  }
0x17: {  	s15 =	simm.s32 $0x7000;
	s16 =	simm.s32 $0x1;
	s17 =	simm.s32 $0x2  }
.LBB2_1:
0x18: {  	s30 =	rddreg [dreg:$0x4]  }
0x19: {  	s0 =	rddreg [dreg:$0x10]  }
0x1a: {  	s2 =	rddreg [dreg:$0x11]  }
0x1b: {  	[spmem:s2], [sflag:s0] =	dma.local [hbm:s30], $0x2800  }
0x1c: {  	_ =	swait.ge [sflag:s8], $0x2800  }
0x1d: {  	[sflag:s8] =	ssyncset.done $0x0  }
0x1e: {  	[sflag:s8] =	ssyncadd.s32 $0xFFFFD800  }
0x1f: {  	[bflag:$0x0] =	sbarrier.arrive $0xFFFF  }
0x20: {  	s18 =	rddreg [dreg:$0x5]  }
0x21: {  	[tilespmem:s4], [sflag:$0x4] =	stream.linear.gather [hbm4b:s18+s4], $0xC80, $0x38;
	[tilespmem:$0x1D800] =	vst v63  }
0x22: {  	_ =	swait.ge [sflag:s8], $0xC80  }
0x23: {  	[sflag:s8] =	ssyncset.done $0x0  }
0x24: {  	s21 =	rddreg [dreg:$0x6];
	[sflag:s8] =	ssyncadd.s32 $0xFFFFF380  }
0x25: {  	[tilespmem:s20], [sflag:$0x4] =	stream.linear.gather [hbm4b:s21+s4], $0xC80, $0x38;
	[tilespmem:$0x1D800] =	vst v63  }
0x26: {  	_ =	swait.ge [sflag:s8], $0xC80  }
0x27: {  	[sflag:s8] =	ssyncset.done $0x0  }
0x28: {  	[sflag:s8] =	ssyncadd.s32 $0xFFFFF380  }
0x29: {  	[tilespmem:s11], [sflag:$0x1] =	stream.indirect.gather [hbm4b:s1+s10], $0x80, s4, s10, $0xb8;
	[tilespmem:$0x1D800] =	vst v63  }
0x2a: {  	s22 =	simm.s32 $0x80  }
0x2b: {  	[tilespmem:s13], [sflag:$0x2] =	stream.indirect.gather [hbm4b:s1+s10], $0x80, s22, s10, $0xb8;
	[tilespmem:$0x1D800] =	vst v63  }
0x2c: {  	s23 =	simm.s32 $0x100  }
0x2d: {  	[tilespmem:s15], [sflag:$0x3] =	stream.indirect.gather [hbm4b:s1+s10], $0x80, s23, s10, $0xb8;
	[tilespmem:$0x1D800] =	vst v63  }
0x2e: {  	_ =	swait.ge [sflag:s16], $0x2800  }
0x2f: {  	[sflag:s16] =	ssyncset.done $0x0  }
0x30: {  	[sflag:s16] =	ssyncadd.s32 $0xFFFFD800  }
0x31: {  	[spmem:s3] =	stream.indirect.scatter.add.f32 [tilespmem:s11], [sflag:$0x4], $0x80, s20, s10, $0xb8;
	[tilespmem:$0x1D800] =	vst v63  }
0x32: {  	_ =	swait.ge [sflag:s8], $0x2800  }
0x33: {  	[sflag:s8] =	ssyncset.done $0x0  }
0x34: {  	[sflag:s8] =	ssyncadd.s32 $0xFFFFD800  }
0x35: {  	_ =	swait.ge [sflag:s17], $0x2800  }
0x36: {  	[sflag:s17] =	ssyncset.done $0x0  }
0x37: {  	s24 =	simm.s32 $0x1080;
	[sflag:s17] =	ssyncadd.s32 $0xFFFFD800  }
0x38: {  	[spmem:s3] =	stream.indirect.scatter.add.f32 [tilespmem:s13], [sflag:$0x4], $0x80, s24, s10, $0xb8;
	[tilespmem:$0x1D800] =	vst v63  }
0x39: {  	_ =	swait.ge [sflag:s8], $0x2800  }
0x3a: {  	[sflag:s8] =	ssyncset.done $0x0  }
0x3b: {  	[sflag:s8] =	ssyncadd.s32 $0xFFFFD800  }
0x3c: {  	_ =	swait.ge [sflag:s19], $0x2800  }
0x3d: {  	[sflag:s19] =	ssyncset.done $0x0  }
0x3e: {  	s25 =	simm.s32 $0x1100;
	[sflag:s19] =	ssyncadd.s32 $0xFFFFD800  }
0x3f: {  	[spmem:s3] =	stream.indirect.scatter.add.f32 [tilespmem:s15], [sflag:$0x4], $0x80, s25, s10, $0xb8;
	[tilespmem:$0x1D800] =	vst v63  }
0x40: {  	_ =	swait.ge [sflag:s8], $0x2800  }
0x41: {  	[sflag:s8] =	ssyncset.done $0x0  }
0x42: {  	s26 =	simm.s32 $0x180;
	[sflag:s8] =	ssyncadd.s32 $0xFFFFD800  }
0x43: {  	[tilespmem:s11], [sflag:$0x1] =	stream.indirect.gather [hbm4b:s1+s10], $0x80, s26, s10, $0xb8;
	[tilespmem:$0x1D800] =	vst v63  }
0x44: {  	s28 =	simm.s32 $0x200  }
0x45: {  	[tilespmem:s13], [sflag:$0x2] =	stream.indirect.gather [hbm4b:s1+s10], $0x80, s28, s10, $0xb8;
	[tilespmem:$0x1D800] =	vst v63  }
0x46: {  	s29 =	simm.s32 $0x280  }
0x47: {  	[tilespmem:s15], [sflag:$0x3] =	stream.indirect.gather [hbm4b:s1+s10], $0x80, s29, s10, $0xb8;
	[tilespmem:$0x1D800] =	vst v63  }
0x48: {  	_ =	swait.ge [sflag:s16], $0x2800  }
0x49: {  	[sflag:s16] =	ssyncset.done $0x0  }
0x4a: {  	s30 =	simm.s32 $0x1180;
	[sflag:s16] =	ssyncadd.s32 $0xFFFFD800  }
0x4b: {  	[spmem:s3] =	stream.indirect.scatter.add.f32 [tilespmem:s11], [sflag:$0x4], $0x80, s30, s10, $0xb8;
	[tilespmem:$0x1D800] =	vst v63  }
0x4c: {  	_ =	swait.ge [sflag:s8], $0x2800  }
0x4d: {  	[sflag:s8] =	ssyncset.done $0x0  }
0x4e: {  	[sflag:s8] =	ssyncadd.s32 $0xFFFFD800  }
0x4f: {  	_ =	swait.ge [sflag:s17], $0x2800  }
0x50: {  	[sflag:s17] =	ssyncset.done $0x0  }
0x51: {  	s31 =	simm.s32 $0x1200;
	[sflag:s17] =	ssyncadd.s32 $0xFFFFD800  }
0x52: {  	[spmem:s3] =	stream.indirect.scatter.add.f32 [tilespmem:s13], [sflag:$0x4], $0x80, s31, s10, $0xb8;
	[tilespmem:$0x1D800] =	vst v63  }
0x53: {  	_ =	swait.ge [sflag:s8], $0x2800  }
0x54: {  	[sflag:s8] =	ssyncset.done $0x0  }
0x55: {  	[sflag:s8] =	ssyncadd.s32 $0xFFFFD800  }
0x56: {  	_ =	swait.ge [sflag:s19], $0x2800  }
0x57: {  	[sflag:s19] =	ssyncset.done $0x0  }
0x58: {  	s5 =	simm.s32 $0x1280;
	[sflag:s19] =	ssyncadd.s32 $0xFFFFD800  }
0x59: {  	[spmem:s3] =	stream.indirect.scatter.add.f32 [tilespmem:s15], [sflag:$0x4], $0x80, s5, s10, $0xb8;
	[tilespmem:$0x1D800] =	vst v63  }
0x5a: {  	_ =	swait.ge [sflag:s8], $0x2800  }
0x5b: {  	[sflag:s8] =	ssyncset.done $0x0  }
0x5c: {  	s7 =	simm.s32 $0x300;
	[sflag:s8] =	ssyncadd.s32 $0xFFFFD800  }
0x5d: {  	[tilespmem:s11], [sflag:$0x1] =	stream.indirect.gather [hbm4b:s1+s10], $0x80, s7, s10, $0xb8;
	[tilespmem:$0x1D800] =	vst v63  }
0x5e: {  	s12 =	simm.s32 $0x380  }
0x5f: {  	[tilespmem:s13], [sflag:$0x2] =	stream.indirect.gather [hbm4b:s1+s10], $0x80, s12, s10, $0xb8;
	[tilespmem:$0x1D800] =	vst v63  }
0x60: {  	s14 =	simm.s32 $0x400  }
0x61: {  	[tilespmem:s15], [sflag:$0x3] =	stream.indirect.gather [hbm4b:s1+s10], $0x80, s14, s10, $0xb8;
	[tilespmem:$0x1D800] =	vst v63  }
0x62: {  	_ =	swait.ge [sflag:s16], $0x2800  }
0x63: {  	[sflag:s16] =	ssyncset.done $0x0  }
0x64: {  	s18 =	simm.s32 $0x1300;
	[sflag:s16] =	ssyncadd.s32 $0xFFFFD800  }
0x65: {  	[spmem:s3] =	stream.indirect.scatter.add.f32 [tilespmem:s11], [sflag:$0x4], $0x80, s18, s10, $0xb8;
	[tilespmem:$0x1D800] =	vst v63  }
0x66: {  	_ =	swait.ge [sflag:s8], $0x2800  }
0x67: {  	[sflag:s8] =	ssyncset.done $0x0  }
0x68: {  	[sflag:s8] =	ssyncadd.s32 $0xFFFFD800  }
0x69: {  	_ =	swait.ge [sflag:s17], $0x2800  }
0x6a: {  	[sflag:s17] =	ssyncset.done $0x0  }
0x6b: {  	s21 =	simm.s32 $0x1380;
	[sflag:s17] =	ssyncadd.s32 $0xFFFFD800  }
0x6c: {  	[spmem:s3] =	stream.indirect.scatter.add.f32 [tilespmem:s13], [sflag:$0x4], $0x80, s21, s10, $0xb8;
	[tilespmem:$0x1D800] =	vst v63  }
0x6d: {  	_ =	swait.ge [sflag:s8], $0x2800  }
0x6e: {  	[sflag:s8] =	ssyncset.done $0x0  }
0x6f: {  	[sflag:s8] =	ssyncadd.s32 $0xFFFFD800  }
0x70: {  	_ =	swait.ge [sflag:s19], $0x2800  }
0x71: {  	[sflag:s19] =	ssyncset.done $0x0  }
0x72: {  	s22 =	simm.s32 $0x1400;
	[sflag:s19] =	ssyncadd.s32 $0xFFFFD800  }
0x73: {  	[spmem:s3] =	stream.indirect.scatter.add.f32 [tilespmem:s15], [sflag:$0x4], $0x80, s22, s10, $0xb8;
	[tilespmem:$0x1D800] =	vst v63  }
0x74: {  	_ =	swait.ge [sflag:s8], $0x2800  }
0x75: {  	[sflag:s8] =	ssyncset.done $0x0  }
0x76: {  	s23 =	simm.s32 $0x480;
	[sflag:s8] =	ssyncadd.s32 $0xFFFFD800  }
0x77: {  	[tilespmem:s11], [sflag:$0x1] =	stream.indirect.gather [hbm4b:s1+s10], $0x80, s23, s10, $0xb8;
	[tilespmem:$0x1D800] =	vst v63  }
0x78: {  	s28 =	simm.s32 $0x500  }
0x79: {  	[tilespmem:s13], [sflag:$0x2] =	stream.indirect.gather [hbm4b:s1+s10], $0x80, s28, s10, $0xb8;
	[tilespmem:$0x1D800] =	vst v63  }
0x7a: {  	s29 =	simm.s32 $0x580  }
0x7b: {  	[tilespmem:s15], [sflag:$0x3] =	stream.indirect.gather [hbm4b:s1+s10], $0x80, s29, s10, $0xb8;
	[tilespmem:$0x1D800] =	vst v63  }
0x7c: {  	_ =	swait.ge [sflag:s16], $0x2800  }
0x7d: {  	[sflag:s16] =	ssyncset.done $0x0  }
0x7e: {  	s31 =	simm.s32 $0x1480;
	[sflag:s16] =	ssyncadd.s32 $0xFFFFD800  }
0x7f: {  	[spmem:s3] =	stream.indirect.scatter.add.f32 [tilespmem:s11], [sflag:$0x4], $0x80, s31, s10, $0xb8;
	[tilespmem:$0x1D800] =	vst v63  }
0x80: {  	_ =	swait.ge [sflag:s8], $0x2800  }
0x81: {  	[sflag:s8] =	ssyncset.done $0x0  }
0x82: {  	[sflag:s8] =	ssyncadd.s32 $0xFFFFD800  }
0x83: {  	_ =	swait.ge [sflag:s17], $0x2800  }
0x84: {  	[sflag:s17] =	ssyncset.done $0x0  }
0x85: {  	s0 =	simm.s32 $0x1500;
	[sflag:s17] =	ssyncadd.s32 $0xFFFFD800  }
0x86: {  	[spmem:s3] =	stream.indirect.scatter.add.f32 [tilespmem:s13], [sflag:$0x4], $0x80, s0, s10, $0xb8;
	[tilespmem:$0x1D800] =	vst v63  }
0x87: {  	_ =	swait.ge [sflag:s8], $0x2800  }
0x88: {  	[sflag:s8] =	ssyncset.done $0x0  }
0x89: {  	[sflag:s8] =	ssyncadd.s32 $0xFFFFD800  }
0x8a: {  	_ =	swait.ge [sflag:s19], $0x2800  }
0x8b: {  	[sflag:s19] =	ssyncset.done $0x0  }
0x8c: {  	s5 =	simm.s32 $0x1580;
	[sflag:s19] =	ssyncadd.s32 $0xFFFFD800  }
0x8d: {  	[spmem:s3] =	stream.indirect.scatter.add.f32 [tilespmem:s15], [sflag:$0x4], $0x80, s5, s10, $0xb8;
	[tilespmem:$0x1D800] =	vst v63  }
0x8e: {  	_ =	swait.ge [sflag:s8], $0x2800  }
0x8f: {  	[sflag:s8] =	ssyncset.done $0x0  }
0x90: {  	s7 =	simm.s32 $0x600;
	[sflag:s8] =	ssyncadd.s32 $0xFFFFD800  }
0x91: {  	[tilespmem:s11], [sflag:$0x1] =	stream.indirect.gather [hbm4b:s1+s10], $0x80, s7, s10, $0xb8;
	[tilespmem:$0x1D800] =	vst v63  }
0x92: {  	s12 =	simm.s32 $0x680  }
0x93: {  	[tilespmem:s13], [sflag:$0x2] =	stream.indirect.gather [hbm4b:s1+s10], $0x80, s12, s10, $0xb8;
	[tilespmem:$0x1D800] =	vst v63  }
0x94: {  	s14 =	simm.s32 $0x700  }
0x95: {  	[tilespmem:s15], [sflag:$0x3] =	stream.indirect.gather [hbm4b:s1+s10], $0x80, s14, s10, $0xb8;
	[tilespmem:$0x1D800] =	vst v63  }
0x96: {  	_ =	swait.ge [sflag:s16], $0x2800  }
0x97: {  	[sflag:s16] =	ssyncset.done $0x0  }
0x98: {  	s18 =	simm.s32 $0x1600;
	[sflag:s16] =	ssyncadd.s32 $0xFFFFD800  }
0x99: {  	[spmem:s3] =	stream.indirect.scatter.add.f32 [tilespmem:s11], [sflag:$0x4], $0x80, s18, s10, $0xb8;
	[tilespmem:$0x1D800] =	vst v63  }
0x9a: {  	_ =	swait.ge [sflag:s8], $0x2800  }
0x9b: {  	[sflag:s8] =	ssyncset.done $0x0  }
0x9c: {  	[sflag:s8] =	ssyncadd.s32 $0xFFFFD800  }
0x9d: {  	_ =	swait.ge [sflag:s17], $0x2800  }
0x9e: {  	[sflag:s17] =	ssyncset.done $0x0  }
0x9f: {  	s21 =	simm.s32 $0x1680;
	[sflag:s17] =	ssyncadd.s32 $0xFFFFD800  }
0xa0: {  	[spmem:s3] =	stream.indirect.scatter.add.f32 [tilespmem:s13], [sflag:$0x4], $0x80, s21, s10, $0xb8;
	[tilespmem:$0x1D800] =	vst v63  }
0xa1: {  	_ =	swait.ge [sflag:s8], $0x2800  }
0xa2: {  	[sflag:s8] =	ssyncset.done $0x0  }
0xa3: {  	[sflag:s8] =	ssyncadd.s32 $0xFFFFD800  }
0xa4: {  	_ =	swait.ge [sflag:s19], $0x2800  }
0xa5: {  	[sflag:s19] =	ssyncset.done $0x0  }
0xa6: {  	s22 =	simm.s32 $0x1700;
	[sflag:s19] =	ssyncadd.s32 $0xFFFFD800  }
0xa7: {  	[spmem:s3] =	stream.indirect.scatter.add.f32 [tilespmem:s15], [sflag:$0x4], $0x80, s22, s10, $0xb8;
	[tilespmem:$0x1D800] =	vst v63  }
0xa8: {  	_ =	swait.ge [sflag:s8], $0x2800  }
0xa9: {  	[sflag:s8] =	ssyncset.done $0x0  }
0xaa: {  	s23 =	simm.s32 $0x780;
	[sflag:s8] =	ssyncadd.s32 $0xFFFFD800  }
0xab: {  	[tilespmem:s11], [sflag:$0x1] =	stream.indirect.gather [hbm4b:s1+s10], $0x80, s23, s10, $0xb8;
	[tilespmem:$0x1D800] =	vst v63  }
0xac: {  	s28 =	simm.s32 $0x800  }
0xad: {  	[tilespmem:s13], [sflag:$0x2] =	stream.indirect.gather [hbm4b:s1+s10], $0x80, s28, s10, $0xb8;
	[tilespmem:$0x1D800] =	vst v63  }
0xae: {  	s29 =	simm.s32 $0x880  }
0xaf: {  	[tilespmem:s15], [sflag:$0x3] =	stream.indirect.gather [hbm4b:s1+s10], $0x80, s29, s10, $0xb8;
	[tilespmem:$0x1D800] =	vst v63  }
0xb0: {  	_ =	swait.ge [sflag:s16], $0x2800  }
0xb1: {  	[sflag:s16] =	ssyncset.done $0x0  }
0xb2: {  	s31 =	simm.s32 $0x1780;
	[sflag:s16] =	ssyncadd.s32 $0xFFFFD800  }
0xb3: {  	[spmem:s3] =	stream.indirect.scatter.add.f32 [tilespmem:s11], [sflag:$0x4], $0x80, s31, s10, $0xb8;
	[tilespmem:$0x1D800] =	vst v63  }
0xb4: {  	_ =	swait.ge [sflag:s8], $0x2800  }
0xb5: {  	[sflag:s8] =	ssyncset.done $0x0  }
0xb6: {  	[sflag:s8] =	ssyncadd.s32 $0xFFFFD800  }
0xb7: {  	_ =	swait.ge [sflag:s17], $0x2800  }
0xb8: {  	[sflag:s17] =	ssyncset.done $0x0  }
0xb9: {  	s0 =	simm.s32 $0x1800;
	[sflag:s17] =	ssyncadd.s32 $0xFFFFD800  }
0xba: {  	[spmem:s3] =	stream.indirect.scatter.add.f32 [tilespmem:s13], [sflag:$0x4], $0x80, s0, s10, $0xb8;
	[tilespmem:$0x1D800] =	vst v63  }
0xbb: {  	_ =	swait.ge [sflag:s8], $0x2800  }
0xbc: {  	[sflag:s8] =	ssyncset.done $0x0  }
0xbd: {  	[sflag:s8] =	ssyncadd.s32 $0xFFFFD800  }
0xbe: {  	_ =	swait.ge [sflag:s19], $0x2800  }
0xbf: {  	[sflag:s19] =	ssyncset.done $0x0  }
0xc0: {  	s5 =	simm.s32 $0x1880;
	[sflag:s19] =	ssyncadd.s32 $0xFFFFD800  }
0xc1: {  	[spmem:s3] =	stream.indirect.scatter.add.f32 [tilespmem:s15], [sflag:$0x4], $0x80, s5, s10, $0xb8;
	[tilespmem:$0x1D800] =	vst v63  }
0xc2: {  	_ =	swait.ge [sflag:s8], $0x2800  }
0xc3: {  	[sflag:s8] =	ssyncset.done $0x0  }
0xc4: {  	s7 =	simm.s32 $0x900;
	[sflag:s8] =	ssyncadd.s32 $0xFFFFD800  }
0xc5: {  	[tilespmem:s11], [sflag:$0x1] =	stream.indirect.gather [hbm4b:s1+s10], $0x80, s7, s10, $0xb8;
	[tilespmem:$0x1D800] =	vst v63  }
0xc6: {  	s12 =	simm.s32 $0x980  }
0xc7: {  	[tilespmem:s13], [sflag:$0x2] =	stream.indirect.gather [hbm4b:s1+s10], $0x80, s12, s10, $0xb8;
	[tilespmem:$0x1D800] =	vst v63  }
0xc8: {  	s14 =	simm.s32 $0xA00  }
0xc9: {  	[tilespmem:s15], [sflag:$0x3] =	stream.indirect.gather [hbm4b:s1+s10], $0x80, s14, s10, $0xb8;
	[tilespmem:$0x1D800] =	vst v63  }
0xca: {  	_ =	swait.ge [sflag:s16], $0x2800  }
0xcb: {  	[sflag:s16] =	ssyncset.done $0x0  }
0xcc: {  	s18 =	simm.s32 $0x1900;
	[sflag:s16] =	ssyncadd.s32 $0xFFFFD800  }
0xcd: {  	[spmem:s3] =	stream.indirect.scatter.add.f32 [tilespmem:s11], [sflag:$0x4], $0x80, s18, s10, $0xb8;
	[tilespmem:$0x1D800] =	vst v63  }
0xce: {  	_ =	swait.ge [sflag:s8], $0x2800  }
0xcf: {  	[sflag:s8] =	ssyncset.done $0x0  }
0xd0: {  	[sflag:s8] =	ssyncadd.s32 $0xFFFFD800  }
0xd1: {  	_ =	swait.ge [sflag:s17], $0x2800  }
0xd2: {  	[sflag:s17] =	ssyncset.done $0x0  }
0xd3: {  	s0 =	simm.s32 $0x1980;
	[sflag:s17] =	ssyncadd.s32 $0xFFFFD800  }
0xd4: {  	[spmem:s3] =	stream.indirect.scatter.add.f32 [tilespmem:s13], [sflag:$0x4], $0x80, s0, s10, $0xb8;
	[tilespmem:$0x1D800] =	vst v63  }
0xd5: {  	_ =	swait.ge [sflag:s8], $0x2800  }
0xd6: {  	[sflag:s8] =	ssyncset.done $0x0  }
0xd7: {  	[sflag:s8] =	ssyncadd.s32 $0xFFFFD800  }
0xd8: {  	_ =	swait.ge [sflag:s19], $0x2800  }
0xd9: {  	[sflag:s19] =	ssyncset.done $0x0  }
0xda: {  	s5 =	simm.s32 $0x1A00;
	[sflag:s19] =	ssyncadd.s32 $0xFFFFD800  }
0xdb: {  	[spmem:s3] =	stream.indirect.scatter.add.f32 [tilespmem:s15], [sflag:$0x4], $0x80, s5, s10, $0xb8;
	[tilespmem:$0x1D800] =	vst v63  }
0xdc: {  	_ =	swait.ge [sflag:s8], $0x2800  }
0xdd: {  	[sflag:s8] =	ssyncset.done $0x0  }
0xde: {  	s7 =	simm.s32 $0xA80;
	[sflag:s8] =	ssyncadd.s32 $0xFFFFD800  }
0xdf: {  	[tilespmem:s11], [sflag:$0x1] =	stream.indirect.gather [hbm4b:s1+s10], $0x80, s7, s10, $0xb8;
	[tilespmem:$0x1D800] =	vst v63  }
0xe0: {  	s12 =	simm.s32 $0xB00  }
0xe1: {  	[tilespmem:s13], [sflag:$0x2] =	stream.indirect.gather [hbm4b:s1+s10], $0x80, s12, s10, $0xb8;
	[tilespmem:$0x1D800] =	vst v63  }
0xe2: {  	s14 =	simm.s32 $0xB80  }
0xe3: {  	[tilespmem:s15], [sflag:$0x3] =	stream.indirect.gather [hbm4b:s1+s10], $0x80, s14, s10, $0xb8;
	[tilespmem:$0x1D800] =	vst v63  }
0xe4: {  	_ =	swait.ge [sflag:s16], $0x2800  }
0xe5: {  	[sflag:s16] =	ssyncset.done $0x0  }
0xe6: {  	s18 =	simm.s32 $0x1A80;
	[sflag:s16] =	ssyncadd.s32 $0xFFFFD800  }
0xe7: {  	[spmem:s3] =	stream.indirect.scatter.add.f32 [tilespmem:s11], [sflag:$0x4], $0x80, s18, s10, $0xb8;
	[tilespmem:$0x1D800] =	vst v63  }
0xe8: {  	_ =	swait.ge [sflag:s8], $0x2800  }
0xe9: {  	[sflag:s8] =	ssyncset.done $0x0  }
0xea: {  	[sflag:s8] =	ssyncadd.s32 $0xFFFFD800  }
0xeb: {  	_ =	swait.ge [sflag:s17], $0x2800  }
0xec: {  	[sflag:s17] =	ssyncset.done $0x0  }
0xed: {  	s0 =	simm.s32 $0x1B00;
	[sflag:s17] =	ssyncadd.s32 $0xFFFFD800  }
0xee: {  	[spmem:s3] =	stream.indirect.scatter.add.f32 [tilespmem:s13], [sflag:$0x4], $0x80, s0, s10, $0xb8;
	[tilespmem:$0x1D800] =	vst v63  }
0xef: {  	_ =	swait.ge [sflag:s8], $0x2800  }
0xf0: {  	[sflag:s8] =	ssyncset.done $0x0  }
0xf1: {  	[sflag:s8] =	ssyncadd.s32 $0xFFFFD800  }
0xf2: {  	_ =	swait.ge [sflag:s19], $0x2800  }
0xf3: {  	[sflag:s19] =	ssyncset.done $0x0  }
0xf4: {  	s5 =	simm.s32 $0x1B80;
	[sflag:s19] =	ssyncadd.s32 $0xFFFFD800  }
0xf5: {  	[spmem:s3] =	stream.indirect.scatter.add.f32 [tilespmem:s15], [sflag:$0x4], $0x80, s5, s10, $0xb8;
	[tilespmem:$0x1D800] =	vst v63  }
0xf6: {  	_ =	swait.ge [sflag:s8], $0x2800  }
0xf7: {  	[sflag:s8] =	ssyncset.done $0x0  }
0xf8: {  	s7 =	simm.s32 $0xC00;
	[sflag:s8] =	ssyncadd.s32 $0xFFFFD800  }
0xf9: {  	[tilespmem:s11], [sflag:$0x1] =	stream.indirect.gather [hbm4b:s1+s10], $0x80, s7, s10, $0xb8;
	[tilespmem:$0x1D800] =	vst v63  }
0xfa: {  	_ =	swait.ge [sflag:s16], $0x2800  }
0xfb: {  	[sflag:s16] =	ssyncset.done $0x0  }
0xfc: {  	s12 =	simm.s32 $0x1C00;
	[sflag:s16] =	ssyncadd.s32 $0xFFFFD800  }
0xfd: {  	[spmem:s3] =	stream.indirect.scatter.add.f32 [tilespmem:s11], [sflag:$0x4], $0x80, s12, s10, $0xb8;
	[tilespmem:$0x1D800] =	vst v63  }
0xfe: {  	_ =	swait.ge [sflag:s8], $0x2800  }
0xff: {  	[sflag:s8] =	ssyncset.done $0x0  }
0x100: {  	s14 =	rddreg [dreg:$0x7];
	[sflag:s8] =	ssyncadd.s32 $0xFFFFD800  }
0x101: {  	[tilespmem:s4], [sflag:$0x4] =	stream.linear.gather [hbm4b:s14+s4], $0xC80, $0x38;
	[tilespmem:$0x1D800] =	vst v63  }
0x102: {  	_ =	swait.ge [sflag:s8], $0xC80  }
0x103: {  	[sflag:s8] =	ssyncset.done $0x0  }
0x104: {  	s18 =	rddreg [dreg:$0x8];
	[sflag:s8] =	ssyncadd.s32 $0xFFFFF380  }
0x105: {  	[tilespmem:s20], [sflag:$0x4] =	stream.linear.gather [hbm4b:s18+s4], $0xC80, $0x38;
	[tilespmem:$0x1D800] =	vst v63  }
0x106: {  	_ =	swait.ge [sflag:s8], $0xC80  }
0x107: {  	[sflag:s8] =	ssyncset.done $0x0  }
0x108: {  	[sflag:s8] =	ssyncadd.s32 $0xFFFFF380  }
0x109: {  	[tilespmem:s11], [sflag:$0x1] =	stream.indirect.gather [hbm4b:s1+s10], $0x80, s4, s10, $0xb8;
	[tilespmem:$0x1D800] =	vst v63  }
0x10a: {  	s0 =	simm.s32 $0x80  }
0x10b: {  	[tilespmem:s13], [sflag:$0x2] =	stream.indirect.gather [hbm4b:s1+s10], $0x80, s0, s10, $0xb8;
	[tilespmem:$0x1D800] =	vst v63  }
0x10c: {  	s2 =	simm.s32 $0x100  }
0x10d: {  	[tilespmem:s15], [sflag:$0x3] =	stream.indirect.gather [hbm4b:s1+s10], $0x80, s2, s10, $0xb8;
	[tilespmem:$0x1D800] =	vst v63  }
0x10e: {  	_ =	swait.ge [sflag:s16], $0x2800  }
0x10f: {  	[sflag:s16] =	ssyncset.done $0x0  }
0x110: {  	[sflag:s16] =	ssyncadd.s32 $0xFFFFD800  }
0x111: {  	[spmem:s3] =	stream.indirect.scatter.add.f32 [tilespmem:s11], [sflag:$0x4], $0x80, s20, s10, $0xb8;
	[tilespmem:$0x1D800] =	vst v63  }
0x112: {  	_ =	swait.ge [sflag:s8], $0x2800  }
0x113: {  	[sflag:s8] =	ssyncset.done $0x0  }
0x114: {  	[sflag:s8] =	ssyncadd.s32 $0xFFFFD800  }
0x115: {  	_ =	swait.ge [sflag:s17], $0x2800  }
0x116: {  	[sflag:s17] =	ssyncset.done $0x0  }
0x117: {  	s9 =	simm.s32 $0x1080;
	[sflag:s17] =	ssyncadd.s32 $0xFFFFD800  }
0x118: {  	[spmem:s3] =	stream.indirect.scatter.add.f32 [tilespmem:s13], [sflag:$0x4], $0x80, s9, s10, $0xb8;
	[tilespmem:$0x1D800] =	vst v63  }
0x119: {  	_ =	swait.ge [sflag:s8], $0x2800  }
0x11a: {  	[sflag:s8] =	ssyncset.done $0x0  }
0x11b: {  	[sflag:s8] =	ssyncadd.s32 $0xFFFFD800  }
0x11c: {  	_ =	swait.ge [sflag:s19], $0x2800  }
0x11d: {  	[sflag:s19] =	ssyncset.done $0x0  }
0x11e: {  	s24 =	simm.s32 $0x1100;
	[sflag:s19] =	ssyncadd.s32 $0xFFFFD800  }
0x11f: {  	[spmem:s3] =	stream.indirect.scatter.add.f32 [tilespmem:s15], [sflag:$0x4], $0x80, s24, s10, $0xb8;
	[tilespmem:$0x1D800] =	vst v63  }
0x120: {  	_ =	swait.ge [sflag:s8], $0x2800  }
0x121: {  	[sflag:s8] =	ssyncset.done $0x0  }
0x122: {  	s2 =	simm.s32 $0x180;
	[sflag:s8] =	ssyncadd.s32 $0xFFFFD800  }
0x123: {  	[tilespmem:s11], [sflag:$0x1] =	stream.indirect.gather [hbm4b:s1+s10], $0x80, s2, s10, $0xb8;
	[tilespmem:$0x1D800] =	vst v63  }
0x124: {  	s9 =	simm.s32 $0x200  }
0x125: {  	[tilespmem:s13], [sflag:$0x2] =	stream.indirect.gather [hbm4b:s1+s10], $0x80, s9, s10, $0xb8;
	[tilespmem:$0x1D800] =	vst v63  }
0x126: {  	s25 =	simm.s32 $0x280  }
0x127: {  	[tilespmem:s15], [sflag:$0x3] =	stream.indirect.gather [hbm4b:s1+s10], $0x80, s25, s10, $0xb8;
	[tilespmem:$0x1D800] =	vst v63  }
0x128: {  	_ =	swait.ge [sflag:s16], $0x2800  }
0x129: {  	[sflag:s16] =	ssyncset.done $0x0  }
0x12a: {  	s26 =	simm.s32 $0x1180;
	[sflag:s16] =	ssyncadd.s32 $0xFFFFD800  }
0x12b: {  	[spmem:s3] =	stream.indirect.scatter.add.f32 [tilespmem:s11], [sflag:$0x4], $0x80, s26, s10, $0xb8;
	[tilespmem:$0x1D800] =	vst v63  }
0x12c: {  	_ =	swait.ge [sflag:s8], $0x2800  }
0x12d: {  	[sflag:s8] =	ssyncset.done $0x0  }
0x12e: {  	[sflag:s8] =	ssyncadd.s32 $0xFFFFD800  }
0x12f: {  	_ =	swait.ge [sflag:s17], $0x2800  }
0x130: {  	[sflag:s17] =	ssyncset.done $0x0  }
0x131: {  	s5 =	simm.s32 $0x1200;
	[sflag:s17] =	ssyncadd.s32 $0xFFFFD800  }
0x132: {  	[spmem:s3] =	stream.indirect.scatter.add.f32 [tilespmem:s13], [sflag:$0x4], $0x80, s5, s10, $0xb8;
	[tilespmem:$0x1D800] =	vst v63  }
0x133: {  	_ =	swait.ge [sflag:s8], $0x2800  }
0x134: {  	[sflag:s8] =	ssyncset.done $0x0  }
0x135: {  	[sflag:s8] =	ssyncadd.s32 $0xFFFFD800  }
0x136: {  	_ =	swait.ge [sflag:s19], $0x2800  }
0x137: {  	[sflag:s19] =	ssyncset.done $0x0  }
0x138: {  	s7 =	simm.s32 $0x1280;
	[sflag:s19] =	ssyncadd.s32 $0xFFFFD800  }
0x139: {  	[spmem:s3] =	stream.indirect.scatter.add.f32 [tilespmem:s15], [sflag:$0x4], $0x80, s7, s10, $0xb8;
	[tilespmem:$0x1D800] =	vst v63  }
0x13a: {  	_ =	swait.ge [sflag:s8], $0x2800  }
0x13b: {  	[sflag:s8] =	ssyncset.done $0x0  }
0x13c: {  	s24 =	simm.s32 $0x300;
	[sflag:s8] =	ssyncadd.s32 $0xFFFFD800  }
0x13d: {  	[tilespmem:s11], [sflag:$0x1] =	stream.indirect.gather [hbm4b:s1+s10], $0x80, s24, s10, $0xb8;
	[tilespmem:$0x1D800] =	vst v63  }
0x13e: {  	s25 =	simm.s32 $0x380  }
0x13f: {  	[tilespmem:s13], [sflag:$0x2] =	stream.indirect.gather [hbm4b:s1+s10], $0x80, s25, s10, $0xb8;
	[tilespmem:$0x1D800] =	vst v63  }
0x140: {  	s12 =	simm.s32 $0x400  }
0x141: {  	[tilespmem:s15], [sflag:$0x3] =	stream.indirect.gather [hbm4b:s1+s10], $0x80, s12, s10, $0xb8;
	[tilespmem:$0x1D800] =	vst v63  }
0x142: {  	_ =	swait.ge [sflag:s16], $0x2800  }
0x143: {  	[sflag:s16] =	ssyncset.done $0x0  }
0x144: {  	s14 =	simm.s32 $0x1300;
	[sflag:s16] =	ssyncadd.s32 $0xFFFFD800  }
0x145: {  	[spmem:s3] =	stream.indirect.scatter.add.f32 [tilespmem:s11], [sflag:$0x4], $0x80, s14, s10, $0xb8;
	[tilespmem:$0x1D800] =	vst v63  }
0x146: {  	_ =	swait.ge [sflag:s8], $0x2800  }
0x147: {  	[sflag:s8] =	ssyncset.done $0x0  }
0x148: {  	[sflag:s8] =	ssyncadd.s32 $0xFFFFD800  }
0x149: {  	_ =	swait.ge [sflag:s17], $0x2800  }
0x14a: {  	[sflag:s17] =	ssyncset.done $0x0  }
0x14b: {  	s18 =	simm.s32 $0x1380;
	[sflag:s17] =	ssyncadd.s32 $0xFFFFD800  }
0x14c: {  	[spmem:s3] =	stream.indirect.scatter.add.f32 [tilespmem:s13], [sflag:$0x4], $0x80, s18, s10, $0xb8;
	[tilespmem:$0x1D800] =	vst v63  }
0x14d: {  	_ =	swait.ge [sflag:s8], $0x2800  }
0x14e: {  	[sflag:s8] =	ssyncset.done $0x0  }
0x14f: {  	[sflag:s8] =	ssyncadd.s32 $0xFFFFD800  }
0x150: {  	_ =	swait.ge [sflag:s19], $0x2800  }
0x151: {  	[sflag:s19] =	ssyncset.done $0x0  }
0x152: {  	s26 =	simm.s32 $0x1400;
	[sflag:s19] =	ssyncadd.s32 $0xFFFFD800  }
0x153: {  	[spmem:s3] =	stream.indirect.scatter.add.f32 [tilespmem:s15], [sflag:$0x4], $0x80, s26, s10, $0xb8;
	[tilespmem:$0x1D800] =	vst v63  }
0x154: {  	_ =	swait.ge [sflag:s8], $0x2800  }
0x155: {  	[sflag:s8] =	ssyncset.done $0x0  }
0x156: {  	s30 =	simm.s32 $0x480;
	[sflag:s8] =	ssyncadd.s32 $0xFFFFD800  }
0x157: {  	[tilespmem:s11], [sflag:$0x1] =	stream.indirect.gather [hbm4b:s1+s10], $0x80, s30, s10, $0xb8;
	[tilespmem:$0x1D800] =	vst v63  }
0x158: {  	s30 =	simm.s32 $0x500  }
0x159: {  	[tilespmem:s13], [sflag:$0x2] =	stream.indirect.gather [hbm4b:s1+s10], $0x80, s30, s10, $0xb8;
	[tilespmem:$0x1D800] =	vst v63  }
0x15a: {  	s30 =	simm.s32 $0x580  }
0x15b: {  	[tilespmem:s15], [sflag:$0x3] =	stream.indirect.gather [hbm4b:s1+s10], $0x80, s30, s10, $0xb8;
	[tilespmem:$0x1D800] =	vst v63  }
0x15c: {  	_ =	swait.ge [sflag:s16], $0x2800  }
0x15d: {  	[sflag:s16] =	ssyncset.done $0x0  }
0x15e: {  	s30 =	simm.s32 $0x1480;
	[sflag:s16] =	ssyncadd.s32 $0xFFFFD800  }
0x15f: {  	[spmem:s3] =	stream.indirect.scatter.add.f32 [tilespmem:s11], [sflag:$0x4], $0x80, s30, s10, $0xb8;
	[tilespmem:$0x1D800] =	vst v63  }
0x160: {  	_ =	swait.ge [sflag:s8], $0x2800  }
0x161: {  	[sflag:s8] =	ssyncset.done $0x0  }
0x162: {  	[sflag:s8] =	ssyncadd.s32 $0xFFFFD800  }
0x163: {  	_ =	swait.ge [sflag:s17], $0x2800  }
0x164: {  	[sflag:s17] =	ssyncset.done $0x0  }
0x165: {  	s30 =	simm.s32 $0x1500;
	[sflag:s17] =	ssyncadd.s32 $0xFFFFD800  }
0x166: {  	[spmem:s3] =	stream.indirect.scatter.add.f32 [tilespmem:s13], [sflag:$0x4], $0x80, s30, s10, $0xb8;
	[tilespmem:$0x1D800] =	vst v63  }
0x167: {  	_ =	swait.ge [sflag:s8], $0x2800  }
0x168: {  	[sflag:s8] =	ssyncset.done $0x0  }
0x169: {  	[sflag:s8] =	ssyncadd.s32 $0xFFFFD800  }
0x16a: {  	_ =	swait.ge [sflag:s19], $0x2800  }
0x16b: {  	[sflag:s19] =	ssyncset.done $0x0  }
0x16c: {  	s30 =	simm.s32 $0x1580;
	[sflag:s19] =	ssyncadd.s32 $0xFFFFD800  }
0x16d: {  	[spmem:s3] =	stream.indirect.scatter.add.f32 [tilespmem:s15], [sflag:$0x4], $0x80, s30, s10, $0xb8;
	[tilespmem:$0x1D800] =	vst v63  }
0x16e: {  	_ =	swait.ge [sflag:s8], $0x2800  }
0x16f: {  	[sflag:s8] =	ssyncset.done $0x0  }
0x170: {  	s30 =	simm.s32 $0x600;
	[sflag:s8] =	ssyncadd.s32 $0xFFFFD800  }
0x171: {  	[tilespmem:s11], [sflag:$0x1] =	stream.indirect.gather [hbm4b:s1+s10], $0x80, s30, s10, $0xb8;
	[tilespmem:$0x1D800] =	vst v63  }
0x172: {  	s30 =	simm.s32 $0x680  }
0x173: {  	[tilespmem:s13], [sflag:$0x2] =	stream.indirect.gather [hbm4b:s1+s10], $0x80, s30, s10, $0xb8;
	[tilespmem:$0x1D800] =	vst v63  }
0x174: {  	s30 =	simm.s32 $0x700  }
0x175: {  	[tilespmem:s15], [sflag:$0x3] =	stream.indirect.gather [hbm4b:s1+s10], $0x80, s30, s10, $0xb8;
	[tilespmem:$0x1D800] =	vst v63  }
0x176: {  	_ =	swait.ge [sflag:s16], $0x2800  }
0x177: {  	[sflag:s16] =	ssyncset.done $0x0  }
0x178: {  	s30 =	simm.s32 $0x1600;
	[sflag:s16] =	ssyncadd.s32 $0xFFFFD800  }
0x179: {  	[spmem:s3] =	stream.indirect.scatter.add.f32 [tilespmem:s11], [sflag:$0x4], $0x80, s30, s10, $0xb8;
	[tilespmem:$0x1D800] =	vst v63  }
0x17a: {  	_ =	swait.ge [sflag:s8], $0x2800  }
0x17b: {  	[sflag:s8] =	ssyncset.done $0x0  }
0x17c: {  	[sflag:s8] =	ssyncadd.s32 $0xFFFFD800  }
0x17d: {  	_ =	swait.ge [sflag:s17], $0x2800  }
0x17e: {  	[sflag:s17] =	ssyncset.done $0x0  }
0x17f: {  	s21 =	simm.s32 $0x1680;
	[sflag:s17] =	ssyncadd.s32 $0xFFFFD800  }
0x180: {  	[spmem:s3] =	stream.indirect.scatter.add.f32 [tilespmem:s13], [sflag:$0x4], $0x80, s21, s10, $0xb8;
	[tilespmem:$0x1D800] =	vst v63  }
0x181: {  	_ =	swait.ge [sflag:s8], $0x2800  }
0x182: {  	[sflag:s8] =	ssyncset.done $0x0  }
0x183: {  	[sflag:s8] =	ssyncadd.s32 $0xFFFFD800  }
0x184: {  	_ =	swait.ge [sflag:s19], $0x2800  }
0x185: {  	[sflag:s19] =	ssyncset.done $0x0  }
0x186: {  	s22 =	simm.s32 $0x1700;
	[sflag:s19] =	ssyncadd.s32 $0xFFFFD800  }
0x187: {  	[spmem:s3] =	stream.indirect.scatter.add.f32 [tilespmem:s15], [sflag:$0x4], $0x80, s22, s10, $0xb8;
	[tilespmem:$0x1D800] =	vst v63  }
0x188: {  	_ =	swait.ge [sflag:s8], $0x2800  }
0x189: {  	[sflag:s8] =	ssyncset.done $0x0  }
0x18a: {  	s22 =	simm.s32 $0x780;
	[sflag:s8] =	ssyncadd.s32 $0xFFFFD800  }
0x18b: {  	[tilespmem:s11], [sflag:$0x1] =	stream.indirect.gather [hbm4b:s1+s10], $0x80, s22, s10, $0xb8;
	[tilespmem:$0x1D800] =	vst v63  }
0x18c: {  	s30 =	simm.s32 $0x800  }
0x18d: {  	[tilespmem:s13], [sflag:$0x2] =	stream.indirect.gather [hbm4b:s1+s10], $0x80, s30, s10, $0xb8;
	[tilespmem:$0x1D800] =	vst v63  }
0x18e: {  	s23 =	simm.s32 $0x880  }
0x18f: {  	[tilespmem:s15], [sflag:$0x3] =	stream.indirect.gather [hbm4b:s1+s10], $0x80, s23, s10, $0xb8;
	[tilespmem:$0x1D800] =	vst v63  }
0x190: {  	_ =	swait.ge [sflag:s16], $0x2800  }
0x191: {  	[sflag:s16] =	ssyncset.done $0x0  }
0x192: {  	s28 =	simm.s32 $0x1780;
	[sflag:s16] =	ssyncadd.s32 $0xFFFFD800  }
0x193: {  	[spmem:s3] =	stream.indirect.scatter.add.f32 [tilespmem:s11], [sflag:$0x4], $0x80, s28, s10, $0xb8;
	[tilespmem:$0x1D800] =	vst v63  }
0x194: {  	_ =	swait.ge [sflag:s8], $0x2800  }
0x195: {  	[sflag:s8] =	ssyncset.done $0x0  }
0x196: {  	[sflag:s8] =	ssyncadd.s32 $0xFFFFD800  }
0x197: {  	_ =	swait.ge [sflag:s17], $0x2800  }
0x198: {  	[sflag:s17] =	ssyncset.done $0x0  }
0x199: {  	s29 =	simm.s32 $0x1800;
	[sflag:s17] =	ssyncadd.s32 $0xFFFFD800  }
0x19a: {  	[spmem:s3] =	stream.indirect.scatter.add.f32 [tilespmem:s13], [sflag:$0x4], $0x80, s29, s10, $0xb8;
	[tilespmem:$0x1D800] =	vst v63  }
0x19b: {  	_ =	swait.ge [sflag:s8], $0x2800  }
0x19c: {  	[sflag:s8] =	ssyncset.done $0x0  }
0x19d: {  	[sflag:s8] =	ssyncadd.s32 $0xFFFFD800  }
0x19e: {  	_ =	swait.ge [sflag:s19], $0x2800  }
0x19f: {  	[sflag:s19] =	ssyncset.done $0x0  }
0x1a0: {  	s31 =	simm.s32 $0x1880;
	[sflag:s19] =	ssyncadd.s32 $0xFFFFD800  }
0x1a1: {  	[spmem:s3] =	stream.indirect.scatter.add.f32 [tilespmem:s15], [sflag:$0x4], $0x80, s31, s10, $0xb8;
	[tilespmem:$0x1D800] =	vst v63  }
0x1a2: {  	_ =	swait.ge [sflag:s8], $0x2800  }
0x1a3: {  	[sflag:s8] =	ssyncset.done $0x0  }
0x1a4: {  	s28 =	simm.s32 $0x900;
	[sflag:s8] =	ssyncadd.s32 $0xFFFFD800  }
0x1a5: {  	[tilespmem:s11], [sflag:$0x1] =	stream.indirect.gather [hbm4b:s1+s10], $0x80, s28, s10, $0xb8;
	[tilespmem:$0x1D800] =	vst v63  }
0x1a6: {  	s29 =	simm.s32 $0x980  }
0x1a7: {  	[tilespmem:s13], [sflag:$0x2] =	stream.indirect.gather [hbm4b:s1+s10], $0x80, s29, s10, $0xb8;
	[tilespmem:$0x1D800] =	vst v63  }
0x1a8: {  	s30 =	simm.s32 $0xA00  }
0x1a9: {  	[tilespmem:s15], [sflag:$0x3] =	stream.indirect.gather [hbm4b:s1+s10], $0x80, s30, s10, $0xb8;
	[tilespmem:$0x1D800] =	vst v63  }
0x1aa: {  	_ =	swait.ge [sflag:s16], $0x2800  }
0x1ab: {  	[sflag:s16] =	ssyncset.done $0x0  }
0x1ac: {  	s31 =	simm.s32 $0x1900;
	[sflag:s16] =	ssyncadd.s32 $0xFFFFD800  }
0x1ad: {  	[spmem:s3] =	stream.indirect.scatter.add.f32 [tilespmem:s11], [sflag:$0x4], $0x80, s31, s10, $0xb8;
	[tilespmem:$0x1D800] =	vst v63  }
0x1ae: {  	_ =	swait.ge [sflag:s8], $0x2800  }
0x1af: {  	[sflag:s8] =	ssyncset.done $0x0  }
0x1b0: {  	[sflag:s8] =	ssyncadd.s32 $0xFFFFD800  }
0x1b1: {  	_ =	swait.ge [sflag:s17], $0x2800  }
0x1b2: {  	[sflag:s17] =	ssyncset.done $0x0  }
0x1b3: {  	s30 =	simm.s32 $0x1980;
	[sflag:s17] =	ssyncadd.s32 $0xFFFFD800  }
0x1b4: {  	[spmem:s3] =	stream.indirect.scatter.add.f32 [tilespmem:s13], [sflag:$0x4], $0x80, s30, s10, $0xb8;
	[tilespmem:$0x1D800] =	vst v63  }
0x1b5: {  	_ =	swait.ge [sflag:s8], $0x2800  }
0x1b6: {  	[sflag:s8] =	ssyncset.done $0x0  }
0x1b7: {  	[sflag:s8] =	ssyncadd.s32 $0xFFFFD800  }
0x1b8: {  	_ =	swait.ge [sflag:s19], $0x2800  }
0x1b9: {  	[sflag:s19] =	ssyncset.done $0x0  }
0x1ba: {  	s31 =	simm.s32 $0x1A00;
	[sflag:s19] =	ssyncadd.s32 $0xFFFFD800  }
0x1bb: {  	[spmem:s3] =	stream.indirect.scatter.add.f32 [tilespmem:s15], [sflag:$0x4], $0x80, s31, s10, $0xb8;
	[tilespmem:$0x1D800] =	vst v63  }
0x1bc: {  	_ =	swait.ge [sflag:s8], $0x2800  }
0x1bd: {  	[sflag:s8] =	ssyncset.done $0x0  }
0x1be: {  	s30 =	simm.s32 $0xA80;
	[sflag:s8] =	ssyncadd.s32 $0xFFFFD800  }
0x1bf: {  	[tilespmem:s11], [sflag:$0x1] =	stream.indirect.gather [hbm4b:s1+s10], $0x80, s30, s10, $0xb8;
	[tilespmem:$0x1D800] =	vst v63  }
0x1c0: {  	s31 =	simm.s32 $0xB00  }
0x1c1: {  	[tilespmem:s13], [sflag:$0x2] =	stream.indirect.gather [hbm4b:s1+s10], $0x80, s31, s10, $0xb8;
	[tilespmem:$0x1D800] =	vst v63  }
0x1c2: {  	s30 =	simm.s32 $0xB80  }
0x1c3: {  	[tilespmem:s15], [sflag:$0x3] =	stream.indirect.gather [hbm4b:s1+s10], $0x80, s30, s10, $0xb8;
	[tilespmem:$0x1D800] =	vst v63  }
0x1c4: {  	_ =	swait.ge [sflag:s16], $0x2800  }
0x1c5: {  	[sflag:s16] =	ssyncset.done $0x0  }
0x1c6: {  	s30 =	simm.s32 $0x1A80;
	[sflag:s16] =	ssyncadd.s32 $0xFFFFD800  }
0x1c7: {  	[spmem:s3] =	stream.indirect.scatter.add.f32 [tilespmem:s11], [sflag:$0x4], $0x80, s30, s10, $0xb8;
	[tilespmem:$0x1D800] =	vst v63  }
0x1c8: {  	_ =	swait.ge [sflag:s8], $0x2800  }
0x1c9: {  	[sflag:s8] =	ssyncset.done $0x0  }
0x1ca: {  	[sflag:s8] =	ssyncadd.s32 $0xFFFFD800  }
0x1cb: {  	_ =	swait.ge [sflag:s17], $0x2800  }
0x1cc: {  	[sflag:s17] =	ssyncset.done $0x0  }
0x1cd: {  	s30 =	simm.s32 $0x1B00;
	[sflag:s17] =	ssyncadd.s32 $0xFFFFD800  }
0x1ce: {  	[spmem:s3] =	stream.indirect.scatter.add.f32 [tilespmem:s13], [sflag:$0x4], $0x80, s30, s10, $0xb8;
	[tilespmem:$0x1D800] =	vst v63  }
0x1cf: {  	_ =	swait.ge [sflag:s8], $0x2800  }
0x1d0: {  	[sflag:s8] =	ssyncset.done $0x0  }
0x1d1: {  	[sflag:s8] =	ssyncadd.s32 $0xFFFFD800  }
0x1d2: {  	_ =	swait.ge [sflag:s19], $0x2800  }
0x1d3: {  	[sflag:s19] =	ssyncset.done $0x0  }
0x1d4: {  	s30 =	simm.s32 $0x1B80;
	[sflag:s19] =	ssyncadd.s32 $0xFFFFD800  }
0x1d5: {  	[spmem:s3] =	stream.indirect.scatter.add.f32 [tilespmem:s15], [sflag:$0x4], $0x80, s30, s10, $0xb8;
	[tilespmem:$0x1D800] =	vst v63  }
0x1d6: {  	_ =	swait.ge [sflag:s8], $0x2800  }
0x1d7: {  	[sflag:s8] =	ssyncset.done $0x0  }
0x1d8: {  	s30 =	simm.s32 $0xC00;
	[sflag:s8] =	ssyncadd.s32 $0xFFFFD800  }
0x1d9: {  	[tilespmem:s11], [sflag:$0x1] =	stream.indirect.gather [hbm4b:s1+s10], $0x80, s30, s10, $0xb8;
	[tilespmem:$0x1D800] =	vst v63  }
0x1da: {  	_ =	swait.ge [sflag:s16], $0x2800  }
0x1db: {  	[sflag:s16] =	ssyncset.done $0x0  }
0x1dc: {  	s30 =	simm.s32 $0x1C00;
	[sflag:s16] =	ssyncadd.s32 $0xFFFFD800  }
0x1dd: {  	[spmem:s3] =	stream.indirect.scatter.add.f32 [tilespmem:s11], [sflag:$0x4], $0x80, s30, s10, $0xb8;
	[tilespmem:$0x1D800] =	vst v63  }
0x1de: {  	_ =	swait.ge [sflag:s8], $0x2800  }
0x1df: {  	[sflag:s8] =	ssyncset.done $0x0  }
0x1e0: {  	s30 =	rddreg [dreg:$0x9];
	[sflag:s8] =	ssyncadd.s32 $0xFFFFD800  }
0x1e1: {  	[tilespmem:s4], [sflag:$0x4] =	stream.linear.gather [hbm4b:s30+s4], $0xC80, $0x38;
	[tilespmem:$0x1D800] =	vst v63  }
0x1e2: {  	_ =	swait.ge [sflag:s8], $0xC80  }
0x1e3: {  	[sflag:s8] =	ssyncset.done $0x0  }
0x1e4: {  	s30 =	rddreg [dreg:$0xa];
	[sflag:s8] =	ssyncadd.s32 $0xFFFFF380  }
0x1e5: {  	[tilespmem:s20], [sflag:$0x4] =	stream.linear.gather [hbm4b:s30+s4], $0xC80, $0x38;
	[tilespmem:$0x1D800] =	vst v63  }
0x1e6: {  	_ =	swait.ge [sflag:s8], $0xC80  }
0x1e7: {  	[sflag:s8] =	ssyncset.done $0x0  }
0x1e8: {  	[sflag:s8] =	ssyncadd.s32 $0xFFFFF380  }
0x1e9: {  	[tilespmem:s11], [sflag:$0x1] =	stream.indirect.gather [hbm4b:s1+s10], $0x80, s4, s10, $0xb8;
	[tilespmem:$0x1D800] =	vst v63  }
0x1ea: {  	_ = 	snop  }
0x1eb: {  	[tilespmem:s13], [sflag:$0x2] =	stream.indirect.gather [hbm4b:s1+s10], $0x80, s0, s10, $0xb8;
	[tilespmem:$0x1D800] =	vst v63  }
0x1ec: {  	s30 =	simm.s32 $0x100  }
0x1ed: {  	[tilespmem:s15], [sflag:$0x3] =	stream.indirect.gather [hbm4b:s1+s10], $0x80, s30, s10, $0xb8;
	[tilespmem:$0x1D800] =	vst v63  }
0x1ee: {  	_ =	swait.ge [sflag:s16], $0x2800  }
0x1ef: {  	[sflag:s16] =	ssyncset.done $0x0  }
0x1f0: {  	[sflag:s16] =	ssyncadd.s32 $0xFFFFD800  }
0x1f1: {  	[spmem:s3] =	stream.indirect.scatter.add.f32 [tilespmem:s11], [sflag:$0x4], $0x80, s20, s10, $0xb8;
	[tilespmem:$0x1D800] =	vst v63  }
0x1f2: {  	_ =	swait.ge [sflag:s8], $0x2800  }
0x1f3: {  	[sflag:s8] =	ssyncset.done $0x0  }
0x1f4: {  	[sflag:s8] =	ssyncadd.s32 $0xFFFFD800  }
0x1f5: {  	_ =	swait.ge [sflag:s17], $0x2800  }
0x1f6: {  	[sflag:s17] =	ssyncset.done $0x0  }
0x1f7: {  	s30 =	simm.s32 $0x1080;
	[sflag:s17] =	ssyncadd.s32 $0xFFFFD800  }
0x1f8: {  	[spmem:s3] =	stream.indirect.scatter.add.f32 [tilespmem:s13], [sflag:$0x4], $0x80, s30, s10, $0xb8;
	[tilespmem:$0x1D800] =	vst v63  }
0x1f9: {  	_ =	swait.ge [sflag:s8], $0x2800  }
0x1fa: {  	[sflag:s8] =	ssyncset.done $0x0  }
0x1fb: {  	[sflag:s8] =	ssyncadd.s32 $0xFFFFD800  }
0x1fc: {  	_ =	swait.ge [sflag:s19], $0x2800  }
0x1fd: {  	[sflag:s19] =	ssyncset.done $0x0  }
0x1fe: {  	s30 =	simm.s32 $0x1100;
	[sflag:s19] =	ssyncadd.s32 $0xFFFFD800  }
0x1ff: {  	[spmem:s3] =	stream.indirect.scatter.add.f32 [tilespmem:s15], [sflag:$0x4], $0x80, s30, s10, $0xb8;
	[tilespmem:$0x1D800] =	vst v63  }
0x200: {  	_ =	swait.ge [sflag:s8], $0x2800  }
0x201: {  	[sflag:s8] =	ssyncset.done $0x0  }
0x202: {  	[sflag:s8] =	ssyncadd.s32 $0xFFFFD800  }
0x203: {  	[tilespmem:s11], [sflag:$0x1] =	stream.indirect.gather [hbm4b:s1+s10], $0x80, s2, s10, $0xb8;
	[tilespmem:$0x1D800] =	vst v63  }
0x204: {  	_ = 	snop  }
0x205: {  	[tilespmem:s13], [sflag:$0x2] =	stream.indirect.gather [hbm4b:s1+s10], $0x80, s9, s10, $0xb8;
	[tilespmem:$0x1D800] =	vst v63  }
0x206: {  	s30 =	simm.s32 $0x280  }
0x207: {  	[tilespmem:s15], [sflag:$0x3] =	stream.indirect.gather [hbm4b:s1+s10], $0x80, s30, s10, $0xb8;
	[tilespmem:$0x1D800] =	vst v63  }
0x208: {  	_ =	swait.ge [sflag:s16], $0x2800  }
0x209: {  	[sflag:s16] =	ssyncset.done $0x0  }
0x20a: {  	s30 =	simm.s32 $0x1180;
	[sflag:s16] =	ssyncadd.s32 $0xFFFFD800  }
0x20b: {  	[spmem:s3] =	stream.indirect.scatter.add.f32 [tilespmem:s11], [sflag:$0x4], $0x80, s30, s10, $0xb8;
	[tilespmem:$0x1D800] =	vst v63  }
0x20c: {  	_ =	swait.ge [sflag:s8], $0x2800  }
0x20d: {  	[sflag:s8] =	ssyncset.done $0x0  }
0x20e: {  	[sflag:s8] =	ssyncadd.s32 $0xFFFFD800  }
0x20f: {  	_ =	swait.ge [sflag:s17], $0x2800  }
0x210: {  	[sflag:s17] =	ssyncset.done $0x0  }
0x211: {  	[sflag:s17] =	ssyncadd.s32 $0xFFFFD800  }
0x212: {  	[spmem:s3] =	stream.indirect.scatter.add.f32 [tilespmem:s13], [sflag:$0x4], $0x80, s5, s10, $0xb8;
	[tilespmem:$0x1D800] =	vst v63  }
0x213: {  	_ =	swait.ge [sflag:s8], $0x2800  }
0x214: {  	[sflag:s8] =	ssyncset.done $0x0  }
0x215: {  	[sflag:s8] =	ssyncadd.s32 $0xFFFFD800  }
0x216: {  	_ =	swait.ge [sflag:s19], $0x2800  }
0x217: {  	[sflag:s19] =	ssyncset.done $0x0  }
0x218: {  	[sflag:s19] =	ssyncadd.s32 $0xFFFFD800  }
0x219: {  	[spmem:s3] =	stream.indirect.scatter.add.f32 [tilespmem:s15], [sflag:$0x4], $0x80, s7, s10, $0xb8;
	[tilespmem:$0x1D800] =	vst v63  }
0x21a: {  	_ =	swait.ge [sflag:s8], $0x2800  }
0x21b: {  	[sflag:s8] =	ssyncset.done $0x0  }
0x21c: {  	[sflag:s8] =	ssyncadd.s32 $0xFFFFD800  }
0x21d: {  	[tilespmem:s11], [sflag:$0x1] =	stream.indirect.gather [hbm4b:s1+s10], $0x80, s24, s10, $0xb8;
	[tilespmem:$0x1D800] =	vst v63  }
0x21e: {  	_ = 	snop  }
0x21f: {  	[tilespmem:s13], [sflag:$0x2] =	stream.indirect.gather [hbm4b:s1+s10], $0x80, s25, s10, $0xb8;
	[tilespmem:$0x1D800] =	vst v63  }
0x220: {  	_ = 	snop  }
0x221: {  	[tilespmem:s15], [sflag:$0x3] =	stream.indirect.gather [hbm4b:s1+s10], $0x80, s12, s10, $0xb8;
	[tilespmem:$0x1D800] =	vst v63  }
0x222: {  	_ =	swait.ge [sflag:s16], $0x2800  }
0x223: {  	[sflag:s16] =	ssyncset.done $0x0  }
0x224: {  	[sflag:s16] =	ssyncadd.s32 $0xFFFFD800  }
0x225: {  	[spmem:s3] =	stream.indirect.scatter.add.f32 [tilespmem:s11], [sflag:$0x4], $0x80, s14, s10, $0xb8;
	[tilespmem:$0x1D800] =	vst v63  }
0x226: {  	_ =	swait.ge [sflag:s8], $0x2800  }
0x227: {  	[sflag:s8] =	ssyncset.done $0x0  }
0x228: {  	[sflag:s8] =	ssyncadd.s32 $0xFFFFD800  }
0x229: {  	_ =	swait.ge [sflag:s17], $0x2800  }
0x22a: {  	[sflag:s17] =	ssyncset.done $0x0  }
0x22b: {  	[sflag:s17] =	ssyncadd.s32 $0xFFFFD800  }
0x22c: {  	[spmem:s3] =	stream.indirect.scatter.add.f32 [tilespmem:s13], [sflag:$0x4], $0x80, s18, s10, $0xb8;
	[tilespmem:$0x1D800] =	vst v63  }
0x22d: {  	_ =	swait.ge [sflag:s8], $0x2800  }
0x22e: {  	[sflag:s8] =	ssyncset.done $0x0  }
0x22f: {  	[sflag:s8] =	ssyncadd.s32 $0xFFFFD800  }
0x230: {  	_ =	swait.ge [sflag:s19], $0x2800  }
0x231: {  	[sflag:s19] =	ssyncset.done $0x0  }
0x232: {  	[sflag:s19] =	ssyncadd.s32 $0xFFFFD800  }
0x233: {  	[spmem:s3] =	stream.indirect.scatter.add.f32 [tilespmem:s15], [sflag:$0x4], $0x80, s26, s10, $0xb8;
	[tilespmem:$0x1D800] =	vst v63  }
0x234: {  	_ =	swait.ge [sflag:s8], $0x2800  }
0x235: {  	[sflag:s8] =	ssyncset.done $0x0  }
0x236: {  	s30 =	simm.s32 $0x480;
	[sflag:s8] =	ssyncadd.s32 $0xFFFFD800  }
0x237: {  	[tilespmem:s11], [sflag:$0x1] =	stream.indirect.gather [hbm4b:s1+s10], $0x80, s30, s10, $0xb8;
	[tilespmem:$0x1D800] =	vst v63  }
0x238: {  	s14 =	simm.s32 $0x500  }
0x239: {  	[tilespmem:s13], [sflag:$0x2] =	stream.indirect.gather [hbm4b:s1+s10], $0x80, s14, s10, $0xb8;
	[tilespmem:$0x1D800] =	vst v63  }
0x23a: {  	s18 =	simm.s32 $0x580  }
0x23b: {  	[tilespmem:s15], [sflag:$0x3] =	stream.indirect.gather [hbm4b:s1+s10], $0x80, s18, s10, $0xb8;
	[tilespmem:$0x1D800] =	vst v63  }
0x23c: {  	_ =	swait.ge [sflag:s16], $0x2800  }
0x23d: {  	[sflag:s16] =	ssyncset.done $0x0  }
0x23e: {  	s30 =	simm.s32 $0x1480;
	[sflag:s16] =	ssyncadd.s32 $0xFFFFD800  }
0x23f: {  	[spmem:s3] =	stream.indirect.scatter.add.f32 [tilespmem:s11], [sflag:$0x4], $0x80, s30, s10, $0xb8;
	[tilespmem:$0x1D800] =	vst v63  }
0x240: {  	_ =	swait.ge [sflag:s8], $0x2800  }
0x241: {  	[sflag:s8] =	ssyncset.done $0x0  }
0x242: {  	[sflag:s8] =	ssyncadd.s32 $0xFFFFD800  }
0x243: {  	_ =	swait.ge [sflag:s17], $0x2800  }
0x244: {  	[sflag:s17] =	ssyncset.done $0x0  }
0x245: {  	s14 =	simm.s32 $0x1500;
	[sflag:s17] =	ssyncadd.s32 $0xFFFFD800  }
0x246: {  	[spmem:s3] =	stream.indirect.scatter.add.f32 [tilespmem:s13], [sflag:$0x4], $0x80, s14, s10, $0xb8;
	[tilespmem:$0x1D800] =	vst v63  }
0x247: {  	_ =	swait.ge [sflag:s8], $0x2800  }
0x248: {  	[sflag:s8] =	ssyncset.done $0x0  }
0x249: {  	[sflag:s8] =	ssyncadd.s32 $0xFFFFD800  }
0x24a: {  	_ =	swait.ge [sflag:s19], $0x2800  }
0x24b: {  	[sflag:s19] =	ssyncset.done $0x0  }
0x24c: {  	s18 =	simm.s32 $0x1580;
	[sflag:s19] =	ssyncadd.s32 $0xFFFFD800  }
0x24d: {  	[spmem:s3] =	stream.indirect.scatter.add.f32 [tilespmem:s15], [sflag:$0x4], $0x80, s18, s10, $0xb8;
	[tilespmem:$0x1D800] =	vst v63  }
0x24e: {  	_ =	swait.ge [sflag:s8], $0x2800  }
0x24f: {  	[sflag:s8] =	ssyncset.done $0x0  }
0x250: {  	s30 =	simm.s32 $0x600;
	[sflag:s8] =	ssyncadd.s32 $0xFFFFD800  }
0x251: {  	[tilespmem:s11], [sflag:$0x1] =	stream.indirect.gather [hbm4b:s1+s10], $0x80, s30, s10, $0xb8;
	[tilespmem:$0x1D800] =	vst v63  }
0x252: {  	s14 =	simm.s32 $0x680  }
0x253: {  	[tilespmem:s13], [sflag:$0x2] =	stream.indirect.gather [hbm4b:s1+s10], $0x80, s14, s10, $0xb8;
	[tilespmem:$0x1D800] =	vst v63  }
0x254: {  	s18 =	simm.s32 $0x700  }
0x255: {  	[tilespmem:s15], [sflag:$0x3] =	stream.indirect.gather [hbm4b:s1+s10], $0x80, s18, s10, $0xb8;
	[tilespmem:$0x1D800] =	vst v63  }
0x256: {  	_ =	swait.ge [sflag:s16], $0x2800  }
0x257: {  	[sflag:s16] =	ssyncset.done $0x0  }
0x258: {  	s30 =	simm.s32 $0x1600;
	[sflag:s16] =	ssyncadd.s32 $0xFFFFD800  }
0x259: {  	[spmem:s3] =	stream.indirect.scatter.add.f32 [tilespmem:s11], [sflag:$0x4], $0x80, s30, s10, $0xb8;
	[tilespmem:$0x1D800] =	vst v63  }
0x25a: {  	_ =	swait.ge [sflag:s8], $0x2800  }
0x25b: {  	[sflag:s8] =	ssyncset.done $0x0  }
0x25c: {  	[sflag:s8] =	ssyncadd.s32 $0xFFFFD800  }
0x25d: {  	_ =	swait.ge [sflag:s17], $0x2800  }
0x25e: {  	[sflag:s17] =	ssyncset.done $0x0  }
0x25f: {  	s14 =	simm.s32 $0x1680;
	[sflag:s17] =	ssyncadd.s32 $0xFFFFD800  }
0x260: {  	[spmem:s3] =	stream.indirect.scatter.add.f32 [tilespmem:s13], [sflag:$0x4], $0x80, s14, s10, $0xb8;
	[tilespmem:$0x1D800] =	vst v63  }
0x261: {  	_ =	swait.ge [sflag:s8], $0x2800  }
0x262: {  	[sflag:s8] =	ssyncset.done $0x0  }
0x263: {  	[sflag:s8] =	ssyncadd.s32 $0xFFFFD800  }
0x264: {  	_ =	swait.ge [sflag:s19], $0x2800  }
0x265: {  	[sflag:s19] =	ssyncset.done $0x0  }
0x266: {  	s18 =	simm.s32 $0x1700;
	[sflag:s19] =	ssyncadd.s32 $0xFFFFD800  }
0x267: {  	[spmem:s3] =	stream.indirect.scatter.add.f32 [tilespmem:s15], [sflag:$0x4], $0x80, s18, s10, $0xb8;
	[tilespmem:$0x1D800] =	vst v63  }
0x268: {  	_ =	swait.ge [sflag:s8], $0x2800  }
0x269: {  	[sflag:s8] =	ssyncset.done $0x0  }
0x26a: {  	s21 =	simm.s32 $0x780;
	[sflag:s8] =	ssyncadd.s32 $0xFFFFD800  }
0x26b: {  	[tilespmem:s11], [sflag:$0x1] =	stream.indirect.gather [hbm4b:s1+s10], $0x80, s21, s10, $0xb8;
	[tilespmem:$0x1D800] =	vst v63  }
0x26c: {  	s22 =	simm.s32 $0x800  }
0x26d: {  	[tilespmem:s13], [sflag:$0x2] =	stream.indirect.gather [hbm4b:s1+s10], $0x80, s22, s10, $0xb8;
	[tilespmem:$0x1D800] =	vst v63  }
0x26e: {  	s30 =	simm.s32 $0x880  }
0x26f: {  	[tilespmem:s15], [sflag:$0x3] =	stream.indirect.gather [hbm4b:s1+s10], $0x80, s30, s10, $0xb8;
	[tilespmem:$0x1D800] =	vst v63  }
0x270: {  	_ =	swait.ge [sflag:s16], $0x2800  }
0x271: {  	[sflag:s16] =	ssyncset.done $0x0  }
0x272: {  	s14 =	simm.s32 $0x1780;
	[sflag:s16] =	ssyncadd.s32 $0xFFFFD800  }
0x273: {  	[spmem:s3] =	stream.indirect.scatter.add.f32 [tilespmem:s11], [sflag:$0x4], $0x80, s14, s10, $0xb8;
	[tilespmem:$0x1D800] =	vst v63  }
0x274: {  	_ =	swait.ge [sflag:s8], $0x2800  }
0x275: {  	[sflag:s8] =	ssyncset.done $0x0  }
0x276: {  	[sflag:s8] =	ssyncadd.s32 $0xFFFFD800  }
0x277: {  	_ =	swait.ge [sflag:s17], $0x2800  }
0x278: {  	[sflag:s17] =	ssyncset.done $0x0  }
0x279: {  	s18 =	simm.s32 $0x1800;
	[sflag:s17] =	ssyncadd.s32 $0xFFFFD800  }
0x27a: {  	[spmem:s3] =	stream.indirect.scatter.add.f32 [tilespmem:s13], [sflag:$0x4], $0x80, s18, s10, $0xb8;
	[tilespmem:$0x1D800] =	vst v63  }
0x27b: {  	_ =	swait.ge [sflag:s8], $0x2800  }
0x27c: {  	[sflag:s8] =	ssyncset.done $0x0  }
0x27d: {  	[sflag:s8] =	ssyncadd.s32 $0xFFFFD800  }
0x27e: {  	_ =	swait.ge [sflag:s19], $0x2800  }
0x27f: {  	[sflag:s19] =	ssyncset.done $0x0  }
0x280: {  	s21 =	simm.s32 $0x1880;
	[sflag:s19] =	ssyncadd.s32 $0xFFFFD800  }
0x281: {  	[spmem:s3] =	stream.indirect.scatter.add.f32 [tilespmem:s15], [sflag:$0x4], $0x80, s21, s10, $0xb8;
	[tilespmem:$0x1D800] =	vst v63  }
0x282: {  	_ =	swait.ge [sflag:s8], $0x2800  }
0x283: {  	[sflag:s8] =	ssyncset.done $0x0  }
0x284: {  	s23 =	simm.s32 $0x900;
	[sflag:s8] =	ssyncadd.s32 $0xFFFFD800  }
0x285: {  	[tilespmem:s11], [sflag:$0x1] =	stream.indirect.gather [hbm4b:s1+s10], $0x80, s23, s10, $0xb8;
	[tilespmem:$0x1D800] =	vst v63  }
0x286: {  	s28 =	simm.s32 $0x980  }
0x287: {  	[tilespmem:s13], [sflag:$0x2] =	stream.indirect.gather [hbm4b:s1+s10], $0x80, s28, s10, $0xb8;
	[tilespmem:$0x1D800] =	vst v63  }
0x288: {  	s22 =	simm.s32 $0xA00  }
0x289: {  	[tilespmem:s15], [sflag:$0x3] =	stream.indirect.gather [hbm4b:s1+s10], $0x80, s22, s10, $0xb8;
	[tilespmem:$0x1D800] =	vst v63  }
0x28a: {  	_ =	swait.ge [sflag:s16], $0x2800  }
0x28b: {  	[sflag:s16] =	ssyncset.done $0x0  }
0x28c: {  	s23 =	simm.s32 $0x1900;
	[sflag:s16] =	ssyncadd.s32 $0xFFFFD800  }
0x28d: {  	[spmem:s3] =	stream.indirect.scatter.add.f32 [tilespmem:s11], [sflag:$0x4], $0x80, s23, s10, $0xb8;
	[tilespmem:$0x1D800] =	vst v63  }
0x28e: {  	_ =	swait.ge [sflag:s8], $0x2800  }
0x28f: {  	[sflag:s8] =	ssyncset.done $0x0  }
0x290: {  	[sflag:s8] =	ssyncadd.s32 $0xFFFFD800  }
0x291: {  	_ =	swait.ge [sflag:s17], $0x2800  }
0x292: {  	[sflag:s17] =	ssyncset.done $0x0  }
0x293: {  	s28 =	simm.s32 $0x1980;
	[sflag:s17] =	ssyncadd.s32 $0xFFFFD800  }
0x294: {  	[spmem:s3] =	stream.indirect.scatter.add.f32 [tilespmem:s13], [sflag:$0x4], $0x80, s28, s10, $0xb8;
	[tilespmem:$0x1D800] =	vst v63  }
0x295: {  	_ =	swait.ge [sflag:s8], $0x2800  }
0x296: {  	[sflag:s8] =	ssyncset.done $0x0  }
0x297: {  	[sflag:s8] =	ssyncadd.s32 $0xFFFFD800  }
0x298: {  	_ =	swait.ge [sflag:s19], $0x2800  }
0x299: {  	[sflag:s19] =	ssyncset.done $0x0  }
0x29a: {  	s30 =	simm.s32 $0x1A00;
	[sflag:s19] =	ssyncadd.s32 $0xFFFFD800  }
0x29b: {  	[spmem:s3] =	stream.indirect.scatter.add.f32 [tilespmem:s15], [sflag:$0x4], $0x80, s30, s10, $0xb8;
	[tilespmem:$0x1D800] =	vst v63  }
0x29c: {  	_ =	swait.ge [sflag:s8], $0x2800  }
0x29d: {  	[sflag:s8] =	ssyncset.done $0x0  }
0x29e: {  	s29 =	simm.s32 $0xA80;
	[sflag:s8] =	ssyncadd.s32 $0xFFFFD800  }
0x29f: {  	[tilespmem:s11], [sflag:$0x1] =	stream.indirect.gather [hbm4b:s1+s10], $0x80, s29, s10, $0xb8;
	[tilespmem:$0x1D800] =	vst v63  }
0x2a0: {  	s31 =	simm.s32 $0xB00  }
0x2a1: {  	[tilespmem:s13], [sflag:$0x2] =	stream.indirect.gather [hbm4b:s1+s10], $0x80, s31, s10, $0xb8;
	[tilespmem:$0x1D800] =	vst v63  }
0x2a2: {  	s31 =	simm.s32 $0xB80  }
0x2a3: {  	[tilespmem:s15], [sflag:$0x3] =	stream.indirect.gather [hbm4b:s1+s10], $0x80, s31, s10, $0xb8;
	[tilespmem:$0x1D800] =	vst v63  }
0x2a4: {  	_ =	swait.ge [sflag:s16], $0x2800  }
0x2a5: {  	[sflag:s16] =	ssyncset.done $0x0  }
0x2a6: {  	s14 =	simm.s32 $0x1A80;
	[sflag:s16] =	ssyncadd.s32 $0xFFFFD800  }
0x2a7: {  	[spmem:s3] =	stream.indirect.scatter.add.f32 [tilespmem:s11], [sflag:$0x4], $0x80, s14, s10, $0xb8;
	[tilespmem:$0x1D800] =	vst v63  }
0x2a8: {  	_ =	swait.ge [sflag:s8], $0x2800  }
0x2a9: {  	[sflag:s8] =	ssyncset.done $0x0  }
0x2aa: {  	[sflag:s8] =	ssyncadd.s32 $0xFFFFD800  }
0x2ab: {  	_ =	swait.ge [sflag:s17], $0x2800  }
0x2ac: {  	[sflag:s17] =	ssyncset.done $0x0  }
0x2ad: {  	s18 =	simm.s32 $0x1B00;
	[sflag:s17] =	ssyncadd.s32 $0xFFFFD800  }
0x2ae: {  	[spmem:s3] =	stream.indirect.scatter.add.f32 [tilespmem:s13], [sflag:$0x4], $0x80, s18, s10, $0xb8;
	[tilespmem:$0x1D800] =	vst v63  }
0x2af: {  	_ =	swait.ge [sflag:s8], $0x2800  }
0x2b0: {  	[sflag:s8] =	ssyncset.done $0x0  }
0x2b1: {  	[sflag:s8] =	ssyncadd.s32 $0xFFFFD800  }
0x2b2: {  	_ =	swait.ge [sflag:s19], $0x2800  }
0x2b3: {  	[sflag:s19] =	ssyncset.done $0x0  }
0x2b4: {  	s21 =	simm.s32 $0x1B80;
	[sflag:s19] =	ssyncadd.s32 $0xFFFFD800  }
0x2b5: {  	[spmem:s3] =	stream.indirect.scatter.add.f32 [tilespmem:s15], [sflag:$0x4], $0x80, s21, s10, $0xb8;
	[tilespmem:$0x1D800] =	vst v63  }
0x2b6: {  	_ =	swait.ge [sflag:s8], $0x2800  }
0x2b7: {  	[sflag:s8] =	ssyncset.done $0x0  }
0x2b8: {  	s22 =	simm.s32 $0xC00;
	[sflag:s8] =	ssyncadd.s32 $0xFFFFD800  }
0x2b9: {  	[tilespmem:s11], [sflag:$0x1] =	stream.indirect.gather [hbm4b:s1+s10], $0x80, s22, s10, $0xb8;
	[tilespmem:$0x1D800] =	vst v63  }
0x2ba: {  	_ =	swait.ge [sflag:s16], $0x2800  }
0x2bb: {  	[sflag:s16] =	ssyncset.done $0x0  }
0x2bc: {  	s23 =	simm.s32 $0x1C00;
	[sflag:s16] =	ssyncadd.s32 $0xFFFFD800  }
0x2bd: {  	[spmem:s3] =	stream.indirect.scatter.add.f32 [tilespmem:s11], [sflag:$0x4], $0x80, s23, s10, $0xb8;
	[tilespmem:$0x1D800] =	vst v63  }
0x2be: {  	_ =	swait.ge [sflag:s8], $0x2800  }
0x2bf: {  	[sflag:s8] =	ssyncset.done $0x0  }
0x2c0: {  	s28 =	rddreg [dreg:$0xb];
	[sflag:s8] =	ssyncadd.s32 $0xFFFFD800  }
0x2c1: {  	[tilespmem:s4], [sflag:$0x4] =	stream.linear.gather [hbm4b:s28+s4], $0xC80, $0x38;
	[tilespmem:$0x1D800] =	vst v63  }
0x2c2: {  	_ =	swait.ge [sflag:s8], $0xC80  }
0x2c3: {  	[sflag:s8] =	ssyncset.done $0x0  }
0x2c4: {  	s29 =	rddreg [dreg:$0xc];
	[sflag:s8] =	ssyncadd.s32 $0xFFFFF380  }
0x2c5: {  	[tilespmem:s20], [sflag:$0x4] =	stream.linear.gather [hbm4b:s29+s4], $0xC80, $0x38;
	[tilespmem:$0x1D800] =	vst v63  }
0x2c6: {  	_ =	swait.ge [sflag:s8], $0xC80  }
0x2c7: {  	[sflag:s8] =	ssyncset.done $0x0  }
0x2c8: {  	[sflag:s8] =	ssyncadd.s32 $0xFFFFF380  }
0x2c9: {  	[tilespmem:s11], [sflag:$0x1] =	stream.indirect.gather [hbm4b:s1+s10], $0x80, s4, s10, $0xb8;
	[tilespmem:$0x1D800] =	vst v63  }
0x2ca: {  	s0 =	simm.s32 $0x80  }
0x2cb: {  	[tilespmem:s13], [sflag:$0x2] =	stream.indirect.gather [hbm4b:s1+s10], $0x80, s0, s10, $0xb8;
	[tilespmem:$0x1D800] =	vst v63  }
0x2cc: {  	s30 =	simm.s32 $0x100  }
0x2cd: {  	[tilespmem:s15], [sflag:$0x3] =	stream.indirect.gather [hbm4b:s1+s10], $0x80, s30, s10, $0xb8;
	[tilespmem:$0x1D800] =	vst v63  }
0x2ce: {  	_ =	swait.ge [sflag:s16], $0x2800  }
0x2cf: {  	[sflag:s16] =	ssyncset.done $0x0  }
0x2d0: {  	[sflag:s16] =	ssyncadd.s32 $0xFFFFD800  }
0x2d1: {  	[spmem:s3] =	stream.indirect.scatter.add.f32 [tilespmem:s11], [sflag:$0x4], $0x80, s20, s10, $0xb8;
	[tilespmem:$0x1D800] =	vst v63  }
0x2d2: {  	_ =	swait.ge [sflag:s8], $0x2800  }
0x2d3: {  	[sflag:s8] =	ssyncset.done $0x0  }
0x2d4: {  	[sflag:s8] =	ssyncadd.s32 $0xFFFFD800  }
0x2d5: {  	_ =	swait.ge [sflag:s17], $0x2800  }
0x2d6: {  	[sflag:s17] =	ssyncset.done $0x0  }
0x2d7: {  	s31 =	simm.s32 $0x1080;
	[sflag:s17] =	ssyncadd.s32 $0xFFFFD800  }
0x2d8: {  	[spmem:s3] =	stream.indirect.scatter.add.f32 [tilespmem:s13], [sflag:$0x4], $0x80, s31, s10, $0xb8;
	[tilespmem:$0x1D800] =	vst v63  }
0x2d9: {  	_ =	swait.ge [sflag:s8], $0x2800  }
0x2da: {  	[sflag:s8] =	ssyncset.done $0x0  }
0x2db: {  	[sflag:s8] =	ssyncadd.s32 $0xFFFFD800  }
0x2dc: {  	_ =	swait.ge [sflag:s19], $0x2800  }
0x2dd: {  	[sflag:s19] =	ssyncset.done $0x0  }
0x2de: {  	s14 =	simm.s32 $0x1100;
	[sflag:s19] =	ssyncadd.s32 $0xFFFFD800  }
0x2df: {  	[spmem:s3] =	stream.indirect.scatter.add.f32 [tilespmem:s15], [sflag:$0x4], $0x80, s14, s10, $0xb8;
	[tilespmem:$0x1D800] =	vst v63  }
0x2e0: {  	_ =	swait.ge [sflag:s8], $0x2800  }
0x2e1: {  	[sflag:s8] =	ssyncset.done $0x0  }
0x2e2: {  	s2 =	simm.s32 $0x180;
	[sflag:s8] =	ssyncadd.s32 $0xFFFFD800  }
0x2e3: {  	[tilespmem:s11], [sflag:$0x1] =	stream.indirect.gather [hbm4b:s1+s10], $0x80, s2, s10, $0xb8;
	[tilespmem:$0x1D800] =	vst v63  }
0x2e4: {  	s9 =	simm.s32 $0x200  }
0x2e5: {  	[tilespmem:s13], [sflag:$0x2] =	stream.indirect.gather [hbm4b:s1+s10], $0x80, s9, s10, $0xb8;
	[tilespmem:$0x1D800] =	vst v63  }
0x2e6: {  	s18 =	simm.s32 $0x280  }
0x2e7: {  	[tilespmem:s15], [sflag:$0x3] =	stream.indirect.gather [hbm4b:s1+s10], $0x80, s18, s10, $0xb8;
	[tilespmem:$0x1D800] =	vst v63  }
0x2e8: {  	_ =	swait.ge [sflag:s16], $0x2800  }
0x2e9: {  	[sflag:s16] =	ssyncset.done $0x0  }
0x2ea: {  	s21 =	simm.s32 $0x1180;
	[sflag:s16] =	ssyncadd.s32 $0xFFFFD800  }
0x2eb: {  	[spmem:s3] =	stream.indirect.scatter.add.f32 [tilespmem:s11], [sflag:$0x4], $0x80, s21, s10, $0xb8;
	[tilespmem:$0x1D800] =	vst v63  }
0x2ec: {  	_ =	swait.ge [sflag:s8], $0x2800  }
0x2ed: {  	[sflag:s8] =	ssyncset.done $0x0  }
0x2ee: {  	[sflag:s8] =	ssyncadd.s32 $0xFFFFD800  }
0x2ef: {  	_ =	swait.ge [sflag:s17], $0x2800  }
0x2f0: {  	[sflag:s17] =	ssyncset.done $0x0  }
0x2f1: {  	s22 =	simm.s32 $0x1200;
	[sflag:s17] =	ssyncadd.s32 $0xFFFFD800  }
0x2f2: {  	[spmem:s3] =	stream.indirect.scatter.add.f32 [tilespmem:s13], [sflag:$0x4], $0x80, s22, s10, $0xb8;
	[tilespmem:$0x1D800] =	vst v63  }
0x2f3: {  	_ =	swait.ge [sflag:s8], $0x2800  }
0x2f4: {  	[sflag:s8] =	ssyncset.done $0x0  }
0x2f5: {  	[sflag:s8] =	ssyncadd.s32 $0xFFFFD800  }
0x2f6: {  	_ =	swait.ge [sflag:s19], $0x2800  }
0x2f7: {  	[sflag:s19] =	ssyncset.done $0x0  }
0x2f8: {  	s23 =	simm.s32 $0x1280;
	[sflag:s19] =	ssyncadd.s32 $0xFFFFD800  }
0x2f9: {  	[spmem:s3] =	stream.indirect.scatter.add.f32 [tilespmem:s15], [sflag:$0x4], $0x80, s23, s10, $0xb8;
	[tilespmem:$0x1D800] =	vst v63  }
0x2fa: {  	_ =	swait.ge [sflag:s8], $0x2800  }
0x2fb: {  	[sflag:s8] =	ssyncset.done $0x0  }
0x2fc: {  	s7 =	simm.s32 $0x300;
	[sflag:s8] =	ssyncadd.s32 $0xFFFFD800  }
0x2fd: {  	[tilespmem:s11], [sflag:$0x1] =	stream.indirect.gather [hbm4b:s1+s10], $0x80, s7, s10, $0xb8;
	[tilespmem:$0x1D800] =	vst v63  }
0x2fe: {  	s24 =	simm.s32 $0x380  }
0x2ff: {  	[tilespmem:s13], [sflag:$0x2] =	stream.indirect.gather [hbm4b:s1+s10], $0x80, s24, s10, $0xb8;
	[tilespmem:$0x1D800] =	vst v63  }
0x300: {  	s24 =	simm.s32 $0x400  }
0x301: {  	[tilespmem:s15], [sflag:$0x3] =	stream.indirect.gather [hbm4b:s1+s10], $0x80, s24, s10, $0xb8;
	[tilespmem:$0x1D800] =	vst v63  }
0x302: {  	_ =	swait.ge [sflag:s16], $0x2800  }
0x303: {  	[sflag:s16] =	ssyncset.done $0x0  }
0x304: {  	s25 =	simm.s32 $0x1300;
	[sflag:s16] =	ssyncadd.s32 $0xFFFFD800  }
0x305: {  	[spmem:s3] =	stream.indirect.scatter.add.f32 [tilespmem:s11], [sflag:$0x4], $0x80, s25, s10, $0xb8;
	[tilespmem:$0x1D800] =	vst v63  }
0x306: {  	_ =	swait.ge [sflag:s8], $0x2800  }
0x307: {  	[sflag:s8] =	ssyncset.done $0x0  }
0x308: {  	[sflag:s8] =	ssyncadd.s32 $0xFFFFD800  }
0x309: {  	_ =	swait.ge [sflag:s17], $0x2800  }
0x30a: {  	[sflag:s17] =	ssyncset.done $0x0  }
0x30b: {  	s28 =	simm.s32 $0x1380;
	[sflag:s17] =	ssyncadd.s32 $0xFFFFD800  }
0x30c: {  	[spmem:s3] =	stream.indirect.scatter.add.f32 [tilespmem:s13], [sflag:$0x4], $0x80, s28, s10, $0xb8;
	[tilespmem:$0x1D800] =	vst v63  }
0x30d: {  	_ =	swait.ge [sflag:s8], $0x2800  }
0x30e: {  	[sflag:s8] =	ssyncset.done $0x0  }
0x30f: {  	[sflag:s8] =	ssyncadd.s32 $0xFFFFD800  }
0x310: {  	_ =	swait.ge [sflag:s19], $0x2800  }
0x311: {  	[sflag:s19] =	ssyncset.done $0x0  }
0x312: {  	s12 =	simm.s32 $0x1400;
	[sflag:s19] =	ssyncadd.s32 $0xFFFFD800  }
0x313: {  	[spmem:s3] =	stream.indirect.scatter.add.f32 [tilespmem:s15], [sflag:$0x4], $0x80, s12, s10, $0xb8;
	[tilespmem:$0x1D800] =	vst v63  }
0x314: {  	_ =	swait.ge [sflag:s8], $0x2800  }
0x315: {  	[sflag:s8] =	ssyncset.done $0x0  }
0x316: {  	s29 =	simm.s32 $0x480;
	[sflag:s8] =	ssyncadd.s32 $0xFFFFD800  }
0x317: {  	[tilespmem:s11], [sflag:$0x1] =	stream.indirect.gather [hbm4b:s1+s10], $0x80, s29, s10, $0xb8;
	[tilespmem:$0x1D800] =	vst v63  }
0x318: {  	s26 =	simm.s32 $0x500  }
0x319: {  	[tilespmem:s13], [sflag:$0x2] =	stream.indirect.gather [hbm4b:s1+s10], $0x80, s26, s10, $0xb8;
	[tilespmem:$0x1D800] =	vst v63  }
0x31a: {  	s30 =	simm.s32 $0x580  }
0x31b: {  	[tilespmem:s15], [sflag:$0x3] =	stream.indirect.gather [hbm4b:s1+s10], $0x80, s30, s10, $0xb8;
	[tilespmem:$0x1D800] =	vst v63  }
0x31c: {  	_ =	swait.ge [sflag:s16], $0x2800  }
0x31d: {  	[sflag:s16] =	ssyncset.done $0x0  }
0x31e: {  	s31 =	simm.s32 $0x1480;
	[sflag:s16] =	ssyncadd.s32 $0xFFFFD800  }
0x31f: {  	[spmem:s3] =	stream.indirect.scatter.add.f32 [tilespmem:s11], [sflag:$0x4], $0x80, s31, s10, $0xb8;
	[tilespmem:$0x1D800] =	vst v63  }
0x320: {  	_ =	swait.ge [sflag:s8], $0x2800  }
0x321: {  	[sflag:s8] =	ssyncset.done $0x0  }
0x322: {  	[sflag:s8] =	ssyncadd.s32 $0xFFFFD800  }
0x323: {  	_ =	swait.ge [sflag:s17], $0x2800  }
0x324: {  	[sflag:s17] =	ssyncset.done $0x0  }
0x325: {  	s26 =	simm.s32 $0x1500;
	[sflag:s17] =	ssyncadd.s32 $0xFFFFD800  }
0x326: {  	[spmem:s3] =	stream.indirect.scatter.add.f32 [tilespmem:s13], [sflag:$0x4], $0x80, s26, s10, $0xb8;
	[tilespmem:$0x1D800] =	vst v63  }
0x327: {  	_ =	swait.ge [sflag:s8], $0x2800  }
0x328: {  	[sflag:s8] =	ssyncset.done $0x0  }
0x329: {  	[sflag:s8] =	ssyncadd.s32 $0xFFFFD800  }
0x32a: {  	_ =	swait.ge [sflag:s19], $0x2800  }
0x32b: {  	[sflag:s19] =	ssyncset.done $0x0  }
0x32c: {  	s28 =	simm.s32 $0x1580;
	[sflag:s19] =	ssyncadd.s32 $0xFFFFD800  }
0x32d: {  	[spmem:s3] =	stream.indirect.scatter.add.f32 [tilespmem:s15], [sflag:$0x4], $0x80, s28, s10, $0xb8;
	[tilespmem:$0x1D800] =	vst v63  }
0x32e: {  	_ =	swait.ge [sflag:s8], $0x2800  }
0x32f: {  	[sflag:s8] =	ssyncset.done $0x0  }
0x330: {  	s29 =	simm.s32 $0x600;
	[sflag:s8] =	ssyncadd.s32 $0xFFFFD800  }
0x331: {  	[tilespmem:s11], [sflag:$0x1] =	stream.indirect.gather [hbm4b:s1+s10], $0x80, s29, s10, $0xb8;
	[tilespmem:$0x1D800] =	vst v63  }
0x332: {  	s30 =	simm.s32 $0x680  }
0x333: {  	[tilespmem:s13], [sflag:$0x2] =	stream.indirect.gather [hbm4b:s1+s10], $0x80, s30, s10, $0xb8;
	[tilespmem:$0x1D800] =	vst v63  }
0x334: {  	s31 =	simm.s32 $0x700  }
0x335: {  	[tilespmem:s15], [sflag:$0x3] =	stream.indirect.gather [hbm4b:s1+s10], $0x80, s31, s10, $0xb8;
	[tilespmem:$0x1D800] =	vst v63  }
0x336: {  	_ =	swait.ge [sflag:s16], $0x2800  }
0x337: {  	[sflag:s16] =	ssyncset.done $0x0  }
0x338: {  	s29 =	simm.s32 $0x1600;
	[sflag:s16] =	ssyncadd.s32 $0xFFFFD800  }
0x339: {  	[spmem:s3] =	stream.indirect.scatter.add.f32 [tilespmem:s11], [sflag:$0x4], $0x80, s29, s10, $0xb8;
	[tilespmem:$0x1D800] =	vst v63  }
0x33a: {  	_ =	swait.ge [sflag:s8], $0x2800  }
0x33b: {  	[sflag:s8] =	ssyncset.done $0x0  }
0x33c: {  	[sflag:s8] =	ssyncadd.s32 $0xFFFFD800  }
0x33d: {  	_ =	swait.ge [sflag:s17], $0x2800  }
0x33e: {  	[sflag:s17] =	ssyncset.done $0x0  }
0x33f: {  	s30 =	simm.s32 $0x1680;
	[sflag:s17] =	ssyncadd.s32 $0xFFFFD800  }
0x340: {  	[spmem:s3] =	stream.indirect.scatter.add.f32 [tilespmem:s13], [sflag:$0x4], $0x80, s30, s10, $0xb8;
	[tilespmem:$0x1D800] =	vst v63  }
0x341: {  	_ =	swait.ge [sflag:s8], $0x2800  }
0x342: {  	[sflag:s8] =	ssyncset.done $0x0  }
0x343: {  	[sflag:s8] =	ssyncadd.s32 $0xFFFFD800  }
0x344: {  	_ =	swait.ge [sflag:s19], $0x2800  }
0x345: {  	[sflag:s19] =	ssyncset.done $0x0  }
0x346: {  	s31 =	simm.s32 $0x1700;
	[sflag:s19] =	ssyncadd.s32 $0xFFFFD800  }
0x347: {  	[spmem:s3] =	stream.indirect.scatter.add.f32 [tilespmem:s15], [sflag:$0x4], $0x80, s31, s10, $0xb8;
	[tilespmem:$0x1D800] =	vst v63  }
0x348: {  	_ =	swait.ge [sflag:s8], $0x2800  }
0x349: {  	[sflag:s8] =	ssyncset.done $0x0  }
0x34a: {  	s29 =	simm.s32 $0x780;
	[sflag:s8] =	ssyncadd.s32 $0xFFFFD800  }
0x34b: {  	[tilespmem:s11], [sflag:$0x1] =	stream.indirect.gather [hbm4b:s1+s10], $0x80, s29, s10, $0xb8;
	[tilespmem:$0x1D800] =	vst v63  }
0x34c: {  	s30 =	simm.s32 $0x800  }
0x34d: {  	[tilespmem:s13], [sflag:$0x2] =	stream.indirect.gather [hbm4b:s1+s10], $0x80, s30, s10, $0xb8;
	[tilespmem:$0x1D800] =	vst v63  }
0x34e: {  	s31 =	simm.s32 $0x880  }
0x34f: {  	[tilespmem:s15], [sflag:$0x3] =	stream.indirect.gather [hbm4b:s1+s10], $0x80, s31, s10, $0xb8;
	[tilespmem:$0x1D800] =	vst v63  }
0x350: {  	_ =	swait.ge [sflag:s16], $0x2800  }
0x351: {  	[sflag:s16] =	ssyncset.done $0x0  }
0x352: {  	s31 =	simm.s32 $0x1780;
	[sflag:s16] =	ssyncadd.s32 $0xFFFFD800  }
0x353: {  	[spmem:s3] =	stream.indirect.scatter.add.f32 [tilespmem:s11], [sflag:$0x4], $0x80, s31, s10, $0xb8;
	[tilespmem:$0x1D800] =	vst v63  }
0x354: {  	_ =	swait.ge [sflag:s8], $0x2800  }
0x355: {  	[sflag:s8] =	ssyncset.done $0x0  }
0x356: {  	[sflag:s8] =	ssyncadd.s32 $0xFFFFD800  }
0x357: {  	_ =	swait.ge [sflag:s17], $0x2800  }
0x358: {  	[sflag:s17] =	ssyncset.done $0x0  }
0x359: {  	s31 =	simm.s32 $0x1800;
	[sflag:s17] =	ssyncadd.s32 $0xFFFFD800  }
0x35a: {  	[spmem:s3] =	stream.indirect.scatter.add.f32 [tilespmem:s13], [sflag:$0x4], $0x80, s31, s10, $0xb8;
	[tilespmem:$0x1D800] =	vst v63  }
0x35b: {  	_ =	swait.ge [sflag:s8], $0x2800  }
0x35c: {  	[sflag:s8] =	ssyncset.done $0x0  }
0x35d: {  	[sflag:s8] =	ssyncadd.s32 $0xFFFFD800  }
0x35e: {  	_ =	swait.ge [sflag:s19], $0x2800  }
0x35f: {  	[sflag:s19] =	ssyncset.done $0x0  }
0x360: {  	s31 =	simm.s32 $0x1880;
	[sflag:s19] =	ssyncadd.s32 $0xFFFFD800  }
0x361: {  	[spmem:s3] =	stream.indirect.scatter.add.f32 [tilespmem:s15], [sflag:$0x4], $0x80, s31, s10, $0xb8;
	[tilespmem:$0x1D800] =	vst v63  }
0x362: {  	_ =	swait.ge [sflag:s8], $0x2800  }
0x363: {  	[sflag:s8] =	ssyncset.done $0x0  }
0x364: {  	s31 =	simm.s32 $0x900;
	[sflag:s8] =	ssyncadd.s32 $0xFFFFD800  }
0x365: {  	[tilespmem:s11], [sflag:$0x1] =	stream.indirect.gather [hbm4b:s1+s10], $0x80, s31, s10, $0xb8;
	[tilespmem:$0x1D800] =	vst v63  }
0x366: {  	s30 =	simm.s32 $0x980  }
0x367: {  	[tilespmem:s13], [sflag:$0x2] =	stream.indirect.gather [hbm4b:s1+s10], $0x80, s30, s10, $0xb8;
	[tilespmem:$0x1D800] =	vst v63  }
0x368: {  	s30 =	simm.s32 $0xA00  }
0x369: {  	[tilespmem:s15], [sflag:$0x3] =	stream.indirect.gather [hbm4b:s1+s10], $0x80, s30, s10, $0xb8;
	[tilespmem:$0x1D800] =	vst v63  }
0x36a: {  	_ =	swait.ge [sflag:s16], $0x2800  }
0x36b: {  	[sflag:s16] =	ssyncset.done $0x0  }
0x36c: {  	s30 =	simm.s32 $0x1900;
	[sflag:s16] =	ssyncadd.s32 $0xFFFFD800  }
0x36d: {  	[spmem:s3] =	stream.indirect.scatter.add.f32 [tilespmem:s11], [sflag:$0x4], $0x80, s30, s10, $0xb8;
	[tilespmem:$0x1D800] =	vst v63  }
0x36e: {  	_ =	swait.ge [sflag:s8], $0x2800  }
0x36f: {  	[sflag:s8] =	ssyncset.done $0x0  }
0x370: {  	[sflag:s8] =	ssyncadd.s32 $0xFFFFD800  }
0x371: {  	_ =	swait.ge [sflag:s17], $0x2800  }
0x372: {  	[sflag:s17] =	ssyncset.done $0x0  }
0x373: {  	s30 =	simm.s32 $0x1980;
	[sflag:s17] =	ssyncadd.s32 $0xFFFFD800  }
0x374: {  	[spmem:s3] =	stream.indirect.scatter.add.f32 [tilespmem:s13], [sflag:$0x4], $0x80, s30, s10, $0xb8;
	[tilespmem:$0x1D800] =	vst v63  }
0x375: {  	_ =	swait.ge [sflag:s8], $0x2800  }
0x376: {  	[sflag:s8] =	ssyncset.done $0x0  }
0x377: {  	[sflag:s8] =	ssyncadd.s32 $0xFFFFD800  }
0x378: {  	_ =	swait.ge [sflag:s19], $0x2800  }
0x379: {  	[sflag:s19] =	ssyncset.done $0x0  }
0x37a: {  	s30 =	simm.s32 $0x1A00;
	[sflag:s19] =	ssyncadd.s32 $0xFFFFD800  }
0x37b: {  	[spmem:s3] =	stream.indirect.scatter.add.f32 [tilespmem:s15], [sflag:$0x4], $0x80, s30, s10, $0xb8;
	[tilespmem:$0x1D800] =	vst v63  }
0x37c: {  	_ =	swait.ge [sflag:s8], $0x2800  }
0x37d: {  	[sflag:s8] =	ssyncset.done $0x0  }
0x37e: {  	s30 =	simm.s32 $0xA80;
	[sflag:s8] =	ssyncadd.s32 $0xFFFFD800  }
0x37f: {  	[tilespmem:s11], [sflag:$0x1] =	stream.indirect.gather [hbm4b:s1+s10], $0x80, s30, s10, $0xb8;
	[tilespmem:$0x1D800] =	vst v63  }
0x380: {  	s30 =	simm.s32 $0xB00  }
0x381: {  	[tilespmem:s13], [sflag:$0x2] =	stream.indirect.gather [hbm4b:s1+s10], $0x80, s30, s10, $0xb8;
	[tilespmem:$0x1D800] =	vst v63  }
0x382: {  	s30 =	simm.s32 $0xB80  }
0x383: {  	[tilespmem:s15], [sflag:$0x3] =	stream.indirect.gather [hbm4b:s1+s10], $0x80, s30, s10, $0xb8;
	[tilespmem:$0x1D800] =	vst v63  }
0x384: {  	_ =	swait.ge [sflag:s16], $0x2800  }
0x385: {  	[sflag:s16] =	ssyncset.done $0x0  }
0x386: {  	s30 =	simm.s32 $0x1A80;
	[sflag:s16] =	ssyncadd.s32 $0xFFFFD800  }
0x387: {  	[spmem:s3] =	stream.indirect.scatter.add.f32 [tilespmem:s11], [sflag:$0x4], $0x80, s30, s10, $0xb8;
	[tilespmem:$0x1D800] =	vst v63  }
0x388: {  	_ =	swait.ge [sflag:s8], $0x2800  }
0x389: {  	[sflag:s8] =	ssyncset.done $0x0  }
0x38a: {  	[sflag:s8] =	ssyncadd.s32 $0xFFFFD800  }
0x38b: {  	_ =	swait.ge [sflag:s17], $0x2800  }
0x38c: {  	[sflag:s17] =	ssyncset.done $0x0  }
0x38d: {  	s30 =	simm.s32 $0x1B00;
	[sflag:s17] =	ssyncadd.s32 $0xFFFFD800  }
0x38e: {  	[spmem:s3] =	stream.indirect.scatter.add.f32 [tilespmem:s13], [sflag:$0x4], $0x80, s30, s10, $0xb8;
	[tilespmem:$0x1D800] =	vst v63  }
0x38f: {  	_ =	swait.ge [sflag:s8], $0x2800  }
0x390: {  	[sflag:s8] =	ssyncset.done $0x0  }
0x391: {  	[sflag:s8] =	ssyncadd.s32 $0xFFFFD800  }
0x392: {  	_ =	swait.ge [sflag:s19], $0x2800  }
0x393: {  	[sflag:s19] =	ssyncset.done $0x0  }
0x394: {  	s30 =	simm.s32 $0x1B80;
	[sflag:s19] =	ssyncadd.s32 $0xFFFFD800  }
0x395: {  	[spmem:s3] =	stream.indirect.scatter.add.f32 [tilespmem:s15], [sflag:$0x4], $0x80, s30, s10, $0xb8;
	[tilespmem:$0x1D800] =	vst v63  }
0x396: {  	_ =	swait.ge [sflag:s8], $0x2800  }
0x397: {  	[sflag:s8] =	ssyncset.done $0x0  }
0x398: {  	s30 =	simm.s32 $0xC00;
	[sflag:s8] =	ssyncadd.s32 $0xFFFFD800  }
0x399: {  	[tilespmem:s11], [sflag:$0x1] =	stream.indirect.gather [hbm4b:s1+s10], $0x80, s30, s10, $0xb8;
	[tilespmem:$0x1D800] =	vst v63  }
0x39a: {  	_ =	swait.ge [sflag:s16], $0x2800  }
0x39b: {  	[sflag:s16] =	ssyncset.done $0x0  }
0x39c: {  	s30 =	simm.s32 $0x1C00;
	[sflag:s16] =	ssyncadd.s32 $0xFFFFD800  }
0x39d: {  	[spmem:s3] =	stream.indirect.scatter.add.f32 [tilespmem:s11], [sflag:$0x4], $0x80, s30, s10, $0xb8;
	[tilespmem:$0x1D800] =	vst v63  }
0x39e: {  	_ =	swait.ge [sflag:s8], $0x2800  }
0x39f: {  	[sflag:s8] =	ssyncset.done $0x0  }
0x3a0: {  	s30 =	rddreg [dreg:$0xd];
	[sflag:s8] =	ssyncadd.s32 $0xFFFFD800  }
0x3a1: {  	[tilespmem:s4], [sflag:$0x4] =	stream.linear.gather [hbm4b:s30+s4], $0xC80, $0x38;
	[tilespmem:$0x1D800] =	vst v63  }
0x3a2: {  	_ =	swait.ge [sflag:s8], $0xC80  }
0x3a3: {  	[sflag:s8] =	ssyncset.done $0x0  }
0x3a4: {  	s30 =	rddreg [dreg:$0xe];
	[sflag:s8] =	ssyncadd.s32 $0xFFFFF380  }
0x3a5: {  	[tilespmem:s20], [sflag:$0x4] =	stream.linear.gather [hbm4b:s30+s4], $0xC80, $0x38;
	[tilespmem:$0x1D800] =	vst v63  }
0x3a6: {  	_ =	swait.ge [sflag:s8], $0xC80  }
0x3a7: {  	[sflag:s8] =	ssyncset.done $0x0  }
0x3a8: {  	[sflag:s8] =	ssyncadd.s32 $0xFFFFF380  }
0x3a9: {  	[tilespmem:s11], [sflag:$0x1] =	stream.indirect.gather [hbm4b:s1+s10], $0x80, s4, s10, $0xb8;
	[tilespmem:$0x1D800] =	vst v63  }
0x3aa: {  	s0 =	simm.s32 $0x80  }
0x3ab: {  	[tilespmem:s13], [sflag:$0x2] =	stream.indirect.gather [hbm4b:s1+s10], $0x80, s0, s10, $0xb8;
	[tilespmem:$0x1D800] =	vst v63  }
0x3ac: {  	s30 =	simm.s32 $0x100  }
0x3ad: {  	[tilespmem:s15], [sflag:$0x3] =	stream.indirect.gather [hbm4b:s1+s10], $0x80, s30, s10, $0xb8;
	[tilespmem:$0x1D800] =	vst v63  }
0x3ae: {  	_ =	swait.ge [sflag:s16], $0x2800  }
0x3af: {  	[sflag:s16] =	ssyncset.done $0x0  }
0x3b0: {  	[sflag:s16] =	ssyncadd.s32 $0xFFFFD800  }
0x3b1: {  	[spmem:s3] =	stream.indirect.scatter.add.f32 [tilespmem:s11], [sflag:$0x4], $0x80, s20, s10, $0xb8;
	[tilespmem:$0x1D800] =	vst v63  }
0x3b2: {  	_ =	swait.ge [sflag:s8], $0x2800  }
0x3b3: {  	[sflag:s8] =	ssyncset.done $0x0  }
0x3b4: {  	[sflag:s8] =	ssyncadd.s32 $0xFFFFD800  }
0x3b5: {  	_ =	swait.ge [sflag:s17], $0x2800  }
0x3b6: {  	[sflag:s17] =	ssyncset.done $0x0  }
0x3b7: {  	s30 =	simm.s32 $0x1080;
	[sflag:s17] =	ssyncadd.s32 $0xFFFFD800  }
0x3b8: {  	[spmem:s3] =	stream.indirect.scatter.add.f32 [tilespmem:s13], [sflag:$0x4], $0x80, s30, s10, $0xb8;
	[tilespmem:$0x1D800] =	vst v63  }
0x3b9: {  	_ =	swait.ge [sflag:s8], $0x2800  }
0x3ba: {  	[sflag:s8] =	ssyncset.done $0x0  }
0x3bb: {  	[sflag:s8] =	ssyncadd.s32 $0xFFFFD800  }
0x3bc: {  	_ =	swait.ge [sflag:s19], $0x2800  }
0x3bd: {  	[sflag:s19] =	ssyncset.done $0x0  }
0x3be: {  	s30 =	simm.s32 $0x1100;
	[sflag:s19] =	ssyncadd.s32 $0xFFFFD800  }
0x3bf: {  	[spmem:s3] =	stream.indirect.scatter.add.f32 [tilespmem:s15], [sflag:$0x4], $0x80, s30, s10, $0xb8;
	[tilespmem:$0x1D800] =	vst v63  }
0x3c0: {  	_ =	swait.ge [sflag:s8], $0x2800  }
0x3c1: {  	[sflag:s8] =	ssyncset.done $0x0  }
0x3c2: {  	s2 =	simm.s32 $0x180;
	[sflag:s8] =	ssyncadd.s32 $0xFFFFD800  }
0x3c3: {  	[tilespmem:s11], [sflag:$0x1] =	stream.indirect.gather [hbm4b:s1+s10], $0x80, s2, s10, $0xb8;
	[tilespmem:$0x1D800] =	vst v63  }
0x3c4: {  	s5 =	simm.s32 $0x200  }
0x3c5: {  	[tilespmem:s13], [sflag:$0x2] =	stream.indirect.gather [hbm4b:s1+s10], $0x80, s5, s10, $0xb8;
	[tilespmem:$0x1D800] =	vst v63  }
0x3c6: {  	s2 =	simm.s32 $0x280  }
0x3c7: {  	[tilespmem:s15], [sflag:$0x3] =	stream.indirect.gather [hbm4b:s1+s10], $0x80, s2, s10, $0xb8;
	[tilespmem:$0x1D800] =	vst v63  }
0x3c8: {  	_ =	swait.ge [sflag:s16], $0x2800  }
0x3c9: {  	[sflag:s16] =	ssyncset.done $0x0  }
0x3ca: {  	s5 =	simm.s32 $0x1180;
	[sflag:s16] =	ssyncadd.s32 $0xFFFFD800  }
0x3cb: {  	[spmem:s3] =	stream.indirect.scatter.add.f32 [tilespmem:s11], [sflag:$0x4], $0x80, s5, s10, $0xb8;
	[tilespmem:$0x1D800] =	vst v63  }
0x3cc: {  	_ =	swait.ge [sflag:s8], $0x2800  }
0x3cd: {  	[sflag:s8] =	ssyncset.done $0x0  }
0x3ce: {  	[sflag:s8] =	ssyncadd.s32 $0xFFFFD800  }
0x3cf: {  	_ =	swait.ge [sflag:s17], $0x2800  }
0x3d0: {  	[sflag:s17] =	ssyncset.done $0x0  }
0x3d1: {  	s14 =	simm.s32 $0x1200;
	[sflag:s17] =	ssyncadd.s32 $0xFFFFD800  }
0x3d2: {  	[spmem:s3] =	stream.indirect.scatter.add.f32 [tilespmem:s13], [sflag:$0x4], $0x80, s14, s10, $0xb8;
	[tilespmem:$0x1D800] =	vst v63  }
0x3d3: {  	_ =	swait.ge [sflag:s8], $0x2800  }
0x3d4: {  	[sflag:s8] =	ssyncset.done $0x0  }
0x3d5: {  	[sflag:s8] =	ssyncadd.s32 $0xFFFFD800  }
0x3d6: {  	_ =	swait.ge [sflag:s19], $0x2800  }
0x3d7: {  	[sflag:s19] =	ssyncset.done $0x0  }
0x3d8: {  	s18 =	simm.s32 $0x1280;
	[sflag:s19] =	ssyncadd.s32 $0xFFFFD800  }
0x3d9: {  	[spmem:s3] =	stream.indirect.scatter.add.f32 [tilespmem:s15], [sflag:$0x4], $0x80, s18, s10, $0xb8;
	[tilespmem:$0x1D800] =	vst v63  }
0x3da: {  	_ =	swait.ge [sflag:s8], $0x2800  }
0x3db: {  	[sflag:s8] =	ssyncset.done $0x0  }
0x3dc: {  	s9 =	simm.s32 $0x300;
	[sflag:s8] =	ssyncadd.s32 $0xFFFFD800  }
0x3dd: {  	[tilespmem:s11], [sflag:$0x1] =	stream.indirect.gather [hbm4b:s1+s10], $0x80, s9, s10, $0xb8;
	[tilespmem:$0x1D800] =	vst v63  }
0x3de: {  	s7 =	simm.s32 $0x380  }
0x3df: {  	[tilespmem:s13], [sflag:$0x2] =	stream.indirect.gather [hbm4b:s1+s10], $0x80, s7, s10, $0xb8;
	[tilespmem:$0x1D800] =	vst v63  }
0x3e0: {  	s22 =	simm.s32 $0x400  }
0x3e1: {  	[tilespmem:s15], [sflag:$0x3] =	stream.indirect.gather [hbm4b:s1+s10], $0x80, s22, s10, $0xb8;
	[tilespmem:$0x1D800] =	vst v63  }
0x3e2: {  	_ =	swait.ge [sflag:s16], $0x2800  }
0x3e3: {  	[sflag:s16] =	ssyncset.done $0x0  }
0x3e4: {  	s21 =	simm.s32 $0x1300;
	[sflag:s16] =	ssyncadd.s32 $0xFFFFD800  }
0x3e5: {  	[spmem:s3] =	stream.indirect.scatter.add.f32 [tilespmem:s11], [sflag:$0x4], $0x80, s21, s10, $0xb8;
	[tilespmem:$0x1D800] =	vst v63  }
0x3e6: {  	_ =	swait.ge [sflag:s8], $0x2800  }
0x3e7: {  	[sflag:s8] =	ssyncset.done $0x0  }
0x3e8: {  	[sflag:s8] =	ssyncadd.s32 $0xFFFFD800  }
0x3e9: {  	_ =	swait.ge [sflag:s17], $0x2800  }
0x3ea: {  	[sflag:s17] =	ssyncset.done $0x0  }
0x3eb: {  	s25 =	simm.s32 $0x1380;
	[sflag:s17] =	ssyncadd.s32 $0xFFFFD800  }
0x3ec: {  	[spmem:s3] =	stream.indirect.scatter.add.f32 [tilespmem:s13], [sflag:$0x4], $0x80, s25, s10, $0xb8;
	[tilespmem:$0x1D800] =	vst v63  }
0x3ed: {  	_ =	swait.ge [sflag:s8], $0x2800  }
0x3ee: {  	[sflag:s8] =	ssyncset.done $0x0  }
0x3ef: {  	[sflag:s8] =	ssyncadd.s32 $0xFFFFD800  }
0x3f0: {  	_ =	swait.ge [sflag:s19], $0x2800  }
0x3f1: {  	[sflag:s19] =	ssyncset.done $0x0  }
0x3f2: {  	s24 =	simm.s32 $0x1400;
	[sflag:s19] =	ssyncadd.s32 $0xFFFFD800  }
0x3f3: {  	[spmem:s3] =	stream.indirect.scatter.add.f32 [tilespmem:s15], [sflag:$0x4], $0x80, s24, s10, $0xb8;
	[tilespmem:$0x1D800] =	vst v63  }
0x3f4: {  	_ =	swait.ge [sflag:s8], $0x2800  }
0x3f5: {  	[sflag:s8] =	ssyncset.done $0x0  }
0x3f6: {  	s9 =	simm.s32 $0x480;
	[sflag:s8] =	ssyncadd.s32 $0xFFFFD800  }
0x3f7: {  	[tilespmem:s11], [sflag:$0x1] =	stream.indirect.gather [hbm4b:s1+s10], $0x80, s9, s10, $0xb8;
	[tilespmem:$0x1D800] =	vst v63  }
0x3f8: {  	s12 =	simm.s32 $0x500  }
0x3f9: {  	[tilespmem:s13], [sflag:$0x2] =	stream.indirect.gather [hbm4b:s1+s10], $0x80, s12, s10, $0xb8;
	[tilespmem:$0x1D800] =	vst v63  }
0x3fa: {  	s12 =	simm.s32 $0x580  }
0x3fb: {  	[tilespmem:s15], [sflag:$0x3] =	stream.indirect.gather [hbm4b:s1+s10], $0x80, s12, s10, $0xb8;
	[tilespmem:$0x1D800] =	vst v63  }
0x3fc: {  	_ =	swait.ge [sflag:s16], $0x2800  }
0x3fd: {  	[sflag:s16] =	ssyncset.done $0x0  }
0x3fe: {  	s14 =	simm.s32 $0x1480;
	[sflag:s16] =	ssyncadd.s32 $0xFFFFD800  }
0x3ff: {  	[spmem:s3] =	stream.indirect.scatter.add.f32 [tilespmem:s11], [sflag:$0x4], $0x80, s14, s10, $0xb8;
	[tilespmem:$0x1D800] =	vst v63  }
0x400: {  	_ =	swait.ge [sflag:s8], $0x2800  }
0x401: {  	[sflag:s8] =	ssyncset.done $0x0  }
0x402: {  	[sflag:s8] =	ssyncadd.s32 $0xFFFFD800  }
0x403: {  	_ =	swait.ge [sflag:s17], $0x2800  }
0x404: {  	[sflag:s17] =	ssyncset.done $0x0  }
0x405: {  	s18 =	simm.s32 $0x1500;
	[sflag:s17] =	ssyncadd.s32 $0xFFFFD800  }
0x406: {  	[spmem:s3] =	stream.indirect.scatter.add.f32 [tilespmem:s13], [sflag:$0x4], $0x80, s18, s10, $0xb8;
	[tilespmem:$0x1D800] =	vst v63  }
0x407: {  	_ =	swait.ge [sflag:s8], $0x2800  }
0x408: {  	[sflag:s8] =	ssyncset.done $0x0  }
0x409: {  	[sflag:s8] =	ssyncadd.s32 $0xFFFFD800  }
0x40a: {  	_ =	swait.ge [sflag:s19], $0x2800  }
0x40b: {  	[sflag:s19] =	ssyncset.done $0x0  }
0x40c: {  	s21 =	simm.s32 $0x1580;
	[sflag:s19] =	ssyncadd.s32 $0xFFFFD800  }
0x40d: {  	[spmem:s3] =	stream.indirect.scatter.add.f32 [tilespmem:s15], [sflag:$0x4], $0x80, s21, s10, $0xb8;
	[tilespmem:$0x1D800] =	vst v63  }
0x40e: {  	_ =	swait.ge [sflag:s8], $0x2800  }
0x40f: {  	[sflag:s8] =	ssyncset.done $0x0  }
0x410: {  	s26 =	simm.s32 $0x600;
	[sflag:s8] =	ssyncadd.s32 $0xFFFFD800  }
0x411: {  	[tilespmem:s11], [sflag:$0x1] =	stream.indirect.gather [hbm4b:s1+s10], $0x80, s26, s10, $0xb8;
	[tilespmem:$0x1D800] =	vst v63  }
0x412: {  	s23 =	simm.s32 $0x680  }
0x413: {  	[tilespmem:s13], [sflag:$0x2] =	stream.indirect.gather [hbm4b:s1+s10], $0x80, s23, s10, $0xb8;
	[tilespmem:$0x1D800] =	vst v63  }
0x414: {  	s22 =	simm.s32 $0x700  }
0x415: {  	[tilespmem:s15], [sflag:$0x3] =	stream.indirect.gather [hbm4b:s1+s10], $0x80, s22, s10, $0xb8;
	[tilespmem:$0x1D800] =	vst v63  }
0x416: {  	_ =	swait.ge [sflag:s16], $0x2800  }
0x417: {  	[sflag:s16] =	ssyncset.done $0x0  }
0x418: {  	s23 =	simm.s32 $0x1600;
	[sflag:s16] =	ssyncadd.s32 $0xFFFFD800  }
0x419: {  	[spmem:s3] =	stream.indirect.scatter.add.f32 [tilespmem:s11], [sflag:$0x4], $0x80, s23, s10, $0xb8;
	[tilespmem:$0x1D800] =	vst v63  }
0x41a: {  	_ =	swait.ge [sflag:s8], $0x2800  }
0x41b: {  	[sflag:s8] =	ssyncset.done $0x0  }
0x41c: {  	[sflag:s8] =	ssyncadd.s32 $0xFFFFD800  }
0x41d: {  	_ =	swait.ge [sflag:s17], $0x2800  }
0x41e: {  	[sflag:s17] =	ssyncset.done $0x0  }
0x41f: {  	s24 =	simm.s32 $0x1680;
	[sflag:s17] =	ssyncadd.s32 $0xFFFFD800  }
0x420: {  	[spmem:s3] =	stream.indirect.scatter.add.f32 [tilespmem:s13], [sflag:$0x4], $0x80, s24, s10, $0xb8;
	[tilespmem:$0x1D800] =	vst v63  }
0x421: {  	_ =	swait.ge [sflag:s8], $0x2800  }
0x422: {  	[sflag:s8] =	ssyncset.done $0x0  }
0x423: {  	[sflag:s8] =	ssyncadd.s32 $0xFFFFD800  }
0x424: {  	_ =	swait.ge [sflag:s19], $0x2800  }
0x425: {  	[sflag:s19] =	ssyncset.done $0x0  }
0x426: {  	s25 =	simm.s32 $0x1700;
	[sflag:s19] =	ssyncadd.s32 $0xFFFFD800  }
0x427: {  	[spmem:s3] =	stream.indirect.scatter.add.f32 [tilespmem:s15], [sflag:$0x4], $0x80, s25, s10, $0xb8;
	[tilespmem:$0x1D800] =	vst v63  }
0x428: {  	_ =	swait.ge [sflag:s8], $0x2800  }
0x429: {  	[sflag:s8] =	ssyncset.done $0x0  }
0x42a: {  	s28 =	simm.s32 $0x780;
	[sflag:s8] =	ssyncadd.s32 $0xFFFFD800  }
0x42b: {  	[tilespmem:s11], [sflag:$0x1] =	stream.indirect.gather [hbm4b:s1+s10], $0x80, s28, s10, $0xb8;
	[tilespmem:$0x1D800] =	vst v63  }
0x42c: {  	s29 =	simm.s32 $0x800  }
0x42d: {  	[tilespmem:s13], [sflag:$0x2] =	stream.indirect.gather [hbm4b:s1+s10], $0x80, s29, s10, $0xb8;
	[tilespmem:$0x1D800] =	vst v63  }
0x42e: {  	s26 =	simm.s32 $0x880  }
0x42f: {  	[tilespmem:s15], [sflag:$0x3] =	stream.indirect.gather [hbm4b:s1+s10], $0x80, s26, s10, $0xb8;
	[tilespmem:$0x1D800] =	vst v63  }
0x430: {  	_ =	swait.ge [sflag:s16], $0x2800  }
0x431: {  	[sflag:s16] =	ssyncset.done $0x0  }
0x432: {  	s28 =	simm.s32 $0x1780;
	[sflag:s16] =	ssyncadd.s32 $0xFFFFD800  }
0x433: {  	[spmem:s3] =	stream.indirect.scatter.add.f32 [tilespmem:s11], [sflag:$0x4], $0x80, s28, s10, $0xb8;
	[tilespmem:$0x1D800] =	vst v63  }
0x434: {  	_ =	swait.ge [sflag:s8], $0x2800  }
0x435: {  	[sflag:s8] =	ssyncset.done $0x0  }
0x436: {  	[sflag:s8] =	ssyncadd.s32 $0xFFFFD800  }
0x437: {  	_ =	swait.ge [sflag:s17], $0x2800  }
0x438: {  	[sflag:s17] =	ssyncset.done $0x0  }
0x439: {  	s29 =	simm.s32 $0x1800;
	[sflag:s17] =	ssyncadd.s32 $0xFFFFD800  }
0x43a: {  	[spmem:s3] =	stream.indirect.scatter.add.f32 [tilespmem:s13], [sflag:$0x4], $0x80, s29, s10, $0xb8;
	[tilespmem:$0x1D800] =	vst v63  }
0x43b: {  	_ =	swait.ge [sflag:s8], $0x2800  }
0x43c: {  	[sflag:s8] =	ssyncset.done $0x0  }
0x43d: {  	[sflag:s8] =	ssyncadd.s32 $0xFFFFD800  }
0x43e: {  	_ =	swait.ge [sflag:s19], $0x2800  }
0x43f: {  	[sflag:s19] =	ssyncset.done $0x0  }
0x440: {  	s30 =	simm.s32 $0x1880;
	[sflag:s19] =	ssyncadd.s32 $0xFFFFD800  }
0x441: {  	[spmem:s3] =	stream.indirect.scatter.add.f32 [tilespmem:s15], [sflag:$0x4], $0x80, s30, s10, $0xb8;
	[tilespmem:$0x1D800] =	vst v63  }
0x442: {  	_ =	swait.ge [sflag:s8], $0x2800  }
0x443: {  	[sflag:s8] =	ssyncset.done $0x0  }
0x444: {  	s31 =	simm.s32 $0x900;
	[sflag:s8] =	ssyncadd.s32 $0xFFFFD800  }
0x445: {  	[tilespmem:s11], [sflag:$0x1] =	stream.indirect.gather [hbm4b:s1+s10], $0x80, s31, s10, $0xb8;
	[tilespmem:$0x1D800] =	vst v63  }
0x446: {  	s2 =	simm.s32 $0x980  }
0x447: {  	[tilespmem:s13], [sflag:$0x2] =	stream.indirect.gather [hbm4b:s1+s10], $0x80, s2, s10, $0xb8;
	[tilespmem:$0x1D800] =	vst v63  }
0x448: {  	s5 =	simm.s32 $0xA00  }
0x449: {  	[tilespmem:s15], [sflag:$0x3] =	stream.indirect.gather [hbm4b:s1+s10], $0x80, s5, s10, $0xb8;
	[tilespmem:$0x1D800] =	vst v63  }
0x44a: {  	_ =	swait.ge [sflag:s16], $0x2800  }
0x44b: {  	[sflag:s16] =	ssyncset.done $0x0  }
0x44c: {  	s7 =	simm.s32 $0x1900;
	[sflag:s16] =	ssyncadd.s32 $0xFFFFD800  }
0x44d: {  	[spmem:s3] =	stream.indirect.scatter.add.f32 [tilespmem:s11], [sflag:$0x4], $0x80, s7, s10, $0xb8;
	[tilespmem:$0x1D800] =	vst v63  }
0x44e: {  	_ =	swait.ge [sflag:s8], $0x2800  }
0x44f: {  	[sflag:s8] =	ssyncset.done $0x0  }
0x450: {  	[sflag:s8] =	ssyncadd.s32 $0xFFFFD800  }
0x451: {  	_ =	swait.ge [sflag:s17], $0x2800  }
0x452: {  	[sflag:s17] =	ssyncset.done $0x0  }
0x453: {  	s9 =	simm.s32 $0x1980;
	[sflag:s17] =	ssyncadd.s32 $0xFFFFD800  }
0x454: {  	[spmem:s3] =	stream.indirect.scatter.add.f32 [tilespmem:s13], [sflag:$0x4], $0x80, s9, s10, $0xb8;
	[tilespmem:$0x1D800] =	vst v63  }
0x455: {  	_ =	swait.ge [sflag:s8], $0x2800  }
0x456: {  	[sflag:s8] =	ssyncset.done $0x0  }
0x457: {  	[sflag:s8] =	ssyncadd.s32 $0xFFFFD800  }
0x458: {  	_ =	swait.ge [sflag:s19], $0x2800  }
0x459: {  	[sflag:s19] =	ssyncset.done $0x0  }
0x45a: {  	s12 =	simm.s32 $0x1A00;
	[sflag:s19] =	ssyncadd.s32 $0xFFFFD800  }
0x45b: {  	[spmem:s3] =	stream.indirect.scatter.add.f32 [tilespmem:s15], [sflag:$0x4], $0x80, s12, s10, $0xb8;
	[tilespmem:$0x1D800] =	vst v63  }
0x45c: {  	_ =	swait.ge [sflag:s8], $0x2800  }
0x45d: {  	[sflag:s8] =	ssyncset.done $0x0  }
0x45e: {  	s14 =	simm.s32 $0xA80;
	[sflag:s8] =	ssyncadd.s32 $0xFFFFD800  }
0x45f: {  	[tilespmem:s11], [sflag:$0x1] =	stream.indirect.gather [hbm4b:s1+s10], $0x80, s14, s10, $0xb8;
	[tilespmem:$0x1D800] =	vst v63  }
0x460: {  	s18 =	simm.s32 $0xB00  }
0x461: {  	[tilespmem:s13], [sflag:$0x2] =	stream.indirect.gather [hbm4b:s1+s10], $0x80, s18, s10, $0xb8;
	[tilespmem:$0x1D800] =	vst v63  }
0x462: {  	s21 =	simm.s32 $0xB80  }
0x463: {  	[tilespmem:s15], [sflag:$0x3] =	stream.indirect.gather [hbm4b:s1+s10], $0x80, s21, s10, $0xb8;
	[tilespmem:$0x1D800] =	vst v63  }
0x464: {  	_ =	swait.ge [sflag:s16], $0x2800  }
0x465: {  	[sflag:s16] =	ssyncset.done $0x0  }
0x466: {  	s22 =	simm.s32 $0x1A80;
	[sflag:s16] =	ssyncadd.s32 $0xFFFFD800  }
0x467: {  	[spmem:s3] =	stream.indirect.scatter.add.f32 [tilespmem:s11], [sflag:$0x4], $0x80, s22, s10, $0xb8;
	[tilespmem:$0x1D800] =	vst v63  }
0x468: {  	_ =	swait.ge [sflag:s8], $0x2800  }
0x469: {  	[sflag:s8] =	ssyncset.done $0x0  }
0x46a: {  	[sflag:s8] =	ssyncadd.s32 $0xFFFFD800  }
0x46b: {  	_ =	swait.ge [sflag:s17], $0x2800  }
0x46c: {  	[sflag:s17] =	ssyncset.done $0x0  }
0x46d: {  	s23 =	simm.s32 $0x1B00;
	[sflag:s17] =	ssyncadd.s32 $0xFFFFD800  }
0x46e: {  	[spmem:s3] =	stream.indirect.scatter.add.f32 [tilespmem:s13], [sflag:$0x4], $0x80, s23, s10, $0xb8;
	[tilespmem:$0x1D800] =	vst v63  }
0x46f: {  	_ =	swait.ge [sflag:s8], $0x2800  }
0x470: {  	[sflag:s8] =	ssyncset.done $0x0  }
0x471: {  	[sflag:s8] =	ssyncadd.s32 $0xFFFFD800  }
0x472: {  	_ =	swait.ge [sflag:s19], $0x2800  }
0x473: {  	[sflag:s19] =	ssyncset.done $0x0  }
0x474: {  	s24 =	simm.s32 $0x1B80;
	[sflag:s19] =	ssyncadd.s32 $0xFFFFD800  }
0x475: {  	[spmem:s3] =	stream.indirect.scatter.add.f32 [tilespmem:s15], [sflag:$0x4], $0x80, s24, s10, $0xb8;
	[tilespmem:$0x1D800] =	vst v63  }
0x476: {  	_ =	swait.ge [sflag:s8], $0x2800  }
0x477: {  	[sflag:s8] =	ssyncset.done $0x0  }
0x478: {  	s25 =	simm.s32 $0xC00;
	[sflag:s8] =	ssyncadd.s32 $0xFFFFD800  }
0x479: {  	[tilespmem:s11], [sflag:$0x1] =	stream.indirect.gather [hbm4b:s1+s10], $0x80, s25, s10, $0xb8;
	[tilespmem:$0x1D800] =	vst v63  }
0x47a: {  	_ =	swait.ge [sflag:s16], $0x2800  }
0x47b: {  	[sflag:s16] =	ssyncset.done $0x0  }
0x47c: {  	s26 =	simm.s32 $0x1C00;
	[sflag:s16] =	ssyncadd.s32 $0xFFFFD800  }
0x47d: {  	[spmem:s3] =	stream.indirect.scatter.add.f32 [tilespmem:s11], [sflag:$0x4], $0x80, s26, s10, $0xb8;
	[tilespmem:$0x1D800] =	vst v63  }
0x47e: {  	_ =	swait.ge [sflag:s8], $0x2800  }
0x47f: {  	[sflag:s8] =	ssyncset.done $0x0  }
0x480: {  	[sflag:s8] =	ssyncadd.s32 $0xFFFFD800  }
0x481: {  	[bflag:$0x0] =	sbarrier.arrive $0xFFFF  }
0x482: {  	s28 =	rddreg [dreg:$0xf]  }
0x483: {  	p0 =	sne.s32 s6, $0x1;
	s29 =	rddreg [dreg:$0x11]  }
.Ltmp0:
0x484: {  	s31 =	rddreg [dreg:$0x10];
	(pc) =	sbr.rel @p0 .LBB2_1-.Ltmp0, $4  }
0x485: {  	[hbm:s28], [sflag:s31] =	dma.local [spmem:s29], $0x2800  }
0x486: {  	_ =	swait.ge [sflag:s8], $0x2800  }
0x487: {  	[sflag:s8] =	ssyncset.done $0x0  }
0x488: {  	s6 =	sadd.s32 $0xFFFFFFFF, s6;
	[sflag:s8] =	ssyncadd.s32 $0xFFFFD800  }
0x489: {  	_ =	sfence.sel $0x180000  }
0x48a: {  	[bflag:$0x0] =	sbarrier.arrive $0xFFFF  }
0x48b: {  	_ =	strace $0x9000004A  }
0x48c: {  	s0 =	stileid.u32;
	[bflag:$0x2] =	sbarrier.arrive $0xFFFF  }
0x48d: {  	p0 =	sne.s32 s0, $0x0;
	s0 =	rddreg [dreg:$0x3]  }
0x48e: {  	s0 =	sadd.s32 @!p0 $0x100000, s0  }
0x48f: {  	[sflag:s0] =	ssyncadd.tile.s32 @!p0 $0x1;
	_ =	shalt  }
.Lfunc_end2:
_tile_overlayer_lowered:
.L_overlay_start_2:
0x490: {  	(tag) =	ssettag $0x2  }
0x491: {  	s0 =	rddreg [dreg:$0x0];
	s2 =	stileid.u32  }
0x492: {  	s1 =	rddreg [dreg:$0x1];
	p0 =	sne.s32 s2, $0x0  }
0x493: {  	s3 =	rddreg [dreg:$0x2];
	[bflag:$0x3] =	sbarrier.arrive $0xFFFF;
	s2 =	simm.s32 @!p0 $0x1C04  }
0x494: {  	[timem:s3], [sflag:s2] =	dma.local @!p0 [hbm:s0], s1  }
0x495: {  	s0 =	simm.s32 @!p0 $0x4  }
0x496: {  	_ =	swait.ge @!p0 [sflag:s0], s1  }
0x497: {  	s1 =	ssub.s32 @!p0 $0x0, s1;
	[sflag:s0] =	ssyncset.done @!p0 $0x0  }
0x498: {  	[sflag:s0] =	ssyncadd.s32 @!p0 s1  }
0x499: {  	[bflag:$0x3] =	sbarrier.arrive $0xFFFF  }
0x49a: {  	_ =	shalt  }

</sc_bundles>
